<compile_context>
chip_gen: v7x
topology: tpu7x:2x2x1
jax: 0.10.2.dev20260603
libtpu: 0.0.44.dev20260713+nightly
codegen_flags: <defaults>
</compile_context>

<pallas_src>
import functools

import jax
import jax.numpy as jnp
from jax import lax
from jax.experimental import pallas as pl
from jax.experimental.pallas import tpu as pltpu
from jax.experimental.pallas import tpu_sc as plsc

_TILE_W = 128


def _gather_t_kernel(B, V, D):
    info = plsc.get_sparse_core_info()
    NC, NS, L = info.num_cores, info.num_subcores, info.num_lanes
    NW = NC * NS
    b_per_w = B // NW
    n_sets = b_per_w // L
    mesh = plsc.VectorSubcoreMesh(core_axis_name="c", subcore_axis_name="s")

    @functools.partial(
        pl.kernel,
        mesh=mesh,
        out_type=jax.ShapeDtypeStruct((D, B), jnp.float32),
        scratch_types=[
            pltpu.VMEM((b_per_w,), jnp.int32),
            pltpu.VMEM((L, D, _TILE_W), jnp.float32),
            pltpu.VMEM((D, b_per_w), jnp.float32),
            [pltpu.SemaphoreType.DMA] * L,
        ],
        compiler_params=pltpu.CompilerParams(needs_layout_passes=False),
    )
    def k(wt_hbm, idx_hbm, outT_hbm, idx_vm, blk, ocol, sems):
        wid = lax.axis_index("s") * NC + lax.axis_index("c")
        base = wid * b_per_w
        pltpu.sync_copy(idx_hbm.at[pl.ds(base, b_per_w)], idx_vm)

        lanes = lax.iota(jnp.int32, L)

        def set_indices(p):
            return idx_vm[pl.ds(p * L, L)]

        def pick(jv, w):
            return lax.reduce_max(jnp.where(lanes == w, jv, 0), axes=(0,))

        def fire(p, w):
            jt = (set_indices(p) // _TILE_W) * _TILE_W
            g = pl.multiple_of(pick(jt, w), _TILE_W)
            pltpu.async_copy(
                wt_hbm.at[:, pl.ds(g, _TILE_W)], blk.at[w], sems[w]
            )

        def wait(w):
            pltpu.make_async_copy(
                wt_hbm.at[:, pl.ds(0, _TILE_W)], blk.at[w], sems[w]
            ).wait()

        def extract(p, w):
            jl = lax.rem(set_indices(p), _TILE_W)
            lane_v = jnp.full((L,), pick(jl, w), jnp.int32)
            b_col = jnp.full((L,), p * L + w, jnp.int32)
            for h in range(D // L):
                rows = lanes + h * L
                vals = plsc.load_gather(blk.at[w], [rows, lane_v])
                plsc.store_scatter(ocol, [rows, b_col], vals)

        for w in range(L):
            fire(0, w)

        def body(p, carry):
            for w in range(L):
                wait(w)
                extract(p - 1, w)
                fire(p, w)
            return carry

        lax.fori_loop(1, n_sets, body, 0, unroll=False)
        for w in range(L):
            wait(w)
            extract(n_sets - 1, w)

        pltpu.sync_copy(ocol, outT_hbm.at[:, pl.ds(base, b_per_w)])

    return k


def kernel(x, weight):
    B, = x.shape
    V, D = weight.shape
    outT = _gather_t_kernel(B, V, D)(weight.T, x.astype(jnp.int32))
    return outT.T

# --- scband reference (transcript-rebuilt; emitter-appended) ---
"""Pipeline reference for scband-learnable-embedding-43241730737052 (READ-ONLY COPY).

The authoritative reference and input builder live on the scoring server;
editing this copy changes nothing except your own understanding.
"""

import jax, jax.numpy as jnp
import numpy as np

VOCAB = 1000000
EMBED_DIM = 32
BATCH = 16384

def setup_inputs(seed: int = 0) -> dict:
    key = jax.random.key(seed)
    k_idx, k_w = jax.random.split(key)
    x = jax.random.randint(k_idx, (BATCH,), 0, VOCAB, dtype=jnp.int64 if jax.config.jax_enable_x64 else jnp.int32)
    # eqx.nn.Embedding initializes weight ~ N(0,1) by default
    weight = jax.random.normal(k_w, (VOCAB, EMBED_DIM), dtype=jnp.float32)
    return {"x": x, "weight": weight}

def reference(x, weight):
    # LearnableEmbedding.__call__: jax.vmap(self.embedding)(x)
    # eqx.nn.Embedding on a scalar index is weight[idx]; vmapped over batch -> row gather
    return jnp.take(weight, x, axis=0)

if __name__ == "__main__":
    import jax
    _d = setup_inputs()
    print(jax.jit(kernel)(*tuple(_d.values())))

</pallas_src>

<mosaic_0001>
#map = affine_map<(d0, d1) -> (0, 0)>
#map1 = affine_map<(d0, d1) -> (0)>
module attributes {stable_mosaic.version = 14 : i64} {
  func.func @k(%arg0: i32, %arg1: i32, %arg2: memref<32x1000000xf32, #tpu.memory_space<hbm>>, %arg3: memref<16384xi32, #tpu.memory_space<hbm>>, %arg4: memref<32x16384xf32, #tpu.memory_space<hbm>>, %arg5: memref<512xi32, #tpu.memory_space<vmem>>, %arg6: memref<16x32x128xf32, #tpu.memory_space<vmem>>, %arg7: memref<32x512xf32, #tpu.memory_space<vmem>>, %arg8: memref<!tpu.dma_semaphore, #tpu.memory_space<semaphore_mem>>, %arg9: memref<!tpu.dma_semaphore, #tpu.memory_space<semaphore_mem>>, %arg10: memref<!tpu.dma_semaphore, #tpu.memory_space<semaphore_mem>>, %arg11: memref<!tpu.dma_semaphore, #tpu.memory_space<semaphore_mem>>, %arg12: memref<!tpu.dma_semaphore, #tpu.memory_space<semaphore_mem>>, %arg13: memref<!tpu.dma_semaphore, #tpu.memory_space<semaphore_mem>>, %arg14: memref<!tpu.dma_semaphore, #tpu.memory_space<semaphore_mem>>, %arg15: memref<!tpu.dma_semaphore, #tpu.memory_space<semaphore_mem>>, %arg16: memref<!tpu.dma_semaphore, #tpu.memory_space<semaphore_mem>>, %arg17: memref<!tpu.dma_semaphore, #tpu.memory_space<semaphore_mem>>, %arg18: memref<!tpu.dma_semaphore, #tpu.memory_space<semaphore_mem>>, %arg19: memref<!tpu.dma_semaphore, #tpu.memory_space<semaphore_mem>>, %arg20: memref<!tpu.dma_semaphore, #tpu.memory_space<semaphore_mem>>, %arg21: memref<!tpu.dma_semaphore, #tpu.memory_space<semaphore_mem>>, %arg22: memref<!tpu.dma_semaphore, #tpu.memory_space<semaphore_mem>>, %arg23: memref<!tpu.dma_semaphore, #tpu.memory_space<semaphore_mem>>) attributes {dimension_semantics = [#tpu.dimension_semantics<core_parallel>, #tpu.dimension_semantics<subcore_parallel>], iteration_bounds = array<i64: 2, 16>, scalar_prefetch = 0 : i64, scratch_operands = 19 : i64, tpu.core_type = #tpu.core_type<sc_vector_subcore>, window_params = [{transform_indices = #map}, {transform_indices = #map1}, {transform_indices = #map}]} {
    %mul3A = arith.constant 2 : i32
    %mul3A_0 = arith.muli %arg1, %mul3A : i32
    %add3A = arith.addi %mul3A_0, %arg0 : i32
    %mul3A_1 = arith.constant 512 : i32
    %mul3A_2 = arith.muli %add3A, %mul3A_1 : i32
    "tpu.region"() ({
      %run_scoped3A = tpu.sem_alloc : memref<!tpu.dma_semaphore, #tpu.memory_space<semaphore_mem>>
      %dma_start3A_1896 = tpu.memref_slice %arg3[%mul3A_2] : memref<16384xi32, #tpu.memory_space<hbm>> -> memref<512xi32, #tpu.memory_space<hbm>>
      %dma_start3A_1897 = tpu.memref_slice %arg3[%mul3A_2] : memref<16384xi32, #tpu.memory_space<hbm>> -> memref<512xi32, #tpu.memory_space<hbm>>
      tpu.enqueue_dma source(%dma_start3A_1897 : memref<512xi32, #tpu.memory_space<hbm>>) target(%arg5 : memref<512xi32, #tpu.memory_space<vmem>>) target_semaphore(%run_scoped3A : memref<!tpu.dma_semaphore, #tpu.memory_space<semaphore_mem>>)
      %dma_wait3A_1898 = tpu.memref_slice %arg3[%mul3A_2] : memref<16384xi32, #tpu.memory_space<hbm>> -> memref<512xi32, #tpu.memory_space<hbm>>
      %dma_wait3A_1899 = tpu.memref_slice %arg3[%mul3A_2] : memref<16384xi32, #tpu.memory_space<hbm>> -> memref<512xi32, #tpu.memory_space<hbm>>
      tpu.wait_dma2 semaphore(%run_scoped3A : memref<!tpu.dma_semaphore, #tpu.memory_space<semaphore_mem>>) src(%dma_wait3A_1899 : memref<512xi32, #tpu.memory_space<hbm>>) dst(%arg5 : memref<512xi32, #tpu.memory_space<vmem>>)
      tpu.yield
    }) : () -> ()
    %iota3A = tpu.iota {dimensions = array<i32: 0>} : vector<16xi32>
    %get3A = arith.constant 0 : index
    %get3A_3 = tpu.vector_load %arg5[%get3A] {strides = array<i32>} : memref<512xi32, #tpu.memory_space<vmem>>, vector<16xi32>,
    %jit3A = arith.constant 128 : i32
    %div3A = vector.broadcast %jit3A : i32 to vector<16xi32>
    %div3A_4 = arith.divsi %get3A_3, %div3A : vector<16xi32>
    %sign3A = arith.constant 0 : i32
    %sign3A_5 = vector.broadcast %sign3A : i32 to vector<16xi32>
    %sign3A_6 = arith.cmpi sgt, %get3A_3, %sign3A_5 : vector<16xi32>
    %sign3A_7 = arith.extui %sign3A_6 : vector<16xi1> to vector<16xi32>
    %sign3A_8 = arith.constant 0 : i32
    %sign3A_9 = vector.broadcast %sign3A_8 : i32 to vector<16xi32>
    %sign3A_10 = arith.cmpi slt, %get3A_3, %sign3A_9 : vector<16xi32>
    %sign3A_11 = arith.extui %sign3A_10 : vector<16xi1> to vector<16xi32>
    %sign3A_12 = arith.subi %sign3A_7, %sign3A_11 : vector<16xi32>
    %sign3A_13 = arith.constant 0 : i32
    %sign3A_14 = arith.cmpi sgt, %jit3A, %sign3A_13 : i32
    %sign3A_15 = arith.extui %sign3A_14 : i1 to i32
    %sign3A_16 = arith.constant 0 : i32
    %sign3A_17 = arith.cmpi slt, %jit3A, %sign3A_16 : i32
    %sign3A_18 = arith.extui %sign3A_17 : i1 to i32
    %sign3A_19 = arith.subi %sign3A_15, %sign3A_18 : i32
    %ne3A = vector.broadcast %sign3A_19 : i32 to vector<16xi32>
    %ne3A_20 = arith.cmpi ne, %sign3A_12, %ne3A : vector<16xi32>
    %rem3A = vector.broadcast %jit3A : i32 to vector<16xi32>
    %rem3A_21 = arith.remsi %get3A_3, %rem3A : vector<16xi32>
    %ne3A_22 = arith.constant 0 : i32
    %ne3A_23 = vector.broadcast %ne3A_22 : i32 to vector<16xi32>
    %ne3A_24 = arith.cmpi ne, %rem3A_21, %ne3A_23 : vector<16xi32>
    %and3A = arith.andi %ne3A_20, %ne3A_24 : vector<16xi1>
    %sub3A = arith.constant 1 : i32
    %sub3A_25 = vector.broadcast %sub3A : i32 to vector<16xi32>
    %sub3A_26 = arith.subi %div3A_4, %sub3A_25 : vector<16xi32>
    %select_n3A = arith.select %and3A, %sub3A_26, %div3A_4 : vector<16xi1>, vector<16xi32>
    %mul3A_27 = arith.constant 128 : i32
    %mul3A_28 = vector.broadcast %mul3A_27 : i32 to vector<16xi32>
    %mul3A_29 = arith.muli %select_n3A, %mul3A_28 : vector<16xi32>
    %eq3A = arith.constant 0 : i32
    %eq3A_30 = vector.broadcast %eq3A : i32 to vector<16xi32>
    %eq3A_31 = arith.cmpi eq, %iota3A, %eq3A_30 : vector<16xi32>
    %jit3A_32 = arith.constant 0 : i32
    %broadcast_in_dim3A = vector.broadcast %jit3A_32 : i32 to vector<16xi32>
    %select_n3A_33 = arith.select %eq3A_31, %mul3A_29, %broadcast_in_dim3A : vector<16xi1>, vector<16xi32>
    %reduce_max3A = arith.constant true
    %reduce_max3A_34 = vector.broadcast %reduce_max3A : i1 to vector<16xi1>
    %reduce_max3A_35 = arith.constant -2147483648 : i32
    %reduce_max3A_36 = vector.broadcast %reduce_max3A_35 : i32 to vector<16xi32>
    %reduce_max3A_37 = arith.xori %select_n3A_33, %reduce_max3A_36 : vector<16xi32>
    %reduce_max3A_38 = tpu.scan <max>, %reduce_max3A_37 masked %reduce_max3A_34 : vector<16xi32>, vector<16xi1> -> vector<16xi32>
    %reduce_max3A_39 = arith.xori %reduce_max3A_38, %reduce_max3A_36 : vector<16xi32>
    %reduce_max3A_40 = vector.extract %reduce_max3A_39[15] : i32 from vector<16xi32>
    %multiple_of3A = tpu.assume_multiple %reduce_max3A_40, 128 : i32
    %dma_start3A = arith.constant 0 : i32
    %dma_start3A_41 = arith.constant 0 : i32
    %dma_start3A_42 = arith.constant 0 : i32
    %dma_start3A_43 = tpu.memref_slice %arg6[%dma_start3A, %dma_start3A_41, %dma_start3A_42] : memref<16x32x128xf32, #tpu.memory_space<vmem>> -> memref<1x32x128xf32, #tpu.memory_space<vmem>>
    %dma_start3A_44 = tpu.memref_squeeze %dma_start3A_43 : memref<1x32x128xf32, #tpu.memory_space<vmem>> -> memref<32x128xf32, #tpu.memory_space<vmem>>
    %dma_start3A_45 = arith.constant 0 : i32
    %dma_start3A_46 = tpu.memref_slice %arg2[%dma_start3A_45, %multiple_of3A] : memref<32x1000000xf32, #tpu.memory_space<hbm>> -> memref<32x128xf32, #tpu.memory_space<hbm>>
    %dma_start3A_47 = arith.constant 0 : i32
    %dma_start3A_48 = arith.constant 0 : i32
    %dma_start3A_49 = tpu.memref_slice %arg6[%dma_start3A, %dma_start3A_47, %dma_start3A_48] : memref<16x32x128xf32, #tpu.memory_space<vmem>> -> memref<1x32x128xf32, #tpu.memory_space<vmem>>
    %dma_start3A_50 = tpu.memref_squeeze %dma_start3A_49 : memref<1x32x128xf32, #tpu.memory_space<vmem>> -> memref<32x128xf32, #tpu.memory_space<vmem>>
    %dma_start3A_51 = arith.constant 0 : i32
    %dma_start3A_52 = tpu.memref_slice %arg2[%dma_start3A_51, %multiple_of3A] : memref<32x1000000xf32, #tpu.memory_space<hbm>> -> memref<32x128xf32, #tpu.memory_space<hbm>>
    tpu.enqueue_dma source(%dma_start3A_52 : memref<32x128xf32, #tpu.memory_space<hbm>>) target(%dma_start3A_50 : memref<32x128xf32, #tpu.memory_space<vmem>>) target_semaphore(%arg8 : memref<!tpu.dma_semaphore, #tpu.memory_space<semaphore_mem>>)
    %get3A_53 = arith.constant 0 : index
    %get3A_54 = tpu.vector_load %arg5[%get3A_53] {strides = array<i32>} : memref<512xi32, #tpu.memory_space<vmem>>, vector<16xi32>,
    %jit3A_55 = arith.constant 128 : i32
    %div3A_56 = vector.broadcast %jit3A_55 : i32 to vector<16xi32>
    %div3A_57 = arith.divsi %get3A_54, %div3A_56 : vector<16xi32>
    %sign3A_58 = arith.constant 0 : i32
    %sign3A_59 = vector.broadcast %sign3A_58 : i32 to vector<16xi32>
    %sign3A_60 = arith.cmpi sgt, %get3A_54, %sign3A_59 : vector<16xi32>
    %sign3A_61 = arith.extui %sign3A_60 : vector<16xi1> to vector<16xi32>
    %sign3A_62 = arith.constant 0 : i32
    %sign3A_63 = vector.broadcast %sign3A_62 : i32 to vector<16xi32>
    %sign3A_64 = arith.cmpi slt, %get3A_54, %sign3A_63 : vector<16xi32>
    %sign3A_65 = arith.extui %sign3A_64 : vector<16xi1> to vector<16xi32>
    %sign3A_66 = arith.subi %sign3A_61, %sign3A_65 : vector<16xi32>
    %sign3A_67 = arith.constant 0 : i32
    %sign3A_68 = arith.cmpi sgt, %jit3A_55, %sign3A_67 : i32
    %sign3A_69 = arith.extui %sign3A_68 : i1 to i32
    %sign3A_70 = arith.constant 0 : i32
    %sign3A_71 = arith.cmpi slt, %jit3A_55, %sign3A_70 : i32
    %sign3A_72 = arith.extui %sign3A_71 : i1 to i32
    %sign3A_73 = arith.subi %sign3A_69, %sign3A_72 : i32
    %ne3A_74 = vector.broadcast %sign3A_73 : i32 to vector<16xi32>
    %ne3A_75 = arith.cmpi ne, %sign3A_66, %ne3A_74 : vector<16xi32>
    %rem3A_76 = vector.broadcast %jit3A_55 : i32 to vector<16xi32>
    %rem3A_77 = arith.remsi %get3A_54, %rem3A_76 : vector<16xi32>
    %ne3A_78 = arith.constant 0 : i32
    %ne3A_79 = vector.broadcast %ne3A_78 : i32 to vector<16xi32>
    %ne3A_80 = arith.cmpi ne, %rem3A_77, %ne3A_79 : vector<16xi32>
    %and3A_81 = arith.andi %ne3A_75, %ne3A_80 : vector<16xi1>
    %sub3A_82 = arith.constant 1 : i32
    %sub3A_83 = vector.broadcast %sub3A_82 : i32 to vector<16xi32>
    %sub3A_84 = arith.subi %div3A_57, %sub3A_83 : vector<16xi32>
    %select_n3A_85 = arith.select %and3A_81, %sub3A_84, %div3A_57 : vector<16xi1>, vector<16xi32>
    %mul3A_86 = arith.constant 128 : i32
    %mul3A_87 = vector.broadcast %mul3A_86 : i32 to vector<16xi32>
    %mul3A_88 = arith.muli %select_n3A_85, %mul3A_87 : vector<16xi32>
    %eq3A_89 = arith.constant 1 : i32
    %eq3A_90 = vector.broadcast %eq3A_89 : i32 to vector<16xi32>
    %eq3A_91 = arith.cmpi eq, %iota3A, %eq3A_90 : vector<16xi32>
    %jit3A_92 = arith.constant 0 : i32
    %broadcast_in_dim3A_93 = vector.broadcast %jit3A_92 : i32 to vector<16xi32>
    %select_n3A_94 = arith.select %eq3A_91, %mul3A_88, %broadcast_in_dim3A_93 : vector<16xi1>, vector<16xi32>
    %reduce_max3A_95 = arith.constant true
    %reduce_max3A_96 = vector.broadcast %reduce_max3A_95 : i1 to vector<16xi1>
    %reduce_max3A_97 = arith.constant -2147483648 : i32
    %reduce_max3A_98 = vector.broadcast %reduce_max3A_97 : i32 to vector<16xi32>
    %reduce_max3A_99 = arith.xori %select_n3A_94, %reduce_max3A_98 : vector<16xi32>
    %reduce_max3A_100 = tpu.scan <max>, %reduce_max3A_99 masked %reduce_max3A_96 : vector<16xi32>, vector<16xi1> -> vector<16xi32>
    %reduce_max3A_101 = arith.xori %reduce_max3A_100, %reduce_max3A_98 : vector<16xi32>
    %reduce_max3A_102 = vector.extract %reduce_max3A_101[15] : i32 from vector<16xi32>
    %multiple_of3A_103 = tpu.assume_multiple %reduce_max3A_102, 128 : i32
    %dma_start3A_104 = arith.constant 1 : i32
    %dma_start3A_105 = arith.constant 0 : i32
    %dma_start3A_106 = arith.constant 0 : i32
    %dma_start3A_107 = tpu.memref_slice %arg6[%dma_start3A_104, %dma_start3A_105, %dma_start3A_106] : memref<16x32x128xf32, #tpu.memory_space<vmem>> -> memref<1x32x128xf32, #tpu.memory_space<vmem>>
    %dma_start3A_108 = tpu.memref_squeeze %dma_start3A_107 : memref<1x32x128xf32, #tpu.memory_space<vmem>> -> memref<32x128xf32, #tpu.memory_space<vmem>>
    %dma_start3A_109 = arith.constant 0 : i32
    %dma_start3A_110 = tpu.memref_slice %arg2[%dma_start3A_109, %multiple_of3A_103] : memref<32x1000000xf32, #tpu.memory_space<hbm>> -> memref<32x128xf32, #tpu.memory_space<hbm>>
    %dma_start3A_111 = arith.constant 0 : i32
    %dma_start3A_112 = arith.constant 0 : i32
    %dma_start3A_113 = tpu.memref_slice %arg6[%dma_start3A_104, %dma_start3A_111, %dma_start3A_112] : memref<16x32x128xf32, #tpu.memory_space<vmem>> -> memref<1x32x128xf32, #tpu.memory_space<vmem>>
    %dma_start3A_114 = tpu.memref_squeeze %dma_start3A_113 : memref<1x32x128xf32, #tpu.memory_space<vmem>> -> memref<32x128xf32, #tpu.memory_space<vmem>>
    %dma_start3A_115 = arith.constant 0 : i32
    %dma_start3A_116 = tpu.memref_slice %arg2[%dma_start3A_115, %multiple_of3A_103] : memref<32x1000000xf32, #tpu.memory_space<hbm>> -> memref<32x128xf32, #tpu.memory_space<hbm>>
    tpu.enqueue_dma source(%dma_start3A_116 : memref<32x128xf32, #tpu.memory_space<hbm>>) target(%dma_start3A_114 : memref<32x128xf32, #tpu.memory_space<vmem>>) target_semaphore(%arg9 : memref<!tpu.dma_semaphore, #tpu.memory_space<semaphore_mem>>)
    %get3A_117 = arith.constant 0 : index
    %get3A_118 = tpu.vector_load %arg5[%get3A_117] {strides = array<i32>} : memref<512xi32, #tpu.memory_space<vmem>>, vector<16xi32>,
    %jit3A_119 = arith.constant 128 : i32
    %div3A_120 = vector.broadcast %jit3A_119 : i32 to vector<16xi32>
    %div3A_121 = arith.divsi %get3A_118, %div3A_120 : vector<16xi32>
    %sign3A_122 = arith.constant 0 : i32
    %sign3A_123 = vector.broadcast %sign3A_122 : i32 to vector<16xi32>
    %sign3A_124 = arith.cmpi sgt, %get3A_118, %sign3A_123 : vector<16xi32>
    %sign3A_125 = arith.extui %sign3A_124 : vector<16xi1> to vector<16xi32>
    %sign3A_126 = arith.constant 0 : i32
    %sign3A_127 = vector.broadcast %sign3A_126 : i32 to vector<16xi32>
    %sign3A_128 = arith.cmpi slt, %get3A_118, %sign3A_127 : vector<16xi32>
    %sign3A_129 = arith.extui %sign3A_128 : vector<16xi1> to vector<16xi32>
    %sign3A_130 = arith.subi %sign3A_125, %sign3A_129 : vector<16xi32>
    %sign3A_131 = arith.constant 0 : i32
    %sign3A_132 = arith.cmpi sgt, %jit3A_119, %sign3A_131 : i32
    %sign3A_133 = arith.extui %sign3A_132 : i1 to i32
    %sign3A_134 = arith.constant 0 : i32
    %sign3A_135 = arith.cmpi slt, %jit3A_119, %sign3A_134 : i32
    %sign3A_136 = arith.extui %sign3A_135 : i1 to i32
    %sign3A_137 = arith.subi %sign3A_133, %sign3A_136 : i32
    %ne3A_138 = vector.broadcast %sign3A_137 : i32 to vector<16xi32>
    %ne3A_139 = arith.cmpi ne, %sign3A_130, %ne3A_138 : vector<16xi32>
    %rem3A_140 = vector.broadcast %jit3A_119 : i32 to vector<16xi32>
    %rem3A_141 = arith.remsi %get3A_118, %rem3A_140 : vector<16xi32>
    %ne3A_142 = arith.constant 0 : i32
    %ne3A_143 = vector.broadcast %ne3A_142 : i32 to vector<16xi32>
    %ne3A_144 = arith.cmpi ne, %rem3A_141, %ne3A_143 : vector<16xi32>
    %and3A_145 = arith.andi %ne3A_139, %ne3A_144 : vector<16xi1>
    %sub3A_146 = arith.constant 1 : i32
    %sub3A_147 = vector.broadcast %sub3A_146 : i32 to vector<16xi32>
    %sub3A_148 = arith.subi %div3A_121, %sub3A_147 : vector<16xi32>
    %select_n3A_149 = arith.select %and3A_145, %sub3A_148, %div3A_121 : vector<16xi1>, vector<16xi32>
    %mul3A_150 = arith.constant 128 : i32
    %mul3A_151 = vector.broadcast %mul3A_150 : i32 to vector<16xi32>
    %mul3A_152 = arith.muli %select_n3A_149, %mul3A_151 : vector<16xi32>
    %eq3A_153 = arith.constant 2 : i32
    %eq3A_154 = vector.broadcast %eq3A_153 : i32 to vector<16xi32>
    %eq3A_155 = arith.cmpi eq, %iota3A, %eq3A_154 : vector<16xi32>
    %jit3A_156 = arith.constant 0 : i32
    %broadcast_in_dim3A_157 = vector.broadcast %jit3A_156 : i32 to vector<16xi32>
    %select_n3A_158 = arith.select %eq3A_155, %mul3A_152, %broadcast_in_dim3A_157 : vector<16xi1>, vector<16xi32>
    %reduce_max3A_159 = arith.constant true
    %reduce_max3A_160 = vector.broadcast %reduce_max3A_159 : i1 to vector<16xi1>
    %reduce_max3A_161 = arith.constant -2147483648 : i32
    %reduce_max3A_162 = vector.broadcast %reduce_max3A_161 : i32 to vector<16xi32>
    %reduce_max3A_163 = arith.xori %select_n3A_158, %reduce_max3A_162 : vector<16xi32>
    %reduce_max3A_164 = tpu.scan <max>, %reduce_max3A_163 masked %reduce_max3A_160 : vector<16xi32>, vector<16xi1> -> vector<16xi32>
    %reduce_max3A_165 = arith.xori %reduce_max3A_164, %reduce_max3A_162 : vector<16xi32>
    %reduce_max3A_166 = vector.extract %reduce_max3A_165[15] : i32 from vector<16xi32>
    %multiple_of3A_167 = tpu.assume_multiple %reduce_max3A_166, 128 : i32
    %dma_start3A_168 = arith.constant 2 : i32
    %dma_start3A_169 = arith.constant 0 : i32
    %dma_start3A_170 = arith.constant 0 : i32
    %dma_start3A_171 = tpu.memref_slice %arg6[%dma_start3A_168, %dma_start3A_169, %dma_start3A_170] : memref<16x32x128xf32, #tpu.memory_space<vmem>> -> memref<1x32x128xf32, #tpu.memory_space<vmem>>
    %dma_start3A_172 = tpu.memref_squeeze %dma_start3A_171 : memref<1x32x128xf32, #tpu.memory_space<vmem>> -> memref<32x128xf32, #tpu.memory_space<vmem>>
    %dma_start3A_173 = arith.constant 0 : i32
    %dma_start3A_174 = tpu.memref_slice %arg2[%dma_start3A_173, %multiple_of3A_167] : memref<32x1000000xf32, #tpu.memory_space<hbm>> -> memref<32x128xf32, #tpu.memory_space<hbm>>
    %dma_start3A_175 = arith.constant 0 : i32
    %dma_start3A_176 = arith.constant 0 : i32
    %dma_start3A_177 = tpu.memref_slice %arg6[%dma_start3A_168, %dma_start3A_175, %dma_start3A_176] : memref<16x32x128xf32, #tpu.memory_space<vmem>> -> memref<1x32x128xf32, #tpu.memory_space<vmem>>
    %dma_start3A_178 = tpu.memref_squeeze %dma_start3A_177 : memref<1x32x128xf32, #tpu.memory_space<vmem>> -> memref<32x128xf32, #tpu.memory_space<vmem>>
    %dma_start3A_179 = arith.constant 0 : i32
    %dma_start3A_180 = tpu.memref_slice %arg2[%dma_start3A_179, %multiple_of3A_167] : memref<32x1000000xf32, #tpu.memory_space<hbm>> -> memref<32x128xf32, #tpu.memory_space<hbm>>
    tpu.enqueue_dma source(%dma_start3A_180 : memref<32x128xf32, #tpu.memory_space<hbm>>) target(%dma_start3A_178 : memref<32x128xf32, #tpu.memory_space<vmem>>) target_semaphore(%arg10 : memref<!tpu.dma_semaphore, #tpu.memory_space<semaphore_mem>>)
    %get3A_181 = arith.constant 0 : index
    %get3A_182 = tpu.vector_load %arg5[%get3A_181] {strides = array<i32>} : memref<512xi32, #tpu.memory_space<vmem>>, vector<16xi32>,
    %jit3A_183 = arith.constant 128 : i32
    %div3A_184 = vector.broadcast %jit3A_183 : i32 to vector<16xi32>
    %div3A_185 = arith.divsi %get3A_182, %div3A_184 : vector<16xi32>
    %sign3A_186 = arith.constant 0 : i32
    %sign3A_187 = vector.broadcast %sign3A_186 : i32 to vector<16xi32>
    %sign3A_188 = arith.cmpi sgt, %get3A_182, %sign3A_187 : vector<16xi32>
    %sign3A_189 = arith.extui %sign3A_188 : vector<16xi1> to vector<16xi32>
    %sign3A_190 = arith.constant 0 : i32
    %sign3A_191 = vector.broadcast %sign3A_190 : i32 to vector<16xi32>
    %sign3A_192 = arith.cmpi slt, %get3A_182, %sign3A_191 : vector<16xi32>
    %sign3A_193 = arith.extui %sign3A_192 : vector<16xi1> to vector<16xi32>
    %sign3A_194 = arith.subi %sign3A_189, %sign3A_193 : vector<16xi32>
    %sign3A_195 = arith.constant 0 : i32
    %sign3A_196 = arith.cmpi sgt, %jit3A_183, %sign3A_195 : i32
    %sign3A_197 = arith.extui %sign3A_196 : i1 to i32
    %sign3A_198 = arith.constant 0 : i32
    %sign3A_199 = arith.cmpi slt, %jit3A_183, %sign3A_198 : i32
    %sign3A_200 = arith.extui %sign3A_199 : i1 to i32
    %sign3A_201 = arith.subi %sign3A_197, %sign3A_200 : i32
    %ne3A_202 = vector.broadcast %sign3A_201 : i32 to vector<16xi32>
    %ne3A_203 = arith.cmpi ne, %sign3A_194, %ne3A_202 : vector<16xi32>
    %rem3A_204 = vector.broadcast %jit3A_183 : i32 to vector<16xi32>
    %rem3A_205 = arith.remsi %get3A_182, %rem3A_204 : vector<16xi32>
    %ne3A_206 = arith.constant 0 : i32
    %ne3A_207 = vector.broadcast %ne3A_206 : i32 to vector<16xi32>
    %ne3A_208 = arith.cmpi ne, %rem3A_205, %ne3A_207 : vector<16xi32>
    %and3A_209 = arith.andi %ne3A_203, %ne3A_208 : vector<16xi1>
    %sub3A_210 = arith.constant 1 : i32
    %sub3A_211 = vector.broadcast %sub3A_210 : i32 to vector<16xi32>
    %sub3A_212 = arith.subi %div3A_185, %sub3A_211 : vector<16xi32>
    %select_n3A_213 = arith.select %and3A_209, %sub3A_212, %div3A_185 : vector<16xi1>, vector<16xi32>
    %mul3A_214 = arith.constant 128 : i32
    %mul3A_215 = vector.broadcast %mul3A_214 : i32 to vector<16xi32>
    %mul3A_216 = arith.muli %select_n3A_213, %mul3A_215 : vector<16xi32>
    %eq3A_217 = arith.constant 3 : i32
    %eq3A_218 = vector.broadcast %eq3A_217 : i32 to vector<16xi32>
    %eq3A_219 = arith.cmpi eq, %iota3A, %eq3A_218 : vector<16xi32>
    %jit3A_220 = arith.constant 0 : i32
    %broadcast_in_dim3A_221 = vector.broadcast %jit3A_220 : i32 to vector<16xi32>
    %select_n3A_222 = arith.select %eq3A_219, %mul3A_216, %broadcast_in_dim3A_221 : vector<16xi1>, vector<16xi32>
    %reduce_max3A_223 = arith.constant true
    %reduce_max3A_224 = vector.broadcast %reduce_max3A_223 : i1 to vector<16xi1>
    %reduce_max3A_225 = arith.constant -2147483648 : i32
    %reduce_max3A_226 = vector.broadcast %reduce_max3A_225 : i32 to vector<16xi32>
    %reduce_max3A_227 = arith.xori %select_n3A_222, %reduce_max3A_226 : vector<16xi32>
    %reduce_max3A_228 = tpu.scan <max>, %reduce_max3A_227 masked %reduce_max3A_224 : vector<16xi32>, vector<16xi1> -> vector<16xi32>
    %reduce_max3A_229 = arith.xori %reduce_max3A_228, %reduce_max3A_226 : vector<16xi32>
    %reduce_max3A_230 = vector.extract %reduce_max3A_229[15] : i32 from vector<16xi32>
    %multiple_of3A_231 = tpu.assume_multiple %reduce_max3A_230, 128 : i32
    %dma_start3A_232 = arith.constant 3 : i32
    %dma_start3A_233 = arith.constant 0 : i32
    %dma_start3A_234 = arith.constant 0 : i32
    %dma_start3A_235 = tpu.memref_slice %arg6[%dma_start3A_232, %dma_start3A_233, %dma_start3A_234] : memref<16x32x128xf32, #tpu.memory_space<vmem>> -> memref<1x32x128xf32, #tpu.memory_space<vmem>>
    %dma_start3A_236 = tpu.memref_squeeze %dma_start3A_235 : memref<1x32x128xf32, #tpu.memory_space<vmem>> -> memref<32x128xf32, #tpu.memory_space<vmem>>
    %dma_start3A_237 = arith.constant 0 : i32
    %dma_start3A_238 = tpu.memref_slice %arg2[%dma_start3A_237, %multiple_of3A_231] : memref<32x1000000xf32, #tpu.memory_space<hbm>> -> memref<32x128xf32, #tpu.memory_space<hbm>>
    %dma_start3A_239 = arith.constant 0 : i32
    %dma_start3A_240 = arith.constant 0 : i32
    %dma_start3A_241 = tpu.memref_slice %arg6[%dma_start3A_232, %dma_start3A_239, %dma_start3A_240] : memref<16x32x128xf32, #tpu.memory_space<vmem>> -> memref<1x32x128xf32, #tpu.memory_space<vmem>>
    %dma_start3A_242 = tpu.memref_squeeze %dma_start3A_241 : memref<1x32x128xf32, #tpu.memory_space<vmem>> -> memref<32x128xf32, #tpu.memory_space<vmem>>
    %dma_start3A_243 = arith.constant 0 : i32
    %dma_start3A_244 = tpu.memref_slice %arg2[%dma_start3A_243, %multiple_of3A_231] : memref<32x1000000xf32, #tpu.memory_space<hbm>> -> memref<32x128xf32, #tpu.memory_space<hbm>>
    tpu.enqueue_dma source(%dma_start3A_244 : memref<32x128xf32, #tpu.memory_space<hbm>>) target(%dma_start3A_242 : memref<32x128xf32, #tpu.memory_space<vmem>>) target_semaphore(%arg11 : memref<!tpu.dma_semaphore, #tpu.memory_space<semaphore_mem>>)
    %get3A_245 = arith.constant 0 : index
    %get3A_246 = tpu.vector_load %arg5[%get3A_245] {strides = array<i32>} : memref<512xi32, #tpu.memory_space<vmem>>, vector<16xi32>,
    %jit3A_247 = arith.constant 128 : i32
    %div3A_248 = vector.broadcast %jit3A_247 : i32 to vector<16xi32>
    %div3A_249 = arith.divsi %get3A_246, %div3A_248 : vector<16xi32>
    %sign3A_250 = arith.constant 0 : i32
    %sign3A_251 = vector.broadcast %sign3A_250 : i32 to vector<16xi32>
    %sign3A_252 = arith.cmpi sgt, %get3A_246, %sign3A_251 : vector<16xi32>
    %sign3A_253 = arith.extui %sign3A_252 : vector<16xi1> to vector<16xi32>
    %sign3A_254 = arith.constant 0 : i32
    %sign3A_255 = vector.broadcast %sign3A_254 : i32 to vector<16xi32>
    %sign3A_256 = arith.cmpi slt, %get3A_246, %sign3A_255 : vector<16xi32>
    %sign3A_257 = arith.extui %sign3A_256 : vector<16xi1> to vector<16xi32>
    %sign3A_258 = arith.subi %sign3A_253, %sign3A_257 : vector<16xi32>
    %sign3A_259 = arith.constant 0 : i32
    %sign3A_260 = arith.cmpi sgt, %jit3A_247, %sign3A_259 : i32
    %sign3A_261 = arith.extui %sign3A_260 : i1 to i32
    %sign3A_262 = arith.constant 0 : i32
    %sign3A_263 = arith.cmpi slt, %jit3A_247, %sign3A_262 : i32
    %sign3A_264 = arith.extui %sign3A_263 : i1 to i32
    %sign3A_265 = arith.subi %sign3A_261, %sign3A_264 : i32
    %ne3A_266 = vector.broadcast %sign3A_265 : i32 to vector<16xi32>
    %ne3A_267 = arith.cmpi ne, %sign3A_258, %ne3A_266 : vector<16xi32>
    %rem3A_268 = vector.broadcast %jit3A_247 : i32 to vector<16xi32>
    %rem3A_269 = arith.remsi %get3A_246, %rem3A_268 : vector<16xi32>
    %ne3A_270 = arith.constant 0 : i32
    %ne3A_271 = vector.broadcast %ne3A_270 : i32 to vector<16xi32>
    %ne3A_272 = arith.cmpi ne, %rem3A_269, %ne3A_271 : vector<16xi32>
    %and3A_273 = arith.andi %ne3A_267, %ne3A_272 : vector<16xi1>
    %sub3A_274 = arith.constant 1 : i32
    %sub3A_275 = vector.broadcast %sub3A_274 : i32 to vector<16xi32>
    %sub3A_276 = arith.subi %div3A_249, %sub3A_275 : vector<16xi32>
    %select_n3A_277 = arith.select %and3A_273, %sub3A_276, %div3A_249 : vector<16xi1>, vector<16xi32>
    %mul3A_278 = arith.constant 128 : i32
    %mul3A_279 = vector.broadcast %mul3A_278 : i32 to vector<16xi32>
    %mul3A_280 = arith.muli %select_n3A_277, %mul3A_279 : vector<16xi32>
    %eq3A_281 = arith.constant 4 : i32
    %eq3A_282 = vector.broadcast %eq3A_281 : i32 to vector<16xi32>
    %eq3A_283 = arith.cmpi eq, %iota3A, %eq3A_282 : vector<16xi32>
    %jit3A_284 = arith.constant 0 : i32
    %broadcast_in_dim3A_285 = vector.broadcast %jit3A_284 : i32 to vector<16xi32>
    %select_n3A_286 = arith.select %eq3A_283, %mul3A_280, %broadcast_in_dim3A_285 : vector<16xi1>, vector<16xi32>
    %reduce_max3A_287 = arith.constant true
    %reduce_max3A_288 = vector.broadcast %reduce_max3A_287 : i1 to vector<16xi1>
    %reduce_max3A_289 = arith.constant -2147483648 : i32
    %reduce_max3A_290 = vector.broadcast %reduce_max3A_289 : i32 to vector<16xi32>
    %reduce_max3A_291 = arith.xori %select_n3A_286, %reduce_max3A_290 : vector<16xi32>
    %reduce_max3A_292 = tpu.scan <max>, %reduce_max3A_291 masked %reduce_max3A_288 : vector<16xi32>, vector<16xi1> -> vector<16xi32>
    %reduce_max3A_293 = arith.xori %reduce_max3A_292, %reduce_max3A_290 : vector<16xi32>
    %reduce_max3A_294 = vector.extract %reduce_max3A_293[15] : i32 from vector<16xi32>
    %multiple_of3A_295 = tpu.assume_multiple %reduce_max3A_294, 128 : i32
    %dma_start3A_296 = arith.constant 4 : i32
    %dma_start3A_297 = arith.constant 0 : i32
    %dma_start3A_298 = arith.constant 0 : i32
    %dma_start3A_299 = tpu.memref_slice %arg6[%dma_start3A_296, %dma_start3A_297, %dma_start3A_298] : memref<16x32x128xf32, #tpu.memory_space<vmem>> -> memref<1x32x128xf32, #tpu.memory_space<vmem>>
    %dma_start3A_300 = tpu.memref_squeeze %dma_start3A_299 : memref<1x32x128xf32, #tpu.memory_space<vmem>> -> memref<32x128xf32, #tpu.memory_space<vmem>>
    %dma_start3A_301 = arith.constant 0 : i32
    %dma_start3A_302 = tpu.memref_slice %arg2[%dma_start3A_301, %multiple_of3A_295] : memref<32x1000000xf32, #tpu.memory_space<hbm>> -> memref<32x128xf32, #tpu.memory_space<hbm>>
    %dma_start3A_303 = arith.constant 0 : i32
    %dma_start3A_304 = arith.constant 0 : i32
    %dma_start3A_305 = tpu.memref_slice %arg6[%dma_start3A_296, %dma_start3A_303, %dma_start3A_304] : memref<16x32x128xf32, #tpu.memory_space<vmem>> -> memref<1x32x128xf32, #tpu.memory_space<vmem>>
    %dma_start3A_306 = tpu.memref_squeeze %dma_start3A_305 : memref<1x32x128xf32, #tpu.memory_space<vmem>> -> memref<32x128xf32, #tpu.memory_space<vmem>>
    %dma_start3A_307 = arith.constant 0 : i32
    %dma_start3A_308 = tpu.memref_slice %arg2[%dma_start3A_307, %multiple_of3A_295] : memref<32x1000000xf32, #tpu.memory_space<hbm>> -> memref<32x128xf32, #tpu.memory_space<hbm>>
    tpu.enqueue_dma source(%dma_start3A_308 : memref<32x128xf32, #tpu.memory_space<hbm>>) target(%dma_start3A_306 : memref<32x128xf32, #tpu.memory_space<vmem>>) target_semaphore(%arg12 : memref<!tpu.dma_semaphore, #tpu.memory_space<semaphore_mem>>)
    %get3A_309 = arith.constant 0 : index
    %get3A_310 = tpu.vector_load %arg5[%get3A_309] {strides = array<i32>} : memref<512xi32, #tpu.memory_space<vmem>>, vector<16xi32>,
    %jit3A_311 = arith.constant 128 : i32
    %div3A_312 = vector.broadcast %jit3A_311 : i32 to vector<16xi32>
    %div3A_313 = arith.divsi %get3A_310, %div3A_312 : vector<16xi32>
    %sign3A_314 = arith.constant 0 : i32
    %sign3A_315 = vector.broadcast %sign3A_314 : i32 to vector<16xi32>
    %sign3A_316 = arith.cmpi sgt, %get3A_310, %sign3A_315 : vector<16xi32>
    %sign3A_317 = arith.extui %sign3A_316 : vector<16xi1> to vector<16xi32>
    %sign3A_318 = arith.constant 0 : i32
    %sign3A_319 = vector.broadcast %sign3A_318 : i32 to vector<16xi32>
    %sign3A_320 = arith.cmpi slt, %get3A_310, %sign3A_319 : vector<16xi32>
    %sign3A_321 = arith.extui %sign3A_320 : vector<16xi1> to vector<16xi32>
    %sign3A_322 = arith.subi %sign3A_317, %sign3A_321 : vector<16xi32>
    %sign3A_323 = arith.constant 0 : i32
    %sign3A_324 = arith.cmpi sgt, %jit3A_311, %sign3A_323 : i32
    %sign3A_325 = arith.extui %sign3A_324 : i1 to i32
    %sign3A_326 = arith.constant 0 : i32
    %sign3A_327 = arith.cmpi slt, %jit3A_311, %sign3A_326 : i32
    %sign3A_328 = arith.extui %sign3A_327 : i1 to i32
    %sign3A_329 = arith.subi %sign3A_325, %sign3A_328 : i32
    %ne3A_330 = vector.broadcast %sign3A_329 : i32 to vector<16xi32>
    %ne3A_331 = arith.cmpi ne, %sign3A_322, %ne3A_330 : vector<16xi32>
    %rem3A_332 = vector.broadcast %jit3A_311 : i32 to vector<16xi32>
    %rem3A_333 = arith.remsi %get3A_310, %rem3A_332 : vector<16xi32>
    %ne3A_334 = arith.constant 0 : i32
    %ne3A_335 = vector.broadcast %ne3A_334 : i32 to vector<16xi32>
    %ne3A_336 = arith.cmpi ne, %rem3A_333, %ne3A_335 : vector<16xi32>
    %and3A_337 = arith.andi %ne3A_331, %ne3A_336 : vector<16xi1>
    %sub3A_338 = arith.constant 1 : i32
    %sub3A_339 = vector.broadcast %sub3A_338 : i32 to vector<16xi32>
    %sub3A_340 = arith.subi %div3A_313, %sub3A_339 : vector<16xi32>
    %select_n3A_341 = arith.select %and3A_337, %sub3A_340, %div3A_313 : vector<16xi1>, vector<16xi32>
    %mul3A_342 = arith.constant 128 : i32
    %mul3A_343 = vector.broadcast %mul3A_342 : i32 to vector<16xi32>
    %mul3A_344 = arith.muli %select_n3A_341, %mul3A_343 : vector<16xi32>
    %eq3A_345 = arith.constant 5 : i32
    %eq3A_346 = vector.broadcast %eq3A_345 : i32 to vector<16xi32>
    %eq3A_347 = arith.cmpi eq, %iota3A, %eq3A_346 : vector<16xi32>
    %jit3A_348 = arith.constant 0 : i32
    %broadcast_in_dim3A_349 = vector.broadcast %jit3A_348 : i32 to vector<16xi32>
    %select_n3A_350 = arith.select %eq3A_347, %mul3A_344, %broadcast_in_dim3A_349 : vector<16xi1>, vector<16xi32>
    %reduce_max3A_351 = arith.constant true
    %reduce_max3A_352 = vector.broadcast %reduce_max3A_351 : i1 to vector<16xi1>
    %reduce_max3A_353 = arith.constant -2147483648 : i32
    %reduce_max3A_354 = vector.broadcast %reduce_max3A_353 : i32 to vector<16xi32>
    %reduce_max3A_355 = arith.xori %select_n3A_350, %reduce_max3A_354 : vector<16xi32>
    %reduce_max3A_356 = tpu.scan <max>, %reduce_max3A_355 masked %reduce_max3A_352 : vector<16xi32>, vector<16xi1> -> vector<16xi32>
    %reduce_max3A_357 = arith.xori %reduce_max3A_356, %reduce_max3A_354 : vector<16xi32>
    %reduce_max3A_358 = vector.extract %reduce_max3A_357[15] : i32 from vector<16xi32>
    %multiple_of3A_359 = tpu.assume_multiple %reduce_max3A_358, 128 : i32
    %dma_start3A_360 = arith.constant 5 : i32
    %dma_start3A_361 = arith.constant 0 : i32
    %dma_start3A_362 = arith.constant 0 : i32
    %dma_start3A_363 = tpu.memref_slice %arg6[%dma_start3A_360, %dma_start3A_361, %dma_start3A_362] : memref<16x32x128xf32, #tpu.memory_space<vmem>> -> memref<1x32x128xf32, #tpu.memory_space<vmem>>
    %dma_start3A_364 = tpu.memref_squeeze %dma_start3A_363 : memref<1x32x128xf32, #tpu.memory_space<vmem>> -> memref<32x128xf32, #tpu.memory_space<vmem>>
    %dma_start3A_365 = arith.constant 0 : i32
    %dma_start3A_366 = tpu.memref_slice %arg2[%dma_start3A_365, %multiple_of3A_359] : memref<32x1000000xf32, #tpu.memory_space<hbm>> -> memref<32x128xf32, #tpu.memory_space<hbm>>
    %dma_start3A_367 = arith.constant 0 : i32
    %dma_start3A_368 = arith.constant 0 : i32
    %dma_start3A_369 = tpu.memref_slice %arg6[%dma_start3A_360, %dma_start3A_367, %dma_start3A_368] : memref<16x32x128xf32, #tpu.memory_space<vmem>> -> memref<1x32x128xf32, #tpu.memory_space<vmem>>
    %dma_start3A_370 = tpu.memref_squeeze %dma_start3A_369 : memref<1x32x128xf32, #tpu.memory_space<vmem>> -> memref<32x128xf32, #tpu.memory_space<vmem>>
    %dma_start3A_371 = arith.constant 0 : i32
    %dma_start3A_372 = tpu.memref_slice %arg2[%dma_start3A_371, %multiple_of3A_359] : memref<32x1000000xf32, #tpu.memory_space<hbm>> -> memref<32x128xf32, #tpu.memory_space<hbm>>
    tpu.enqueue_dma source(%dma_start3A_372 : memref<32x128xf32, #tpu.memory_space<hbm>>) target(%dma_start3A_370 : memref<32x128xf32, #tpu.memory_space<vmem>>) target_semaphore(%arg13 : memref<!tpu.dma_semaphore, #tpu.memory_space<semaphore_mem>>)
    %get3A_373 = arith.constant 0 : index
    %get3A_374 = tpu.vector_load %arg5[%get3A_373] {strides = array<i32>} : memref<512xi32, #tpu.memory_space<vmem>>, vector<16xi32>,
    %jit3A_375 = arith.constant 128 : i32
    %div3A_376 = vector.broadcast %jit3A_375 : i32 to vector<16xi32>
    %div3A_377 = arith.divsi %get3A_374, %div3A_376 : vector<16xi32>
    %sign3A_378 = arith.constant 0 : i32
    %sign3A_379 = vector.broadcast %sign3A_378 : i32 to vector<16xi32>
    %sign3A_380 = arith.cmpi sgt, %get3A_374, %sign3A_379 : vector<16xi32>
    %sign3A_381 = arith.extui %sign3A_380 : vector<16xi1> to vector<16xi32>
    %sign3A_382 = arith.constant 0 : i32
    %sign3A_383 = vector.broadcast %sign3A_382 : i32 to vector<16xi32>
    %sign3A_384 = arith.cmpi slt, %get3A_374, %sign3A_383 : vector<16xi32>
    %sign3A_385 = arith.extui %sign3A_384 : vector<16xi1> to vector<16xi32>
    %sign3A_386 = arith.subi %sign3A_381, %sign3A_385 : vector<16xi32>
    %sign3A_387 = arith.constant 0 : i32
    %sign3A_388 = arith.cmpi sgt, %jit3A_375, %sign3A_387 : i32
    %sign3A_389 = arith.extui %sign3A_388 : i1 to i32
    %sign3A_390 = arith.constant 0 : i32
    %sign3A_391 = arith.cmpi slt, %jit3A_375, %sign3A_390 : i32
    %sign3A_392 = arith.extui %sign3A_391 : i1 to i32
    %sign3A_393 = arith.subi %sign3A_389, %sign3A_392 : i32
    %ne3A_394 = vector.broadcast %sign3A_393 : i32 to vector<16xi32>
    %ne3A_395 = arith.cmpi ne, %sign3A_386, %ne3A_394 : vector<16xi32>
    %rem3A_396 = vector.broadcast %jit3A_375 : i32 to vector<16xi32>
    %rem3A_397 = arith.remsi %get3A_374, %rem3A_396 : vector<16xi32>
    %ne3A_398 = arith.constant 0 : i32
    %ne3A_399 = vector.broadcast %ne3A_398 : i32 to vector<16xi32>
    %ne3A_400 = arith.cmpi ne, %rem3A_397, %ne3A_399 : vector<16xi32>
    %and3A_401 = arith.andi %ne3A_395, %ne3A_400 : vector<16xi1>
    %sub3A_402 = arith.constant 1 : i32
    %sub3A_403 = vector.broadcast %sub3A_402 : i32 to vector<16xi32>
    %sub3A_404 = arith.subi %div3A_377, %sub3A_403 : vector<16xi32>
    %select_n3A_405 = arith.select %and3A_401, %sub3A_404, %div3A_377 : vector<16xi1>, vector<16xi32>
    %mul3A_406 = arith.constant 128 : i32
    %mul3A_407 = vector.broadcast %mul3A_406 : i32 to vector<16xi32>
    %mul3A_408 = arith.muli %select_n3A_405, %mul3A_407 : vector<16xi32>
    %eq3A_409 = arith.constant 6 : i32
    %eq3A_410 = vector.broadcast %eq3A_409 : i32 to vector<16xi32>
    %eq3A_411 = arith.cmpi eq, %iota3A, %eq3A_410 : vector<16xi32>
    %jit3A_412 = arith.constant 0 : i32
    %broadcast_in_dim3A_413 = vector.broadcast %jit3A_412 : i32 to vector<16xi32>
    %select_n3A_414 = arith.select %eq3A_411, %mul3A_408, %broadcast_in_dim3A_413 : vector<16xi1>, vector<16xi32>
    %reduce_max3A_415 = arith.constant true
    %reduce_max3A_416 = vector.broadcast %reduce_max3A_415 : i1 to vector<16xi1>
    %reduce_max3A_417 = arith.constant -2147483648 : i32
    %reduce_max3A_418 = vector.broadcast %reduce_max3A_417 : i32 to vector<16xi32>
    %reduce_max3A_419 = arith.xori %select_n3A_414, %reduce_max3A_418 : vector<16xi32>
    %reduce_max3A_420 = tpu.scan <max>, %reduce_max3A_419 masked %reduce_max3A_416 : vector<16xi32>, vector<16xi1> -> vector<16xi32>
    %reduce_max3A_421 = arith.xori %reduce_max3A_420, %reduce_max3A_418 : vector<16xi32>
    %reduce_max3A_422 = vector.extract %reduce_max3A_421[15] : i32 from vector<16xi32>
    %multiple_of3A_423 = tpu.assume_multiple %reduce_max3A_422, 128 : i32
    %dma_start3A_424 = arith.constant 6 : i32
    %dma_start3A_425 = arith.constant 0 : i32
    %dma_start3A_426 = arith.constant 0 : i32
    %dma_start3A_427 = tpu.memref_slice %arg6[%dma_start3A_424, %dma_start3A_425, %dma_start3A_426] : memref<16x32x128xf32, #tpu.memory_space<vmem>> -> memref<1x32x128xf32, #tpu.memory_space<vmem>>
    %dma_start3A_428 = tpu.memref_squeeze %dma_start3A_427 : memref<1x32x128xf32, #tpu.memory_space<vmem>> -> memref<32x128xf32, #tpu.memory_space<vmem>>
    %dma_start3A_429 = arith.constant 0 : i32
    %dma_start3A_430 = tpu.memref_slice %arg2[%dma_start3A_429, %multiple_of3A_423] : memref<32x1000000xf32, #tpu.memory_space<hbm>> -> memref<32x128xf32, #tpu.memory_space<hbm>>
    %dma_start3A_431 = arith.constant 0 : i32
    %dma_start3A_432 = arith.constant 0 : i32
    %dma_start3A_433 = tpu.memref_slice %arg6[%dma_start3A_424, %dma_start3A_431, %dma_start3A_432] : memref<16x32x128xf32, #tpu.memory_space<vmem>> -> memref<1x32x128xf32, #tpu.memory_space<vmem>>
    %dma_start3A_434 = tpu.memref_squeeze %dma_start3A_433 : memref<1x32x128xf32, #tpu.memory_space<vmem>> -> memref<32x128xf32, #tpu.memory_space<vmem>>
    %dma_start3A_435 = arith.constant 0 : i32
    %dma_start3A_436 = tpu.memref_slice %arg2[%dma_start3A_435, %multiple_of3A_423] : memref<32x1000000xf32, #tpu.memory_space<hbm>> -> memref<32x128xf32, #tpu.memory_space<hbm>>
    tpu.enqueue_dma source(%dma_start3A_436 : memref<32x128xf32, #tpu.memory_space<hbm>>) target(%dma_start3A_434 : memref<32x128xf32, #tpu.memory_space<vmem>>) target_semaphore(%arg14 : memref<!tpu.dma_semaphore, #tpu.memory_space<semaphore_mem>>)
    %get3A_437 = arith.constant 0 : index
    %get3A_438 = tpu.vector_load %arg5[%get3A_437] {strides = array<i32>} : memref<512xi32, #tpu.memory_space<vmem>>, vector<16xi32>,
    %jit3A_439 = arith.constant 128 : i32
    %div3A_440 = vector.broadcast %jit3A_439 : i32 to vector<16xi32>
    %div3A_441 = arith.divsi %get3A_438, %div3A_440 : vector<16xi32>
    %sign3A_442 = arith.constant 0 : i32
    %sign3A_443 = vector.broadcast %sign3A_442 : i32 to vector<16xi32>
    %sign3A_444 = arith.cmpi sgt, %get3A_438, %sign3A_443 : vector<16xi32>
    %sign3A_445 = arith.extui %sign3A_444 : vector<16xi1> to vector<16xi32>
    %sign3A_446 = arith.constant 0 : i32
    %sign3A_447 = vector.broadcast %sign3A_446 : i32 to vector<16xi32>
    %sign3A_448 = arith.cmpi slt, %get3A_438, %sign3A_447 : vector<16xi32>
    %sign3A_449 = arith.extui %sign3A_448 : vector<16xi1> to vector<16xi32>
    %sign3A_450 = arith.subi %sign3A_445, %sign3A_449 : vector<16xi32>
    %sign3A_451 = arith.constant 0 : i32
    %sign3A_452 = arith.cmpi sgt, %jit3A_439, %sign3A_451 : i32
    %sign3A_453 = arith.extui %sign3A_452 : i1 to i32
    %sign3A_454 = arith.constant 0 : i32
    %sign3A_455 = arith.cmpi slt, %jit3A_439, %sign3A_454 : i32
    %sign3A_456 = arith.extui %sign3A_455 : i1 to i32
    %sign3A_457 = arith.subi %sign3A_453, %sign3A_456 : i32
    %ne3A_458 = vector.broadcast %sign3A_457 : i32 to vector<16xi32>
    %ne3A_459 = arith.cmpi ne, %sign3A_450, %ne3A_458 : vector<16xi32>
    %rem3A_460 = vector.broadcast %jit3A_439 : i32 to vector<16xi32>
    %rem3A_461 = arith.remsi %get3A_438, %rem3A_460 : vector<16xi32>
    %ne3A_462 = arith.constant 0 : i32
    %ne3A_463 = vector.broadcast %ne3A_462 : i32 to vector<16xi32>
    %ne3A_464 = arith.cmpi ne, %rem3A_461, %ne3A_463 : vector<16xi32>
    %and3A_465 = arith.andi %ne3A_459, %ne3A_464 : vector<16xi1>
    %sub3A_466 = arith.constant 1 : i32
    %sub3A_467 = vector.broadcast %sub3A_466 : i32 to vector<16xi32>
    %sub3A_468 = arith.subi %div3A_441, %sub3A_467 : vector<16xi32>
    %select_n3A_469 = arith.select %and3A_465, %sub3A_468, %div3A_441 : vector<16xi1>, vector<16xi32>
    %mul3A_470 = arith.constant 128 : i32
    %mul3A_471 = vector.broadcast %mul3A_470 : i32 to vector<16xi32>
    %mul3A_472 = arith.muli %select_n3A_469, %mul3A_471 : vector<16xi32>
    %eq3A_473 = arith.constant 7 : i32
    %eq3A_474 = vector.broadcast %eq3A_473 : i32 to vector<16xi32>
    %eq3A_475 = arith.cmpi eq, %iota3A, %eq3A_474 : vector<16xi32>
    %jit3A_476 = arith.constant 0 : i32
    %broadcast_in_dim3A_477 = vector.broadcast %jit3A_476 : i32 to vector<16xi32>
    %select_n3A_478 = arith.select %eq3A_475, %mul3A_472, %broadcast_in_dim3A_477 : vector<16xi1>, vector<16xi32>
    %reduce_max3A_479 = arith.constant true
    %reduce_max3A_480 = vector.broadcast %reduce_max3A_479 : i1 to vector<16xi1>
    %reduce_max3A_481 = arith.constant -2147483648 : i32
    %reduce_max3A_482 = vector.broadcast %reduce_max3A_481 : i32 to vector<16xi32>
    %reduce_max3A_483 = arith.xori %select_n3A_478, %reduce_max3A_482 : vector<16xi32>
    %reduce_max3A_484 = tpu.scan <max>, %reduce_max3A_483 masked %reduce_max3A_480 : vector<16xi32>, vector<16xi1> -> vector<16xi32>
    %reduce_max3A_485 = arith.xori %reduce_max3A_484, %reduce_max3A_482 : vector<16xi32>
    %reduce_max3A_486 = vector.extract %reduce_max3A_485[15] : i32 from vector<16xi32>
    %multiple_of3A_487 = tpu.assume_multiple %reduce_max3A_486, 128 : i32
    %dma_start3A_488 = arith.constant 7 : i32
    %dma_start3A_489 = arith.constant 0 : i32
    %dma_start3A_490 = arith.constant 0 : i32
    %dma_start3A_491 = tpu.memref_slice %arg6[%dma_start3A_488, %dma_start3A_489, %dma_start3A_490] : memref<16x32x128xf32, #tpu.memory_space<vmem>> -> memref<1x32x128xf32, #tpu.memory_space<vmem>>
    %dma_start3A_492 = tpu.memref_squeeze %dma_start3A_491 : memref<1x32x128xf32, #tpu.memory_space<vmem>> -> memref<32x128xf32, #tpu.memory_space<vmem>>
    %dma_start3A_493 = arith.constant 0 : i32
    %dma_start3A_494 = tpu.memref_slice %arg2[%dma_start3A_493, %multiple_of3A_487] : memref<32x1000000xf32, #tpu.memory_space<hbm>> -> memref<32x128xf32, #tpu.memory_space<hbm>>
    %dma_start3A_495 = arith.constant 0 : i32
    %dma_start3A_496 = arith.constant 0 : i32
    %dma_start3A_497 = tpu.memref_slice %arg6[%dma_start3A_488, %dma_start3A_495, %dma_start3A_496] : memref<16x32x128xf32, #tpu.memory_space<vmem>> -> memref<1x32x128xf32, #tpu.memory_space<vmem>>
    %dma_start3A_498 = tpu.memref_squeeze %dma_start3A_497 : memref<1x32x128xf32, #tpu.memory_space<vmem>> -> memref<32x128xf32, #tpu.memory_space<vmem>>
    %dma_start3A_499 = arith.constant 0 : i32
    %dma_start3A_500 = tpu.memref_slice %arg2[%dma_start3A_499, %multiple_of3A_487] : memref<32x1000000xf32, #tpu.memory_space<hbm>> -> memref<32x128xf32, #tpu.memory_space<hbm>>
    tpu.enqueue_dma source(%dma_start3A_500 : memref<32x128xf32, #tpu.memory_space<hbm>>) target(%dma_start3A_498 : memref<32x128xf32, #tpu.memory_space<vmem>>) target_semaphore(%arg15 : memref<!tpu.dma_semaphore, #tpu.memory_space<semaphore_mem>>)
    %get3A_501 = arith.constant 0 : index
    %get3A_502 = tpu.vector_load %arg5[%get3A_501] {strides = array<i32>} : memref<512xi32, #tpu.memory_space<vmem>>, vector<16xi32>,
    %jit3A_503 = arith.constant 128 : i32
    %div3A_504 = vector.broadcast %jit3A_503 : i32 to vector<16xi32>
    %div3A_505 = arith.divsi %get3A_502, %div3A_504 : vector<16xi32>
    %sign3A_506 = arith.constant 0 : i32
    %sign3A_507 = vector.broadcast %sign3A_506 : i32 to vector<16xi32>
    %sign3A_508 = arith.cmpi sgt, %get3A_502, %sign3A_507 : vector<16xi32>
    %sign3A_509 = arith.extui %sign3A_508 : vector<16xi1> to vector<16xi32>
    %sign3A_510 = arith.constant 0 : i32
    %sign3A_511 = vector.broadcast %sign3A_510 : i32 to vector<16xi32>
    %sign3A_512 = arith.cmpi slt, %get3A_502, %sign3A_511 : vector<16xi32>
    %sign3A_513 = arith.extui %sign3A_512 : vector<16xi1> to vector<16xi32>
    %sign3A_514 = arith.subi %sign3A_509, %sign3A_513 : vector<16xi32>
    %sign3A_515 = arith.constant 0 : i32
    %sign3A_516 = arith.cmpi sgt, %jit3A_503, %sign3A_515 : i32
    %sign3A_517 = arith.extui %sign3A_516 : i1 to i32
    %sign3A_518 = arith.constant 0 : i32
    %sign3A_519 = arith.cmpi slt, %jit3A_503, %sign3A_518 : i32
    %sign3A_520 = arith.extui %sign3A_519 : i1 to i32
    %sign3A_521 = arith.subi %sign3A_517, %sign3A_520 : i32
    %ne3A_522 = vector.broadcast %sign3A_521 : i32 to vector<16xi32>
    %ne3A_523 = arith.cmpi ne, %sign3A_514, %ne3A_522 : vector<16xi32>
    %rem3A_524 = vector.broadcast %jit3A_503 : i32 to vector<16xi32>
    %rem3A_525 = arith.remsi %get3A_502, %rem3A_524 : vector<16xi32>
    %ne3A_526 = arith.constant 0 : i32
    %ne3A_527 = vector.broadcast %ne3A_526 : i32 to vector<16xi32>
    %ne3A_528 = arith.cmpi ne, %rem3A_525, %ne3A_527 : vector<16xi32>
    %and3A_529 = arith.andi %ne3A_523, %ne3A_528 : vector<16xi1>
    %sub3A_530 = arith.constant 1 : i32
    %sub3A_531 = vector.broadcast %sub3A_530 : i32 to vector<16xi32>
    %sub3A_532 = arith.subi %div3A_505, %sub3A_531 : vector<16xi32>
    %select_n3A_533 = arith.select %and3A_529, %sub3A_532, %div3A_505 : vector<16xi1>, vector<16xi32>
    %mul3A_534 = arith.constant 128 : i32
    %mul3A_535 = vector.broadcast %mul3A_534 : i32 to vector<16xi32>
    %mul3A_536 = arith.muli %select_n3A_533, %mul3A_535 : vector<16xi32>
    %eq3A_537 = arith.constant 8 : i32
    %eq3A_538 = vector.broadcast %eq3A_537 : i32 to vector<16xi32>
    %eq3A_539 = arith.cmpi eq, %iota3A, %eq3A_538 : vector<16xi32>
    %jit3A_540 = arith.constant 0 : i32
    %broadcast_in_dim3A_541 = vector.broadcast %jit3A_540 : i32 to vector<16xi32>
    %select_n3A_542 = arith.select %eq3A_539, %mul3A_536, %broadcast_in_dim3A_541 : vector<16xi1>, vector<16xi32>
    %reduce_max3A_543 = arith.constant true
    %reduce_max3A_544 = vector.broadcast %reduce_max3A_543 : i1 to vector<16xi1>
    %reduce_max3A_545 = arith.constant -2147483648 : i32
    %reduce_max3A_546 = vector.broadcast %reduce_max3A_545 : i32 to vector<16xi32>
    %reduce_max3A_547 = arith.xori %select_n3A_542, %reduce_max3A_546 : vector<16xi32>
    %reduce_max3A_548 = tpu.scan <max>, %reduce_max3A_547 masked %reduce_max3A_544 : vector<16xi32>, vector<16xi1> -> vector<16xi32>
    %reduce_max3A_549 = arith.xori %reduce_max3A_548, %reduce_max3A_546 : vector<16xi32>
    %reduce_max3A_550 = vector.extract %reduce_max3A_549[15] : i32 from vector<16xi32>
    %multiple_of3A_551 = tpu.assume_multiple %reduce_max3A_550, 128 : i32
    %dma_start3A_552 = arith.constant 8 : i32
    %dma_start3A_553 = arith.constant 0 : i32
    %dma_start3A_554 = arith.constant 0 : i32
    %dma_start3A_555 = tpu.memref_slice %arg6[%dma_start3A_552, %dma_start3A_553, %dma_start3A_554] : memref<16x32x128xf32, #tpu.memory_space<vmem>> -> memref<1x32x128xf32, #tpu.memory_space<vmem>>
    %dma_start3A_556 = tpu.memref_squeeze %dma_start3A_555 : memref<1x32x128xf32, #tpu.memory_space<vmem>> -> memref<32x128xf32, #tpu.memory_space<vmem>>
    %dma_start3A_557 = arith.constant 0 : i32
    %dma_start3A_558 = tpu.memref_slice %arg2[%dma_start3A_557, %multiple_of3A_551] : memref<32x1000000xf32, #tpu.memory_space<hbm>> -> memref<32x128xf32, #tpu.memory_space<hbm>>
    %dma_start3A_559 = arith.constant 0 : i32
    %dma_start3A_560 = arith.constant 0 : i32
    %dma_start3A_561 = tpu.memref_slice %arg6[%dma_start3A_552, %dma_start3A_559, %dma_start3A_560] : memref<16x32x128xf32, #tpu.memory_space<vmem>> -> memref<1x32x128xf32, #tpu.memory_space<vmem>>
    %dma_start3A_562 = tpu.memref_squeeze %dma_start3A_561 : memref<1x32x128xf32, #tpu.memory_space<vmem>> -> memref<32x128xf32, #tpu.memory_space<vmem>>
    %dma_start3A_563 = arith.constant 0 : i32
    %dma_start3A_564 = tpu.memref_slice %arg2[%dma_start3A_563, %multiple_of3A_551] : memref<32x1000000xf32, #tpu.memory_space<hbm>> -> memref<32x128xf32, #tpu.memory_space<hbm>>
    tpu.enqueue_dma source(%dma_start3A_564 : memref<32x128xf32, #tpu.memory_space<hbm>>) target(%dma_start3A_562 : memref<32x128xf32, #tpu.memory_space<vmem>>) target_semaphore(%arg16 : memref<!tpu.dma_semaphore, #tpu.memory_space<semaphore_mem>>)
    %get3A_565 = arith.constant 0 : index
    %get3A_566 = tpu.vector_load %arg5[%get3A_565] {strides = array<i32>} : memref<512xi32, #tpu.memory_space<vmem>>, vector<16xi32>,
    %jit3A_567 = arith.constant 128 : i32
    %div3A_568 = vector.broadcast %jit3A_567 : i32 to vector<16xi32>
    %div3A_569 = arith.divsi %get3A_566, %div3A_568 : vector<16xi32>
    %sign3A_570 = arith.constant 0 : i32
    %sign3A_571 = vector.broadcast %sign3A_570 : i32 to vector<16xi32>
    %sign3A_572 = arith.cmpi sgt, %get3A_566, %sign3A_571 : vector<16xi32>
    %sign3A_573 = arith.extui %sign3A_572 : vector<16xi1> to vector<16xi32>
    %sign3A_574 = arith.constant 0 : i32
    %sign3A_575 = vector.broadcast %sign3A_574 : i32 to vector<16xi32>
    %sign3A_576 = arith.cmpi slt, %get3A_566, %sign3A_575 : vector<16xi32>
    %sign3A_577 = arith.extui %sign3A_576 : vector<16xi1> to vector<16xi32>
    %sign3A_578 = arith.subi %sign3A_573, %sign3A_577 : vector<16xi32>
    %sign3A_579 = arith.constant 0 : i32
    %sign3A_580 = arith.cmpi sgt, %jit3A_567, %sign3A_579 : i32
    %sign3A_581 = arith.extui %sign3A_580 : i1 to i32
    %sign3A_582 = arith.constant 0 : i32
    %sign3A_583 = arith.cmpi slt, %jit3A_567, %sign3A_582 : i32
    %sign3A_584 = arith.extui %sign3A_583 : i1 to i32
    %sign3A_585 = arith.subi %sign3A_581, %sign3A_584 : i32
    %ne3A_586 = vector.broadcast %sign3A_585 : i32 to vector<16xi32>
    %ne3A_587 = arith.cmpi ne, %sign3A_578, %ne3A_586 : vector<16xi32>
    %rem3A_588 = vector.broadcast %jit3A_567 : i32 to vector<16xi32>
    %rem3A_589 = arith.remsi %get3A_566, %rem3A_588 : vector<16xi32>
    %ne3A_590 = arith.constant 0 : i32
    %ne3A_591 = vector.broadcast %ne3A_590 : i32 to vector<16xi32>
    %ne3A_592 = arith.cmpi ne, %rem3A_589, %ne3A_591 : vector<16xi32>
    %and3A_593 = arith.andi %ne3A_587, %ne3A_592 : vector<16xi1>
    %sub3A_594 = arith.constant 1 : i32
    %sub3A_595 = vector.broadcast %sub3A_594 : i32 to vector<16xi32>
    %sub3A_596 = arith.subi %div3A_569, %sub3A_595 : vector<16xi32>
    %select_n3A_597 = arith.select %and3A_593, %sub3A_596, %div3A_569 : vector<16xi1>, vector<16xi32>
    %mul3A_598 = arith.constant 128 : i32
    %mul3A_599 = vector.broadcast %mul3A_598 : i32 to vector<16xi32>
    %mul3A_600 = arith.muli %select_n3A_597, %mul3A_599 : vector<16xi32>
    %eq3A_601 = arith.constant 9 : i32
    %eq3A_602 = vector.broadcast %eq3A_601 : i32 to vector<16xi32>
    %eq3A_603 = arith.cmpi eq, %iota3A, %eq3A_602 : vector<16xi32>
    %jit3A_604 = arith.constant 0 : i32
    %broadcast_in_dim3A_605 = vector.broadcast %jit3A_604 : i32 to vector<16xi32>
    %select_n3A_606 = arith.select %eq3A_603, %mul3A_600, %broadcast_in_dim3A_605 : vector<16xi1>, vector<16xi32>
    %reduce_max3A_607 = arith.constant true
    %reduce_max3A_608 = vector.broadcast %reduce_max3A_607 : i1 to vector<16xi1>
    %reduce_max3A_609 = arith.constant -2147483648 : i32
    %reduce_max3A_610 = vector.broadcast %reduce_max3A_609 : i32 to vector<16xi32>
    %reduce_max3A_611 = arith.xori %select_n3A_606, %reduce_max3A_610 : vector<16xi32>
    %reduce_max3A_612 = tpu.scan <max>, %reduce_max3A_611 masked %reduce_max3A_608 : vector<16xi32>, vector<16xi1> -> vector<16xi32>
    %reduce_max3A_613 = arith.xori %reduce_max3A_612, %reduce_max3A_610 : vector<16xi32>
    %reduce_max3A_614 = vector.extract %reduce_max3A_613[15] : i32 from vector<16xi32>
    %multiple_of3A_615 = tpu.assume_multiple %reduce_max3A_614, 128 : i32
    %dma_start3A_616 = arith.constant 9 : i32
    %dma_start3A_617 = arith.constant 0 : i32
    %dma_start3A_618 = arith.constant 0 : i32
    %dma_start3A_619 = tpu.memref_slice %arg6[%dma_start3A_616, %dma_start3A_617, %dma_start3A_618] : memref<16x32x128xf32, #tpu.memory_space<vmem>> -> memref<1x32x128xf32, #tpu.memory_space<vmem>>
    %dma_start3A_620 = tpu.memref_squeeze %dma_start3A_619 : memref<1x32x128xf32, #tpu.memory_space<vmem>> -> memref<32x128xf32, #tpu.memory_space<vmem>>
    %dma_start3A_621 = arith.constant 0 : i32
    %dma_start3A_622 = tpu.memref_slice %arg2[%dma_start3A_621, %multiple_of3A_615] : memref<32x1000000xf32, #tpu.memory_space<hbm>> -> memref<32x128xf32, #tpu.memory_space<hbm>>
    %dma_start3A_623 = arith.constant 0 : i32
    %dma_start3A_624 = arith.constant 0 : i32
    %dma_start3A_625 = tpu.memref_slice %arg6[%dma_start3A_616, %dma_start3A_623, %dma_start3A_624] : memref<16x32x128xf32, #tpu.memory_space<vmem>> -> memref<1x32x128xf32, #tpu.memory_space<vmem>>
    %dma_start3A_626 = tpu.memref_squeeze %dma_start3A_625 : memref<1x32x128xf32, #tpu.memory_space<vmem>> -> memref<32x128xf32, #tpu.memory_space<vmem>>
    %dma_start3A_627 = arith.constant 0 : i32
    %dma_start3A_628 = tpu.memref_slice %arg2[%dma_start3A_627, %multiple_of3A_615] : memref<32x1000000xf32, #tpu.memory_space<hbm>> -> memref<32x128xf32, #tpu.memory_space<hbm>>
    tpu.enqueue_dma source(%dma_start3A_628 : memref<32x128xf32, #tpu.memory_space<hbm>>) target(%dma_start3A_626 : memref<32x128xf32, #tpu.memory_space<vmem>>) target_semaphore(%arg17 : memref<!tpu.dma_semaphore, #tpu.memory_space<semaphore_mem>>)
    %get3A_629 = arith.constant 0 : index
    %get3A_630 = tpu.vector_load %arg5[%get3A_629] {strides = array<i32>} : memref<512xi32, #tpu.memory_space<vmem>>, vector<16xi32>,
    %jit3A_631 = arith.constant 128 : i32
    %div3A_632 = vector.broadcast %jit3A_631 : i32 to vector<16xi32>
    %div3A_633 = arith.divsi %get3A_630, %div3A_632 : vector<16xi32>
    %sign3A_634 = arith.constant 0 : i32
    %sign3A_635 = vector.broadcast %sign3A_634 : i32 to vector<16xi32>
    %sign3A_636 = arith.cmpi sgt, %get3A_630, %sign3A_635 : vector<16xi32>
    %sign3A_637 = arith.extui %sign3A_636 : vector<16xi1> to vector<16xi32>
    %sign3A_638 = arith.constant 0 : i32
    %sign3A_639 = vector.broadcast %sign3A_638 : i32 to vector<16xi32>
    %sign3A_640 = arith.cmpi slt, %get3A_630, %sign3A_639 : vector<16xi32>
    %sign3A_641 = arith.extui %sign3A_640 : vector<16xi1> to vector<16xi32>
    %sign3A_642 = arith.subi %sign3A_637, %sign3A_641 : vector<16xi32>
    %sign3A_643 = arith.constant 0 : i32
    %sign3A_644 = arith.cmpi sgt, %jit3A_631, %sign3A_643 : i32
    %sign3A_645 = arith.extui %sign3A_644 : i1 to i32
    %sign3A_646 = arith.constant 0 : i32
    %sign3A_647 = arith.cmpi slt, %jit3A_631, %sign3A_646 : i32
    %sign3A_648 = arith.extui %sign3A_647 : i1 to i32
    %sign3A_649 = arith.subi %sign3A_645, %sign3A_648 : i32
    %ne3A_650 = vector.broadcast %sign3A_649 : i32 to vector<16xi32>
    %ne3A_651 = arith.cmpi ne, %sign3A_642, %ne3A_650 : vector<16xi32>
    %rem3A_652 = vector.broadcast %jit3A_631 : i32 to vector<16xi32>
    %rem3A_653 = arith.remsi %get3A_630, %rem3A_652 : vector<16xi32>
    %ne3A_654 = arith.constant 0 : i32
    %ne3A_655 = vector.broadcast %ne3A_654 : i32 to vector<16xi32>
    %ne3A_656 = arith.cmpi ne, %rem3A_653, %ne3A_655 : vector<16xi32>
    %and3A_657 = arith.andi %ne3A_651, %ne3A_656 : vector<16xi1>
    %sub3A_658 = arith.constant 1 : i32
    %sub3A_659 = vector.broadcast %sub3A_658 : i32 to vector<16xi32>
    %sub3A_660 = arith.subi %div3A_633, %sub3A_659 : vector<16xi32>
    %select_n3A_661 = arith.select %and3A_657, %sub3A_660, %div3A_633 : vector<16xi1>, vector<16xi32>
    %mul3A_662 = arith.constant 128 : i32
    %mul3A_663 = vector.broadcast %mul3A_662 : i32 to vector<16xi32>
    %mul3A_664 = arith.muli %select_n3A_661, %mul3A_663 : vector<16xi32>
    %eq3A_665 = arith.constant 10 : i32
    %eq3A_666 = vector.broadcast %eq3A_665 : i32 to vector<16xi32>
    %eq3A_667 = arith.cmpi eq, %iota3A, %eq3A_666 : vector<16xi32>
    %jit3A_668 = arith.constant 0 : i32
    %broadcast_in_dim3A_669 = vector.broadcast %jit3A_668 : i32 to vector<16xi32>
    %select_n3A_670 = arith.select %eq3A_667, %mul3A_664, %broadcast_in_dim3A_669 : vector<16xi1>, vector<16xi32>
    %reduce_max3A_671 = arith.constant true
    %reduce_max3A_672 = vector.broadcast %reduce_max3A_671 : i1 to vector<16xi1>
    %reduce_max3A_673 = arith.constant -2147483648 : i32
    %reduce_max3A_674 = vector.broadcast %reduce_max3A_673 : i32 to vector<16xi32>
    %reduce_max3A_675 = arith.xori %select_n3A_670, %reduce_max3A_674 : vector<16xi32>
    %reduce_max3A_676 = tpu.scan <max>, %reduce_max3A_675 masked %reduce_max3A_672 : vector<16xi32>, vector<16xi1> -> vector<16xi32>
    %reduce_max3A_677 = arith.xori %reduce_max3A_676, %reduce_max3A_674 : vector<16xi32>
    %reduce_max3A_678 = vector.extract %reduce_max3A_677[15] : i32 from vector<16xi32>
    %multiple_of3A_679 = tpu.assume_multiple %reduce_max3A_678, 128 : i32
    %dma_start3A_680 = arith.constant 10 : i32
    %dma_start3A_681 = arith.constant 0 : i32
    %dma_start3A_682 = arith.constant 0 : i32
    %dma_start3A_683 = tpu.memref_slice %arg6[%dma_start3A_680, %dma_start3A_681, %dma_start3A_682] : memref<16x32x128xf32, #tpu.memory_space<vmem>> -> memref<1x32x128xf32, #tpu.memory_space<vmem>>
    %dma_start3A_684 = tpu.memref_squeeze %dma_start3A_683 : memref<1x32x128xf32, #tpu.memory_space<vmem>> -> memref<32x128xf32, #tpu.memory_space<vmem>>
    %dma_start3A_685 = arith.constant 0 : i32
    %dma_start3A_686 = tpu.memref_slice %arg2[%dma_start3A_685, %multiple_of3A_679] : memref<32x1000000xf32, #tpu.memory_space<hbm>> -> memref<32x128xf32, #tpu.memory_space<hbm>>
    %dma_start3A_687 = arith.constant 0 : i32
    %dma_start3A_688 = arith.constant 0 : i32
    %dma_start3A_689 = tpu.memref_slice %arg6[%dma_start3A_680, %dma_start3A_687, %dma_start3A_688] : memref<16x32x128xf32, #tpu.memory_space<vmem>> -> memref<1x32x128xf32, #tpu.memory_space<vmem>>
    %dma_start3A_690 = tpu.memref_squeeze %dma_start3A_689 : memref<1x32x128xf32, #tpu.memory_space<vmem>> -> memref<32x128xf32, #tpu.memory_space<vmem>>
    %dma_start3A_691 = arith.constant 0 : i32
    %dma_start3A_692 = tpu.memref_slice %arg2[%dma_start3A_691, %multiple_of3A_679] : memref<32x1000000xf32, #tpu.memory_space<hbm>> -> memref<32x128xf32, #tpu.memory_space<hbm>>
    tpu.enqueue_dma source(%dma_start3A_692 : memref<32x128xf32, #tpu.memory_space<hbm>>) target(%dma_start3A_690 : memref<32x128xf32, #tpu.memory_space<vmem>>) target_semaphore(%arg18 : memref<!tpu.dma_semaphore, #tpu.memory_space<semaphore_mem>>)
    %get3A_693 = arith.constant 0 : index
    %get3A_694 = tpu.vector_load %arg5[%get3A_693] {strides = array<i32>} : memref<512xi32, #tpu.memory_space<vmem>>, vector<16xi32>,
    %jit3A_695 = arith.constant 128 : i32
    %div3A_696 = vector.broadcast %jit3A_695 : i32 to vector<16xi32>
    %div3A_697 = arith.divsi %get3A_694, %div3A_696 : vector<16xi32>
    %sign3A_698 = arith.constant 0 : i32
    %sign3A_699 = vector.broadcast %sign3A_698 : i32 to vector<16xi32>
    %sign3A_700 = arith.cmpi sgt, %get3A_694, %sign3A_699 : vector<16xi32>
    %sign3A_701 = arith.extui %sign3A_700 : vector<16xi1> to vector<16xi32>
    %sign3A_702 = arith.constant 0 : i32
    %sign3A_703 = vector.broadcast %sign3A_702 : i32 to vector<16xi32>
    %sign3A_704 = arith.cmpi slt, %get3A_694, %sign3A_703 : vector<16xi32>
    %sign3A_705 = arith.extui %sign3A_704 : vector<16xi1> to vector<16xi32>
    %sign3A_706 = arith.subi %sign3A_701, %sign3A_705 : vector<16xi32>
    %sign3A_707 = arith.constant 0 : i32
    %sign3A_708 = arith.cmpi sgt, %jit3A_695, %sign3A_707 : i32
    %sign3A_709 = arith.extui %sign3A_708 : i1 to i32
    %sign3A_710 = arith.constant 0 : i32
    %sign3A_711 = arith.cmpi slt, %jit3A_695, %sign3A_710 : i32
    %sign3A_712 = arith.extui %sign3A_711 : i1 to i32
    %sign3A_713 = arith.subi %sign3A_709, %sign3A_712 : i32
    %ne3A_714 = vector.broadcast %sign3A_713 : i32 to vector<16xi32>
    %ne3A_715 = arith.cmpi ne, %sign3A_706, %ne3A_714 : vector<16xi32>
    %rem3A_716 = vector.broadcast %jit3A_695 : i32 to vector<16xi32>
    %rem3A_717 = arith.remsi %get3A_694, %rem3A_716 : vector<16xi32>
    %ne3A_718 = arith.constant 0 : i32
    %ne3A_719 = vector.broadcast %ne3A_718 : i32 to vector<16xi32>
    %ne3A_720 = arith.cmpi ne, %rem3A_717, %ne3A_719 : vector<16xi32>
    %and3A_721 = arith.andi %ne3A_715, %ne3A_720 : vector<16xi1>
    %sub3A_722 = arith.constant 1 : i32
    %sub3A_723 = vector.broadcast %sub3A_722 : i32 to vector<16xi32>
    %sub3A_724 = arith.subi %div3A_697, %sub3A_723 : vector<16xi32>
    %select_n3A_725 = arith.select %and3A_721, %sub3A_724, %div3A_697 : vector<16xi1>, vector<16xi32>
    %mul3A_726 = arith.constant 128 : i32
    %mul3A_727 = vector.broadcast %mul3A_726 : i32 to vector<16xi32>
    %mul3A_728 = arith.muli %select_n3A_725, %mul3A_727 : vector<16xi32>
    %eq3A_729 = arith.constant 11 : i32
    %eq3A_730 = vector.broadcast %eq3A_729 : i32 to vector<16xi32>
    %eq3A_731 = arith.cmpi eq, %iota3A, %eq3A_730 : vector<16xi32>
    %jit3A_732 = arith.constant 0 : i32
    %broadcast_in_dim3A_733 = vector.broadcast %jit3A_732 : i32 to vector<16xi32>
    %select_n3A_734 = arith.select %eq3A_731, %mul3A_728, %broadcast_in_dim3A_733 : vector<16xi1>, vector<16xi32>
    %reduce_max3A_735 = arith.constant true
    %reduce_max3A_736 = vector.broadcast %reduce_max3A_735 : i1 to vector<16xi1>
    %reduce_max3A_737 = arith.constant -2147483648 : i32
    %reduce_max3A_738 = vector.broadcast %reduce_max3A_737 : i32 to vector<16xi32>
    %reduce_max3A_739 = arith.xori %select_n3A_734, %reduce_max3A_738 : vector<16xi32>
    %reduce_max3A_740 = tpu.scan <max>, %reduce_max3A_739 masked %reduce_max3A_736 : vector<16xi32>, vector<16xi1> -> vector<16xi32>
    %reduce_max3A_741 = arith.xori %reduce_max3A_740, %reduce_max3A_738 : vector<16xi32>
    %reduce_max3A_742 = vector.extract %reduce_max3A_741[15] : i32 from vector<16xi32>
    %multiple_of3A_743 = tpu.assume_multiple %reduce_max3A_742, 128 : i32
    %dma_start3A_744 = arith.constant 11 : i32
    %dma_start3A_745 = arith.constant 0 : i32
    %dma_start3A_746 = arith.constant 0 : i32
    %dma_start3A_747 = tpu.memref_slice %arg6[%dma_start3A_744, %dma_start3A_745, %dma_start3A_746] : memref<16x32x128xf32, #tpu.memory_space<vmem>> -> memref<1x32x128xf32, #tpu.memory_space<vmem>>
    %dma_start3A_748 = tpu.memref_squeeze %dma_start3A_747 : memref<1x32x128xf32, #tpu.memory_space<vmem>> -> memref<32x128xf32, #tpu.memory_space<vmem>>
    %dma_start3A_749 = arith.constant 0 : i32
    %dma_start3A_750 = tpu.memref_slice %arg2[%dma_start3A_749, %multiple_of3A_743] : memref<32x1000000xf32, #tpu.memory_space<hbm>> -> memref<32x128xf32, #tpu.memory_space<hbm>>
    %dma_start3A_751 = arith.constant 0 : i32
    %dma_start3A_752 = arith.constant 0 : i32
    %dma_start3A_753 = tpu.memref_slice %arg6[%dma_start3A_744, %dma_start3A_751, %dma_start3A_752] : memref<16x32x128xf32, #tpu.memory_space<vmem>> -> memref<1x32x128xf32, #tpu.memory_space<vmem>>
    %dma_start3A_754 = tpu.memref_squeeze %dma_start3A_753 : memref<1x32x128xf32, #tpu.memory_space<vmem>> -> memref<32x128xf32, #tpu.memory_space<vmem>>
    %dma_start3A_755 = arith.constant 0 : i32
    %dma_start3A_756 = tpu.memref_slice %arg2[%dma_start3A_755, %multiple_of3A_743] : memref<32x1000000xf32, #tpu.memory_space<hbm>> -> memref<32x128xf32, #tpu.memory_space<hbm>>
    tpu.enqueue_dma source(%dma_start3A_756 : memref<32x128xf32, #tpu.memory_space<hbm>>) target(%dma_start3A_754 : memref<32x128xf32, #tpu.memory_space<vmem>>) target_semaphore(%arg19 : memref<!tpu.dma_semaphore, #tpu.memory_space<semaphore_mem>>)
    %get3A_757 = arith.constant 0 : index
    %get3A_758 = tpu.vector_load %arg5[%get3A_757] {strides = array<i32>} : memref<512xi32, #tpu.memory_space<vmem>>, vector<16xi32>,
    %jit3A_759 = arith.constant 128 : i32
    %div3A_760 = vector.broadcast %jit3A_759 : i32 to vector<16xi32>
    %div3A_761 = arith.divsi %get3A_758, %div3A_760 : vector<16xi32>
    %sign3A_762 = arith.constant 0 : i32
    %sign3A_763 = vector.broadcast %sign3A_762 : i32 to vector<16xi32>
    %sign3A_764 = arith.cmpi sgt, %get3A_758, %sign3A_763 : vector<16xi32>
    %sign3A_765 = arith.extui %sign3A_764 : vector<16xi1> to vector<16xi32>
    %sign3A_766 = arith.constant 0 : i32
    %sign3A_767 = vector.broadcast %sign3A_766 : i32 to vector<16xi32>
    %sign3A_768 = arith.cmpi slt, %get3A_758, %sign3A_767 : vector<16xi32>
    %sign3A_769 = arith.extui %sign3A_768 : vector<16xi1> to vector<16xi32>
    %sign3A_770 = arith.subi %sign3A_765, %sign3A_769 : vector<16xi32>
    %sign3A_771 = arith.constant 0 : i32
    %sign3A_772 = arith.cmpi sgt, %jit3A_759, %sign3A_771 : i32
    %sign3A_773 = arith.extui %sign3A_772 : i1 to i32
    %sign3A_774 = arith.constant 0 : i32
    %sign3A_775 = arith.cmpi slt, %jit3A_759, %sign3A_774 : i32
    %sign3A_776 = arith.extui %sign3A_775 : i1 to i32
    %sign3A_777 = arith.subi %sign3A_773, %sign3A_776 : i32
    %ne3A_778 = vector.broadcast %sign3A_777 : i32 to vector<16xi32>
    %ne3A_779 = arith.cmpi ne, %sign3A_770, %ne3A_778 : vector<16xi32>
    %rem3A_780 = vector.broadcast %jit3A_759 : i32 to vector<16xi32>
    %rem3A_781 = arith.remsi %get3A_758, %rem3A_780 : vector<16xi32>
    %ne3A_782 = arith.constant 0 : i32
    %ne3A_783 = vector.broadcast %ne3A_782 : i32 to vector<16xi32>
    %ne3A_784 = arith.cmpi ne, %rem3A_781, %ne3A_783 : vector<16xi32>
    %and3A_785 = arith.andi %ne3A_779, %ne3A_784 : vector<16xi1>
    %sub3A_786 = arith.constant 1 : i32
    %sub3A_787 = vector.broadcast %sub3A_786 : i32 to vector<16xi32>
    %sub3A_788 = arith.subi %div3A_761, %sub3A_787 : vector<16xi32>
    %select_n3A_789 = arith.select %and3A_785, %sub3A_788, %div3A_761 : vector<16xi1>, vector<16xi32>
    %mul3A_790 = arith.constant 128 : i32
    %mul3A_791 = vector.broadcast %mul3A_790 : i32 to vector<16xi32>
    %mul3A_792 = arith.muli %select_n3A_789, %mul3A_791 : vector<16xi32>
    %eq3A_793 = arith.constant 12 : i32
    %eq3A_794 = vector.broadcast %eq3A_793 : i32 to vector<16xi32>
    %eq3A_795 = arith.cmpi eq, %iota3A, %eq3A_794 : vector<16xi32>
    %jit3A_796 = arith.constant 0 : i32
    %broadcast_in_dim3A_797 = vector.broadcast %jit3A_796 : i32 to vector<16xi32>
    %select_n3A_798 = arith.select %eq3A_795, %mul3A_792, %broadcast_in_dim3A_797 : vector<16xi1>, vector<16xi32>
    %reduce_max3A_799 = arith.constant true
    %reduce_max3A_800 = vector.broadcast %reduce_max3A_799 : i1 to vector<16xi1>
    %reduce_max3A_801 = arith.constant -2147483648 : i32
    %reduce_max3A_802 = vector.broadcast %reduce_max3A_801 : i32 to vector<16xi32>
    %reduce_max3A_803 = arith.xori %select_n3A_798, %reduce_max3A_802 : vector<16xi32>
    %reduce_max3A_804 = tpu.scan <max>, %reduce_max3A_803 masked %reduce_max3A_800 : vector<16xi32>, vector<16xi1> -> vector<16xi32>
    %reduce_max3A_805 = arith.xori %reduce_max3A_804, %reduce_max3A_802 : vector<16xi32>
    %reduce_max3A_806 = vector.extract %reduce_max3A_805[15] : i32 from vector<16xi32>
    %multiple_of3A_807 = tpu.assume_multiple %reduce_max3A_806, 128 : i32
    %dma_start3A_808 = arith.constant 12 : i32
    %dma_start3A_809 = arith.constant 0 : i32
    %dma_start3A_810 = arith.constant 0 : i32
    %dma_start3A_811 = tpu.memref_slice %arg6[%dma_start3A_808, %dma_start3A_809, %dma_start3A_810] : memref<16x32x128xf32, #tpu.memory_space<vmem>> -> memref<1x32x128xf32, #tpu.memory_space<vmem>>
    %dma_start3A_812 = tpu.memref_squeeze %dma_start3A_811 : memref<1x32x128xf32, #tpu.memory_space<vmem>> -> memref<32x128xf32, #tpu.memory_space<vmem>>
    %dma_start3A_813 = arith.constant 0 : i32
    %dma_start3A_814 = tpu.memref_slice %arg2[%dma_start3A_813, %multiple_of3A_807] : memref<32x1000000xf32, #tpu.memory_space<hbm>> -> memref<32x128xf32, #tpu.memory_space<hbm>>
    %dma_start3A_815 = arith.constant 0 : i32
    %dma_start3A_816 = arith.constant 0 : i32
    %dma_start3A_817 = tpu.memref_slice %arg6[%dma_start3A_808, %dma_start3A_815, %dma_start3A_816] : memref<16x32x128xf32, #tpu.memory_space<vmem>> -> memref<1x32x128xf32, #tpu.memory_space<vmem>>
    %dma_start3A_818 = tpu.memref_squeeze %dma_start3A_817 : memref<1x32x128xf32, #tpu.memory_space<vmem>> -> memref<32x128xf32, #tpu.memory_space<vmem>>
    %dma_start3A_819 = arith.constant 0 : i32
    %dma_start3A_820 = tpu.memref_slice %arg2[%dma_start3A_819, %multiple_of3A_807] : memref<32x1000000xf32, #tpu.memory_space<hbm>> -> memref<32x128xf32, #tpu.memory_space<hbm>>
    tpu.enqueue_dma source(%dma_start3A_820 : memref<32x128xf32, #tpu.memory_space<hbm>>) target(%dma_start3A_818 : memref<32x128xf32, #tpu.memory_space<vmem>>) target_semaphore(%arg20 : memref<!tpu.dma_semaphore, #tpu.memory_space<semaphore_mem>>)
    %get3A_821 = arith.constant 0 : index
    %get3A_822 = tpu.vector_load %arg5[%get3A_821] {strides = array<i32>} : memref<512xi32, #tpu.memory_space<vmem>>, vector<16xi32>,
    %jit3A_823 = arith.constant 128 : i32
    %div3A_824 = vector.broadcast %jit3A_823 : i32 to vector<16xi32>
    %div3A_825 = arith.divsi %get3A_822, %div3A_824 : vector<16xi32>
    %sign3A_826 = arith.constant 0 : i32
    %sign3A_827 = vector.broadcast %sign3A_826 : i32 to vector<16xi32>
    %sign3A_828 = arith.cmpi sgt, %get3A_822, %sign3A_827 : vector<16xi32>
    %sign3A_829 = arith.extui %sign3A_828 : vector<16xi1> to vector<16xi32>
    %sign3A_830 = arith.constant 0 : i32
    %sign3A_831 = vector.broadcast %sign3A_830 : i32 to vector<16xi32>
    %sign3A_832 = arith.cmpi slt, %get3A_822, %sign3A_831 : vector<16xi32>
    %sign3A_833 = arith.extui %sign3A_832 : vector<16xi1> to vector<16xi32>
    %sign3A_834 = arith.subi %sign3A_829, %sign3A_833 : vector<16xi32>
    %sign3A_835 = arith.constant 0 : i32
    %sign3A_836 = arith.cmpi sgt, %jit3A_823, %sign3A_835 : i32
    %sign3A_837 = arith.extui %sign3A_836 : i1 to i32
    %sign3A_838 = arith.constant 0 : i32
    %sign3A_839 = arith.cmpi slt, %jit3A_823, %sign3A_838 : i32
    %sign3A_840 = arith.extui %sign3A_839 : i1 to i32
    %sign3A_841 = arith.subi %sign3A_837, %sign3A_840 : i32
    %ne3A_842 = vector.broadcast %sign3A_841 : i32 to vector<16xi32>
    %ne3A_843 = arith.cmpi ne, %sign3A_834, %ne3A_842 : vector<16xi32>
    %rem3A_844 = vector.broadcast %jit3A_823 : i32 to vector<16xi32>
    %rem3A_845 = arith.remsi %get3A_822, %rem3A_844 : vector<16xi32>
    %ne3A_846 = arith.constant 0 : i32
    %ne3A_847 = vector.broadcast %ne3A_846 : i32 to vector<16xi32>
    %ne3A_848 = arith.cmpi ne, %rem3A_845, %ne3A_847 : vector<16xi32>
    %and3A_849 = arith.andi %ne3A_843, %ne3A_848 : vector<16xi1>
    %sub3A_850 = arith.constant 1 : i32
    %sub3A_851 = vector.broadcast %sub3A_850 : i32 to vector<16xi32>
    %sub3A_852 = arith.subi %div3A_825, %sub3A_851 : vector<16xi32>
    %select_n3A_853 = arith.select %and3A_849, %sub3A_852, %div3A_825 : vector<16xi1>, vector<16xi32>
    %mul3A_854 = arith.constant 128 : i32
    %mul3A_855 = vector.broadcast %mul3A_854 : i32 to vector<16xi32>
    %mul3A_856 = arith.muli %select_n3A_853, %mul3A_855 : vector<16xi32>
    %eq3A_857 = arith.constant 13 : i32
    %eq3A_858 = vector.broadcast %eq3A_857 : i32 to vector<16xi32>
    %eq3A_859 = arith.cmpi eq, %iota3A, %eq3A_858 : vector<16xi32>
    %jit3A_860 = arith.constant 0 : i32
    %broadcast_in_dim3A_861 = vector.broadcast %jit3A_860 : i32 to vector<16xi32>
    %select_n3A_862 = arith.select %eq3A_859, %mul3A_856, %broadcast_in_dim3A_861 : vector<16xi1>, vector<16xi32>
    %reduce_max3A_863 = arith.constant true
    %reduce_max3A_864 = vector.broadcast %reduce_max3A_863 : i1 to vector<16xi1>
    %reduce_max3A_865 = arith.constant -2147483648 : i32
    %reduce_max3A_866 = vector.broadcast %reduce_max3A_865 : i32 to vector<16xi32>
    %reduce_max3A_867 = arith.xori %select_n3A_862, %reduce_max3A_866 : vector<16xi32>
    %reduce_max3A_868 = tpu.scan <max>, %reduce_max3A_867 masked %reduce_max3A_864 : vector<16xi32>, vector<16xi1> -> vector<16xi32>
    %reduce_max3A_869 = arith.xori %reduce_max3A_868, %reduce_max3A_866 : vector<16xi32>
    %reduce_max3A_870 = vector.extract %reduce_max3A_869[15] : i32 from vector<16xi32>
    %multiple_of3A_871 = tpu.assume_multiple %reduce_max3A_870, 128 : i32
    %dma_start3A_872 = arith.constant 13 : i32
    %dma_start3A_873 = arith.constant 0 : i32
    %dma_start3A_874 = arith.constant 0 : i32
    %dma_start3A_875 = tpu.memref_slice %arg6[%dma_start3A_872, %dma_start3A_873, %dma_start3A_874] : memref<16x32x128xf32, #tpu.memory_space<vmem>> -> memref<1x32x128xf32, #tpu.memory_space<vmem>>
    %dma_start3A_876 = tpu.memref_squeeze %dma_start3A_875 : memref<1x32x128xf32, #tpu.memory_space<vmem>> -> memref<32x128xf32, #tpu.memory_space<vmem>>
    %dma_start3A_877 = arith.constant 0 : i32
    %dma_start3A_878 = tpu.memref_slice %arg2[%dma_start3A_877, %multiple_of3A_871] : memref<32x1000000xf32, #tpu.memory_space<hbm>> -> memref<32x128xf32, #tpu.memory_space<hbm>>
    %dma_start3A_879 = arith.constant 0 : i32
    %dma_start3A_880 = arith.constant 0 : i32
    %dma_start3A_881 = tpu.memref_slice %arg6[%dma_start3A_872, %dma_start3A_879, %dma_start3A_880] : memref<16x32x128xf32, #tpu.memory_space<vmem>> -> memref<1x32x128xf32, #tpu.memory_space<vmem>>
    %dma_start3A_882 = tpu.memref_squeeze %dma_start3A_881 : memref<1x32x128xf32, #tpu.memory_space<vmem>> -> memref<32x128xf32, #tpu.memory_space<vmem>>
    %dma_start3A_883 = arith.constant 0 : i32
    %dma_start3A_884 = tpu.memref_slice %arg2[%dma_start3A_883, %multiple_of3A_871] : memref<32x1000000xf32, #tpu.memory_space<hbm>> -> memref<32x128xf32, #tpu.memory_space<hbm>>
    tpu.enqueue_dma source(%dma_start3A_884 : memref<32x128xf32, #tpu.memory_space<hbm>>) target(%dma_start3A_882 : memref<32x128xf32, #tpu.memory_space<vmem>>) target_semaphore(%arg21 : memref<!tpu.dma_semaphore, #tpu.memory_space<semaphore_mem>>)
    %get3A_885 = arith.constant 0 : index
    %get3A_886 = tpu.vector_load %arg5[%get3A_885] {strides = array<i32>} : memref<512xi32, #tpu.memory_space<vmem>>, vector<16xi32>,
    %jit3A_887 = arith.constant 128 : i32
    %div3A_888 = vector.broadcast %jit3A_887 : i32 to vector<16xi32>
    %div3A_889 = arith.divsi %get3A_886, %div3A_888 : vector<16xi32>
    %sign3A_890 = arith.constant 0 : i32
    %sign3A_891 = vector.broadcast %sign3A_890 : i32 to vector<16xi32>
    %sign3A_892 = arith.cmpi sgt, %get3A_886, %sign3A_891 : vector<16xi32>
    %sign3A_893 = arith.extui %sign3A_892 : vector<16xi1> to vector<16xi32>
    %sign3A_894 = arith.constant 0 : i32
    %sign3A_895 = vector.broadcast %sign3A_894 : i32 to vector<16xi32>
    %sign3A_896 = arith.cmpi slt, %get3A_886, %sign3A_895 : vector<16xi32>
    %sign3A_897 = arith.extui %sign3A_896 : vector<16xi1> to vector<16xi32>
    %sign3A_898 = arith.subi %sign3A_893, %sign3A_897 : vector<16xi32>
    %sign3A_899 = arith.constant 0 : i32
    %sign3A_900 = arith.cmpi sgt, %jit3A_887, %sign3A_899 : i32
    %sign3A_901 = arith.extui %sign3A_900 : i1 to i32
    %sign3A_902 = arith.constant 0 : i32
    %sign3A_903 = arith.cmpi slt, %jit3A_887, %sign3A_902 : i32
    %sign3A_904 = arith.extui %sign3A_903 : i1 to i32
    %sign3A_905 = arith.subi %sign3A_901, %sign3A_904 : i32
    %ne3A_906 = vector.broadcast %sign3A_905 : i32 to vector<16xi32>
    %ne3A_907 = arith.cmpi ne, %sign3A_898, %ne3A_906 : vector<16xi32>
    %rem3A_908 = vector.broadcast %jit3A_887 : i32 to vector<16xi32>
    %rem3A_909 = arith.remsi %get3A_886, %rem3A_908 : vector<16xi32>
    %ne3A_910 = arith.constant 0 : i32
    %ne3A_911 = vector.broadcast %ne3A_910 : i32 to vector<16xi32>
    %ne3A_912 = arith.cmpi ne, %rem3A_909, %ne3A_911 : vector<16xi32>
    %and3A_913 = arith.andi %ne3A_907, %ne3A_912 : vector<16xi1>
    %sub3A_914 = arith.constant 1 : i32
    %sub3A_915 = vector.broadcast %sub3A_914 : i32 to vector<16xi32>
    %sub3A_916 = arith.subi %div3A_889, %sub3A_915 : vector<16xi32>
    %select_n3A_917 = arith.select %and3A_913, %sub3A_916, %div3A_889 : vector<16xi1>, vector<16xi32>
    %mul3A_918 = arith.constant 128 : i32
    %mul3A_919 = vector.broadcast %mul3A_918 : i32 to vector<16xi32>
    %mul3A_920 = arith.muli %select_n3A_917, %mul3A_919 : vector<16xi32>
    %eq3A_921 = arith.constant 14 : i32
    %eq3A_922 = vector.broadcast %eq3A_921 : i32 to vector<16xi32>
    %eq3A_923 = arith.cmpi eq, %iota3A, %eq3A_922 : vector<16xi32>
    %jit3A_924 = arith.constant 0 : i32
    %broadcast_in_dim3A_925 = vector.broadcast %jit3A_924 : i32 to vector<16xi32>
    %select_n3A_926 = arith.select %eq3A_923, %mul3A_920, %broadcast_in_dim3A_925 : vector<16xi1>, vector<16xi32>
    %reduce_max3A_927 = arith.constant true
    %reduce_max3A_928 = vector.broadcast %reduce_max3A_927 : i1 to vector<16xi1>
    %reduce_max3A_929 = arith.constant -2147483648 : i32
    %reduce_max3A_930 = vector.broadcast %reduce_max3A_929 : i32 to vector<16xi32>
    %reduce_max3A_931 = arith.xori %select_n3A_926, %reduce_max3A_930 : vector<16xi32>
    %reduce_max3A_932 = tpu.scan <max>, %reduce_max3A_931 masked %reduce_max3A_928 : vector<16xi32>, vector<16xi1> -> vector<16xi32>
    %reduce_max3A_933 = arith.xori %reduce_max3A_932, %reduce_max3A_930 : vector<16xi32>
    %reduce_max3A_934 = vector.extract %reduce_max3A_933[15] : i32 from vector<16xi32>
    %multiple_of3A_935 = tpu.assume_multiple %reduce_max3A_934, 128 : i32
    %dma_start3A_936 = arith.constant 14 : i32
    %dma_start3A_937 = arith.constant 0 : i32
    %dma_start3A_938 = arith.constant 0 : i32
    %dma_start3A_939 = tpu.memref_slice %arg6[%dma_start3A_936, %dma_start3A_937, %dma_start3A_938] : memref<16x32x128xf32, #tpu.memory_space<vmem>> -> memref<1x32x128xf32, #tpu.memory_space<vmem>>
    %dma_start3A_940 = tpu.memref_squeeze %dma_start3A_939 : memref<1x32x128xf32, #tpu.memory_space<vmem>> -> memref<32x128xf32, #tpu.memory_space<vmem>>
    %dma_start3A_941 = arith.constant 0 : i32
    %dma_start3A_942 = tpu.memref_slice %arg2[%dma_start3A_941, %multiple_of3A_935] : memref<32x1000000xf32, #tpu.memory_space<hbm>> -> memref<32x128xf32, #tpu.memory_space<hbm>>
    %dma_start3A_943 = arith.constant 0 : i32
    %dma_start3A_944 = arith.constant 0 : i32
    %dma_start3A_945 = tpu.memref_slice %arg6[%dma_start3A_936, %dma_start3A_943, %dma_start3A_944] : memref<16x32x128xf32, #tpu.memory_space<vmem>> -> memref<1x32x128xf32, #tpu.memory_space<vmem>>
    %dma_start3A_946 = tpu.memref_squeeze %dma_start3A_945 : memref<1x32x128xf32, #tpu.memory_space<vmem>> -> memref<32x128xf32, #tpu.memory_space<vmem>>
    %dma_start3A_947 = arith.constant 0 : i32
    %dma_start3A_948 = tpu.memref_slice %arg2[%dma_start3A_947, %multiple_of3A_935] : memref<32x1000000xf32, #tpu.memory_space<hbm>> -> memref<32x128xf32, #tpu.memory_space<hbm>>
    tpu.enqueue_dma source(%dma_start3A_948 : memref<32x128xf32, #tpu.memory_space<hbm>>) target(%dma_start3A_946 : memref<32x128xf32, #tpu.memory_space<vmem>>) target_semaphore(%arg22 : memref<!tpu.dma_semaphore, #tpu.memory_space<semaphore_mem>>)
    %get3A_949 = arith.constant 0 : index
    %get3A_950 = tpu.vector_load %arg5[%get3A_949] {strides = array<i32>} : memref<512xi32, #tpu.memory_space<vmem>>, vector<16xi32>,
    %jit3A_951 = arith.constant 128 : i32
    %div3A_952 = vector.broadcast %jit3A_951 : i32 to vector<16xi32>
    %div3A_953 = arith.divsi %get3A_950, %div3A_952 : vector<16xi32>
    %sign3A_954 = arith.constant 0 : i32
    %sign3A_955 = vector.broadcast %sign3A_954 : i32 to vector<16xi32>
    %sign3A_956 = arith.cmpi sgt, %get3A_950, %sign3A_955 : vector<16xi32>
    %sign3A_957 = arith.extui %sign3A_956 : vector<16xi1> to vector<16xi32>
    %sign3A_958 = arith.constant 0 : i32
    %sign3A_959 = vector.broadcast %sign3A_958 : i32 to vector<16xi32>
    %sign3A_960 = arith.cmpi slt, %get3A_950, %sign3A_959 : vector<16xi32>
    %sign3A_961 = arith.extui %sign3A_960 : vector<16xi1> to vector<16xi32>
    %sign3A_962 = arith.subi %sign3A_957, %sign3A_961 : vector<16xi32>
    %sign3A_963 = arith.constant 0 : i32
    %sign3A_964 = arith.cmpi sgt, %jit3A_951, %sign3A_963 : i32
    %sign3A_965 = arith.extui %sign3A_964 : i1 to i32
    %sign3A_966 = arith.constant 0 : i32
    %sign3A_967 = arith.cmpi slt, %jit3A_951, %sign3A_966 : i32
    %sign3A_968 = arith.extui %sign3A_967 : i1 to i32
    %sign3A_969 = arith.subi %sign3A_965, %sign3A_968 : i32
    %ne3A_970 = vector.broadcast %sign3A_969 : i32 to vector<16xi32>
    %ne3A_971 = arith.cmpi ne, %sign3A_962, %ne3A_970 : vector<16xi32>
    %rem3A_972 = vector.broadcast %jit3A_951 : i32 to vector<16xi32>
    %rem3A_973 = arith.remsi %get3A_950, %rem3A_972 : vector<16xi32>
    %ne3A_974 = arith.constant 0 : i32
    %ne3A_975 = vector.broadcast %ne3A_974 : i32 to vector<16xi32>
    %ne3A_976 = arith.cmpi ne, %rem3A_973, %ne3A_975 : vector<16xi32>
    %and3A_977 = arith.andi %ne3A_971, %ne3A_976 : vector<16xi1>
    %sub3A_978 = arith.constant 1 : i32
    %sub3A_979 = vector.broadcast %sub3A_978 : i32 to vector<16xi32>
    %sub3A_980 = arith.subi %div3A_953, %sub3A_979 : vector<16xi32>
    %select_n3A_981 = arith.select %and3A_977, %sub3A_980, %div3A_953 : vector<16xi1>, vector<16xi32>
    %mul3A_982 = arith.constant 128 : i32
    %mul3A_983 = vector.broadcast %mul3A_982 : i32 to vector<16xi32>
    %mul3A_984 = arith.muli %select_n3A_981, %mul3A_983 : vector<16xi32>
    %eq3A_985 = arith.constant 15 : i32
    %eq3A_986 = vector.broadcast %eq3A_985 : i32 to vector<16xi32>
    %eq3A_987 = arith.cmpi eq, %iota3A, %eq3A_986 : vector<16xi32>
    %jit3A_988 = arith.constant 0 : i32
    %broadcast_in_dim3A_989 = vector.broadcast %jit3A_988 : i32 to vector<16xi32>
    %select_n3A_990 = arith.select %eq3A_987, %mul3A_984, %broadcast_in_dim3A_989 : vector<16xi1>, vector<16xi32>
    %reduce_max3A_991 = arith.constant true
    %reduce_max3A_992 = vector.broadcast %reduce_max3A_991 : i1 to vector<16xi1>
    %reduce_max3A_993 = arith.constant -2147483648 : i32
    %reduce_max3A_994 = vector.broadcast %reduce_max3A_993 : i32 to vector<16xi32>
    %reduce_max3A_995 = arith.xori %select_n3A_990, %reduce_max3A_994 : vector<16xi32>
    %reduce_max3A_996 = tpu.scan <max>, %reduce_max3A_995 masked %reduce_max3A_992 : vector<16xi32>, vector<16xi1> -> vector<16xi32>
    %reduce_max3A_997 = arith.xori %reduce_max3A_996, %reduce_max3A_994 : vector<16xi32>
    %reduce_max3A_998 = vector.extract %reduce_max3A_997[15] : i32 from vector<16xi32>
    %multiple_of3A_999 = tpu.assume_multiple %reduce_max3A_998, 128 : i32
    %dma_start3A_1000 = arith.constant 15 : i32
    %dma_start3A_1001 = arith.constant 0 : i32
    %dma_start3A_1002 = arith.constant 0 : i32
    %dma_start3A_1003 = tpu.memref_slice %arg6[%dma_start3A_1000, %dma_start3A_1001, %dma_start3A_1002] : memref<16x32x128xf32, #tpu.memory_space<vmem>> -> memref<1x32x128xf32, #tpu.memory_space<vmem>>
    %dma_start3A_1004 = tpu.memref_squeeze %dma_start3A_1003 : memref<1x32x128xf32, #tpu.memory_space<vmem>> -> memref<32x128xf32, #tpu.memory_space<vmem>>
    %dma_start3A_1005 = arith.constant 0 : i32
    %dma_start3A_1006 = tpu.memref_slice %arg2[%dma_start3A_1005, %multiple_of3A_999] : memref<32x1000000xf32, #tpu.memory_space<hbm>> -> memref<32x128xf32, #tpu.memory_space<hbm>>
    %dma_start3A_1007 = arith.constant 0 : i32
    %dma_start3A_1008 = arith.constant 0 : i32
    %dma_start3A_1009 = tpu.memref_slice %arg6[%dma_start3A_1000, %dma_start3A_1007, %dma_start3A_1008] : memref<16x32x128xf32, #tpu.memory_space<vmem>> -> memref<1x32x128xf32, #tpu.memory_space<vmem>>
    %dma_start3A_1010 = tpu.memref_squeeze %dma_start3A_1009 : memref<1x32x128xf32, #tpu.memory_space<vmem>> -> memref<32x128xf32, #tpu.memory_space<vmem>>
    %dma_start3A_1011 = arith.constant 0 : i32
    %dma_start3A_1012 = tpu.memref_slice %arg2[%dma_start3A_1011, %multiple_of3A_999] : memref<32x1000000xf32, #tpu.memory_space<hbm>> -> memref<32x128xf32, #tpu.memory_space<hbm>>
    tpu.enqueue_dma source(%dma_start3A_1012 : memref<32x128xf32, #tpu.memory_space<hbm>>) target(%dma_start3A_1010 : memref<32x128xf32, #tpu.memory_space<vmem>>) target_semaphore(%arg23 : memref<!tpu.dma_semaphore, #tpu.memory_space<semaphore_mem>>)
    %scan3A = arith.constant 0 : i32
    %scan3A_1013 = arith.constant 1 : i32
    %scan3A_1014 = arith.constant 31 : i32
    %scan3A_1015 = arith.addi %scan3A_1013, %scan3A_1014 : i32
    %scan3A_1016 = arith.constant 1 : i32
    scf.for %scan3A_1896 = %scan3A_1013 to %scan3A_1015 step %scan3A_1016  : i32 {
      %dma_wait3A_1897 = arith.constant 0 : i32
      %dma_wait3A_1898 = arith.constant 0 : i32
      %dma_wait3A_1899 = arith.constant 0 : i32
      %dma_wait3A_1900 = tpu.memref_slice %arg6[%dma_wait3A_1897, %dma_wait3A_1898, %dma_wait3A_1899] : memref<16x32x128xf32, #tpu.memory_space<vmem>> -> memref<1x32x128xf32, #tpu.memory_space<vmem>>
      %dma_wait3A_1901 = tpu.memref_squeeze %dma_wait3A_1900 : memref<1x32x128xf32, #tpu.memory_space<vmem>> -> memref<32x128xf32, #tpu.memory_space<vmem>>
      %dma_wait3A_1902 = arith.constant 0 : i32
      %dma_wait3A_1903 = arith.constant 0 : i32
      %dma_wait3A_1904 = tpu.memref_slice %arg2[%dma_wait3A_1902, %dma_wait3A_1903] : memref<32x1000000xf32, #tpu.memory_space<hbm>> -> memref<32x128xf32, #tpu.memory_space<hbm>>
      %dma_wait3A_1905 = arith.constant 0 : i32
      %dma_wait3A_1906 = arith.constant 0 : i32
      %dma_wait3A_1907 = tpu.memref_slice %arg6[%dma_wait3A_1897, %dma_wait3A_1905, %dma_wait3A_1906] : memref<16x32x128xf32, #tpu.memory_space<vmem>> -> memref<1x32x128xf32, #tpu.memory_space<vmem>>
      %dma_wait3A_1908 = tpu.memref_squeeze %dma_wait3A_1907 : memref<1x32x128xf32, #tpu.memory_space<vmem>> -> memref<32x128xf32, #tpu.memory_space<vmem>>
      %dma_wait3A_1909 = arith.constant 0 : i32
      %dma_wait3A_1910 = arith.constant 0 : i32
      %dma_wait3A_1911 = tpu.memref_slice %arg2[%dma_wait3A_1909, %dma_wait3A_1910] : memref<32x1000000xf32, #tpu.memory_space<hbm>> -> memref<32x128xf32, #tpu.memory_space<hbm>>
      tpu.wait_dma2 semaphore(%arg8 : memref<!tpu.dma_semaphore, #tpu.memory_space<semaphore_mem>>) src(%dma_wait3A_1911 : memref<32x128xf32, #tpu.memory_space<hbm>>) dst(%dma_wait3A_1908 : memref<32x128xf32, #tpu.memory_space<vmem>>)
      %sub3A_1912 = arith.constant 1 : i32
      %sub3A_1913 = arith.subi %scan3A_1896, %sub3A_1912 : i32
      %mul3A_1914 = arith.constant 16 : i32
      %mul3A_1915 = arith.muli %sub3A_1913, %mul3A_1914 : i32
      %get3A_1916 = arith.index_cast %mul3A_1915 : i32 to index
      %get3A_1917 = tpu.vector_load %arg5[%get3A_1916] {strides = array<i32>} : memref<512xi32, #tpu.memory_space<vmem>>, vector<16xi32>,
      %rem3A_1918 = arith.constant 128 : i32
      %rem3A_1919 = vector.broadcast %rem3A_1918 : i32 to vector<16xi32>
      %rem3A_1920 = arith.remsi %get3A_1917, %rem3A_1919 : vector<16xi32>
      %eq3A_1921 = arith.constant 0 : i32
      %eq3A_1922 = vector.broadcast %eq3A_1921 : i32 to vector<16xi32>
      %eq3A_1923 = arith.cmpi eq, %iota3A, %eq3A_1922 : vector<16xi32>
      %jit3A_1924 = arith.constant 0 : i32
      %broadcast_in_dim3A_1925 = vector.broadcast %jit3A_1924 : i32 to vector<16xi32>
      %select_n3A_1926 = arith.select %eq3A_1923, %rem3A_1920, %broadcast_in_dim3A_1925 : vector<16xi1>, vector<16xi32>
      %reduce_max3A_1927 = arith.constant true
      %reduce_max3A_1928 = vector.broadcast %reduce_max3A_1927 : i1 to vector<16xi1>
      %reduce_max3A_1929 = arith.constant -2147483648 : i32
      %reduce_max3A_1930 = vector.broadcast %reduce_max3A_1929 : i32 to vector<16xi32>
      %reduce_max3A_1931 = arith.xori %select_n3A_1926, %reduce_max3A_1930 : vector<16xi32>
      %reduce_max3A_1932 = tpu.scan <max>, %reduce_max3A_1931 masked %reduce_max3A_1928 : vector<16xi32>, vector<16xi1> -> vector<16xi32>
      %reduce_max3A_1933 = arith.xori %reduce_max3A_1932, %reduce_max3A_1930 : vector<16xi32>
      %reduce_max3A_1934 = vector.extract %reduce_max3A_1933[15] : i32 from vector<16xi32>
      %broadcast_in_dim3A_1935 = vector.broadcast %reduce_max3A_1934 : i32 to vector<16xi32>
      %mul3A_1936 = arith.constant 16 : i32
      %mul3A_1937 = arith.muli %sub3A_1913, %mul3A_1936 : i32
      %add3A_1938 = arith.constant 0 : i32
      %add3A_1939 = arith.addi %mul3A_1937, %add3A_1938 : i32
      %broadcast_in_dim3A_1940 = vector.broadcast %add3A_1939 : i32 to vector<16xi32>
      %add3A_1941 = arith.constant 0 : i32
      %add3A_1942 = vector.broadcast %add3A_1941 : i32 to vector<16xi32>
      %add3A_1943 = arith.addi %iota3A, %add3A_1942 : vector<16xi32>
      %gather3A_1944 = arith.constant 0 : i32
      %gather3A_1945 = arith.constant 0 : i32
      %gather3A_1946 = arith.constant 0 : i32
      %gather3A_1947 = tpu.memref_slice %arg6[%gather3A_1944, %gather3A_1945, %gather3A_1946] : memref<16x32x128xf32, #tpu.memory_space<vmem>> -> memref<1x32x128xf32, #tpu.memory_space<vmem>>
      %gather3A_1948 = tpu.memref_squeeze %gather3A_1947 : memref<1x32x128xf32, #tpu.memory_space<vmem>> -> memref<32x128xf32, #tpu.memory_space<vmem>>
      %gather3A_1949 = tpu.vector_load_idx %gather3A_1948[%add3A_1943, %broadcast_in_dim3A_1935] : memref<32x128xf32, #tpu.memory_space<vmem>>[vector<16xi32>, vector<16xi32>], vector<16xf32>,
      tpu.vector_store_idx %arg7[%add3A_1943, %broadcast_in_dim3A_1940], %gather3A_1949 : memref<32x512xf32, #tpu.memory_space<vmem>>[vector<16xi32>, vector<16xi32>], vector<16xf32>,
      %add3A_1950 = arith.constant 16 : i32
      %add3A_1951 = vector.broadcast %add3A_1950 : i32 to vector<16xi32>
      %add3A_1952 = arith.addi %iota3A, %add3A_1951 : vector<16xi32>
      %gather3A_1953 = arith.constant 0 : i32
      %gather3A_1954 = arith.constant 0 : i32
      %gather3A_1955 = arith.constant 0 : i32
      %gather3A_1956 = tpu.memref_slice %arg6[%gather3A_1953, %gather3A_1954, %gather3A_1955] : memref<16x32x128xf32, #tpu.memory_space<vmem>> -> memref<1x32x128xf32, #tpu.memory_space<vmem>>
      %gather3A_1957 = tpu.memref_squeeze %gather3A_1956 : memref<1x32x128xf32, #tpu.memory_space<vmem>> -> memref<32x128xf32, #tpu.memory_space<vmem>>
      %gather3A_1958 = tpu.vector_load_idx %gather3A_1957[%add3A_1952, %broadcast_in_dim3A_1935] : memref<32x128xf32, #tpu.memory_space<vmem>>[vector<16xi32>, vector<16xi32>], vector<16xf32>,
      tpu.vector_store_idx %arg7[%add3A_1952, %broadcast_in_dim3A_1940], %gather3A_1958 : memref<32x512xf32, #tpu.memory_space<vmem>>[vector<16xi32>, vector<16xi32>], vector<16xf32>,
      %mul3A_1959 = arith.constant 16 : i32
      %mul3A_1960 = arith.muli %scan3A_1896, %mul3A_1959 : i32
      %get3A_1961 = arith.index_cast %mul3A_1960 : i32 to index
      %get3A_1962 = tpu.vector_load %arg5[%get3A_1961] {strides = array<i32>} : memref<512xi32, #tpu.memory_space<vmem>>, vector<16xi32>,
      %jit3A_1963 = arith.constant 128 : i32
      %div3A_1964 = vector.broadcast %jit3A_1963 : i32 to vector<16xi32>
      %div3A_1965 = arith.divsi %get3A_1962, %div3A_1964 : vector<16xi32>
      %sign3A_1966 = arith.constant 0 : i32
      %sign3A_1967 = vector.broadcast %sign3A_1966 : i32 to vector<16xi32>
      %sign3A_1968 = arith.cmpi sgt, %get3A_1962, %sign3A_1967 : vector<16xi32>
      %sign3A_1969 = arith.extui %sign3A_1968 : vector<16xi1> to vector<16xi32>
      %sign3A_1970 = arith.constant 0 : i32
      %sign3A_1971 = vector.broadcast %sign3A_1970 : i32 to vector<16xi32>
      %sign3A_1972 = arith.cmpi slt, %get3A_1962, %sign3A_1971 : vector<16xi32>
      %sign3A_1973 = arith.extui %sign3A_1972 : vector<16xi1> to vector<16xi32>
      %sign3A_1974 = arith.subi %sign3A_1969, %sign3A_1973 : vector<16xi32>
      %sign3A_1975 = arith.constant 0 : i32
      %sign3A_1976 = arith.cmpi sgt, %jit3A_1963, %sign3A_1975 : i32
      %sign3A_1977 = arith.extui %sign3A_1976 : i1 to i32
      %sign3A_1978 = arith.constant 0 : i32
      %sign3A_1979 = arith.cmpi slt, %jit3A_1963, %sign3A_1978 : i32
      %sign3A_1980 = arith.extui %sign3A_1979 : i1 to i32
      %sign3A_1981 = arith.subi %sign3A_1977, %sign3A_1980 : i32
      %ne3A_1982 = vector.broadcast %sign3A_1981 : i32 to vector<16xi32>
      %ne3A_1983 = arith.cmpi ne, %sign3A_1974, %ne3A_1982 : vector<16xi32>
      %rem3A_1984 = vector.broadcast %jit3A_1963 : i32 to vector<16xi32>
      %rem3A_1985 = arith.remsi %get3A_1962, %rem3A_1984 : vector<16xi32>
      %ne3A_1986 = arith.constant 0 : i32
      %ne3A_1987 = vector.broadcast %ne3A_1986 : i32 to vector<16xi32>
      %ne3A_1988 = arith.cmpi ne, %rem3A_1985, %ne3A_1987 : vector<16xi32>
      %and3A_1989 = arith.andi %ne3A_1983, %ne3A_1988 : vector<16xi1>
      %sub3A_1990 = arith.constant 1 : i32
      %sub3A_1991 = vector.broadcast %sub3A_1990 : i32 to vector<16xi32>
      %sub3A_1992 = arith.subi %div3A_1965, %sub3A_1991 : vector<16xi32>
      %select_n3A_1993 = arith.select %and3A_1989, %sub3A_1992, %div3A_1965 : vector<16xi1>, vector<16xi32>
      %mul3A_1994 = arith.constant 128 : i32
      %mul3A_1995 = vector.broadcast %mul3A_1994 : i32 to vector<16xi32>
      %mul3A_1996 = arith.muli %select_n3A_1993, %mul3A_1995 : vector<16xi32>
      %eq3A_1997 = arith.constant 0 : i32
      %eq3A_1998 = vector.broadcast %eq3A_1997 : i32 to vector<16xi32>
      %eq3A_1999 = arith.cmpi eq, %iota3A, %eq3A_1998 : vector<16xi32>
      %jit3A_2000 = arith.constant 0 : i32
      %broadcast_in_dim3A_2001 = vector.broadcast %jit3A_2000 : i32 to vector<16xi32>
      %select_n3A_2002 = arith.select %eq3A_1999, %mul3A_1996, %broadcast_in_dim3A_2001 : vector<16xi1>, vector<16xi32>
      %reduce_max3A_2003 = arith.constant true
      %reduce_max3A_2004 = vector.broadcast %reduce_max3A_2003 : i1 to vector<16xi1>
      %reduce_max3A_2005 = arith.constant -2147483648 : i32
      %reduce_max3A_2006 = vector.broadcast %reduce_max3A_2005 : i32 to vector<16xi32>
      %reduce_max3A_2007 = arith.xori %select_n3A_2002, %reduce_max3A_2006 : vector<16xi32>
      %reduce_max3A_2008 = tpu.scan <max>, %reduce_max3A_2007 masked %reduce_max3A_2004 : vector<16xi32>, vector<16xi1> -> vector<16xi32>
      %reduce_max3A_2009 = arith.xori %reduce_max3A_2008, %reduce_max3A_2006 : vector<16xi32>
      %reduce_max3A_2010 = vector.extract %reduce_max3A_2009[15] : i32 from vector<16xi32>
      %multiple_of3A_2011 = tpu.assume_multiple %reduce_max3A_2010, 128 : i32
      %dma_start3A_2012 = arith.constant 0 : i32
      %dma_start3A_2013 = arith.constant 0 : i32
      %dma_start3A_2014 = arith.constant 0 : i32
      %dma_start3A_2015 = tpu.memref_slice %arg6[%dma_start3A_2012, %dma_start3A_2013, %dma_start3A_2014] : memref<16x32x128xf32, #tpu.memory_space<vmem>> -> memref<1x32x128xf32, #tpu.memory_space<vmem>>
      %dma_start3A_2016 = tpu.memref_squeeze %dma_start3A_2015 : memref<1x32x128xf32, #tpu.memory_space<vmem>> -> memref<32x128xf32, #tpu.memory_space<vmem>>
      %dma_start3A_2017 = arith.constant 0 : i32
      %dma_start3A_2018 = tpu.memref_slice %arg2[%dma_start3A_2017, %multiple_of3A_2011] : memref<32x1000000xf32, #tpu.memory_space<hbm>> -> memref<32x128xf32, #tpu.memory_space<hbm>>
      %dma_start3A_2019 = arith.constant 0 : i32
      %dma_start3A_2020 = arith.constant 0 : i32
      %dma_start3A_2021 = tpu.memref_slice %arg6[%dma_start3A_2012, %dma_start3A_2019, %dma_start3A_2020] : memref<16x32x128xf32, #tpu.memory_space<vmem>> -> memref<1x32x128xf32, #tpu.memory_space<vmem>>
      %dma_start3A_2022 = tpu.memref_squeeze %dma_start3A_2021 : memref<1x32x128xf32, #tpu.memory_space<vmem>> -> memref<32x128xf32, #tpu.memory_space<vmem>>
      %dma_start3A_2023 = arith.constant 0 : i32
      %dma_start3A_2024 = tpu.memref_slice %arg2[%dma_start3A_2023, %multiple_of3A_2011] : memref<32x1000000xf32, #tpu.memory_space<hbm>> -> memref<32x128xf32, #tpu.memory_space<hbm>>
      tpu.enqueue_dma source(%dma_start3A_2024 : memref<32x128xf32, #tpu.memory_space<hbm>>) target(%dma_start3A_2022 : memref<32x128xf32, #tpu.memory_space<vmem>>) target_semaphore(%arg8 : memref<!tpu.dma_semaphore, #tpu.memory_space<semaphore_mem>>)
      %dma_wait3A_2025 = arith.constant 1 : i32
      %dma_wait3A_2026 = arith.constant 0 : i32
      %dma_wait3A_2027 = arith.constant 0 : i32
      %dma_wait3A_2028 = tpu.memref_slice %arg6[%dma_wait3A_2025, %dma_wait3A_2026, %dma_wait3A_2027] : memref<16x32x128xf32, #tpu.memory_space<vmem>> -> memref<1x32x128xf32, #tpu.memory_space<vmem>>
      %dma_wait3A_2029 = tpu.memref_squeeze %dma_wait3A_2028 : memref<1x32x128xf32, #tpu.memory_space<vmem>> -> memref<32x128xf32, #tpu.memory_space<vmem>>
      %dma_wait3A_2030 = arith.constant 0 : i32
      %dma_wait3A_2031 = arith.constant 0 : i32
      %dma_wait3A_2032 = tpu.memref_slice %arg2[%dma_wait3A_2030, %dma_wait3A_2031] : memref<32x1000000xf32, #tpu.memory_space<hbm>> -> memref<32x128xf32, #tpu.memory_space<hbm>>
      %dma_wait3A_2033 = arith.constant 0 : i32
      %dma_wait3A_2034 = arith.constant 0 : i32
      %dma_wait3A_2035 = tpu.memref_slice %arg6[%dma_wait3A_2025, %dma_wait3A_2033, %dma_wait3A_2034] : memref<16x32x128xf32, #tpu.memory_space<vmem>> -> memref<1x32x128xf32, #tpu.memory_space<vmem>>
      %dma_wait3A_2036 = tpu.memref_squeeze %dma_wait3A_2035 : memref<1x32x128xf32, #tpu.memory_space<vmem>> -> memref<32x128xf32, #tpu.memory_space<vmem>>
      %dma_wait3A_2037 = arith.constant 0 : i32
      %dma_wait3A_2038 = arith.constant 0 : i32
      %dma_wait3A_2039 = tpu.memref_slice %arg2[%dma_wait3A_2037, %dma_wait3A_2038] : memref<32x1000000xf32, #tpu.memory_space<hbm>> -> memref<32x128xf32, #tpu.memory_space<hbm>>
      tpu.wait_dma2 semaphore(%arg9 : memref<!tpu.dma_semaphore, #tpu.memory_space<semaphore_mem>>) src(%dma_wait3A_2039 : memref<32x128xf32, #tpu.memory_space<hbm>>) dst(%dma_wait3A_2036 : memref<32x128xf32, #tpu.memory_space<vmem>>)
      %sub3A_2040 = arith.constant 1 : i32
      %sub3A_2041 = arith.subi %scan3A_1896, %sub3A_2040 : i32
      %mul3A_2042 = arith.constant 16 : i32
      %mul3A_2043 = arith.muli %sub3A_2041, %mul3A_2042 : i32
      %get3A_2044 = arith.index_cast %mul3A_2043 : i32 to index
      %get3A_2045 = tpu.vector_load %arg5[%get3A_2044] {strides = array<i32>} : memref<512xi32, #tpu.memory_space<vmem>>, vector<16xi32>,
      %rem3A_2046 = arith.constant 128 : i32
      %rem3A_2047 = vector.broadcast %rem3A_2046 : i32 to vector<16xi32>
      %rem3A_2048 = arith.remsi %get3A_2045, %rem3A_2047 : vector<16xi32>
      %eq3A_2049 = arith.constant 1 : i32
      %eq3A_2050 = vector.broadcast %eq3A_2049 : i32 to vector<16xi32>
      %eq3A_2051 = arith.cmpi eq, %iota3A, %eq3A_2050 : vector<16xi32>
      %jit3A_2052 = arith.constant 0 : i32
      %broadcast_in_dim3A_2053 = vector.broadcast %jit3A_2052 : i32 to vector<16xi32>
      %select_n3A_2054 = arith.select %eq3A_2051, %rem3A_2048, %broadcast_in_dim3A_2053 : vector<16xi1>, vector<16xi32>
      %reduce_max3A_2055 = arith.constant true
      %reduce_max3A_2056 = vector.broadcast %reduce_max3A_2055 : i1 to vector<16xi1>
      %reduce_max3A_2057 = arith.constant -2147483648 : i32
      %reduce_max3A_2058 = vector.broadcast %reduce_max3A_2057 : i32 to vector<16xi32>
      %reduce_max3A_2059 = arith.xori %select_n3A_2054, %reduce_max3A_2058 : vector<16xi32>
      %reduce_max3A_2060 = tpu.scan <max>, %reduce_max3A_2059 masked %reduce_max3A_2056 : vector<16xi32>, vector<16xi1> -> vector<16xi32>
      %reduce_max3A_2061 = arith.xori %reduce_max3A_2060, %reduce_max3A_2058 : vector<16xi32>
      %reduce_max3A_2062 = vector.extract %reduce_max3A_2061[15] : i32 from vector<16xi32>
      %broadcast_in_dim3A_2063 = vector.broadcast %reduce_max3A_2062 : i32 to vector<16xi32>
      %mul3A_2064 = arith.constant 16 : i32
      %mul3A_2065 = arith.muli %sub3A_2041, %mul3A_2064 : i32
      %add3A_2066 = arith.constant 1 : i32
      %add3A_2067 = arith.addi %mul3A_2065, %add3A_2066 : i32
      %broadcast_in_dim3A_2068 = vector.broadcast %add3A_2067 : i32 to vector<16xi32>
      %add3A_2069 = arith.constant 0 : i32
      %add3A_2070 = vector.broadcast %add3A_2069 : i32 to vector<16xi32>
      %add3A_2071 = arith.addi %iota3A, %add3A_2070 : vector<16xi32>
      %gather3A_2072 = arith.constant 1 : i32
      %gather3A_2073 = arith.constant 0 : i32
      %gather3A_2074 = arith.constant 0 : i32
      %gather3A_2075 = tpu.memref_slice %arg6[%gather3A_2072, %gather3A_2073, %gather3A_2074] : memref<16x32x128xf32, #tpu.memory_space<vmem>> -> memref<1x32x128xf32, #tpu.memory_space<vmem>>
      %gather3A_2076 = tpu.memref_squeeze %gather3A_2075 : memref<1x32x128xf32, #tpu.memory_space<vmem>> -> memref<32x128xf32, #tpu.memory_space<vmem>>
      %gather3A_2077 = tpu.vector_load_idx %gather3A_2076[%add3A_2071, %broadcast_in_dim3A_2063] : memref<32x128xf32, #tpu.memory_space<vmem>>[vector<16xi32>, vector<16xi32>], vector<16xf32>,
      tpu.vector_store_idx %arg7[%add3A_2071, %broadcast_in_dim3A_2068], %gather3A_2077 : memref<32x512xf32, #tpu.memory_space<vmem>>[vector<16xi32>, vector<16xi32>], vector<16xf32>,
      %add3A_2078 = arith.constant 16 : i32
      %add3A_2079 = vector.broadcast %add3A_2078 : i32 to vector<16xi32>
      %add3A_2080 = arith.addi %iota3A, %add3A_2079 : vector<16xi32>
      %gather3A_2081 = arith.constant 1 : i32
      %gather3A_2082 = arith.constant 0 : i32
      %gather3A_2083 = arith.constant 0 : i32
      %gather3A_2084 = tpu.memref_slice %arg6[%gather3A_2081, %gather3A_2082, %gather3A_2083] : memref<16x32x128xf32, #tpu.memory_space<vmem>> -> memref<1x32x128xf32, #tpu.memory_space<vmem>>
      %gather3A_2085 = tpu.memref_squeeze %gather3A_2084 : memref<1x32x128xf32, #tpu.memory_space<vmem>> -> memref<32x128xf32, #tpu.memory_space<vmem>>
      %gather3A_2086 = tpu.vector_load_idx %gather3A_2085[%add3A_2080, %broadcast_in_dim3A_2063] : memref<32x128xf32, #tpu.memory_space<vmem>>[vector<16xi32>, vector<16xi32>], vector<16xf32>,
      tpu.vector_store_idx %arg7[%add3A_2080, %broadcast_in_dim3A_2068], %gather3A_2086 : memref<32x512xf32, #tpu.memory_space<vmem>>[vector<16xi32>, vector<16xi32>], vector<16xf32>,
      %mul3A_2087 = arith.constant 16 : i32
      %mul3A_2088 = arith.muli %scan3A_1896, %mul3A_2087 : i32
      %get3A_2089 = arith.index_cast %mul3A_2088 : i32 to index
      %get3A_2090 = tpu.vector_load %arg5[%get3A_2089] {strides = array<i32>} : memref<512xi32, #tpu.memory_space<vmem>>, vector<16xi32>,
      %jit3A_2091 = arith.constant 128 : i32
      %div3A_2092 = vector.broadcast %jit3A_2091 : i32 to vector<16xi32>
      %div3A_2093 = arith.divsi %get3A_2090, %div3A_2092 : vector<16xi32>
      %sign3A_2094 = arith.constant 0 : i32
      %sign3A_2095 = vector.broadcast %sign3A_2094 : i32 to vector<16xi32>
      %sign3A_2096 = arith.cmpi sgt, %get3A_2090, %sign3A_2095 : vector<16xi32>
      %sign3A_2097 = arith.extui %sign3A_2096 : vector<16xi1> to vector<16xi32>
      %sign3A_2098 = arith.constant 0 : i32
      %sign3A_2099 = vector.broadcast %sign3A_2098 : i32 to vector<16xi32>
      %sign3A_2100 = arith.cmpi slt, %get3A_2090, %sign3A_2099 : vector<16xi32>
      %sign3A_2101 = arith.extui %sign3A_2100 : vector<16xi1> to vector<16xi32>
      %sign3A_2102 = arith.subi %sign3A_2097, %sign3A_2101 : vector<16xi32>
      %sign3A_2103 = arith.constant 0 : i32
      %sign3A_2104 = arith.cmpi sgt, %jit3A_2091, %sign3A_2103 : i32
      %sign3A_2105 = arith.extui %sign3A_2104 : i1 to i32
      %sign3A_2106 = arith.constant 0 : i32
      %sign3A_2107 = arith.cmpi slt, %jit3A_2091, %sign3A_2106 : i32
      %sign3A_2108 = arith.extui %sign3A_2107 : i1 to i32
      %sign3A_2109 = arith.subi %sign3A_2105, %sign3A_2108 : i32
      %ne3A_2110 = vector.broadcast %sign3A_2109 : i32 to vector<16xi32>
      %ne3A_2111 = arith.cmpi ne, %sign3A_2102, %ne3A_2110 : vector<16xi32>
      %rem3A_2112 = vector.broadcast %jit3A_2091 : i32 to vector<16xi32>
      %rem3A_2113 = arith.remsi %get3A_2090, %rem3A_2112 : vector<16xi32>
      %ne3A_2114 = arith.constant 0 : i32
      %ne3A_2115 = vector.broadcast %ne3A_2114 : i32 to vector<16xi32>
      %ne3A_2116 = arith.cmpi ne, %rem3A_2113, %ne3A_2115 : vector<16xi32>
      %and3A_2117 = arith.andi %ne3A_2111, %ne3A_2116 : vector<16xi1>
      %sub3A_2118 = arith.constant 1 : i32
      %sub3A_2119 = vector.broadcast %sub3A_2118 : i32 to vector<16xi32>
      %sub3A_2120 = arith.subi %div3A_2093, %sub3A_2119 : vector<16xi32>
      %select_n3A_2121 = arith.select %and3A_2117, %sub3A_2120, %div3A_2093 : vector<16xi1>, vector<16xi32>
      %mul3A_2122 = arith.constant 128 : i32
      %mul3A_2123 = vector.broadcast %mul3A_2122 : i32 to vector<16xi32>
      %mul3A_2124 = arith.muli %select_n3A_2121, %mul3A_2123 : vector<16xi32>
      %eq3A_2125 = arith.constant 1 : i32
      %eq3A_2126 = vector.broadcast %eq3A_2125 : i32 to vector<16xi32>
      %eq3A_2127 = arith.cmpi eq, %iota3A, %eq3A_2126 : vector<16xi32>
      %jit3A_2128 = arith.constant 0 : i32
      %broadcast_in_dim3A_2129 = vector.broadcast %jit3A_2128 : i32 to vector<16xi32>
      %select_n3A_2130 = arith.select %eq3A_2127, %mul3A_2124, %broadcast_in_dim3A_2129 : vector<16xi1>, vector<16xi32>
      %reduce_max3A_2131 = arith.constant true
      %reduce_max3A_2132 = vector.broadcast %reduce_max3A_2131 : i1 to vector<16xi1>
      %reduce_max3A_2133 = arith.constant -2147483648 : i32
      %reduce_max3A_2134 = vector.broadcast %reduce_max3A_2133 : i32 to vector<16xi32>
      %reduce_max3A_2135 = arith.xori %select_n3A_2130, %reduce_max3A_2134 : vector<16xi32>
      %reduce_max3A_2136 = tpu.scan <max>, %reduce_max3A_2135 masked %reduce_max3A_2132 : vector<16xi32>, vector<16xi1> -> vector<16xi32>
      %reduce_max3A_2137 = arith.xori %reduce_max3A_2136, %reduce_max3A_2134 : vector<16xi32>
      %reduce_max3A_2138 = vector.extract %reduce_max3A_2137[15] : i32 from vector<16xi32>
      %multiple_of3A_2139 = tpu.assume_multiple %reduce_max3A_2138, 128 : i32
      %dma_start3A_2140 = arith.constant 1 : i32
      %dma_start3A_2141 = arith.constant 0 : i32
      %dma_start3A_2142 = arith.constant 0 : i32
      %dma_start3A_2143 = tpu.memref_slice %arg6[%dma_start3A_2140, %dma_start3A_2141, %dma_start3A_2142] : memref<16x32x128xf32, #tpu.memory_space<vmem>> -> memref<1x32x128xf32, #tpu.memory_space<vmem>>
      %dma_start3A_2144 = tpu.memref_squeeze %dma_start3A_2143 : memref<1x32x128xf32, #tpu.memory_space<vmem>> -> memref<32x128xf32, #tpu.memory_space<vmem>>
      %dma_start3A_2145 = arith.constant 0 : i32
      %dma_start3A_2146 = tpu.memref_slice %arg2[%dma_start3A_2145, %multiple_of3A_2139] : memref<32x1000000xf32, #tpu.memory_space<hbm>> -> memref<32x128xf32, #tpu.memory_space<hbm>>
      %dma_start3A_2147 = arith.constant 0 : i32
      %dma_start3A_2148 = arith.constant 0 : i32
      %dma_start3A_2149 = tpu.memref_slice %arg6[%dma_start3A_2140, %dma_start3A_2147, %dma_start3A_2148] : memref<16x32x128xf32, #tpu.memory_space<vmem>> -> memref<1x32x128xf32, #tpu.memory_space<vmem>>
      %dma_start3A_2150 = tpu.memref_squeeze %dma_start3A_2149 : memref<1x32x128xf32, #tpu.memory_space<vmem>> -> memref<32x128xf32, #tpu.memory_space<vmem>>
      %dma_start3A_2151 = arith.constant 0 : i32
      %dma_start3A_2152 = tpu.memref_slice %arg2[%dma_start3A_2151, %multiple_of3A_2139] : memref<32x1000000xf32, #tpu.memory_space<hbm>> -> memref<32x128xf32, #tpu.memory_space<hbm>>
      tpu.enqueue_dma source(%dma_start3A_2152 : memref<32x128xf32, #tpu.memory_space<hbm>>) target(%dma_start3A_2150 : memref<32x128xf32, #tpu.memory_space<vmem>>) target_semaphore(%arg9 : memref<!tpu.dma_semaphore, #tpu.memory_space<semaphore_mem>>)
      %dma_wait3A_2153 = arith.constant 2 : i32
      %dma_wait3A_2154 = arith.constant 0 : i32
      %dma_wait3A_2155 = arith.constant 0 : i32
      %dma_wait3A_2156 = tpu.memref_slice %arg6[%dma_wait3A_2153, %dma_wait3A_2154, %dma_wait3A_2155] : memref<16x32x128xf32, #tpu.memory_space<vmem>> -> memref<1x32x128xf32, #tpu.memory_space<vmem>>
      %dma_wait3A_2157 = tpu.memref_squeeze %dma_wait3A_2156 : memref<1x32x128xf32, #tpu.memory_space<vmem>> -> memref<32x128xf32, #tpu.memory_space<vmem>>
      %dma_wait3A_2158 = arith.constant 0 : i32
      %dma_wait3A_2159 = arith.constant 0 : i32
      %dma_wait3A_2160 = tpu.memref_slice %arg2[%dma_wait3A_2158, %dma_wait3A_2159] : memref<32x1000000xf32, #tpu.memory_space<hbm>> -> memref<32x128xf32, #tpu.memory_space<hbm>>
      %dma_wait3A_2161 = arith.constant 0 : i32
      %dma_wait3A_2162 = arith.constant 0 : i32
      %dma_wait3A_2163 = tpu.memref_slice %arg6[%dma_wait3A_2153, %dma_wait3A_2161, %dma_wait3A_2162] : memref<16x32x128xf32, #tpu.memory_space<vmem>> -> memref<1x32x128xf32, #tpu.memory_space<vmem>>
      %dma_wait3A_2164 = tpu.memref_squeeze %dma_wait3A_2163 : memref<1x32x128xf32, #tpu.memory_space<vmem>> -> memref<32x128xf32, #tpu.memory_space<vmem>>
      %dma_wait3A_2165 = arith.constant 0 : i32
      %dma_wait3A_2166 = arith.constant 0 : i32
      %dma_wait3A_2167 = tpu.memref_slice %arg2[%dma_wait3A_2165, %dma_wait3A_2166] : memref<32x1000000xf32, #tpu.memory_space<hbm>> -> memref<32x128xf32, #tpu.memory_space<hbm>>
      tpu.wait_dma2 semaphore(%arg10 : memref<!tpu.dma_semaphore, #tpu.memory_space<semaphore_mem>>) src(%dma_wait3A_2167 : memref<32x128xf32, #tpu.memory_space<hbm>>) dst(%dma_wait3A_2164 : memref<32x128xf32, #tpu.memory_space<vmem>>)
      %sub3A_2168 = arith.constant 1 : i32
      %sub3A_2169 = arith.subi %scan3A_1896, %sub3A_2168 : i32
      %mul3A_2170 = arith.constant 16 : i32
      %mul3A_2171 = arith.muli %sub3A_2169, %mul3A_2170 : i32
      %get3A_2172 = arith.index_cast %mul3A_2171 : i32 to index
      %get3A_2173 = tpu.vector_load %arg5[%get3A_2172] {strides = array<i32>} : memref<512xi32, #tpu.memory_space<vmem>>, vector<16xi32>,
      %rem3A_2174 = arith.constant 128 : i32
      %rem3A_2175 = vector.broadcast %rem3A_2174 : i32 to vector<16xi32>
      %rem3A_2176 = arith.remsi %get3A_2173, %rem3A_2175 : vector<16xi32>
      %eq3A_2177 = arith.constant 2 : i32
      %eq3A_2178 = vector.broadcast %eq3A_2177 : i32 to vector<16xi32>
      %eq3A_2179 = arith.cmpi eq, %iota3A, %eq3A_2178 : vector<16xi32>
      %jit3A_2180 = arith.constant 0 : i32
      %broadcast_in_dim3A_2181 = vector.broadcast %jit3A_2180 : i32 to vector<16xi32>
      %select_n3A_2182 = arith.select %eq3A_2179, %rem3A_2176, %broadcast_in_dim3A_2181 : vector<16xi1>, vector<16xi32>
      %reduce_max3A_2183 = arith.constant true
      %reduce_max3A_2184 = vector.broadcast %reduce_max3A_2183 : i1 to vector<16xi1>
      %reduce_max3A_2185 = arith.constant -2147483648 : i32
      %reduce_max3A_2186 = vector.broadcast %reduce_max3A_2185 : i32 to vector<16xi32>
      %reduce_max3A_2187 = arith.xori %select_n3A_2182, %reduce_max3A_2186 : vector<16xi32>
      %reduce_max3A_2188 = tpu.scan <max>, %reduce_max3A_2187 masked %reduce_max3A_2184 : vector<16xi32>, vector<16xi1> -> vector<16xi32>
      %reduce_max3A_2189 = arith.xori %reduce_max3A_2188, %reduce_max3A_2186 : vector<16xi32>
      %reduce_max3A_2190 = vector.extract %reduce_max3A_2189[15] : i32 from vector<16xi32>
      %broadcast_in_dim3A_2191 = vector.broadcast %reduce_max3A_2190 : i32 to vector<16xi32>
      %mul3A_2192 = arith.constant 16 : i32
      %mul3A_2193 = arith.muli %sub3A_2169, %mul3A_2192 : i32
      %add3A_2194 = arith.constant 2 : i32
      %add3A_2195 = arith.addi %mul3A_2193, %add3A_2194 : i32
      %broadcast_in_dim3A_2196 = vector.broadcast %add3A_2195 : i32 to vector<16xi32>
      %add3A_2197 = arith.constant 0 : i32
      %add3A_2198 = vector.broadcast %add3A_2197 : i32 to vector<16xi32>
      %add3A_2199 = arith.addi %iota3A, %add3A_2198 : vector<16xi32>
      %gather3A_2200 = arith.constant 2 : i32
      %gather3A_2201 = arith.constant 0 : i32
      %gather3A_2202 = arith.constant 0 : i32
      %gather3A_2203 = tpu.memref_slice %arg6[%gather3A_2200, %gather3A_2201, %gather3A_2202] : memref<16x32x128xf32, #tpu.memory_space<vmem>> -> memref<1x32x128xf32, #tpu.memory_space<vmem>>
      %gather3A_2204 = tpu.memref_squeeze %gather3A_2203 : memref<1x32x128xf32, #tpu.memory_space<vmem>> -> memref<32x128xf32, #tpu.memory_space<vmem>>
      %gather3A_2205 = tpu.vector_load_idx %gather3A_2204[%add3A_2199, %broadcast_in_dim3A_2191] : memref<32x128xf32, #tpu.memory_space<vmem>>[vector<16xi32>, vector<16xi32>], vector<16xf32>,
      tpu.vector_store_idx %arg7[%add3A_2199, %broadcast_in_dim3A_2196], %gather3A_2205 : memref<32x512xf32, #tpu.memory_space<vmem>>[vector<16xi32>, vector<16xi32>], vector<16xf32>,
      %add3A_2206 = arith.constant 16 : i32
      %add3A_2207 = vector.broadcast %add3A_2206 : i32 to vector<16xi32>
      %add3A_2208 = arith.addi %iota3A, %add3A_2207 : vector<16xi32>
      %gather3A_2209 = arith.constant 2 : i32
      %gather3A_2210 = arith.constant 0 : i32
      %gather3A_2211 = arith.constant 0 : i32
      %gather3A_2212 = tpu.memref_slice %arg6[%gather3A_2209, %gather3A_2210, %gather3A_2211] : memref<16x32x128xf32, #tpu.memory_space<vmem>> -> memref<1x32x128xf32, #tpu.memory_space<vmem>>
      %gather3A_2213 = tpu.memref_squeeze %gather3A_2212 : memref<1x32x128xf32, #tpu.memory_space<vmem>> -> memref<32x128xf32, #tpu.memory_space<vmem>>
      %gather3A_2214 = tpu.vector_load_idx %gather3A_2213[%add3A_2208, %broadcast_in_dim3A_2191] : memref<32x128xf32, #tpu.memory_space<vmem>>[vector<16xi32>, vector<16xi32>], vector<16xf32>,
      tpu.vector_store_idx %arg7[%add3A_2208, %broadcast_in_dim3A_2196], %gather3A_2214 : memref<32x512xf32, #tpu.memory_space<vmem>>[vector<16xi32>, vector<16xi32>], vector<16xf32>,
      %mul3A_2215 = arith.constant 16 : i32
      %mul3A_2216 = arith.muli %scan3A_1896, %mul3A_2215 : i32
      %get3A_2217 = arith.index_cast %mul3A_2216 : i32 to index
      %get3A_2218 = tpu.vector_load %arg5[%get3A_2217] {strides = array<i32>} : memref<512xi32, #tpu.memory_space<vmem>>, vector<16xi32>,
      %jit3A_2219 = arith.constant 128 : i32
      %div3A_2220 = vector.broadcast %jit3A_2219 : i32 to vector<16xi32>
      %div3A_2221 = arith.divsi %get3A_2218, %div3A_2220 : vector<16xi32>
      %sign3A_2222 = arith.constant 0 : i32
      %sign3A_2223 = vector.broadcast %sign3A_2222 : i32 to vector<16xi32>
      %sign3A_2224 = arith.cmpi sgt, %get3A_2218, %sign3A_2223 : vector<16xi32>
      %sign3A_2225 = arith.extui %sign3A_2224 : vector<16xi1> to vector<16xi32>
      %sign3A_2226 = arith.constant 0 : i32
      %sign3A_2227 = vector.broadcast %sign3A_2226 : i32 to vector<16xi32>
      %sign3A_2228 = arith.cmpi slt, %get3A_2218, %sign3A_2227 : vector<16xi32>
      %sign3A_2229 = arith.extui %sign3A_2228 : vector<16xi1> to vector<16xi32>
      %sign3A_2230 = arith.subi %sign3A_2225, %sign3A_2229 : vector<16xi32>
      %sign3A_2231 = arith.constant 0 : i32
      %sign3A_2232 = arith.cmpi sgt, %jit3A_2219, %sign3A_2231 : i32
      %sign3A_2233 = arith.extui %sign3A_2232 : i1 to i32
      %sign3A_2234 = arith.constant 0 : i32
      %sign3A_2235 = arith.cmpi slt, %jit3A_2219, %sign3A_2234 : i32
      %sign3A_2236 = arith.extui %sign3A_2235 : i1 to i32
      %sign3A_2237 = arith.subi %sign3A_2233, %sign3A_2236 : i32
      %ne3A_2238 = vector.broadcast %sign3A_2237 : i32 to vector<16xi32>
      %ne3A_2239 = arith.cmpi ne, %sign3A_2230, %ne3A_2238 : vector<16xi32>
      %rem3A_2240 = vector.broadcast %jit3A_2219 : i32 to vector<16xi32>
      %rem3A_2241 = arith.remsi %get3A_2218, %rem3A_2240 : vector<16xi32>
      %ne3A_2242 = arith.constant 0 : i32
      %ne3A_2243 = vector.broadcast %ne3A_2242 : i32 to vector<16xi32>
      %ne3A_2244 = arith.cmpi ne, %rem3A_2241, %ne3A_2243 : vector<16xi32>
      %and3A_2245 = arith.andi %ne3A_2239, %ne3A_2244 : vector<16xi1>
      %sub3A_2246 = arith.constant 1 : i32
      %sub3A_2247 = vector.broadcast %sub3A_2246 : i32 to vector<16xi32>
      %sub3A_2248 = arith.subi %div3A_2221, %sub3A_2247 : vector<16xi32>
      %select_n3A_2249 = arith.select %and3A_2245, %sub3A_2248, %div3A_2221 : vector<16xi1>, vector<16xi32>
      %mul3A_2250 = arith.constant 128 : i32
      %mul3A_2251 = vector.broadcast %mul3A_2250 : i32 to vector<16xi32>
      %mul3A_2252 = arith.muli %select_n3A_2249, %mul3A_2251 : vector<16xi32>
      %eq3A_2253 = arith.constant 2 : i32
      %eq3A_2254 = vector.broadcast %eq3A_2253 : i32 to vector<16xi32>
      %eq3A_2255 = arith.cmpi eq, %iota3A, %eq3A_2254 : vector<16xi32>
      %jit3A_2256 = arith.constant 0 : i32
      %broadcast_in_dim3A_2257 = vector.broadcast %jit3A_2256 : i32 to vector<16xi32>
      %select_n3A_2258 = arith.select %eq3A_2255, %mul3A_2252, %broadcast_in_dim3A_2257 : vector<16xi1>, vector<16xi32>
      %reduce_max3A_2259 = arith.constant true
      %reduce_max3A_2260 = vector.broadcast %reduce_max3A_2259 : i1 to vector<16xi1>
      %reduce_max3A_2261 = arith.constant -2147483648 : i32
      %reduce_max3A_2262 = vector.broadcast %reduce_max3A_2261 : i32 to vector<16xi32>
      %reduce_max3A_2263 = arith.xori %select_n3A_2258, %reduce_max3A_2262 : vector<16xi32>
      %reduce_max3A_2264 = tpu.scan <max>, %reduce_max3A_2263 masked %reduce_max3A_2260 : vector<16xi32>, vector<16xi1> -> vector<16xi32>
      %reduce_max3A_2265 = arith.xori %reduce_max3A_2264, %reduce_max3A_2262 : vector<16xi32>
      %reduce_max3A_2266 = vector.extract %reduce_max3A_2265[15] : i32 from vector<16xi32>
      %multiple_of3A_2267 = tpu.assume_multiple %reduce_max3A_2266, 128 : i32
      %dma_start3A_2268 = arith.constant 2 : i32
      %dma_start3A_2269 = arith.constant 0 : i32
      %dma_start3A_2270 = arith.constant 0 : i32
      %dma_start3A_2271 = tpu.memref_slice %arg6[%dma_start3A_2268, %dma_start3A_2269, %dma_start3A_2270] : memref<16x32x128xf32, #tpu.memory_space<vmem>> -> memref<1x32x128xf32, #tpu.memory_space<vmem>>
      %dma_start3A_2272 = tpu.memref_squeeze %dma_start3A_2271 : memref<1x32x128xf32, #tpu.memory_space<vmem>> -> memref<32x128xf32, #tpu.memory_space<vmem>>
      %dma_start3A_2273 = arith.constant 0 : i32
      %dma_start3A_2274 = tpu.memref_slice %arg2[%dma_start3A_2273, %multiple_of3A_2267] : memref<32x1000000xf32, #tpu.memory_space<hbm>> -> memref<32x128xf32, #tpu.memory_space<hbm>>
      %dma_start3A_2275 = arith.constant 0 : i32
      %dma_start3A_2276 = arith.constant 0 : i32
      %dma_start3A_2277 = tpu.memref_slice %arg6[%dma_start3A_2268, %dma_start3A_2275, %dma_start3A_2276] : memref<16x32x128xf32, #tpu.memory_space<vmem>> -> memref<1x32x128xf32, #tpu.memory_space<vmem>>
      %dma_start3A_2278 = tpu.memref_squeeze %dma_start3A_2277 : memref<1x32x128xf32, #tpu.memory_space<vmem>> -> memref<32x128xf32, #tpu.memory_space<vmem>>
      %dma_start3A_2279 = arith.constant 0 : i32
      %dma_start3A_2280 = tpu.memref_slice %arg2[%dma_start3A_2279, %multiple_of3A_2267] : memref<32x1000000xf32, #tpu.memory_space<hbm>> -> memref<32x128xf32, #tpu.memory_space<hbm>>
      tpu.enqueue_dma source(%dma_start3A_2280 : memref<32x128xf32, #tpu.memory_space<hbm>>) target(%dma_start3A_2278 : memref<32x128xf32, #tpu.memory_space<vmem>>) target_semaphore(%arg10 : memref<!tpu.dma_semaphore, #tpu.memory_space<semaphore_mem>>)
      %dma_wait3A_2281 = arith.constant 3 : i32
      %dma_wait3A_2282 = arith.constant 0 : i32
      %dma_wait3A_2283 = arith.constant 0 : i32
      %dma_wait3A_2284 = tpu.memref_slice %arg6[%dma_wait3A_2281, %dma_wait3A_2282, %dma_wait3A_2283] : memref<16x32x128xf32, #tpu.memory_space<vmem>> -> memref<1x32x128xf32, #tpu.memory_space<vmem>>
      %dma_wait3A_2285 = tpu.memref_squeeze %dma_wait3A_2284 : memref<1x32x128xf32, #tpu.memory_space<vmem>> -> memref<32x128xf32, #tpu.memory_space<vmem>>
      %dma_wait3A_2286 = arith.constant 0 : i32
      %dma_wait3A_2287 = arith.constant 0 : i32
      %dma_wait3A_2288 = tpu.memref_slice %arg2[%dma_wait3A_2286, %dma_wait3A_2287] : memref<32x1000000xf32, #tpu.memory_space<hbm>> -> memref<32x128xf32, #tpu.memory_space<hbm>>
      %dma_wait3A_2289 = arith.constant 0 : i32
      %dma_wait3A_2290 = arith.constant 0 : i32
      %dma_wait3A_2291 = tpu.memref_slice %arg6[%dma_wait3A_2281, %dma_wait3A_2289, %dma_wait3A_2290] : memref<16x32x128xf32, #tpu.memory_space<vmem>> -> memref<1x32x128xf32, #tpu.memory_space<vmem>>
      %dma_wait3A_2292 = tpu.memref_squeeze %dma_wait3A_2291 : memref<1x32x128xf32, #tpu.memory_space<vmem>> -> memref<32x128xf32, #tpu.memory_space<vmem>>
      %dma_wait3A_2293 = arith.constant 0 : i32
      %dma_wait3A_2294 = arith.constant 0 : i32
      %dma_wait3A_2295 = tpu.memref_slice %arg2[%dma_wait3A_2293, %dma_wait3A_2294] : memref<32x1000000xf32, #tpu.memory_space<hbm>> -> memref<32x128xf32, #tpu.memory_space<hbm>>
      tpu.wait_dma2 semaphore(%arg11 : memref<!tpu.dma_semaphore, #tpu.memory_space<semaphore_mem>>) src(%dma_wait3A_2295 : memref<32x128xf32, #tpu.memory_space<hbm>>) dst(%dma_wait3A_2292 : memref<32x128xf32, #tpu.memory_space<vmem>>)
      %sub3A_2296 = arith.constant 1 : i32
      %sub3A_2297 = arith.subi %scan3A_1896, %sub3A_2296 : i32
      %mul3A_2298 = arith.constant 16 : i32
      %mul3A_2299 = arith.muli %sub3A_2297, %mul3A_2298 : i32
      %get3A_2300 = arith.index_cast %mul3A_2299 : i32 to index
      %get3A_2301 = tpu.vector_load %arg5[%get3A_2300] {strides = array<i32>} : memref<512xi32, #tpu.memory_space<vmem>>, vector<16xi32>,
      %rem3A_2302 = arith.constant 128 : i32
      %rem3A_2303 = vector.broadcast %rem3A_2302 : i32 to vector<16xi32>
      %rem3A_2304 = arith.remsi %get3A_2301, %rem3A_2303 : vector<16xi32>
      %eq3A_2305 = arith.constant 3 : i32
      %eq3A_2306 = vector.broadcast %eq3A_2305 : i32 to vector<16xi32>
      %eq3A_2307 = arith.cmpi eq, %iota3A, %eq3A_2306 : vector<16xi32>
      %jit3A_2308 = arith.constant 0 : i32
      %broadcast_in_dim3A_2309 = vector.broadcast %jit3A_2308 : i32 to vector<16xi32>
      %select_n3A_2310 = arith.select %eq3A_2307, %rem3A_2304, %broadcast_in_dim3A_2309 : vector<16xi1>, vector<16xi32>
      %reduce_max3A_2311 = arith.constant true
      %reduce_max3A_2312 = vector.broadcast %reduce_max3A_2311 : i1 to vector<16xi1>
      %reduce_max3A_2313 = arith.constant -2147483648 : i32
      %reduce_max3A_2314 = vector.broadcast %reduce_max3A_2313 : i32 to vector<16xi32>
      %reduce_max3A_2315 = arith.xori %select_n3A_2310, %reduce_max3A_2314 : vector<16xi32>
      %reduce_max3A_2316 = tpu.scan <max>, %reduce_max3A_2315 masked %reduce_max3A_2312 : vector<16xi32>, vector<16xi1> -> vector<16xi32>
      %reduce_max3A_2317 = arith.xori %reduce_max3A_2316, %reduce_max3A_2314 : vector<16xi32>
      %reduce_max3A_2318 = vector.extract %reduce_max3A_2317[15] : i32 from vector<16xi32>
      %broadcast_in_dim3A_2319 = vector.broadcast %reduce_max3A_2318 : i32 to vector<16xi32>
      %mul3A_2320 = arith.constant 16 : i32
      %mul3A_2321 = arith.muli %sub3A_2297, %mul3A_2320 : i32
      %add3A_2322 = arith.constant 3 : i32
      %add3A_2323 = arith.addi %mul3A_2321, %add3A_2322 : i32
      %broadcast_in_dim3A_2324 = vector.broadcast %add3A_2323 : i32 to vector<16xi32>
      %add3A_2325 = arith.constant 0 : i32
      %add3A_2326 = vector.broadcast %add3A_2325 : i32 to vector<16xi32>
      %add3A_2327 = arith.addi %iota3A, %add3A_2326 : vector<16xi32>
      %gather3A_2328 = arith.constant 3 : i32
      %gather3A_2329 = arith.constant 0 : i32
      %gather3A_2330 = arith.constant 0 : i32
      %gather3A_2331 = tpu.memref_slice %arg6[%gather3A_2328, %gather3A_2329, %gather3A_2330] : memref<16x32x128xf32, #tpu.memory_space<vmem>> -> memref<1x32x128xf32, #tpu.memory_space<vmem>>
      %gather3A_2332 = tpu.memref_squeeze %gather3A_2331 : memref<1x32x128xf32, #tpu.memory_space<vmem>> -> memref<32x128xf32, #tpu.memory_space<vmem>>
      %gather3A_2333 = tpu.vector_load_idx %gather3A_2332[%add3A_2327, %broadcast_in_dim3A_2319] : memref<32x128xf32, #tpu.memory_space<vmem>>[vector<16xi32>, vector<16xi32>], vector<16xf32>,
      tpu.vector_store_idx %arg7[%add3A_2327, %broadcast_in_dim3A_2324], %gather3A_2333 : memref<32x512xf32, #tpu.memory_space<vmem>>[vector<16xi32>, vector<16xi32>], vector<16xf32>,
      %add3A_2334 = arith.constant 16 : i32
      %add3A_2335 = vector.broadcast %add3A_2334 : i32 to vector<16xi32>
      %add3A_2336 = arith.addi %iota3A, %add3A_2335 : vector<16xi32>
      %gather3A_2337 = arith.constant 3 : i32
      %gather3A_2338 = arith.constant 0 : i32
      %gather3A_2339 = arith.constant 0 : i32
      %gather3A_2340 = tpu.memref_slice %arg6[%gather3A_2337, %gather3A_2338, %gather3A_2339] : memref<16x32x128xf32, #tpu.memory_space<vmem>> -> memref<1x32x128xf32, #tpu.memory_space<vmem>>
      %gather3A_2341 = tpu.memref_squeeze %gather3A_2340 : memref<1x32x128xf32, #tpu.memory_space<vmem>> -> memref<32x128xf32, #tpu.memory_space<vmem>>
      %gather3A_2342 = tpu.vector_load_idx %gather3A_2341[%add3A_2336, %broadcast_in_dim3A_2319] : memref<32x128xf32, #tpu.memory_space<vmem>>[vector<16xi32>, vector<16xi32>], vector<16xf32>,
      tpu.vector_store_idx %arg7[%add3A_2336, %broadcast_in_dim3A_2324], %gather3A_2342 : memref<32x512xf32, #tpu.memory_space<vmem>>[vector<16xi32>, vector<16xi32>], vector<16xf32>,
      %mul3A_2343 = arith.constant 16 : i32
      %mul3A_2344 = arith.muli %scan3A_1896, %mul3A_2343 : i32
      %get3A_2345 = arith.index_cast %mul3A_2344 : i32 to index
      %get3A_2346 = tpu.vector_load %arg5[%get3A_2345] {strides = array<i32>} : memref<512xi32, #tpu.memory_space<vmem>>, vector<16xi32>,
      %jit3A_2347 = arith.constant 128 : i32
      %div3A_2348 = vector.broadcast %jit3A_2347 : i32 to vector<16xi32>
      %div3A_2349 = arith.divsi %get3A_2346, %div3A_2348 : vector<16xi32>
      %sign3A_2350 = arith.constant 0 : i32
      %sign3A_2351 = vector.broadcast %sign3A_2350 : i32 to vector<16xi32>
      %sign3A_2352 = arith.cmpi sgt, %get3A_2346, %sign3A_2351 : vector<16xi32>
      %sign3A_2353 = arith.extui %sign3A_2352 : vector<16xi1> to vector<16xi32>
      %sign3A_2354 = arith.constant 0 : i32
      %sign3A_2355 = vector.broadcast %sign3A_2354 : i32 to vector<16xi32>
      %sign3A_2356 = arith.cmpi slt, %get3A_2346, %sign3A_2355 : vector<16xi32>
      %sign3A_2357 = arith.extui %sign3A_2356 : vector<16xi1> to vector<16xi32>
      %sign3A_2358 = arith.subi %sign3A_2353, %sign3A_2357 : vector<16xi32>
      %sign3A_2359 = arith.constant 0 : i32
      %sign3A_2360 = arith.cmpi sgt, %jit3A_2347, %sign3A_2359 : i32
      %sign3A_2361 = arith.extui %sign3A_2360 : i1 to i32
      %sign3A_2362 = arith.constant 0 : i32
      %sign3A_2363 = arith.cmpi slt, %jit3A_2347, %sign3A_2362 : i32
      %sign3A_2364 = arith.extui %sign3A_2363 : i1 to i32
      %sign3A_2365 = arith.subi %sign3A_2361, %sign3A_2364 : i32
      %ne3A_2366 = vector.broadcast %sign3A_2365 : i32 to vector<16xi32>
      %ne3A_2367 = arith.cmpi ne, %sign3A_2358, %ne3A_2366 : vector<16xi32>
      %rem3A_2368 = vector.broadcast %jit3A_2347 : i32 to vector<16xi32>
      %rem3A_2369 = arith.remsi %get3A_2346, %rem3A_2368 : vector<16xi32>
      %ne3A_2370 = arith.constant 0 : i32
      %ne3A_2371 = vector.broadcast %ne3A_2370 : i32 to vector<16xi32>
      %ne3A_2372 = arith.cmpi ne, %rem3A_2369, %ne3A_2371 : vector<16xi32>
      %and3A_2373 = arith.andi %ne3A_2367, %ne3A_2372 : vector<16xi1>
      %sub3A_2374 = arith.constant 1 : i32
      %sub3A_2375 = vector.broadcast %sub3A_2374 : i32 to vector<16xi32>
      %sub3A_2376 = arith.subi %div3A_2349, %sub3A_2375 : vector<16xi32>
      %select_n3A_2377 = arith.select %and3A_2373, %sub3A_2376, %div3A_2349 : vector<16xi1>, vector<16xi32>
      %mul3A_2378 = arith.constant 128 : i32
      %mul3A_2379 = vector.broadcast %mul3A_2378 : i32 to vector<16xi32>
      %mul3A_2380 = arith.muli %select_n3A_2377, %mul3A_2379 : vector<16xi32>
      %eq3A_2381 = arith.constant 3 : i32
      %eq3A_2382 = vector.broadcast %eq3A_2381 : i32 to vector<16xi32>
      %eq3A_2383 = arith.cmpi eq, %iota3A, %eq3A_2382 : vector<16xi32>
      %jit3A_2384 = arith.constant 0 : i32
      %broadcast_in_dim3A_2385 = vector.broadcast %jit3A_2384 : i32 to vector<16xi32>
      %select_n3A_2386 = arith.select %eq3A_2383, %mul3A_2380, %broadcast_in_dim3A_2385 : vector<16xi1>, vector<16xi32>
      %reduce_max3A_2387 = arith.constant true
      %reduce_max3A_2388 = vector.broadcast %reduce_max3A_2387 : i1 to vector<16xi1>
      %reduce_max3A_2389 = arith.constant -2147483648 : i32
      %reduce_max3A_2390 = vector.broadcast %reduce_max3A_2389 : i32 to vector<16xi32>
      %reduce_max3A_2391 = arith.xori %select_n3A_2386, %reduce_max3A_2390 : vector<16xi32>
      %reduce_max3A_2392 = tpu.scan <max>, %reduce_max3A_2391 masked %reduce_max3A_2388 : vector<16xi32>, vector<16xi1> -> vector<16xi32>
      %reduce_max3A_2393 = arith.xori %reduce_max3A_2392, %reduce_max3A_2390 : vector<16xi32>
      %reduce_max3A_2394 = vector.extract %reduce_max3A_2393[15] : i32 from vector<16xi32>
      %multiple_of3A_2395 = tpu.assume_multiple %reduce_max3A_2394, 128 : i32
      %dma_start3A_2396 = arith.constant 3 : i32
      %dma_start3A_2397 = arith.constant 0 : i32
      %dma_start3A_2398 = arith.constant 0 : i32
      %dma_start3A_2399 = tpu.memref_slice %arg6[%dma_start3A_2396, %dma_start3A_2397, %dma_start3A_2398] : memref<16x32x128xf32, #tpu.memory_space<vmem>> -> memref<1x32x128xf32, #tpu.memory_space<vmem>>
      %dma_start3A_2400 = tpu.memref_squeeze %dma_start3A_2399 : memref<1x32x128xf32, #tpu.memory_space<vmem>> -> memref<32x128xf32, #tpu.memory_space<vmem>>
      %dma_start3A_2401 = arith.constant 0 : i32
      %dma_start3A_2402 = tpu.memref_slice %arg2[%dma_start3A_2401, %multiple_of3A_2395] : memref<32x1000000xf32, #tpu.memory_space<hbm>> -> memref<32x128xf32, #tpu.memory_space<hbm>>
      %dma_start3A_2403 = arith.constant 0 : i32
      %dma_start3A_2404 = arith.constant 0 : i32
      %dma_start3A_2405 = tpu.memref_slice %arg6[%dma_start3A_2396, %dma_start3A_2403, %dma_start3A_2404] : memref<16x32x128xf32, #tpu.memory_space<vmem>> -> memref<1x32x128xf32, #tpu.memory_space<vmem>>
      %dma_start3A_2406 = tpu.memref_squeeze %dma_start3A_2405 : memref<1x32x128xf32, #tpu.memory_space<vmem>> -> memref<32x128xf32, #tpu.memory_space<vmem>>
      %dma_start3A_2407 = arith.constant 0 : i32
      %dma_start3A_2408 = tpu.memref_slice %arg2[%dma_start3A_2407, %multiple_of3A_2395] : memref<32x1000000xf32, #tpu.memory_space<hbm>> -> memref<32x128xf32, #tpu.memory_space<hbm>>
      tpu.enqueue_dma source(%dma_start3A_2408 : memref<32x128xf32, #tpu.memory_space<hbm>>) target(%dma_start3A_2406 : memref<32x128xf32, #tpu.memory_space<vmem>>) target_semaphore(%arg11 : memref<!tpu.dma_semaphore, #tpu.memory_space<semaphore_mem>>)
      %dma_wait3A_2409 = arith.constant 4 : i32
      %dma_wait3A_2410 = arith.constant 0 : i32
      %dma_wait3A_2411 = arith.constant 0 : i32
      %dma_wait3A_2412 = tpu.memref_slice %arg6[%dma_wait3A_2409, %dma_wait3A_2410, %dma_wait3A_2411] : memref<16x32x128xf32, #tpu.memory_space<vmem>> -> memref<1x32x128xf32, #tpu.memory_space<vmem>>
      %dma_wait3A_2413 = tpu.memref_squeeze %dma_wait3A_2412 : memref<1x32x128xf32, #tpu.memory_space<vmem>> -> memref<32x128xf32, #tpu.memory_space<vmem>>
      %dma_wait3A_2414 = arith.constant 0 : i32
      %dma_wait3A_2415 = arith.constant 0 : i32
      %dma_wait3A_2416 = tpu.memref_slice %arg2[%dma_wait3A_2414, %dma_wait3A_2415] : memref<32x1000000xf32, #tpu.memory_space<hbm>> -> memref<32x128xf32, #tpu.memory_space<hbm>>
      %dma_wait3A_2417 = arith.constant 0 : i32
      %dma_wait3A_2418 = arith.constant 0 : i32
      %dma_wait3A_2419 = tpu.memref_slice %arg6[%dma_wait3A_2409, %dma_wait3A_2417, %dma_wait3A_2418] : memref<16x32x128xf32, #tpu.memory_space<vmem>> -> memref<1x32x128xf32, #tpu.memory_space<vmem>>
      %dma_wait3A_2420 = tpu.memref_squeeze %dma_wait3A_2419 : memref<1x32x128xf32, #tpu.memory_space<vmem>> -> memref<32x128xf32, #tpu.memory_space<vmem>>
      %dma_wait3A_2421 = arith.constant 0 : i32
      %dma_wait3A_2422 = arith.constant 0 : i32
      %dma_wait3A_2423 = tpu.memref_slice %arg2[%dma_wait3A_2421, %dma_wait3A_2422] : memref<32x1000000xf32, #tpu.memory_space<hbm>> -> memref<32x128xf32, #tpu.memory_space<hbm>>
      tpu.wait_dma2 semaphore(%arg12 : memref<!tpu.dma_semaphore, #tpu.memory_space<semaphore_mem>>) src(%dma_wait3A_2423 : memref<32x128xf32, #tpu.memory_space<hbm>>) dst(%dma_wait3A_2420 : memref<32x128xf32, #tpu.memory_space<vmem>>)
      %sub3A_2424 = arith.constant 1 : i32
      %sub3A_2425 = arith.subi %scan3A_1896, %sub3A_2424 : i32
      %mul3A_2426 = arith.constant 16 : i32
      %mul3A_2427 = arith.muli %sub3A_2425, %mul3A_2426 : i32
      %get3A_2428 = arith.index_cast %mul3A_2427 : i32 to index
      %get3A_2429 = tpu.vector_load %arg5[%get3A_2428] {strides = array<i32>} : memref<512xi32, #tpu.memory_space<vmem>>, vector<16xi32>,
      %rem3A_2430 = arith.constant 128 : i32
      %rem3A_2431 = vector.broadcast %rem3A_2430 : i32 to vector<16xi32>
      %rem3A_2432 = arith.remsi %get3A_2429, %rem3A_2431 : vector<16xi32>
      %eq3A_2433 = arith.constant 4 : i32
      %eq3A_2434 = vector.broadcast %eq3A_2433 : i32 to vector<16xi32>
      %eq3A_2435 = arith.cmpi eq, %iota3A, %eq3A_2434 : vector<16xi32>
      %jit3A_2436 = arith.constant 0 : i32
      %broadcast_in_dim3A_2437 = vector.broadcast %jit3A_2436 : i32 to vector<16xi32>
      %select_n3A_2438 = arith.select %eq3A_2435, %rem3A_2432, %broadcast_in_dim3A_2437 : vector<16xi1>, vector<16xi32>
      %reduce_max3A_2439 = arith.constant true
      %reduce_max3A_2440 = vector.broadcast %reduce_max3A_2439 : i1 to vector<16xi1>
      %reduce_max3A_2441 = arith.constant -2147483648 : i32
      %reduce_max3A_2442 = vector.broadcast %reduce_max3A_2441 : i32 to vector<16xi32>
      %reduce_max3A_2443 = arith.xori %select_n3A_2438, %reduce_max3A_2442 : vector<16xi32>
      %reduce_max3A_2444 = tpu.scan <max>, %reduce_max3A_2443 masked %reduce_max3A_2440 : vector<16xi32>, vector<16xi1> -> vector<16xi32>
      %reduce_max3A_2445 = arith.xori %reduce_max3A_2444, %reduce_max3A_2442 : vector<16xi32>
      %reduce_max3A_2446 = vector.extract %reduce_max3A_2445[15] : i32 from vector<16xi32>
      %broadcast_in_dim3A_2447 = vector.broadcast %reduce_max3A_2446 : i32 to vector<16xi32>
      %mul3A_2448 = arith.constant 16 : i32
      %mul3A_2449 = arith.muli %sub3A_2425, %mul3A_2448 : i32
      %add3A_2450 = arith.constant 4 : i32
      %add3A_2451 = arith.addi %mul3A_2449, %add3A_2450 : i32
      %broadcast_in_dim3A_2452 = vector.broadcast %add3A_2451 : i32 to vector<16xi32>
      %add3A_2453 = arith.constant 0 : i32
      %add3A_2454 = vector.broadcast %add3A_2453 : i32 to vector<16xi32>
      %add3A_2455 = arith.addi %iota3A, %add3A_2454 : vector<16xi32>
      %gather3A_2456 = arith.constant 4 : i32
      %gather3A_2457 = arith.constant 0 : i32
      %gather3A_2458 = arith.constant 0 : i32
      %gather3A_2459 = tpu.memref_slice %arg6[%gather3A_2456, %gather3A_2457, %gather3A_2458] : memref<16x32x128xf32, #tpu.memory_space<vmem>> -> memref<1x32x128xf32, #tpu.memory_space<vmem>>
      %gather3A_2460 = tpu.memref_squeeze %gather3A_2459 : memref<1x32x128xf32, #tpu.memory_space<vmem>> -> memref<32x128xf32, #tpu.memory_space<vmem>>
      %gather3A_2461 = tpu.vector_load_idx %gather3A_2460[%add3A_2455, %broadcast_in_dim3A_2447] : memref<32x128xf32, #tpu.memory_space<vmem>>[vector<16xi32>, vector<16xi32>], vector<16xf32>,
      tpu.vector_store_idx %arg7[%add3A_2455, %broadcast_in_dim3A_2452], %gather3A_2461 : memref<32x512xf32, #tpu.memory_space<vmem>>[vector<16xi32>, vector<16xi32>], vector<16xf32>,
      %add3A_2462 = arith.constant 16 : i32
      %add3A_2463 = vector.broadcast %add3A_2462 : i32 to vector<16xi32>
      %add3A_2464 = arith.addi %iota3A, %add3A_2463 : vector<16xi32>
      %gather3A_2465 = arith.constant 4 : i32
      %gather3A_2466 = arith.constant 0 : i32
      %gather3A_2467 = arith.constant 0 : i32
      %gather3A_2468 = tpu.memref_slice %arg6[%gather3A_2465, %gather3A_2466, %gather3A_2467] : memref<16x32x128xf32, #tpu.memory_space<vmem>> -> memref<1x32x128xf32, #tpu.memory_space<vmem>>
      %gather3A_2469 = tpu.memref_squeeze %gather3A_2468 : memref<1x32x128xf32, #tpu.memory_space<vmem>> -> memref<32x128xf32, #tpu.memory_space<vmem>>
      %gather3A_2470 = tpu.vector_load_idx %gather3A_2469[%add3A_2464, %broadcast_in_dim3A_2447] : memref<32x128xf32, #tpu.memory_space<vmem>>[vector<16xi32>, vector<16xi32>], vector<16xf32>,
      tpu.vector_store_idx %arg7[%add3A_2464, %broadcast_in_dim3A_2452], %gather3A_2470 : memref<32x512xf32, #tpu.memory_space<vmem>>[vector<16xi32>, vector<16xi32>], vector<16xf32>,
      %mul3A_2471 = arith.constant 16 : i32
      %mul3A_2472 = arith.muli %scan3A_1896, %mul3A_2471 : i32
      %get3A_2473 = arith.index_cast %mul3A_2472 : i32 to index
      %get3A_2474 = tpu.vector_load %arg5[%get3A_2473] {strides = array<i32>} : memref<512xi32, #tpu.memory_space<vmem>>, vector<16xi32>,
      %jit3A_2475 = arith.constant 128 : i32
      %div3A_2476 = vector.broadcast %jit3A_2475 : i32 to vector<16xi32>
      %div3A_2477 = arith.divsi %get3A_2474, %div3A_2476 : vector<16xi32>
      %sign3A_2478 = arith.constant 0 : i32
      %sign3A_2479 = vector.broadcast %sign3A_2478 : i32 to vector<16xi32>
      %sign3A_2480 = arith.cmpi sgt, %get3A_2474, %sign3A_2479 : vector<16xi32>
      %sign3A_2481 = arith.extui %sign3A_2480 : vector<16xi1> to vector<16xi32>
      %sign3A_2482 = arith.constant 0 : i32
      %sign3A_2483 = vector.broadcast %sign3A_2482 : i32 to vector<16xi32>
      %sign3A_2484 = arith.cmpi slt, %get3A_2474, %sign3A_2483 : vector<16xi32>
      %sign3A_2485 = arith.extui %sign3A_2484 : vector<16xi1> to vector<16xi32>
      %sign3A_2486 = arith.subi %sign3A_2481, %sign3A_2485 : vector<16xi32>
      %sign3A_2487 = arith.constant 0 : i32
      %sign3A_2488 = arith.cmpi sgt, %jit3A_2475, %sign3A_2487 : i32
      %sign3A_2489 = arith.extui %sign3A_2488 : i1 to i32
      %sign3A_2490 = arith.constant 0 : i32
      %sign3A_2491 = arith.cmpi slt, %jit3A_2475, %sign3A_2490 : i32
      %sign3A_2492 = arith.extui %sign3A_2491 : i1 to i32
      %sign3A_2493 = arith.subi %sign3A_2489, %sign3A_2492 : i32
      %ne3A_2494 = vector.broadcast %sign3A_2493 : i32 to vector<16xi32>
      %ne3A_2495 = arith.cmpi ne, %sign3A_2486, %ne3A_2494 : vector<16xi32>
      %rem3A_2496 = vector.broadcast %jit3A_2475 : i32 to vector<16xi32>
      %rem3A_2497 = arith.remsi %get3A_2474, %rem3A_2496 : vector<16xi32>
      %ne3A_2498 = arith.constant 0 : i32
      %ne3A_2499 = vector.broadcast %ne3A_2498 : i32 to vector<16xi32>
      %ne3A_2500 = arith.cmpi ne, %rem3A_2497, %ne3A_2499 : vector<16xi32>
      %and3A_2501 = arith.andi %ne3A_2495, %ne3A_2500 : vector<16xi1>
      %sub3A_2502 = arith.constant 1 : i32
      %sub3A_2503 = vector.broadcast %sub3A_2502 : i32 to vector<16xi32>
      %sub3A_2504 = arith.subi %div3A_2477, %sub3A_2503 : vector<16xi32>
      %select_n3A_2505 = arith.select %and3A_2501, %sub3A_2504, %div3A_2477 : vector<16xi1>, vector<16xi32>
      %mul3A_2506 = arith.constant 128 : i32
      %mul3A_2507 = vector.broadcast %mul3A_2506 : i32 to vector<16xi32>
      %mul3A_2508 = arith.muli %select_n3A_2505, %mul3A_2507 : vector<16xi32>
      %eq3A_2509 = arith.constant 4 : i32
      %eq3A_2510 = vector.broadcast %eq3A_2509 : i32 to vector<16xi32>
      %eq3A_2511 = arith.cmpi eq, %iota3A, %eq3A_2510 : vector<16xi32>
      %jit3A_2512 = arith.constant 0 : i32
      %broadcast_in_dim3A_2513 = vector.broadcast %jit3A_2512 : i32 to vector<16xi32>
      %select_n3A_2514 = arith.select %eq3A_2511, %mul3A_2508, %broadcast_in_dim3A_2513 : vector<16xi1>, vector<16xi32>
      %reduce_max3A_2515 = arith.constant true
      %reduce_max3A_2516 = vector.broadcast %reduce_max3A_2515 : i1 to vector<16xi1>
      %reduce_max3A_2517 = arith.constant -2147483648 : i32
      %reduce_max3A_2518 = vector.broadcast %reduce_max3A_2517 : i32 to vector<16xi32>
      %reduce_max3A_2519 = arith.xori %select_n3A_2514, %reduce_max3A_2518 : vector<16xi32>
      %reduce_max3A_2520 = tpu.scan <max>, %reduce_max3A_2519 masked %reduce_max3A_2516 : vector<16xi32>, vector<16xi1> -> vector<16xi32>
      %reduce_max3A_2521 = arith.xori %reduce_max3A_2520, %reduce_max3A_2518 : vector<16xi32>
      %reduce_max3A_2522 = vector.extract %reduce_max3A_2521[15] : i32 from vector<16xi32>
      %multiple_of3A_2523 = tpu.assume_multiple %reduce_max3A_2522, 128 : i32
      %dma_start3A_2524 = arith.constant 4 : i32
      %dma_start3A_2525 = arith.constant 0 : i32
      %dma_start3A_2526 = arith.constant 0 : i32
      %dma_start3A_2527 = tpu.memref_slice %arg6[%dma_start3A_2524, %dma_start3A_2525, %dma_start3A_2526] : memref<16x32x128xf32, #tpu.memory_space<vmem>> -> memref<1x32x128xf32, #tpu.memory_space<vmem>>
      %dma_start3A_2528 = tpu.memref_squeeze %dma_start3A_2527 : memref<1x32x128xf32, #tpu.memory_space<vmem>> -> memref<32x128xf32, #tpu.memory_space<vmem>>
      %dma_start3A_2529 = arith.constant 0 : i32
      %dma_start3A_2530 = tpu.memref_slice %arg2[%dma_start3A_2529, %multiple_of3A_2523] : memref<32x1000000xf32, #tpu.memory_space<hbm>> -> memref<32x128xf32, #tpu.memory_space<hbm>>
      %dma_start3A_2531 = arith.constant 0 : i32
      %dma_start3A_2532 = arith.constant 0 : i32
      %dma_start3A_2533 = tpu.memref_slice %arg6[%dma_start3A_2524, %dma_start3A_2531, %dma_start3A_2532] : memref<16x32x128xf32, #tpu.memory_space<vmem>> -> memref<1x32x128xf32, #tpu.memory_space<vmem>>
      %dma_start3A_2534 = tpu.memref_squeeze %dma_start3A_2533 : memref<1x32x128xf32, #tpu.memory_space<vmem>> -> memref<32x128xf32, #tpu.memory_space<vmem>>
      %dma_start3A_2535 = arith.constant 0 : i32
      %dma_start3A_2536 = tpu.memref_slice %arg2[%dma_start3A_2535, %multiple_of3A_2523] : memref<32x1000000xf32, #tpu.memory_space<hbm>> -> memref<32x128xf32, #tpu.memory_space<hbm>>
      tpu.enqueue_dma source(%dma_start3A_2536 : memref<32x128xf32, #tpu.memory_space<hbm>>) target(%dma_start3A_2534 : memref<32x128xf32, #tpu.memory_space<vmem>>) target_semaphore(%arg12 : memref<!tpu.dma_semaphore, #tpu.memory_space<semaphore_mem>>)
      %dma_wait3A_2537 = arith.constant 5 : i32
      %dma_wait3A_2538 = arith.constant 0 : i32
      %dma_wait3A_2539 = arith.constant 0 : i32
      %dma_wait3A_2540 = tpu.memref_slice %arg6[%dma_wait3A_2537, %dma_wait3A_2538, %dma_wait3A_2539] : memref<16x32x128xf32, #tpu.memory_space<vmem>> -> memref<1x32x128xf32, #tpu.memory_space<vmem>>
      %dma_wait3A_2541 = tpu.memref_squeeze %dma_wait3A_2540 : memref<1x32x128xf32, #tpu.memory_space<vmem>> -> memref<32x128xf32, #tpu.memory_space<vmem>>
      %dma_wait3A_2542 = arith.constant 0 : i32
      %dma_wait3A_2543 = arith.constant 0 : i32
      %dma_wait3A_2544 = tpu.memref_slice %arg2[%dma_wait3A_2542, %dma_wait3A_2543] : memref<32x1000000xf32, #tpu.memory_space<hbm>> -> memref<32x128xf32, #tpu.memory_space<hbm>>
      %dma_wait3A_2545 = arith.constant 0 : i32
      %dma_wait3A_2546 = arith.constant 0 : i32
      %dma_wait3A_2547 = tpu.memref_slice %arg6[%dma_wait3A_2537, %dma_wait3A_2545, %dma_wait3A_2546] : memref<16x32x128xf32, #tpu.memory_space<vmem>> -> memref<1x32x128xf32, #tpu.memory_space<vmem>>
      %dma_wait3A_2548 = tpu.memref_squeeze %dma_wait3A_2547 : memref<1x32x128xf32, #tpu.memory_space<vmem>> -> memref<32x128xf32, #tpu.memory_space<vmem>>
      %dma_wait3A_2549 = arith.constant 0 : i32
      %dma_wait3A_2550 = arith.constant 0 : i32
      %dma_wait3A_2551 = tpu.memref_slice %arg2[%dma_wait3A_2549, %dma_wait3A_2550] : memref<32x1000000xf32, #tpu.memory_space<hbm>> -> memref<32x128xf32, #tpu.memory_space<hbm>>
      tpu.wait_dma2 semaphore(%arg13 : memref<!tpu.dma_semaphore, #tpu.memory_space<semaphore_mem>>) src(%dma_wait3A_2551 : memref<32x128xf32, #tpu.memory_space<hbm>>) dst(%dma_wait3A_2548 : memref<32x128xf32, #tpu.memory_space<vmem>>)
      %sub3A_2552 = arith.constant 1 : i32
      %sub3A_2553 = arith.subi %scan3A_1896, %sub3A_2552 : i32
      %mul3A_2554 = arith.constant 16 : i32
      %mul3A_2555 = arith.muli %sub3A_2553, %mul3A_2554 : i32
      %get3A_2556 = arith.index_cast %mul3A_2555 : i32 to index
      %get3A_2557 = tpu.vector_load %arg5[%get3A_2556] {strides = array<i32>} : memref<512xi32, #tpu.memory_space<vmem>>, vector<16xi32>,
      %rem3A_2558 = arith.constant 128 : i32
      %rem3A_2559 = vector.broadcast %rem3A_2558 : i32 to vector<16xi32>
      %rem3A_2560 = arith.remsi %get3A_2557, %rem3A_2559 : vector<16xi32>
      %eq3A_2561 = arith.constant 5 : i32
      %eq3A_2562 = vector.broadcast %eq3A_2561 : i32 to vector<16xi32>
      %eq3A_2563 = arith.cmpi eq, %iota3A, %eq3A_2562 : vector<16xi32>
      %jit3A_2564 = arith.constant 0 : i32
      %broadcast_in_dim3A_2565 = vector.broadcast %jit3A_2564 : i32 to vector<16xi32>
      %select_n3A_2566 = arith.select %eq3A_2563, %rem3A_2560, %broadcast_in_dim3A_2565 : vector<16xi1>, vector<16xi32>
      %reduce_max3A_2567 = arith.constant true
      %reduce_max3A_2568 = vector.broadcast %reduce_max3A_2567 : i1 to vector<16xi1>
      %reduce_max3A_2569 = arith.constant -2147483648 : i32
      %reduce_max3A_2570 = vector.broadcast %reduce_max3A_2569 : i32 to vector<16xi32>
      %reduce_max3A_2571 = arith.xori %select_n3A_2566, %reduce_max3A_2570 : vector<16xi32>
      %reduce_max3A_2572 = tpu.scan <max>, %reduce_max3A_2571 masked %reduce_max3A_2568 : vector<16xi32>, vector<16xi1> -> vector<16xi32>
      %reduce_max3A_2573 = arith.xori %reduce_max3A_2572, %reduce_max3A_2570 : vector<16xi32>
      %reduce_max3A_2574 = vector.extract %reduce_max3A_2573[15] : i32 from vector<16xi32>
      %broadcast_in_dim3A_2575 = vector.broadcast %reduce_max3A_2574 : i32 to vector<16xi32>
      %mul3A_2576 = arith.constant 16 : i32
      %mul3A_2577 = arith.muli %sub3A_2553, %mul3A_2576 : i32
      %add3A_2578 = arith.constant 5 : i32
      %add3A_2579 = arith.addi %mul3A_2577, %add3A_2578 : i32
      %broadcast_in_dim3A_2580 = vector.broadcast %add3A_2579 : i32 to vector<16xi32>
      %add3A_2581 = arith.constant 0 : i32
      %add3A_2582 = vector.broadcast %add3A_2581 : i32 to vector<16xi32>
      %add3A_2583 = arith.addi %iota3A, %add3A_2582 : vector<16xi32>
      %gather3A_2584 = arith.constant 5 : i32
      %gather3A_2585 = arith.constant 0 : i32
      %gather3A_2586 = arith.constant 0 : i32
      %gather3A_2587 = tpu.memref_slice %arg6[%gather3A_2584, %gather3A_2585, %gather3A_2586] : memref<16x32x128xf32, #tpu.memory_space<vmem>> -> memref<1x32x128xf32, #tpu.memory_space<vmem>>
      %gather3A_2588 = tpu.memref_squeeze %gather3A_2587 : memref<1x32x128xf32, #tpu.memory_space<vmem>> -> memref<32x128xf32, #tpu.memory_space<vmem>>
      %gather3A_2589 = tpu.vector_load_idx %gather3A_2588[%add3A_2583, %broadcast_in_dim3A_2575] : memref<32x128xf32, #tpu.memory_space<vmem>>[vector<16xi32>, vector<16xi32>], vector<16xf32>,
      tpu.vector_store_idx %arg7[%add3A_2583, %broadcast_in_dim3A_2580], %gather3A_2589 : memref<32x512xf32, #tpu.memory_space<vmem>>[vector<16xi32>, vector<16xi32>], vector<16xf32>,
      %add3A_2590 = arith.constant 16 : i32
      %add3A_2591 = vector.broadcast %add3A_2590 : i32 to vector<16xi32>
      %add3A_2592 = arith.addi %iota3A, %add3A_2591 : vector<16xi32>
      %gather3A_2593 = arith.constant 5 : i32
      %gather3A_2594 = arith.constant 0 : i32
      %gather3A_2595 = arith.constant 0 : i32
      %gather3A_2596 = tpu.memref_slice %arg6[%gather3A_2593, %gather3A_2594, %gather3A_2595] : memref<16x32x128xf32, #tpu.memory_space<vmem>> -> memref<1x32x128xf32, #tpu.memory_space<vmem>>
      %gather3A_2597 = tpu.memref_squeeze %gather3A_2596 : memref<1x32x128xf32, #tpu.memory_space<vmem>> -> memref<32x128xf32, #tpu.memory_space<vmem>>
      %gather3A_2598 = tpu.vector_load_idx %gather3A_2597[%add3A_2592, %broadcast_in_dim3A_2575] : memref<32x128xf32, #tpu.memory_space<vmem>>[vector<16xi32>, vector<16xi32>], vector<16xf32>,
      tpu.vector_store_idx %arg7[%add3A_2592, %broadcast_in_dim3A_2580], %gather3A_2598 : memref<32x512xf32, #tpu.memory_space<vmem>>[vector<16xi32>, vector<16xi32>], vector<16xf32>,
      %mul3A_2599 = arith.constant 16 : i32
      %mul3A_2600 = arith.muli %scan3A_1896, %mul3A_2599 : i32
      %get3A_2601 = arith.index_cast %mul3A_2600 : i32 to index
      %get3A_2602 = tpu.vector_load %arg5[%get3A_2601] {strides = array<i32>} : memref<512xi32, #tpu.memory_space<vmem>>, vector<16xi32>,
      %jit3A_2603 = arith.constant 128 : i32
      %div3A_2604 = vector.broadcast %jit3A_2603 : i32 to vector<16xi32>
      %div3A_2605 = arith.divsi %get3A_2602, %div3A_2604 : vector<16xi32>
      %sign3A_2606 = arith.constant 0 : i32
      %sign3A_2607 = vector.broadcast %sign3A_2606 : i32 to vector<16xi32>
      %sign3A_2608 = arith.cmpi sgt, %get3A_2602, %sign3A_2607 : vector<16xi32>
      %sign3A_2609 = arith.extui %sign3A_2608 : vector<16xi1> to vector<16xi32>
      %sign3A_2610 = arith.constant 0 : i32
      %sign3A_2611 = vector.broadcast %sign3A_2610 : i32 to vector<16xi32>
      %sign3A_2612 = arith.cmpi slt, %get3A_2602, %sign3A_2611 : vector<16xi32>
      %sign3A_2613 = arith.extui %sign3A_2612 : vector<16xi1> to vector<16xi32>
      %sign3A_2614 = arith.subi %sign3A_2609, %sign3A_2613 : vector<16xi32>
      %sign3A_2615 = arith.constant 0 : i32
      %sign3A_2616 = arith.cmpi sgt, %jit3A_2603, %sign3A_2615 : i32
      %sign3A_2617 = arith.extui %sign3A_2616 : i1 to i32
      %sign3A_2618 = arith.constant 0 : i32
      %sign3A_2619 = arith.cmpi slt, %jit3A_2603, %sign3A_2618 : i32
      %sign3A_2620 = arith.extui %sign3A_2619 : i1 to i32
      %sign3A_2621 = arith.subi %sign3A_2617, %sign3A_2620 : i32
      %ne3A_2622 = vector.broadcast %sign3A_2621 : i32 to vector<16xi32>
      %ne3A_2623 = arith.cmpi ne, %sign3A_2614, %ne3A_2622 : vector<16xi32>
      %rem3A_2624 = vector.broadcast %jit3A_2603 : i32 to vector<16xi32>
      %rem3A_2625 = arith.remsi %get3A_2602, %rem3A_2624 : vector<16xi32>
      %ne3A_2626 = arith.constant 0 : i32
      %ne3A_2627 = vector.broadcast %ne3A_2626 : i32 to vector<16xi32>
      %ne3A_2628 = arith.cmpi ne, %rem3A_2625, %ne3A_2627 : vector<16xi32>
      %and3A_2629 = arith.andi %ne3A_2623, %ne3A_2628 : vector<16xi1>
      %sub3A_2630 = arith.constant 1 : i32
      %sub3A_2631 = vector.broadcast %sub3A_2630 : i32 to vector<16xi32>
      %sub3A_2632 = arith.subi %div3A_2605, %sub3A_2631 : vector<16xi32>
      %select_n3A_2633 = arith.select %and3A_2629, %sub3A_2632, %div3A_2605 : vector<16xi1>, vector<16xi32>
      %mul3A_2634 = arith.constant 128 : i32
      %mul3A_2635 = vector.broadcast %mul3A_2634 : i32 to vector<16xi32>
      %mul3A_2636 = arith.muli %select_n3A_2633, %mul3A_2635 : vector<16xi32>
      %eq3A_2637 = arith.constant 5 : i32
      %eq3A_2638 = vector.broadcast %eq3A_2637 : i32 to vector<16xi32>
      %eq3A_2639 = arith.cmpi eq, %iota3A, %eq3A_2638 : vector<16xi32>
      %jit3A_2640 = arith.constant 0 : i32
      %broadcast_in_dim3A_2641 = vector.broadcast %jit3A_2640 : i32 to vector<16xi32>
      %select_n3A_2642 = arith.select %eq3A_2639, %mul3A_2636, %broadcast_in_dim3A_2641 : vector<16xi1>, vector<16xi32>
      %reduce_max3A_2643 = arith.constant true
      %reduce_max3A_2644 = vector.broadcast %reduce_max3A_2643 : i1 to vector<16xi1>
      %reduce_max3A_2645 = arith.constant -2147483648 : i32
      %reduce_max3A_2646 = vector.broadcast %reduce_max3A_2645 : i32 to vector<16xi32>
      %reduce_max3A_2647 = arith.xori %select_n3A_2642, %reduce_max3A_2646 : vector<16xi32>
      %reduce_max3A_2648 = tpu.scan <max>, %reduce_max3A_2647 masked %reduce_max3A_2644 : vector<16xi32>, vector<16xi1> -> vector<16xi32>
      %reduce_max3A_2649 = arith.xori %reduce_max3A_2648, %reduce_max3A_2646 : vector<16xi32>
      %reduce_max3A_2650 = vector.extract %reduce_max3A_2649[15] : i32 from vector<16xi32>
      %multiple_of3A_2651 = tpu.assume_multiple %reduce_max3A_2650, 128 : i32
      %dma_start3A_2652 = arith.constant 5 : i32
      %dma_start3A_2653 = arith.constant 0 : i32
      %dma_start3A_2654 = arith.constant 0 : i32
      %dma_start3A_2655 = tpu.memref_slice %arg6[%dma_start3A_2652, %dma_start3A_2653, %dma_start3A_2654] : memref<16x32x128xf32, #tpu.memory_space<vmem>> -> memref<1x32x128xf32, #tpu.memory_space<vmem>>
      %dma_start3A_2656 = tpu.memref_squeeze %dma_start3A_2655 : memref<1x32x128xf32, #tpu.memory_space<vmem>> -> memref<32x128xf32, #tpu.memory_space<vmem>>
      %dma_start3A_2657 = arith.constant 0 : i32
      %dma_start3A_2658 = tpu.memref_slice %arg2[%dma_start3A_2657, %multiple_of3A_2651] : memref<32x1000000xf32, #tpu.memory_space<hbm>> -> memref<32x128xf32, #tpu.memory_space<hbm>>
      %dma_start3A_2659 = arith.constant 0 : i32
      %dma_start3A_2660 = arith.constant 0 : i32
      %dma_start3A_2661 = tpu.memref_slice %arg6[%dma_start3A_2652, %dma_start3A_2659, %dma_start3A_2660] : memref<16x32x128xf32, #tpu.memory_space<vmem>> -> memref<1x32x128xf32, #tpu.memory_space<vmem>>
      %dma_start3A_2662 = tpu.memref_squeeze %dma_start3A_2661 : memref<1x32x128xf32, #tpu.memory_space<vmem>> -> memref<32x128xf32, #tpu.memory_space<vmem>>
      %dma_start3A_2663 = arith.constant 0 : i32
      %dma_start3A_2664 = tpu.memref_slice %arg2[%dma_start3A_2663, %multiple_of3A_2651] : memref<32x1000000xf32, #tpu.memory_space<hbm>> -> memref<32x128xf32, #tpu.memory_space<hbm>>
      tpu.enqueue_dma source(%dma_start3A_2664 : memref<32x128xf32, #tpu.memory_space<hbm>>) target(%dma_start3A_2662 : memref<32x128xf32, #tpu.memory_space<vmem>>) target_semaphore(%arg13 : memref<!tpu.dma_semaphore, #tpu.memory_space<semaphore_mem>>)
      %dma_wait3A_2665 = arith.constant 6 : i32
      %dma_wait3A_2666 = arith.constant 0 : i32
      %dma_wait3A_2667 = arith.constant 0 : i32
      %dma_wait3A_2668 = tpu.memref_slice %arg6[%dma_wait3A_2665, %dma_wait3A_2666, %dma_wait3A_2667] : memref<16x32x128xf32, #tpu.memory_space<vmem>> -> memref<1x32x128xf32, #tpu.memory_space<vmem>>
      %dma_wait3A_2669 = tpu.memref_squeeze %dma_wait3A_2668 : memref<1x32x128xf32, #tpu.memory_space<vmem>> -> memref<32x128xf32, #tpu.memory_space<vmem>>
      %dma_wait3A_2670 = arith.constant 0 : i32
      %dma_wait3A_2671 = arith.constant 0 : i32
      %dma_wait3A_2672 = tpu.memref_slice %arg2[%dma_wait3A_2670, %dma_wait3A_2671] : memref<32x1000000xf32, #tpu.memory_space<hbm>> -> memref<32x128xf32, #tpu.memory_space<hbm>>
      %dma_wait3A_2673 = arith.constant 0 : i32
      %dma_wait3A_2674 = arith.constant 0 : i32
      %dma_wait3A_2675 = tpu.memref_slice %arg6[%dma_wait3A_2665, %dma_wait3A_2673, %dma_wait3A_2674] : memref<16x32x128xf32, #tpu.memory_space<vmem>> -> memref<1x32x128xf32, #tpu.memory_space<vmem>>
      %dma_wait3A_2676 = tpu.memref_squeeze %dma_wait3A_2675 : memref<1x32x128xf32, #tpu.memory_space<vmem>> -> memref<32x128xf32, #tpu.memory_space<vmem>>
      %dma_wait3A_2677 = arith.constant 0 : i32
      %dma_wait3A_2678 = arith.constant 0 : i32
      %dma_wait3A_2679 = tpu.memref_slice %arg2[%dma_wait3A_2677, %dma_wait3A_2678] : memref<32x1000000xf32, #tpu.memory_space<hbm>> -> memref<32x128xf32, #tpu.memory_space<hbm>>
      tpu.wait_dma2 semaphore(%arg14 : memref<!tpu.dma_semaphore, #tpu.memory_space<semaphore_mem>>) src(%dma_wait3A_2679 : memref<32x128xf32, #tpu.memory_space<hbm>>) dst(%dma_wait3A_2676 : memref<32x128xf32, #tpu.memory_space<vmem>>)
      %sub3A_2680 = arith.constant 1 : i32
      %sub3A_2681 = arith.subi %scan3A_1896, %sub3A_2680 : i32
      %mul3A_2682 = arith.constant 16 : i32
      %mul3A_2683 = arith.muli %sub3A_2681, %mul3A_2682 : i32
      %get3A_2684 = arith.index_cast %mul3A_2683 : i32 to index
      %get3A_2685 = tpu.vector_load %arg5[%get3A_2684] {strides = array<i32>} : memref<512xi32, #tpu.memory_space<vmem>>, vector<16xi32>,
      %rem3A_2686 = arith.constant 128 : i32
      %rem3A_2687 = vector.broadcast %rem3A_2686 : i32 to vector<16xi32>
      %rem3A_2688 = arith.remsi %get3A_2685, %rem3A_2687 : vector<16xi32>
      %eq3A_2689 = arith.constant 6 : i32
      %eq3A_2690 = vector.broadcast %eq3A_2689 : i32 to vector<16xi32>
      %eq3A_2691 = arith.cmpi eq, %iota3A, %eq3A_2690 : vector<16xi32>
      %jit3A_2692 = arith.constant 0 : i32
      %broadcast_in_dim3A_2693 = vector.broadcast %jit3A_2692 : i32 to vector<16xi32>
      %select_n3A_2694 = arith.select %eq3A_2691, %rem3A_2688, %broadcast_in_dim3A_2693 : vector<16xi1>, vector<16xi32>
      %reduce_max3A_2695 = arith.constant true
      %reduce_max3A_2696 = vector.broadcast %reduce_max3A_2695 : i1 to vector<16xi1>
      %reduce_max3A_2697 = arith.constant -2147483648 : i32
      %reduce_max3A_2698 = vector.broadcast %reduce_max3A_2697 : i32 to vector<16xi32>
      %reduce_max3A_2699 = arith.xori %select_n3A_2694, %reduce_max3A_2698 : vector<16xi32>
      %reduce_max3A_2700 = tpu.scan <max>, %reduce_max3A_2699 masked %reduce_max3A_2696 : vector<16xi32>, vector<16xi1> -> vector<16xi32>
      %reduce_max3A_2701 = arith.xori %reduce_max3A_2700, %reduce_max3A_2698 : vector<16xi32>
      %reduce_max3A_2702 = vector.extract %reduce_max3A_2701[15] : i32 from vector<16xi32>
      %broadcast_in_dim3A_2703 = vector.broadcast %reduce_max3A_2702 : i32 to vector<16xi32>
      %mul3A_2704 = arith.constant 16 : i32
      %mul3A_2705 = arith.muli %sub3A_2681, %mul3A_2704 : i32
      %add3A_2706 = arith.constant 6 : i32
      %add3A_2707 = arith.addi %mul3A_2705, %add3A_2706 : i32
      %broadcast_in_dim3A_2708 = vector.broadcast %add3A_2707 : i32 to vector<16xi32>
      %add3A_2709 = arith.constant 0 : i32
      %add3A_2710 = vector.broadcast %add3A_2709 : i32 to vector<16xi32>
      %add3A_2711 = arith.addi %iota3A, %add3A_2710 : vector<16xi32>
      %gather3A_2712 = arith.constant 6 : i32
      %gather3A_2713 = arith.constant 0 : i32
      %gather3A_2714 = arith.constant 0 : i32
      %gather3A_2715 = tpu.memref_slice %arg6[%gather3A_2712, %gather3A_2713, %gather3A_2714] : memref<16x32x128xf32, #tpu.memory_space<vmem>> -> memref<1x32x128xf32, #tpu.memory_space<vmem>>
      %gather3A_2716 = tpu.memref_squeeze %gather3A_2715 : memref<1x32x128xf32, #tpu.memory_space<vmem>> -> memref<32x128xf32, #tpu.memory_space<vmem>>
      %gather3A_2717 = tpu.vector_load_idx %gather3A_2716[%add3A_2711, %broadcast_in_dim3A_2703] : memref<32x128xf32, #tpu.memory_space<vmem>>[vector<16xi32>, vector<16xi32>], vector<16xf32>,
      tpu.vector_store_idx %arg7[%add3A_2711, %broadcast_in_dim3A_2708], %gather3A_2717 : memref<32x512xf32, #tpu.memory_space<vmem>>[vector<16xi32>, vector<16xi32>], vector<16xf32>,
      %add3A_2718 = arith.constant 16 : i32
      %add3A_2719 = vector.broadcast %add3A_2718 : i32 to vector<16xi32>
      %add3A_2720 = arith.addi %iota3A, %add3A_2719 : vector<16xi32>
      %gather3A_2721 = arith.constant 6 : i32
      %gather3A_2722 = arith.constant 0 : i32
      %gather3A_2723 = arith.constant 0 : i32
      %gather3A_2724 = tpu.memref_slice %arg6[%gather3A_2721, %gather3A_2722, %gather3A_2723] : memref<16x32x128xf32, #tpu.memory_space<vmem>> -> memref<1x32x128xf32, #tpu.memory_space<vmem>>
      %gather3A_2725 = tpu.memref_squeeze %gather3A_2724 : memref<1x32x128xf32, #tpu.memory_space<vmem>> -> memref<32x128xf32, #tpu.memory_space<vmem>>
      %gather3A_2726 = tpu.vector_load_idx %gather3A_2725[%add3A_2720, %broadcast_in_dim3A_2703] : memref<32x128xf32, #tpu.memory_space<vmem>>[vector<16xi32>, vector<16xi32>], vector<16xf32>,
      tpu.vector_store_idx %arg7[%add3A_2720, %broadcast_in_dim3A_2708], %gather3A_2726 : memref<32x512xf32, #tpu.memory_space<vmem>>[vector<16xi32>, vector<16xi32>], vector<16xf32>,
      %mul3A_2727 = arith.constant 16 : i32
      %mul3A_2728 = arith.muli %scan3A_1896, %mul3A_2727 : i32
      %get3A_2729 = arith.index_cast %mul3A_2728 : i32 to index
      %get3A_2730 = tpu.vector_load %arg5[%get3A_2729] {strides = array<i32>} : memref<512xi32, #tpu.memory_space<vmem>>, vector<16xi32>,
      %jit3A_2731 = arith.constant 128 : i32
      %div3A_2732 = vector.broadcast %jit3A_2731 : i32 to vector<16xi32>
      %div3A_2733 = arith.divsi %get3A_2730, %div3A_2732 : vector<16xi32>
      %sign3A_2734 = arith.constant 0 : i32
      %sign3A_2735 = vector.broadcast %sign3A_2734 : i32 to vector<16xi32>
      %sign3A_2736 = arith.cmpi sgt, %get3A_2730, %sign3A_2735 : vector<16xi32>
      %sign3A_2737 = arith.extui %sign3A_2736 : vector<16xi1> to vector<16xi32>
      %sign3A_2738 = arith.constant 0 : i32
      %sign3A_2739 = vector.broadcast %sign3A_2738 : i32 to vector<16xi32>
      %sign3A_2740 = arith.cmpi slt, %get3A_2730, %sign3A_2739 : vector<16xi32>
      %sign3A_2741 = arith.extui %sign3A_2740 : vector<16xi1> to vector<16xi32>
      %sign3A_2742 = arith.subi %sign3A_2737, %sign3A_2741 : vector<16xi32>
      %sign3A_2743 = arith.constant 0 : i32
      %sign3A_2744 = arith.cmpi sgt, %jit3A_2731, %sign3A_2743 : i32
      %sign3A_2745 = arith.extui %sign3A_2744 : i1 to i32
      %sign3A_2746 = arith.constant 0 : i32
      %sign3A_2747 = arith.cmpi slt, %jit3A_2731, %sign3A_2746 : i32
      %sign3A_2748 = arith.extui %sign3A_2747 : i1 to i32
      %sign3A_2749 = arith.subi %sign3A_2745, %sign3A_2748 : i32
      %ne3A_2750 = vector.broadcast %sign3A_2749 : i32 to vector<16xi32>
      %ne3A_2751 = arith.cmpi ne, %sign3A_2742, %ne3A_2750 : vector<16xi32>
      %rem3A_2752 = vector.broadcast %jit3A_2731 : i32 to vector<16xi32>
      %rem3A_2753 = arith.remsi %get3A_2730, %rem3A_2752 : vector<16xi32>
      %ne3A_2754 = arith.constant 0 : i32
      %ne3A_2755 = vector.broadcast %ne3A_2754 : i32 to vector<16xi32>
      %ne3A_2756 = arith.cmpi ne, %rem3A_2753, %ne3A_2755 : vector<16xi32>
      %and3A_2757 = arith.andi %ne3A_2751, %ne3A_2756 : vector<16xi1>
      %sub3A_2758 = arith.constant 1 : i32
      %sub3A_2759 = vector.broadcast %sub3A_2758 : i32 to vector<16xi32>
      %sub3A_2760 = arith.subi %div3A_2733, %sub3A_2759 : vector<16xi32>
      %select_n3A_2761 = arith.select %and3A_2757, %sub3A_2760, %div3A_2733 : vector<16xi1>, vector<16xi32>
      %mul3A_2762 = arith.constant 128 : i32
      %mul3A_2763 = vector.broadcast %mul3A_2762 : i32 to vector<16xi32>
      %mul3A_2764 = arith.muli %select_n3A_2761, %mul3A_2763 : vector<16xi32>
      %eq3A_2765 = arith.constant 6 : i32
      %eq3A_2766 = vector.broadcast %eq3A_2765 : i32 to vector<16xi32>
      %eq3A_2767 = arith.cmpi eq, %iota3A, %eq3A_2766 : vector<16xi32>
      %jit3A_2768 = arith.constant 0 : i32
      %broadcast_in_dim3A_2769 = vector.broadcast %jit3A_2768 : i32 to vector<16xi32>
      %select_n3A_2770 = arith.select %eq3A_2767, %mul3A_2764, %broadcast_in_dim3A_2769 : vector<16xi1>, vector<16xi32>
      %reduce_max3A_2771 = arith.constant true
      %reduce_max3A_2772 = vector.broadcast %reduce_max3A_2771 : i1 to vector<16xi1>
      %reduce_max3A_2773 = arith.constant -2147483648 : i32
      %reduce_max3A_2774 = vector.broadcast %reduce_max3A_2773 : i32 to vector<16xi32>
      %reduce_max3A_2775 = arith.xori %select_n3A_2770, %reduce_max3A_2774 : vector<16xi32>
      %reduce_max3A_2776 = tpu.scan <max>, %reduce_max3A_2775 masked %reduce_max3A_2772 : vector<16xi32>, vector<16xi1> -> vector<16xi32>
      %reduce_max3A_2777 = arith.xori %reduce_max3A_2776, %reduce_max3A_2774 : vector<16xi32>
      %reduce_max3A_2778 = vector.extract %reduce_max3A_2777[15] : i32 from vector<16xi32>
      %multiple_of3A_2779 = tpu.assume_multiple %reduce_max3A_2778, 128 : i32
      %dma_start3A_2780 = arith.constant 6 : i32
      %dma_start3A_2781 = arith.constant 0 : i32
      %dma_start3A_2782 = arith.constant 0 : i32
      %dma_start3A_2783 = tpu.memref_slice %arg6[%dma_start3A_2780, %dma_start3A_2781, %dma_start3A_2782] : memref<16x32x128xf32, #tpu.memory_space<vmem>> -> memref<1x32x128xf32, #tpu.memory_space<vmem>>
      %dma_start3A_2784 = tpu.memref_squeeze %dma_start3A_2783 : memref<1x32x128xf32, #tpu.memory_space<vmem>> -> memref<32x128xf32, #tpu.memory_space<vmem>>
      %dma_start3A_2785 = arith.constant 0 : i32
      %dma_start3A_2786 = tpu.memref_slice %arg2[%dma_start3A_2785, %multiple_of3A_2779] : memref<32x1000000xf32, #tpu.memory_space<hbm>> -> memref<32x128xf32, #tpu.memory_space<hbm>>
      %dma_start3A_2787 = arith.constant 0 : i32
      %dma_start3A_2788 = arith.constant 0 : i32
      %dma_start3A_2789 = tpu.memref_slice %arg6[%dma_start3A_2780, %dma_start3A_2787, %dma_start3A_2788] : memref<16x32x128xf32, #tpu.memory_space<vmem>> -> memref<1x32x128xf32, #tpu.memory_space<vmem>>
      %dma_start3A_2790 = tpu.memref_squeeze %dma_start3A_2789 : memref<1x32x128xf32, #tpu.memory_space<vmem>> -> memref<32x128xf32, #tpu.memory_space<vmem>>
      %dma_start3A_2791 = arith.constant 0 : i32
      %dma_start3A_2792 = tpu.memref_slice %arg2[%dma_start3A_2791, %multiple_of3A_2779] : memref<32x1000000xf32, #tpu.memory_space<hbm>> -> memref<32x128xf32, #tpu.memory_space<hbm>>
      tpu.enqueue_dma source(%dma_start3A_2792 : memref<32x128xf32, #tpu.memory_space<hbm>>) target(%dma_start3A_2790 : memref<32x128xf32, #tpu.memory_space<vmem>>) target_semaphore(%arg14 : memref<!tpu.dma_semaphore, #tpu.memory_space<semaphore_mem>>)
      %dma_wait3A_2793 = arith.constant 7 : i32
      %dma_wait3A_2794 = arith.constant 0 : i32
      %dma_wait3A_2795 = arith.constant 0 : i32
      %dma_wait3A_2796 = tpu.memref_slice %arg6[%dma_wait3A_2793, %dma_wait3A_2794, %dma_wait3A_2795] : memref<16x32x128xf32, #tpu.memory_space<vmem>> -> memref<1x32x128xf32, #tpu.memory_space<vmem>>
      %dma_wait3A_2797 = tpu.memref_squeeze %dma_wait3A_2796 : memref<1x32x128xf32, #tpu.memory_space<vmem>> -> memref<32x128xf32, #tpu.memory_space<vmem>>
      %dma_wait3A_2798 = arith.constant 0 : i32
      %dma_wait3A_2799 = arith.constant 0 : i32
      %dma_wait3A_2800 = tpu.memref_slice %arg2[%dma_wait3A_2798, %dma_wait3A_2799] : memref<32x1000000xf32, #tpu.memory_space<hbm>> -> memref<32x128xf32, #tpu.memory_space<hbm>>
      %dma_wait3A_2801 = arith.constant 0 : i32
      %dma_wait3A_2802 = arith.constant 0 : i32
      %dma_wait3A_2803 = tpu.memref_slice %arg6[%dma_wait3A_2793, %dma_wait3A_2801, %dma_wait3A_2802] : memref<16x32x128xf32, #tpu.memory_space<vmem>> -> memref<1x32x128xf32, #tpu.memory_space<vmem>>
      %dma_wait3A_2804 = tpu.memref_squeeze %dma_wait3A_2803 : memref<1x32x128xf32, #tpu.memory_space<vmem>> -> memref<32x128xf32, #tpu.memory_space<vmem>>
      %dma_wait3A_2805 = arith.constant 0 : i32
      %dma_wait3A_2806 = arith.constant 0 : i32
      %dma_wait3A_2807 = tpu.memref_slice %arg2[%dma_wait3A_2805, %dma_wait3A_2806] : memref<32x1000000xf32, #tpu.memory_space<hbm>> -> memref<32x128xf32, #tpu.memory_space<hbm>>
      tpu.wait_dma2 semaphore(%arg15 : memref<!tpu.dma_semaphore, #tpu.memory_space<semaphore_mem>>) src(%dma_wait3A_2807 : memref<32x128xf32, #tpu.memory_space<hbm>>) dst(%dma_wait3A_2804 : memref<32x128xf32, #tpu.memory_space<vmem>>)
      %sub3A_2808 = arith.constant 1 : i32
      %sub3A_2809 = arith.subi %scan3A_1896, %sub3A_2808 : i32
      %mul3A_2810 = arith.constant 16 : i32
      %mul3A_2811 = arith.muli %sub3A_2809, %mul3A_2810 : i32
      %get3A_2812 = arith.index_cast %mul3A_2811 : i32 to index
      %get3A_2813 = tpu.vector_load %arg5[%get3A_2812] {strides = array<i32>} : memref<512xi32, #tpu.memory_space<vmem>>, vector<16xi32>,
      %rem3A_2814 = arith.constant 128 : i32
      %rem3A_2815 = vector.broadcast %rem3A_2814 : i32 to vector<16xi32>
      %rem3A_2816 = arith.remsi %get3A_2813, %rem3A_2815 : vector<16xi32>
      %eq3A_2817 = arith.constant 7 : i32
      %eq3A_2818 = vector.broadcast %eq3A_2817 : i32 to vector<16xi32>
      %eq3A_2819 = arith.cmpi eq, %iota3A, %eq3A_2818 : vector<16xi32>
      %jit3A_2820 = arith.constant 0 : i32
      %broadcast_in_dim3A_2821 = vector.broadcast %jit3A_2820 : i32 to vector<16xi32>
      %select_n3A_2822 = arith.select %eq3A_2819, %rem3A_2816, %broadcast_in_dim3A_2821 : vector<16xi1>, vector<16xi32>
      %reduce_max3A_2823 = arith.constant true
      %reduce_max3A_2824 = vector.broadcast %reduce_max3A_2823 : i1 to vector<16xi1>
      %reduce_max3A_2825 = arith.constant -2147483648 : i32
      %reduce_max3A_2826 = vector.broadcast %reduce_max3A_2825 : i32 to vector<16xi32>
      %reduce_max3A_2827 = arith.xori %select_n3A_2822, %reduce_max3A_2826 : vector<16xi32>
      %reduce_max3A_2828 = tpu.scan <max>, %reduce_max3A_2827 masked %reduce_max3A_2824 : vector<16xi32>, vector<16xi1> -> vector<16xi32>
      %reduce_max3A_2829 = arith.xori %reduce_max3A_2828, %reduce_max3A_2826 : vector<16xi32>
      %reduce_max3A_2830 = vector.extract %reduce_max3A_2829[15] : i32 from vector<16xi32>
      %broadcast_in_dim3A_2831 = vector.broadcast %reduce_max3A_2830 : i32 to vector<16xi32>
      %mul3A_2832 = arith.constant 16 : i32
      %mul3A_2833 = arith.muli %sub3A_2809, %mul3A_2832 : i32
      %add3A_2834 = arith.constant 7 : i32
      %add3A_2835 = arith.addi %mul3A_2833, %add3A_2834 : i32
      %broadcast_in_dim3A_2836 = vector.broadcast %add3A_2835 : i32 to vector<16xi32>
      %add3A_2837 = arith.constant 0 : i32
      %add3A_2838 = vector.broadcast %add3A_2837 : i32 to vector<16xi32>
      %add3A_2839 = arith.addi %iota3A, %add3A_2838 : vector<16xi32>
      %gather3A_2840 = arith.constant 7 : i32
      %gather3A_2841 = arith.constant 0 : i32
      %gather3A_2842 = arith.constant 0 : i32
      %gather3A_2843 = tpu.memref_slice %arg6[%gather3A_2840, %gather3A_2841, %gather3A_2842] : memref<16x32x128xf32, #tpu.memory_space<vmem>> -> memref<1x32x128xf32, #tpu.memory_space<vmem>>
      %gather3A_2844 = tpu.memref_squeeze %gather3A_2843 : memref<1x32x128xf32, #tpu.memory_space<vmem>> -> memref<32x128xf32, #tpu.memory_space<vmem>>
      %gather3A_2845 = tpu.vector_load_idx %gather3A_2844[%add3A_2839, %broadcast_in_dim3A_2831] : memref<32x128xf32, #tpu.memory_space<vmem>>[vector<16xi32>, vector<16xi32>], vector<16xf32>,
      tpu.vector_store_idx %arg7[%add3A_2839, %broadcast_in_dim3A_2836], %gather3A_2845 : memref<32x512xf32, #tpu.memory_space<vmem>>[vector<16xi32>, vector<16xi32>], vector<16xf32>,
      %add3A_2846 = arith.constant 16 : i32
      %add3A_2847 = vector.broadcast %add3A_2846 : i32 to vector<16xi32>
      %add3A_2848 = arith.addi %iota3A, %add3A_2847 : vector<16xi32>
      %gather3A_2849 = arith.constant 7 : i32
      %gather3A_2850 = arith.constant 0 : i32
      %gather3A_2851 = arith.constant 0 : i32
      %gather3A_2852 = tpu.memref_slice %arg6[%gather3A_2849, %gather3A_2850, %gather3A_2851] : memref<16x32x128xf32, #tpu.memory_space<vmem>> -> memref<1x32x128xf32, #tpu.memory_space<vmem>>
      %gather3A_2853 = tpu.memref_squeeze %gather3A_2852 : memref<1x32x128xf32, #tpu.memory_space<vmem>> -> memref<32x128xf32, #tpu.memory_space<vmem>>
      %gather3A_2854 = tpu.vector_load_idx %gather3A_2853[%add3A_2848, %broadcast_in_dim3A_2831] : memref<32x128xf32, #tpu.memory_space<vmem>>[vector<16xi32>, vector<16xi32>], vector<16xf32>,
      tpu.vector_store_idx %arg7[%add3A_2848, %broadcast_in_dim3A_2836], %gather3A_2854 : memref<32x512xf32, #tpu.memory_space<vmem>>[vector<16xi32>, vector<16xi32>], vector<16xf32>,
      %mul3A_2855 = arith.constant 16 : i32
      %mul3A_2856 = arith.muli %scan3A_1896, %mul3A_2855 : i32
      %get3A_2857 = arith.index_cast %mul3A_2856 : i32 to index
      %get3A_2858 = tpu.vector_load %arg5[%get3A_2857] {strides = array<i32>} : memref<512xi32, #tpu.memory_space<vmem>>, vector<16xi32>,
      %jit3A_2859 = arith.constant 128 : i32
      %div3A_2860 = vector.broadcast %jit3A_2859 : i32 to vector<16xi32>
      %div3A_2861 = arith.divsi %get3A_2858, %div3A_2860 : vector<16xi32>
      %sign3A_2862 = arith.constant 0 : i32
      %sign3A_2863 = vector.broadcast %sign3A_2862 : i32 to vector<16xi32>
      %sign3A_2864 = arith.cmpi sgt, %get3A_2858, %sign3A_2863 : vector<16xi32>
      %sign3A_2865 = arith.extui %sign3A_2864 : vector<16xi1> to vector<16xi32>
      %sign3A_2866 = arith.constant 0 : i32
      %sign3A_2867 = vector.broadcast %sign3A_2866 : i32 to vector<16xi32>
      %sign3A_2868 = arith.cmpi slt, %get3A_2858, %sign3A_2867 : vector<16xi32>
      %sign3A_2869 = arith.extui %sign3A_2868 : vector<16xi1> to vector<16xi32>
      %sign3A_2870 = arith.subi %sign3A_2865, %sign3A_2869 : vector<16xi32>
      %sign3A_2871 = arith.constant 0 : i32
      %sign3A_2872 = arith.cmpi sgt, %jit3A_2859, %sign3A_2871 : i32
      %sign3A_2873 = arith.extui %sign3A_2872 : i1 to i32
      %sign3A_2874 = arith.constant 0 : i32
      %sign3A_2875 = arith.cmpi slt, %jit3A_2859, %sign3A_2874 : i32
      %sign3A_2876 = arith.extui %sign3A_2875 : i1 to i32
      %sign3A_2877 = arith.subi %sign3A_2873, %sign3A_2876 : i32
      %ne3A_2878 = vector.broadcast %sign3A_2877 : i32 to vector<16xi32>
      %ne3A_2879 = arith.cmpi ne, %sign3A_2870, %ne3A_2878 : vector<16xi32>
      %rem3A_2880 = vector.broadcast %jit3A_2859 : i32 to vector<16xi32>
      %rem3A_2881 = arith.remsi %get3A_2858, %rem3A_2880 : vector<16xi32>
      %ne3A_2882 = arith.constant 0 : i32
      %ne3A_2883 = vector.broadcast %ne3A_2882 : i32 to vector<16xi32>
      %ne3A_2884 = arith.cmpi ne, %rem3A_2881, %ne3A_2883 : vector<16xi32>
      %and3A_2885 = arith.andi %ne3A_2879, %ne3A_2884 : vector<16xi1>
      %sub3A_2886 = arith.constant 1 : i32
      %sub3A_2887 = vector.broadcast %sub3A_2886 : i32 to vector<16xi32>
      %sub3A_2888 = arith.subi %div3A_2861, %sub3A_2887 : vector<16xi32>
      %select_n3A_2889 = arith.select %and3A_2885, %sub3A_2888, %div3A_2861 : vector<16xi1>, vector<16xi32>
      %mul3A_2890 = arith.constant 128 : i32
      %mul3A_2891 = vector.broadcast %mul3A_2890 : i32 to vector<16xi32>
      %mul3A_2892 = arith.muli %select_n3A_2889, %mul3A_2891 : vector<16xi32>
      %eq3A_2893 = arith.constant 7 : i32
      %eq3A_2894 = vector.broadcast %eq3A_2893 : i32 to vector<16xi32>
      %eq3A_2895 = arith.cmpi eq, %iota3A, %eq3A_2894 : vector<16xi32>
      %jit3A_2896 = arith.constant 0 : i32
      %broadcast_in_dim3A_2897 = vector.broadcast %jit3A_2896 : i32 to vector<16xi32>
      %select_n3A_2898 = arith.select %eq3A_2895, %mul3A_2892, %broadcast_in_dim3A_2897 : vector<16xi1>, vector<16xi32>
      %reduce_max3A_2899 = arith.constant true
      %reduce_max3A_2900 = vector.broadcast %reduce_max3A_2899 : i1 to vector<16xi1>
      %reduce_max3A_2901 = arith.constant -2147483648 : i32
      %reduce_max3A_2902 = vector.broadcast %reduce_max3A_2901 : i32 to vector<16xi32>
      %reduce_max3A_2903 = arith.xori %select_n3A_2898, %reduce_max3A_2902 : vector<16xi32>
      %reduce_max3A_2904 = tpu.scan <max>, %reduce_max3A_2903 masked %reduce_max3A_2900 : vector<16xi32>, vector<16xi1> -> vector<16xi32>
      %reduce_max3A_2905 = arith.xori %reduce_max3A_2904, %reduce_max3A_2902 : vector<16xi32>
      %reduce_max3A_2906 = vector.extract %reduce_max3A_2905[15] : i32 from vector<16xi32>
      %multiple_of3A_2907 = tpu.assume_multiple %reduce_max3A_2906, 128 : i32
      %dma_start3A_2908 = arith.constant 7 : i32
      %dma_start3A_2909 = arith.constant 0 : i32
      %dma_start3A_2910 = arith.constant 0 : i32
      %dma_start3A_2911 = tpu.memref_slice %arg6[%dma_start3A_2908, %dma_start3A_2909, %dma_start3A_2910] : memref<16x32x128xf32, #tpu.memory_space<vmem>> -> memref<1x32x128xf32, #tpu.memory_space<vmem>>
      %dma_start3A_2912 = tpu.memref_squeeze %dma_start3A_2911 : memref<1x32x128xf32, #tpu.memory_space<vmem>> -> memref<32x128xf32, #tpu.memory_space<vmem>>
      %dma_start3A_2913 = arith.constant 0 : i32
      %dma_start3A_2914 = tpu.memref_slice %arg2[%dma_start3A_2913, %multiple_of3A_2907] : memref<32x1000000xf32, #tpu.memory_space<hbm>> -> memref<32x128xf32, #tpu.memory_space<hbm>>
      %dma_start3A_2915 = arith.constant 0 : i32
      %dma_start3A_2916 = arith.constant 0 : i32
      %dma_start3A_2917 = tpu.memref_slice %arg6[%dma_start3A_2908, %dma_start3A_2915, %dma_start3A_2916] : memref<16x32x128xf32, #tpu.memory_space<vmem>> -> memref<1x32x128xf32, #tpu.memory_space<vmem>>
      %dma_start3A_2918 = tpu.memref_squeeze %dma_start3A_2917 : memref<1x32x128xf32, #tpu.memory_space<vmem>> -> memref<32x128xf32, #tpu.memory_space<vmem>>
      %dma_start3A_2919 = arith.constant 0 : i32
      %dma_start3A_2920 = tpu.memref_slice %arg2[%dma_start3A_2919, %multiple_of3A_2907] : memref<32x1000000xf32, #tpu.memory_space<hbm>> -> memref<32x128xf32, #tpu.memory_space<hbm>>
      tpu.enqueue_dma source(%dma_start3A_2920 : memref<32x128xf32, #tpu.memory_space<hbm>>) target(%dma_start3A_2918 : memref<32x128xf32, #tpu.memory_space<vmem>>) target_semaphore(%arg15 : memref<!tpu.dma_semaphore, #tpu.memory_space<semaphore_mem>>)
      %dma_wait3A_2921 = arith.constant 8 : i32
      %dma_wait3A_2922 = arith.constant 0 : i32
      %dma_wait3A_2923 = arith.constant 0 : i32
      %dma_wait3A_2924 = tpu.memref_slice %arg6[%dma_wait3A_2921, %dma_wait3A_2922, %dma_wait3A_2923] : memref<16x32x128xf32, #tpu.memory_space<vmem>> -> memref<1x32x128xf32, #tpu.memory_space<vmem>>
      %dma_wait3A_2925 = tpu.memref_squeeze %dma_wait3A_2924 : memref<1x32x128xf32, #tpu.memory_space<vmem>> -> memref<32x128xf32, #tpu.memory_space<vmem>>
      %dma_wait3A_2926 = arith.constant 0 : i32
      %dma_wait3A_2927 = arith.constant 0 : i32
      %dma_wait3A_2928 = tpu.memref_slice %arg2[%dma_wait3A_2926, %dma_wait3A_2927] : memref<32x1000000xf32, #tpu.memory_space<hbm>> -> memref<32x128xf32, #tpu.memory_space<hbm>>
      %dma_wait3A_2929 = arith.constant 0 : i32
      %dma_wait3A_2930 = arith.constant 0 : i32
      %dma_wait3A_2931 = tpu.memref_slice %arg6[%dma_wait3A_2921, %dma_wait3A_2929, %dma_wait3A_2930] : memref<16x32x128xf32, #tpu.memory_space<vmem>> -> memref<1x32x128xf32, #tpu.memory_space<vmem>>
      %dma_wait3A_2932 = tpu.memref_squeeze %dma_wait3A_2931 : memref<1x32x128xf32, #tpu.memory_space<vmem>> -> memref<32x128xf32, #tpu.memory_space<vmem>>
      %dma_wait3A_2933 = arith.constant 0 : i32
      %dma_wait3A_2934 = arith.constant 0 : i32
      %dma_wait3A_2935 = tpu.memref_slice %arg2[%dma_wait3A_2933, %dma_wait3A_2934] : memref<32x1000000xf32, #tpu.memory_space<hbm>> -> memref<32x128xf32, #tpu.memory_space<hbm>>
      tpu.wait_dma2 semaphore(%arg16 : memref<!tpu.dma_semaphore, #tpu.memory_space<semaphore_mem>>) src(%dma_wait3A_2935 : memref<32x128xf32, #tpu.memory_space<hbm>>) dst(%dma_wait3A_2932 : memref<32x128xf32, #tpu.memory_space<vmem>>)
      %sub3A_2936 = arith.constant 1 : i32
      %sub3A_2937 = arith.subi %scan3A_1896, %sub3A_2936 : i32
      %mul3A_2938 = arith.constant 16 : i32
      %mul3A_2939 = arith.muli %sub3A_2937, %mul3A_2938 : i32
      %get3A_2940 = arith.index_cast %mul3A_2939 : i32 to index
      %get3A_2941 = tpu.vector_load %arg5[%get3A_2940] {strides = array<i32>} : memref<512xi32, #tpu.memory_space<vmem>>, vector<16xi32>,
      %rem3A_2942 = arith.constant 128 : i32
      %rem3A_2943 = vector.broadcast %rem3A_2942 : i32 to vector<16xi32>
      %rem3A_2944 = arith.remsi %get3A_2941, %rem3A_2943 : vector<16xi32>
      %eq3A_2945 = arith.constant 8 : i32
      %eq3A_2946 = vector.broadcast %eq3A_2945 : i32 to vector<16xi32>
      %eq3A_2947 = arith.cmpi eq, %iota3A, %eq3A_2946 : vector<16xi32>
      %jit3A_2948 = arith.constant 0 : i32
      %broadcast_in_dim3A_2949 = vector.broadcast %jit3A_2948 : i32 to vector<16xi32>
      %select_n3A_2950 = arith.select %eq3A_2947, %rem3A_2944, %broadcast_in_dim3A_2949 : vector<16xi1>, vector<16xi32>
      %reduce_max3A_2951 = arith.constant true
      %reduce_max3A_2952 = vector.broadcast %reduce_max3A_2951 : i1 to vector<16xi1>
      %reduce_max3A_2953 = arith.constant -2147483648 : i32
      %reduce_max3A_2954 = vector.broadcast %reduce_max3A_2953 : i32 to vector<16xi32>
      %reduce_max3A_2955 = arith.xori %select_n3A_2950, %reduce_max3A_2954 : vector<16xi32>
      %reduce_max3A_2956 = tpu.scan <max>, %reduce_max3A_2955 masked %reduce_max3A_2952 : vector<16xi32>, vector<16xi1> -> vector<16xi32>
      %reduce_max3A_2957 = arith.xori %reduce_max3A_2956, %reduce_max3A_2954 : vector<16xi32>
      %reduce_max3A_2958 = vector.extract %reduce_max3A_2957[15] : i32 from vector<16xi32>
      %broadcast_in_dim3A_2959 = vector.broadcast %reduce_max3A_2958 : i32 to vector<16xi32>
      %mul3A_2960 = arith.constant 16 : i32
      %mul3A_2961 = arith.muli %sub3A_2937, %mul3A_2960 : i32
      %add3A_2962 = arith.constant 8 : i32
      %add3A_2963 = arith.addi %mul3A_2961, %add3A_2962 : i32
      %broadcast_in_dim3A_2964 = vector.broadcast %add3A_2963 : i32 to vector<16xi32>
      %add3A_2965 = arith.constant 0 : i32
      %add3A_2966 = vector.broadcast %add3A_2965 : i32 to vector<16xi32>
      %add3A_2967 = arith.addi %iota3A, %add3A_2966 : vector<16xi32>
      %gather3A_2968 = arith.constant 8 : i32
      %gather3A_2969 = arith.constant 0 : i32
      %gather3A_2970 = arith.constant 0 : i32
      %gather3A_2971 = tpu.memref_slice %arg6[%gather3A_2968, %gather3A_2969, %gather3A_2970] : memref<16x32x128xf32, #tpu.memory_space<vmem>> -> memref<1x32x128xf32, #tpu.memory_space<vmem>>
      %gather3A_2972 = tpu.memref_squeeze %gather3A_2971 : memref<1x32x128xf32, #tpu.memory_space<vmem>> -> memref<32x128xf32, #tpu.memory_space<vmem>>
      %gather3A_2973 = tpu.vector_load_idx %gather3A_2972[%add3A_2967, %broadcast_in_dim3A_2959] : memref<32x128xf32, #tpu.memory_space<vmem>>[vector<16xi32>, vector<16xi32>], vector<16xf32>,
      tpu.vector_store_idx %arg7[%add3A_2967, %broadcast_in_dim3A_2964], %gather3A_2973 : memref<32x512xf32, #tpu.memory_space<vmem>>[vector<16xi32>, vector<16xi32>], vector<16xf32>,
      %add3A_2974 = arith.constant 16 : i32
      %add3A_2975 = vector.broadcast %add3A_2974 : i32 to vector<16xi32>
      %add3A_2976 = arith.addi %iota3A, %add3A_2975 : vector<16xi32>
      %gather3A_2977 = arith.constant 8 : i32
      %gather3A_2978 = arith.constant 0 : i32
      %gather3A_2979 = arith.constant 0 : i32
      %gather3A_2980 = tpu.memref_slice %arg6[%gather3A_2977, %gather3A_2978, %gather3A_2979] : memref<16x32x128xf32, #tpu.memory_space<vmem>> -> memref<1x32x128xf32, #tpu.memory_space<vmem>>
      %gather3A_2981 = tpu.memref_squeeze %gather3A_2980 : memref<1x32x128xf32, #tpu.memory_space<vmem>> -> memref<32x128xf32, #tpu.memory_space<vmem>>
      %gather3A_2982 = tpu.vector_load_idx %gather3A_2981[%add3A_2976, %broadcast_in_dim3A_2959] : memref<32x128xf32, #tpu.memory_space<vmem>>[vector<16xi32>, vector<16xi32>], vector<16xf32>,
      tpu.vector_store_idx %arg7[%add3A_2976, %broadcast_in_dim3A_2964], %gather3A_2982 : memref<32x512xf32, #tpu.memory_space<vmem>>[vector<16xi32>, vector<16xi32>], vector<16xf32>,
      %mul3A_2983 = arith.constant 16 : i32
      %mul3A_2984 = arith.muli %scan3A_1896, %mul3A_2983 : i32
      %get3A_2985 = arith.index_cast %mul3A_2984 : i32 to index
      %get3A_2986 = tpu.vector_load %arg5[%get3A_2985] {strides = array<i32>} : memref<512xi32, #tpu.memory_space<vmem>>, vector<16xi32>,
      %jit3A_2987 = arith.constant 128 : i32
      %div3A_2988 = vector.broadcast %jit3A_2987 : i32 to vector<16xi32>
      %div3A_2989 = arith.divsi %get3A_2986, %div3A_2988 : vector<16xi32>
      %sign3A_2990 = arith.constant 0 : i32
      %sign3A_2991 = vector.broadcast %sign3A_2990 : i32 to vector<16xi32>
      %sign3A_2992 = arith.cmpi sgt, %get3A_2986, %sign3A_2991 : vector<16xi32>
      %sign3A_2993 = arith.extui %sign3A_2992 : vector<16xi1> to vector<16xi32>
      %sign3A_2994 = arith.constant 0 : i32
      %sign3A_2995 = vector.broadcast %sign3A_2994 : i32 to vector<16xi32>
      %sign3A_2996 = arith.cmpi slt, %get3A_2986, %sign3A_2995 : vector<16xi32>
      %sign3A_2997 = arith.extui %sign3A_2996 : vector<16xi1> to vector<16xi32>
      %sign3A_2998 = arith.subi %sign3A_2993, %sign3A_2997 : vector<16xi32>
      %sign3A_2999 = arith.constant 0 : i32
      %sign3A_3000 = arith.cmpi sgt, %jit3A_2987, %sign3A_2999 : i32
      %sign3A_3001 = arith.extui %sign3A_3000 : i1 to i32
      %sign3A_3002 = arith.constant 0 : i32
      %sign3A_3003 = arith.cmpi slt, %jit3A_2987, %sign3A_3002 : i32
      %sign3A_3004 = arith.extui %sign3A_3003 : i1 to i32
      %sign3A_3005 = arith.subi %sign3A_3001, %sign3A_3004 : i32
      %ne3A_3006 = vector.broadcast %sign3A_3005 : i32 to vector<16xi32>
      %ne3A_3007 = arith.cmpi ne, %sign3A_2998, %ne3A_3006 : vector<16xi32>
      %rem3A_3008 = vector.broadcast %jit3A_2987 : i32 to vector<16xi32>
      %rem3A_3009 = arith.remsi %get3A_2986, %rem3A_3008 : vector<16xi32>
      %ne3A_3010 = arith.constant 0 : i32
      %ne3A_3011 = vector.broadcast %ne3A_3010 : i32 to vector<16xi32>
      %ne3A_3012 = arith.cmpi ne, %rem3A_3009, %ne3A_3011 : vector<16xi32>
      %and3A_3013 = arith.andi %ne3A_3007, %ne3A_3012 : vector<16xi1>
      %sub3A_3014 = arith.constant 1 : i32
      %sub3A_3015 = vector.broadcast %sub3A_3014 : i32 to vector<16xi32>
      %sub3A_3016 = arith.subi %div3A_2989, %sub3A_3015 : vector<16xi32>
      %select_n3A_3017 = arith.select %and3A_3013, %sub3A_3016, %div3A_2989 : vector<16xi1>, vector<16xi32>
      %mul3A_3018 = arith.constant 128 : i32
      %mul3A_3019 = vector.broadcast %mul3A_3018 : i32 to vector<16xi32>
      %mul3A_3020 = arith.muli %select_n3A_3017, %mul3A_3019 : vector<16xi32>
      %eq3A_3021 = arith.constant 8 : i32
      %eq3A_3022 = vector.broadcast %eq3A_3021 : i32 to vector<16xi32>
      %eq3A_3023 = arith.cmpi eq, %iota3A, %eq3A_3022 : vector<16xi32>
      %jit3A_3024 = arith.constant 0 : i32
      %broadcast_in_dim3A_3025 = vector.broadcast %jit3A_3024 : i32 to vector<16xi32>
      %select_n3A_3026 = arith.select %eq3A_3023, %mul3A_3020, %broadcast_in_dim3A_3025 : vector<16xi1>, vector<16xi32>
      %reduce_max3A_3027 = arith.constant true
      %reduce_max3A_3028 = vector.broadcast %reduce_max3A_3027 : i1 to vector<16xi1>
      %reduce_max3A_3029 = arith.constant -2147483648 : i32
      %reduce_max3A_3030 = vector.broadcast %reduce_max3A_3029 : i32 to vector<16xi32>
      %reduce_max3A_3031 = arith.xori %select_n3A_3026, %reduce_max3A_3030 : vector<16xi32>
      %reduce_max3A_3032 = tpu.scan <max>, %reduce_max3A_3031 masked %reduce_max3A_3028 : vector<16xi32>, vector<16xi1> -> vector<16xi32>
      %reduce_max3A_3033 = arith.xori %reduce_max3A_3032, %reduce_max3A_3030 : vector<16xi32>
      %reduce_max3A_3034 = vector.extract %reduce_max3A_3033[15] : i32 from vector<16xi32>
      %multiple_of3A_3035 = tpu.assume_multiple %reduce_max3A_3034, 128 : i32
      %dma_start3A_3036 = arith.constant 8 : i32
      %dma_start3A_3037 = arith.constant 0 : i32
      %dma_start3A_3038 = arith.constant 0 : i32
      %dma_start3A_3039 = tpu.memref_slice %arg6[%dma_start3A_3036, %dma_start3A_3037, %dma_start3A_3038] : memref<16x32x128xf32, #tpu.memory_space<vmem>> -> memref<1x32x128xf32, #tpu.memory_space<vmem>>
      %dma_start3A_3040 = tpu.memref_squeeze %dma_start3A_3039 : memref<1x32x128xf32, #tpu.memory_space<vmem>> -> memref<32x128xf32, #tpu.memory_space<vmem>>
      %dma_start3A_3041 = arith.constant 0 : i32
      %dma_start3A_3042 = tpu.memref_slice %arg2[%dma_start3A_3041, %multiple_of3A_3035] : memref<32x1000000xf32, #tpu.memory_space<hbm>> -> memref<32x128xf32, #tpu.memory_space<hbm>>
      %dma_start3A_3043 = arith.constant 0 : i32
      %dma_start3A_3044 = arith.constant 0 : i32
      %dma_start3A_3045 = tpu.memref_slice %arg6[%dma_start3A_3036, %dma_start3A_3043, %dma_start3A_3044] : memref<16x32x128xf32, #tpu.memory_space<vmem>> -> memref<1x32x128xf32, #tpu.memory_space<vmem>>
      %dma_start3A_3046 = tpu.memref_squeeze %dma_start3A_3045 : memref<1x32x128xf32, #tpu.memory_space<vmem>> -> memref<32x128xf32, #tpu.memory_space<vmem>>
      %dma_start3A_3047 = arith.constant 0 : i32
      %dma_start3A_3048 = tpu.memref_slice %arg2[%dma_start3A_3047, %multiple_of3A_3035] : memref<32x1000000xf32, #tpu.memory_space<hbm>> -> memref<32x128xf32, #tpu.memory_space<hbm>>
      tpu.enqueue_dma source(%dma_start3A_3048 : memref<32x128xf32, #tpu.memory_space<hbm>>) target(%dma_start3A_3046 : memref<32x128xf32, #tpu.memory_space<vmem>>) target_semaphore(%arg16 : memref<!tpu.dma_semaphore, #tpu.memory_space<semaphore_mem>>)
      %dma_wait3A_3049 = arith.constant 9 : i32
      %dma_wait3A_3050 = arith.constant 0 : i32
      %dma_wait3A_3051 = arith.constant 0 : i32
      %dma_wait3A_3052 = tpu.memref_slice %arg6[%dma_wait3A_3049, %dma_wait3A_3050, %dma_wait3A_3051] : memref<16x32x128xf32, #tpu.memory_space<vmem>> -> memref<1x32x128xf32, #tpu.memory_space<vmem>>
      %dma_wait3A_3053 = tpu.memref_squeeze %dma_wait3A_3052 : memref<1x32x128xf32, #tpu.memory_space<vmem>> -> memref<32x128xf32, #tpu.memory_space<vmem>>
      %dma_wait3A_3054 = arith.constant 0 : i32
      %dma_wait3A_3055 = arith.constant 0 : i32
      %dma_wait3A_3056 = tpu.memref_slice %arg2[%dma_wait3A_3054, %dma_wait3A_3055] : memref<32x1000000xf32, #tpu.memory_space<hbm>> -> memref<32x128xf32, #tpu.memory_space<hbm>>
      %dma_wait3A_3057 = arith.constant 0 : i32
      %dma_wait3A_3058 = arith.constant 0 : i32
      %dma_wait3A_3059 = tpu.memref_slice %arg6[%dma_wait3A_3049, %dma_wait3A_3057, %dma_wait3A_3058] : memref<16x32x128xf32, #tpu.memory_space<vmem>> -> memref<1x32x128xf32, #tpu.memory_space<vmem>>
      %dma_wait3A_3060 = tpu.memref_squeeze %dma_wait3A_3059 : memref<1x32x128xf32, #tpu.memory_space<vmem>> -> memref<32x128xf32, #tpu.memory_space<vmem>>
      %dma_wait3A_3061 = arith.constant 0 : i32
      %dma_wait3A_3062 = arith.constant 0 : i32
      %dma_wait3A_3063 = tpu.memref_slice %arg2[%dma_wait3A_3061, %dma_wait3A_3062] : memref<32x1000000xf32, #tpu.memory_space<hbm>> -> memref<32x128xf32, #tpu.memory_space<hbm>>
      tpu.wait_dma2 semaphore(%arg17 : memref<!tpu.dma_semaphore, #tpu.memory_space<semaphore_mem>>) src(%dma_wait3A_3063 : memref<32x128xf32, #tpu.memory_space<hbm>>) dst(%dma_wait3A_3060 : memref<32x128xf32, #tpu.memory_space<vmem>>)
      %sub3A_3064 = arith.constant 1 : i32
      %sub3A_3065 = arith.subi %scan3A_1896, %sub3A_3064 : i32
      %mul3A_3066 = arith.constant 16 : i32
      %mul3A_3067 = arith.muli %sub3A_3065, %mul3A_3066 : i32
      %get3A_3068 = arith.index_cast %mul3A_3067 : i32 to index
      %get3A_3069 = tpu.vector_load %arg5[%get3A_3068] {strides = array<i32>} : memref<512xi32, #tpu.memory_space<vmem>>, vector<16xi32>,
      %rem3A_3070 = arith.constant 128 : i32
      %rem3A_3071 = vector.broadcast %rem3A_3070 : i32 to vector<16xi32>
      %rem3A_3072 = arith.remsi %get3A_3069, %rem3A_3071 : vector<16xi32>
      %eq3A_3073 = arith.constant 9 : i32
      %eq3A_3074 = vector.broadcast %eq3A_3073 : i32 to vector<16xi32>
      %eq3A_3075 = arith.cmpi eq, %iota3A, %eq3A_3074 : vector<16xi32>
      %jit3A_3076 = arith.constant 0 : i32
      %broadcast_in_dim3A_3077 = vector.broadcast %jit3A_3076 : i32 to vector<16xi32>
      %select_n3A_3078 = arith.select %eq3A_3075, %rem3A_3072, %broadcast_in_dim3A_3077 : vector<16xi1>, vector<16xi32>
      %reduce_max3A_3079 = arith.constant true
      %reduce_max3A_3080 = vector.broadcast %reduce_max3A_3079 : i1 to vector<16xi1>
      %reduce_max3A_3081 = arith.constant -2147483648 : i32
      %reduce_max3A_3082 = vector.broadcast %reduce_max3A_3081 : i32 to vector<16xi32>
      %reduce_max3A_3083 = arith.xori %select_n3A_3078, %reduce_max3A_3082 : vector<16xi32>
      %reduce_max3A_3084 = tpu.scan <max>, %reduce_max3A_3083 masked %reduce_max3A_3080 : vector<16xi32>, vector<16xi1> -> vector<16xi32>
      %reduce_max3A_3085 = arith.xori %reduce_max3A_3084, %reduce_max3A_3082 : vector<16xi32>
      %reduce_max3A_3086 = vector.extract %reduce_max3A_3085[15] : i32 from vector<16xi32>
      %broadcast_in_dim3A_3087 = vector.broadcast %reduce_max3A_3086 : i32 to vector<16xi32>
      %mul3A_3088 = arith.constant 16 : i32
      %mul3A_3089 = arith.muli %sub3A_3065, %mul3A_3088 : i32
      %add3A_3090 = arith.constant 9 : i32
      %add3A_3091 = arith.addi %mul3A_3089, %add3A_3090 : i32
      %broadcast_in_dim3A_3092 = vector.broadcast %add3A_3091 : i32 to vector<16xi32>
      %add3A_3093 = arith.constant 0 : i32
      %add3A_3094 = vector.broadcast %add3A_3093 : i32 to vector<16xi32>
      %add3A_3095 = arith.addi %iota3A, %add3A_3094 : vector<16xi32>
      %gather3A_3096 = arith.constant 9 : i32
      %gather3A_3097 = arith.constant 0 : i32
      %gather3A_3098 = arith.constant 0 : i32
      %gather3A_3099 = tpu.memref_slice %arg6[%gather3A_3096, %gather3A_3097, %gather3A_3098] : memref<16x32x128xf32, #tpu.memory_space<vmem>> -> memref<1x32x128xf32, #tpu.memory_space<vmem>>
      %gather3A_3100 = tpu.memref_squeeze %gather3A_3099 : memref<1x32x128xf32, #tpu.memory_space<vmem>> -> memref<32x128xf32, #tpu.memory_space<vmem>>
      %gather3A_3101 = tpu.vector_load_idx %gather3A_3100[%add3A_3095, %broadcast_in_dim3A_3087] : memref<32x128xf32, #tpu.memory_space<vmem>>[vector<16xi32>, vector<16xi32>], vector<16xf32>,
      tpu.vector_store_idx %arg7[%add3A_3095, %broadcast_in_dim3A_3092], %gather3A_3101 : memref<32x512xf32, #tpu.memory_space<vmem>>[vector<16xi32>, vector<16xi32>], vector<16xf32>,
      %add3A_3102 = arith.constant 16 : i32
      %add3A_3103 = vector.broadcast %add3A_3102 : i32 to vector<16xi32>
      %add3A_3104 = arith.addi %iota3A, %add3A_3103 : vector<16xi32>
      %gather3A_3105 = arith.constant 9 : i32
      %gather3A_3106 = arith.constant 0 : i32
      %gather3A_3107 = arith.constant 0 : i32
      %gather3A_3108 = tpu.memref_slice %arg6[%gather3A_3105, %gather3A_3106, %gather3A_3107] : memref<16x32x128xf32, #tpu.memory_space<vmem>> -> memref<1x32x128xf32, #tpu.memory_space<vmem>>
      %gather3A_3109 = tpu.memref_squeeze %gather3A_3108 : memref<1x32x128xf32, #tpu.memory_space<vmem>> -> memref<32x128xf32, #tpu.memory_space<vmem>>
      %gather3A_3110 = tpu.vector_load_idx %gather3A_3109[%add3A_3104, %broadcast_in_dim3A_3087] : memref<32x128xf32, #tpu.memory_space<vmem>>[vector<16xi32>, vector<16xi32>], vector<16xf32>,
      tpu.vector_store_idx %arg7[%add3A_3104, %broadcast_in_dim3A_3092], %gather3A_3110 : memref<32x512xf32, #tpu.memory_space<vmem>>[vector<16xi32>, vector<16xi32>], vector<16xf32>,
      %mul3A_3111 = arith.constant 16 : i32
      %mul3A_3112 = arith.muli %scan3A_1896, %mul3A_3111 : i32
      %get3A_3113 = arith.index_cast %mul3A_3112 : i32 to index
      %get3A_3114 = tpu.vector_load %arg5[%get3A_3113] {strides = array<i32>} : memref<512xi32, #tpu.memory_space<vmem>>, vector<16xi32>,
      %jit3A_3115 = arith.constant 128 : i32
      %div3A_3116 = vector.broadcast %jit3A_3115 : i32 to vector<16xi32>
      %div3A_3117 = arith.divsi %get3A_3114, %div3A_3116 : vector<16xi32>
      %sign3A_3118 = arith.constant 0 : i32
      %sign3A_3119 = vector.broadcast %sign3A_3118 : i32 to vector<16xi32>
      %sign3A_3120 = arith.cmpi sgt, %get3A_3114, %sign3A_3119 : vector<16xi32>
      %sign3A_3121 = arith.extui %sign3A_3120 : vector<16xi1> to vector<16xi32>
      %sign3A_3122 = arith.constant 0 : i32
      %sign3A_3123 = vector.broadcast %sign3A_3122 : i32 to vector<16xi32>
      %sign3A_3124 = arith.cmpi slt, %get3A_3114, %sign3A_3123 : vector<16xi32>
      %sign3A_3125 = arith.extui %sign3A_3124 : vector<16xi1> to vector<16xi32>
      %sign3A_3126 = arith.subi %sign3A_3121, %sign3A_3125 : vector<16xi32>
      %sign3A_3127 = arith.constant 0 : i32
      %sign3A_3128 = arith.cmpi sgt, %jit3A_3115, %sign3A_3127 : i32
      %sign3A_3129 = arith.extui %sign3A_3128 : i1 to i32
      %sign3A_3130 = arith.constant 0 : i32
      %sign3A_3131 = arith.cmpi slt, %jit3A_3115, %sign3A_3130 : i32
      %sign3A_3132 = arith.extui %sign3A_3131 : i1 to i32
      %sign3A_3133 = arith.subi %sign3A_3129, %sign3A_3132 : i32
      %ne3A_3134 = vector.broadcast %sign3A_3133 : i32 to vector<16xi32>
      %ne3A_3135 = arith.cmpi ne, %sign3A_3126, %ne3A_3134 : vector<16xi32>
      %rem3A_3136 = vector.broadcast %jit3A_3115 : i32 to vector<16xi32>
      %rem3A_3137 = arith.remsi %get3A_3114, %rem3A_3136 : vector<16xi32>
      %ne3A_3138 = arith.constant 0 : i32
      %ne3A_3139 = vector.broadcast %ne3A_3138 : i32 to vector<16xi32>
      %ne3A_3140 = arith.cmpi ne, %rem3A_3137, %ne3A_3139 : vector<16xi32>
      %and3A_3141 = arith.andi %ne3A_3135, %ne3A_3140 : vector<16xi1>
      %sub3A_3142 = arith.constant 1 : i32
      %sub3A_3143 = vector.broadcast %sub3A_3142 : i32 to vector<16xi32>
      %sub3A_3144 = arith.subi %div3A_3117, %sub3A_3143 : vector<16xi32>
      %select_n3A_3145 = arith.select %and3A_3141, %sub3A_3144, %div3A_3117 : vector<16xi1>, vector<16xi32>
      %mul3A_3146 = arith.constant 128 : i32
      %mul3A_3147 = vector.broadcast %mul3A_3146 : i32 to vector<16xi32>
      %mul3A_3148 = arith.muli %select_n3A_3145, %mul3A_3147 : vector<16xi32>
      %eq3A_3149 = arith.constant 9 : i32
      %eq3A_3150 = vector.broadcast %eq3A_3149 : i32 to vector<16xi32>
      %eq3A_3151 = arith.cmpi eq, %iota3A, %eq3A_3150 : vector<16xi32>
      %jit3A_3152 = arith.constant 0 : i32
      %broadcast_in_dim3A_3153 = vector.broadcast %jit3A_3152 : i32 to vector<16xi32>
      %select_n3A_3154 = arith.select %eq3A_3151, %mul3A_3148, %broadcast_in_dim3A_3153 : vector<16xi1>, vector<16xi32>
      %reduce_max3A_3155 = arith.constant true
      %reduce_max3A_3156 = vector.broadcast %reduce_max3A_3155 : i1 to vector<16xi1>
      %reduce_max3A_3157 = arith.constant -2147483648 : i32
      %reduce_max3A_3158 = vector.broadcast %reduce_max3A_3157 : i32 to vector<16xi32>
      %reduce_max3A_3159 = arith.xori %select_n3A_3154, %reduce_max3A_3158 : vector<16xi32>
      %reduce_max3A_3160 = tpu.scan <max>, %reduce_max3A_3159 masked %reduce_max3A_3156 : vector<16xi32>, vector<16xi1> -> vector<16xi32>
      %reduce_max3A_3161 = arith.xori %reduce_max3A_3160, %reduce_max3A_3158 : vector<16xi32>
      %reduce_max3A_3162 = vector.extract %reduce_max3A_3161[15] : i32 from vector<16xi32>
      %multiple_of3A_3163 = tpu.assume_multiple %reduce_max3A_3162, 128 : i32
      %dma_start3A_3164 = arith.constant 9 : i32
      %dma_start3A_3165 = arith.constant 0 : i32
      %dma_start3A_3166 = arith.constant 0 : i32
      %dma_start3A_3167 = tpu.memref_slice %arg6[%dma_start3A_3164, %dma_start3A_3165, %dma_start3A_3166] : memref<16x32x128xf32, #tpu.memory_space<vmem>> -> memref<1x32x128xf32, #tpu.memory_space<vmem>>
      %dma_start3A_3168 = tpu.memref_squeeze %dma_start3A_3167 : memref<1x32x128xf32, #tpu.memory_space<vmem>> -> memref<32x128xf32, #tpu.memory_space<vmem>>
      %dma_start3A_3169 = arith.constant 0 : i32
      %dma_start3A_3170 = tpu.memref_slice %arg2[%dma_start3A_3169, %multiple_of3A_3163] : memref<32x1000000xf32, #tpu.memory_space<hbm>> -> memref<32x128xf32, #tpu.memory_space<hbm>>
      %dma_start3A_3171 = arith.constant 0 : i32
      %dma_start3A_3172 = arith.constant 0 : i32
      %dma_start3A_3173 = tpu.memref_slice %arg6[%dma_start3A_3164, %dma_start3A_3171, %dma_start3A_3172] : memref<16x32x128xf32, #tpu.memory_space<vmem>> -> memref<1x32x128xf32, #tpu.memory_space<vmem>>
      %dma_start3A_3174 = tpu.memref_squeeze %dma_start3A_3173 : memref<1x32x128xf32, #tpu.memory_space<vmem>> -> memref<32x128xf32, #tpu.memory_space<vmem>>
      %dma_start3A_3175 = arith.constant 0 : i32
      %dma_start3A_3176 = tpu.memref_slice %arg2[%dma_start3A_3175, %multiple_of3A_3163] : memref<32x1000000xf32, #tpu.memory_space<hbm>> -> memref<32x128xf32, #tpu.memory_space<hbm>>
      tpu.enqueue_dma source(%dma_start3A_3176 : memref<32x128xf32, #tpu.memory_space<hbm>>) target(%dma_start3A_3174 : memref<32x128xf32, #tpu.memory_space<vmem>>) target_semaphore(%arg17 : memref<!tpu.dma_semaphore, #tpu.memory_space<semaphore_mem>>)
      %dma_wait3A_3177 = arith.constant 10 : i32
      %dma_wait3A_3178 = arith.constant 0 : i32
      %dma_wait3A_3179 = arith.constant 0 : i32
      %dma_wait3A_3180 = tpu.memref_slice %arg6[%dma_wait3A_3177, %dma_wait3A_3178, %dma_wait3A_3179] : memref<16x32x128xf32, #tpu.memory_space<vmem>> -> memref<1x32x128xf32, #tpu.memory_space<vmem>>
      %dma_wait3A_3181 = tpu.memref_squeeze %dma_wait3A_3180 : memref<1x32x128xf32, #tpu.memory_space<vmem>> -> memref<32x128xf32, #tpu.memory_space<vmem>>
      %dma_wait3A_3182 = arith.constant 0 : i32
      %dma_wait3A_3183 = arith.constant 0 : i32
      %dma_wait3A_3184 = tpu.memref_slice %arg2[%dma_wait3A_3182, %dma_wait3A_3183] : memref<32x1000000xf32, #tpu.memory_space<hbm>> -> memref<32x128xf32, #tpu.memory_space<hbm>>
      %dma_wait3A_3185 = arith.constant 0 : i32
      %dma_wait3A_3186 = arith.constant 0 : i32
      %dma_wait3A_3187 = tpu.memref_slice %arg6[%dma_wait3A_3177, %dma_wait3A_3185, %dma_wait3A_3186] : memref<16x32x128xf32, #tpu.memory_space<vmem>> -> memref<1x32x128xf32, #tpu.memory_space<vmem>>
      %dma_wait3A_3188 = tpu.memref_squeeze %dma_wait3A_3187 : memref<1x32x128xf32, #tpu.memory_space<vmem>> -> memref<32x128xf32, #tpu.memory_space<vmem>>
      %dma_wait3A_3189 = arith.constant 0 : i32
      %dma_wait3A_3190 = arith.constant 0 : i32
      %dma_wait3A_3191 = tpu.memref_slice %arg2[%dma_wait3A_3189, %dma_wait3A_3190] : memref<32x1000000xf32, #tpu.memory_space<hbm>> -> memref<32x128xf32, #tpu.memory_space<hbm>>
      tpu.wait_dma2 semaphore(%arg18 : memref<!tpu.dma_semaphore, #tpu.memory_space<semaphore_mem>>) src(%dma_wait3A_3191 : memref<32x128xf32, #tpu.memory_space<hbm>>) dst(%dma_wait3A_3188 : memref<32x128xf32, #tpu.memory_space<vmem>>)
      %sub3A_3192 = arith.constant 1 : i32
      %sub3A_3193 = arith.subi %scan3A_1896, %sub3A_3192 : i32
      %mul3A_3194 = arith.constant 16 : i32
      %mul3A_3195 = arith.muli %sub3A_3193, %mul3A_3194 : i32
      %get3A_3196 = arith.index_cast %mul3A_3195 : i32 to index
      %get3A_3197 = tpu.vector_load %arg5[%get3A_3196] {strides = array<i32>} : memref<512xi32, #tpu.memory_space<vmem>>, vector<16xi32>,
      %rem3A_3198 = arith.constant 128 : i32
      %rem3A_3199 = vector.broadcast %rem3A_3198 : i32 to vector<16xi32>
      %rem3A_3200 = arith.remsi %get3A_3197, %rem3A_3199 : vector<16xi32>
      %eq3A_3201 = arith.constant 10 : i32
      %eq3A_3202 = vector.broadcast %eq3A_3201 : i32 to vector<16xi32>
      %eq3A_3203 = arith.cmpi eq, %iota3A, %eq3A_3202 : vector<16xi32>
      %jit3A_3204 = arith.constant 0 : i32
      %broadcast_in_dim3A_3205 = vector.broadcast %jit3A_3204 : i32 to vector<16xi32>
      %select_n3A_3206 = arith.select %eq3A_3203, %rem3A_3200, %broadcast_in_dim3A_3205 : vector<16xi1>, vector<16xi32>
      %reduce_max3A_3207 = arith.constant true
      %reduce_max3A_3208 = vector.broadcast %reduce_max3A_3207 : i1 to vector<16xi1>
      %reduce_max3A_3209 = arith.constant -2147483648 : i32
      %reduce_max3A_3210 = vector.broadcast %reduce_max3A_3209 : i32 to vector<16xi32>
      %reduce_max3A_3211 = arith.xori %select_n3A_3206, %reduce_max3A_3210 : vector<16xi32>
      %reduce_max3A_3212 = tpu.scan <max>, %reduce_max3A_3211 masked %reduce_max3A_3208 : vector<16xi32>, vector<16xi1> -> vector<16xi32>
      %reduce_max3A_3213 = arith.xori %reduce_max3A_3212, %reduce_max3A_3210 : vector<16xi32>
      %reduce_max3A_3214 = vector.extract %reduce_max3A_3213[15] : i32 from vector<16xi32>
      %broadcast_in_dim3A_3215 = vector.broadcast %reduce_max3A_3214 : i32 to vector<16xi32>
      %mul3A_3216 = arith.constant 16 : i32
      %mul3A_3217 = arith.muli %sub3A_3193, %mul3A_3216 : i32
      %add3A_3218 = arith.constant 10 : i32
      %add3A_3219 = arith.addi %mul3A_3217, %add3A_3218 : i32
      %broadcast_in_dim3A_3220 = vector.broadcast %add3A_3219 : i32 to vector<16xi32>
      %add3A_3221 = arith.constant 0 : i32
      %add3A_3222 = vector.broadcast %add3A_3221 : i32 to vector<16xi32>
      %add3A_3223 = arith.addi %iota3A, %add3A_3222 : vector<16xi32>
      %gather3A_3224 = arith.constant 10 : i32
      %gather3A_3225 = arith.constant 0 : i32
      %gather3A_3226 = arith.constant 0 : i32
      %gather3A_3227 = tpu.memref_slice %arg6[%gather3A_3224, %gather3A_3225, %gather3A_3226] : memref<16x32x128xf32, #tpu.memory_space<vmem>> -> memref<1x32x128xf32, #tpu.memory_space<vmem>>
      %gather3A_3228 = tpu.memref_squeeze %gather3A_3227 : memref<1x32x128xf32, #tpu.memory_space<vmem>> -> memref<32x128xf32, #tpu.memory_space<vmem>>
      %gather3A_3229 = tpu.vector_load_idx %gather3A_3228[%add3A_3223, %broadcast_in_dim3A_3215] : memref<32x128xf32, #tpu.memory_space<vmem>>[vector<16xi32>, vector<16xi32>], vector<16xf32>,
      tpu.vector_store_idx %arg7[%add3A_3223, %broadcast_in_dim3A_3220], %gather3A_3229 : memref<32x512xf32, #tpu.memory_space<vmem>>[vector<16xi32>, vector<16xi32>], vector<16xf32>,
      %add3A_3230 = arith.constant 16 : i32
      %add3A_3231 = vector.broadcast %add3A_3230 : i32 to vector<16xi32>
      %add3A_3232 = arith.addi %iota3A, %add3A_3231 : vector<16xi32>
      %gather3A_3233 = arith.constant 10 : i32
      %gather3A_3234 = arith.constant 0 : i32
      %gather3A_3235 = arith.constant 0 : i32
      %gather3A_3236 = tpu.memref_slice %arg6[%gather3A_3233, %gather3A_3234, %gather3A_3235] : memref<16x32x128xf32, #tpu.memory_space<vmem>> -> memref<1x32x128xf32, #tpu.memory_space<vmem>>
      %gather3A_3237 = tpu.memref_squeeze %gather3A_3236 : memref<1x32x128xf32, #tpu.memory_space<vmem>> -> memref<32x128xf32, #tpu.memory_space<vmem>>
      %gather3A_3238 = tpu.vector_load_idx %gather3A_3237[%add3A_3232, %broadcast_in_dim3A_3215] : memref<32x128xf32, #tpu.memory_space<vmem>>[vector<16xi32>, vector<16xi32>], vector<16xf32>,
      tpu.vector_store_idx %arg7[%add3A_3232, %broadcast_in_dim3A_3220], %gather3A_3238 : memref<32x512xf32, #tpu.memory_space<vmem>>[vector<16xi32>, vector<16xi32>], vector<16xf32>,
      %mul3A_3239 = arith.constant 16 : i32
      %mul3A_3240 = arith.muli %scan3A_1896, %mul3A_3239 : i32
      %get3A_3241 = arith.index_cast %mul3A_3240 : i32 to index
      %get3A_3242 = tpu.vector_load %arg5[%get3A_3241] {strides = array<i32>} : memref<512xi32, #tpu.memory_space<vmem>>, vector<16xi32>,
      %jit3A_3243 = arith.constant 128 : i32
      %div3A_3244 = vector.broadcast %jit3A_3243 : i32 to vector<16xi32>
      %div3A_3245 = arith.divsi %get3A_3242, %div3A_3244 : vector<16xi32>
      %sign3A_3246 = arith.constant 0 : i32
      %sign3A_3247 = vector.broadcast %sign3A_3246 : i32 to vector<16xi32>
      %sign3A_3248 = arith.cmpi sgt, %get3A_3242, %sign3A_3247 : vector<16xi32>
      %sign3A_3249 = arith.extui %sign3A_3248 : vector<16xi1> to vector<16xi32>
      %sign3A_3250 = arith.constant 0 : i32
      %sign3A_3251 = vector.broadcast %sign3A_3250 : i32 to vector<16xi32>
      %sign3A_3252 = arith.cmpi slt, %get3A_3242, %sign3A_3251 : vector<16xi32>
      %sign3A_3253 = arith.extui %sign3A_3252 : vector<16xi1> to vector<16xi32>
      %sign3A_3254 = arith.subi %sign3A_3249, %sign3A_3253 : vector<16xi32>
      %sign3A_3255 = arith.constant 0 : i32
      %sign3A_3256 = arith.cmpi sgt, %jit3A_3243, %sign3A_3255 : i32
      %sign3A_3257 = arith.extui %sign3A_3256 : i1 to i32
      %sign3A_3258 = arith.constant 0 : i32
      %sign3A_3259 = arith.cmpi slt, %jit3A_3243, %sign3A_3258 : i32
      %sign3A_3260 = arith.extui %sign3A_3259 : i1 to i32
      %sign3A_3261 = arith.subi %sign3A_3257, %sign3A_3260 : i32
      %ne3A_3262 = vector.broadcast %sign3A_3261 : i32 to vector<16xi32>
      %ne3A_3263 = arith.cmpi ne, %sign3A_3254, %ne3A_3262 : vector<16xi32>
      %rem3A_3264 = vector.broadcast %jit3A_3243 : i32 to vector<16xi32>
      %rem3A_3265 = arith.remsi %get3A_3242, %rem3A_3264 : vector<16xi32>
      %ne3A_3266 = arith.constant 0 : i32
      %ne3A_3267 = vector.broadcast %ne3A_3266 : i32 to vector<16xi32>
      %ne3A_3268 = arith.cmpi ne, %rem3A_3265, %ne3A_3267 : vector<16xi32>
      %and3A_3269 = arith.andi %ne3A_3263, %ne3A_3268 : vector<16xi1>
      %sub3A_3270 = arith.constant 1 : i32
      %sub3A_3271 = vector.broadcast %sub3A_3270 : i32 to vector<16xi32>
      %sub3A_3272 = arith.subi %div3A_3245, %sub3A_3271 : vector<16xi32>
      %select_n3A_3273 = arith.select %and3A_3269, %sub3A_3272, %div3A_3245 : vector<16xi1>, vector<16xi32>
      %mul3A_3274 = arith.constant 128 : i32
      %mul3A_3275 = vector.broadcast %mul3A_3274 : i32 to vector<16xi32>
      %mul3A_3276 = arith.muli %select_n3A_3273, %mul3A_3275 : vector<16xi32>
      %eq3A_3277 = arith.constant 10 : i32
      %eq3A_3278 = vector.broadcast %eq3A_3277 : i32 to vector<16xi32>
      %eq3A_3279 = arith.cmpi eq, %iota3A, %eq3A_3278 : vector<16xi32>
      %jit3A_3280 = arith.constant 0 : i32
      %broadcast_in_dim3A_3281 = vector.broadcast %jit3A_3280 : i32 to vector<16xi32>
      %select_n3A_3282 = arith.select %eq3A_3279, %mul3A_3276, %broadcast_in_dim3A_3281 : vector<16xi1>, vector<16xi32>
      %reduce_max3A_3283 = arith.constant true
      %reduce_max3A_3284 = vector.broadcast %reduce_max3A_3283 : i1 to vector<16xi1>
      %reduce_max3A_3285 = arith.constant -2147483648 : i32
      %reduce_max3A_3286 = vector.broadcast %reduce_max3A_3285 : i32 to vector<16xi32>
      %reduce_max3A_3287 = arith.xori %select_n3A_3282, %reduce_max3A_3286 : vector<16xi32>
      %reduce_max3A_3288 = tpu.scan <max>, %reduce_max3A_3287 masked %reduce_max3A_3284 : vector<16xi32>, vector<16xi1> -> vector<16xi32>
      %reduce_max3A_3289 = arith.xori %reduce_max3A_3288, %reduce_max3A_3286 : vector<16xi32>
      %reduce_max3A_3290 = vector.extract %reduce_max3A_3289[15] : i32 from vector<16xi32>
      %multiple_of3A_3291 = tpu.assume_multiple %reduce_max3A_3290, 128 : i32
      %dma_start3A_3292 = arith.constant 10 : i32
      %dma_start3A_3293 = arith.constant 0 : i32
      %dma_start3A_3294 = arith.constant 0 : i32
      %dma_start3A_3295 = tpu.memref_slice %arg6[%dma_start3A_3292, %dma_start3A_3293, %dma_start3A_3294] : memref<16x32x128xf32, #tpu.memory_space<vmem>> -> memref<1x32x128xf32, #tpu.memory_space<vmem>>
      %dma_start3A_3296 = tpu.memref_squeeze %dma_start3A_3295 : memref<1x32x128xf32, #tpu.memory_space<vmem>> -> memref<32x128xf32, #tpu.memory_space<vmem>>
      %dma_start3A_3297 = arith.constant 0 : i32
      %dma_start3A_3298 = tpu.memref_slice %arg2[%dma_start3A_3297, %multiple_of3A_3291] : memref<32x1000000xf32, #tpu.memory_space<hbm>> -> memref<32x128xf32, #tpu.memory_space<hbm>>
      %dma_start3A_3299 = arith.constant 0 : i32
      %dma_start3A_3300 = arith.constant 0 : i32
      %dma_start3A_3301 = tpu.memref_slice %arg6[%dma_start3A_3292, %dma_start3A_3299, %dma_start3A_3300] : memref<16x32x128xf32, #tpu.memory_space<vmem>> -> memref<1x32x128xf32, #tpu.memory_space<vmem>>
      %dma_start3A_3302 = tpu.memref_squeeze %dma_start3A_3301 : memref<1x32x128xf32, #tpu.memory_space<vmem>> -> memref<32x128xf32, #tpu.memory_space<vmem>>
      %dma_start3A_3303 = arith.constant 0 : i32
      %dma_start3A_3304 = tpu.memref_slice %arg2[%dma_start3A_3303, %multiple_of3A_3291] : memref<32x1000000xf32, #tpu.memory_space<hbm>> -> memref<32x128xf32, #tpu.memory_space<hbm>>
      tpu.enqueue_dma source(%dma_start3A_3304 : memref<32x128xf32, #tpu.memory_space<hbm>>) target(%dma_start3A_3302 : memref<32x128xf32, #tpu.memory_space<vmem>>) target_semaphore(%arg18 : memref<!tpu.dma_semaphore, #tpu.memory_space<semaphore_mem>>)
      %dma_wait3A_3305 = arith.constant 11 : i32
      %dma_wait3A_3306 = arith.constant 0 : i32
      %dma_wait3A_3307 = arith.constant 0 : i32
      %dma_wait3A_3308 = tpu.memref_slice %arg6[%dma_wait3A_3305, %dma_wait3A_3306, %dma_wait3A_3307] : memref<16x32x128xf32, #tpu.memory_space<vmem>> -> memref<1x32x128xf32, #tpu.memory_space<vmem>>
      %dma_wait3A_3309 = tpu.memref_squeeze %dma_wait3A_3308 : memref<1x32x128xf32, #tpu.memory_space<vmem>> -> memref<32x128xf32, #tpu.memory_space<vmem>>
      %dma_wait3A_3310 = arith.constant 0 : i32
      %dma_wait3A_3311 = arith.constant 0 : i32
      %dma_wait3A_3312 = tpu.memref_slice %arg2[%dma_wait3A_3310, %dma_wait3A_3311] : memref<32x1000000xf32, #tpu.memory_space<hbm>> -> memref<32x128xf32, #tpu.memory_space<hbm>>
      %dma_wait3A_3313 = arith.constant 0 : i32
      %dma_wait3A_3314 = arith.constant 0 : i32
      %dma_wait3A_3315 = tpu.memref_slice %arg6[%dma_wait3A_3305, %dma_wait3A_3313, %dma_wait3A_3314] : memref<16x32x128xf32, #tpu.memory_space<vmem>> -> memref<1x32x128xf32, #tpu.memory_space<vmem>>
      %dma_wait3A_3316 = tpu.memref_squeeze %dma_wait3A_3315 : memref<1x32x128xf32, #tpu.memory_space<vmem>> -> memref<32x128xf32, #tpu.memory_space<vmem>>
      %dma_wait3A_3317 = arith.constant 0 : i32
      %dma_wait3A_3318 = arith.constant 0 : i32
      %dma_wait3A_3319 = tpu.memref_slice %arg2[%dma_wait3A_3317, %dma_wait3A_3318] : memref<32x1000000xf32, #tpu.memory_space<hbm>> -> memref<32x128xf32, #tpu.memory_space<hbm>>
      tpu.wait_dma2 semaphore(%arg19 : memref<!tpu.dma_semaphore, #tpu.memory_space<semaphore_mem>>) src(%dma_wait3A_3319 : memref<32x128xf32, #tpu.memory_space<hbm>>) dst(%dma_wait3A_3316 : memref<32x128xf32, #tpu.memory_space<vmem>>)
      %sub3A_3320 = arith.constant 1 : i32
      %sub3A_3321 = arith.subi %scan3A_1896, %sub3A_3320 : i32
      %mul3A_3322 = arith.constant 16 : i32
      %mul3A_3323 = arith.muli %sub3A_3321, %mul3A_3322 : i32
      %get3A_3324 = arith.index_cast %mul3A_3323 : i32 to index
      %get3A_3325 = tpu.vector_load %arg5[%get3A_3324] {strides = array<i32>} : memref<512xi32, #tpu.memory_space<vmem>>, vector<16xi32>,
      %rem3A_3326 = arith.constant 128 : i32
      %rem3A_3327 = vector.broadcast %rem3A_3326 : i32 to vector<16xi32>
      %rem3A_3328 = arith.remsi %get3A_3325, %rem3A_3327 : vector<16xi32>
      %eq3A_3329 = arith.constant 11 : i32
      %eq3A_3330 = vector.broadcast %eq3A_3329 : i32 to vector<16xi32>
      %eq3A_3331 = arith.cmpi eq, %iota3A, %eq3A_3330 : vector<16xi32>
      %jit3A_3332 = arith.constant 0 : i32
      %broadcast_in_dim3A_3333 = vector.broadcast %jit3A_3332 : i32 to vector<16xi32>
      %select_n3A_3334 = arith.select %eq3A_3331, %rem3A_3328, %broadcast_in_dim3A_3333 : vector<16xi1>, vector<16xi32>
      %reduce_max3A_3335 = arith.constant true
      %reduce_max3A_3336 = vector.broadcast %reduce_max3A_3335 : i1 to vector<16xi1>
      %reduce_max3A_3337 = arith.constant -2147483648 : i32
      %reduce_max3A_3338 = vector.broadcast %reduce_max3A_3337 : i32 to vector<16xi32>
      %reduce_max3A_3339 = arith.xori %select_n3A_3334, %reduce_max3A_3338 : vector<16xi32>
      %reduce_max3A_3340 = tpu.scan <max>, %reduce_max3A_3339 masked %reduce_max3A_3336 : vector<16xi32>, vector<16xi1> -> vector<16xi32>
      %reduce_max3A_3341 = arith.xori %reduce_max3A_3340, %reduce_max3A_3338 : vector<16xi32>
      %reduce_max3A_3342 = vector.extract %reduce_max3A_3341[15] : i32 from vector<16xi32>
      %broadcast_in_dim3A_3343 = vector.broadcast %reduce_max3A_3342 : i32 to vector<16xi32>
      %mul3A_3344 = arith.constant 16 : i32
      %mul3A_3345 = arith.muli %sub3A_3321, %mul3A_3344 : i32
      %add3A_3346 = arith.constant 11 : i32
      %add3A_3347 = arith.addi %mul3A_3345, %add3A_3346 : i32
      %broadcast_in_dim3A_3348 = vector.broadcast %add3A_3347 : i32 to vector<16xi32>
      %add3A_3349 = arith.constant 0 : i32
      %add3A_3350 = vector.broadcast %add3A_3349 : i32 to vector<16xi32>
      %add3A_3351 = arith.addi %iota3A, %add3A_3350 : vector<16xi32>
      %gather3A_3352 = arith.constant 11 : i32
      %gather3A_3353 = arith.constant 0 : i32
      %gather3A_3354 = arith.constant 0 : i32
      %gather3A_3355 = tpu.memref_slice %arg6[%gather3A_3352, %gather3A_3353, %gather3A_3354] : memref<16x32x128xf32, #tpu.memory_space<vmem>> -> memref<1x32x128xf32, #tpu.memory_space<vmem>>
      %gather3A_3356 = tpu.memref_squeeze %gather3A_3355 : memref<1x32x128xf32, #tpu.memory_space<vmem>> -> memref<32x128xf32, #tpu.memory_space<vmem>>
      %gather3A_3357 = tpu.vector_load_idx %gather3A_3356[%add3A_3351, %broadcast_in_dim3A_3343] : memref<32x128xf32, #tpu.memory_space<vmem>>[vector<16xi32>, vector<16xi32>], vector<16xf32>,
      tpu.vector_store_idx %arg7[%add3A_3351, %broadcast_in_dim3A_3348], %gather3A_3357 : memref<32x512xf32, #tpu.memory_space<vmem>>[vector<16xi32>, vector<16xi32>], vector<16xf32>,
      %add3A_3358 = arith.constant 16 : i32
      %add3A_3359 = vector.broadcast %add3A_3358 : i32 to vector<16xi32>
      %add3A_3360 = arith.addi %iota3A, %add3A_3359 : vector<16xi32>
      %gather3A_3361 = arith.constant 11 : i32
      %gather3A_3362 = arith.constant 0 : i32
      %gather3A_3363 = arith.constant 0 : i32
      %gather3A_3364 = tpu.memref_slice %arg6[%gather3A_3361, %gather3A_3362, %gather3A_3363] : memref<16x32x128xf32, #tpu.memory_space<vmem>> -> memref<1x32x128xf32, #tpu.memory_space<vmem>>
      %gather3A_3365 = tpu.memref_squeeze %gather3A_3364 : memref<1x32x128xf32, #tpu.memory_space<vmem>> -> memref<32x128xf32, #tpu.memory_space<vmem>>
      %gather3A_3366 = tpu.vector_load_idx %gather3A_3365[%add3A_3360, %broadcast_in_dim3A_3343] : memref<32x128xf32, #tpu.memory_space<vmem>>[vector<16xi32>, vector<16xi32>], vector<16xf32>,
      tpu.vector_store_idx %arg7[%add3A_3360, %broadcast_in_dim3A_3348], %gather3A_3366 : memref<32x512xf32, #tpu.memory_space<vmem>>[vector<16xi32>, vector<16xi32>], vector<16xf32>,
      %mul3A_3367 = arith.constant 16 : i32
      %mul3A_3368 = arith.muli %scan3A_1896, %mul3A_3367 : i32
      %get3A_3369 = arith.index_cast %mul3A_3368 : i32 to index
      %get3A_3370 = tpu.vector_load %arg5[%get3A_3369] {strides = array<i32>} : memref<512xi32, #tpu.memory_space<vmem>>, vector<16xi32>,
      %jit3A_3371 = arith.constant 128 : i32
      %div3A_3372 = vector.broadcast %jit3A_3371 : i32 to vector<16xi32>
      %div3A_3373 = arith.divsi %get3A_3370, %div3A_3372 : vector<16xi32>
      %sign3A_3374 = arith.constant 0 : i32
      %sign3A_3375 = vector.broadcast %sign3A_3374 : i32 to vector<16xi32>
      %sign3A_3376 = arith.cmpi sgt, %get3A_3370, %sign3A_3375 : vector<16xi32>
      %sign3A_3377 = arith.extui %sign3A_3376 : vector<16xi1> to vector<16xi32>
      %sign3A_3378 = arith.constant 0 : i32
      %sign3A_3379 = vector.broadcast %sign3A_3378 : i32 to vector<16xi32>
      %sign3A_3380 = arith.cmpi slt, %get3A_3370, %sign3A_3379 : vector<16xi32>
      %sign3A_3381 = arith.extui %sign3A_3380 : vector<16xi1> to vector<16xi32>
      %sign3A_3382 = arith.subi %sign3A_3377, %sign3A_3381 : vector<16xi32>
      %sign3A_3383 = arith.constant 0 : i32
      %sign3A_3384 = arith.cmpi sgt, %jit3A_3371, %sign3A_3383 : i32
      %sign3A_3385 = arith.extui %sign3A_3384 : i1 to i32
      %sign3A_3386 = arith.constant 0 : i32
      %sign3A_3387 = arith.cmpi slt, %jit3A_3371, %sign3A_3386 : i32
      %sign3A_3388 = arith.extui %sign3A_3387 : i1 to i32
      %sign3A_3389 = arith.subi %sign3A_3385, %sign3A_3388 : i32
      %ne3A_3390 = vector.broadcast %sign3A_3389 : i32 to vector<16xi32>
      %ne3A_3391 = arith.cmpi ne, %sign3A_3382, %ne3A_3390 : vector<16xi32>
      %rem3A_3392 = vector.broadcast %jit3A_3371 : i32 to vector<16xi32>
      %rem3A_3393 = arith.remsi %get3A_3370, %rem3A_3392 : vector<16xi32>
      %ne3A_3394 = arith.constant 0 : i32
      %ne3A_3395 = vector.broadcast %ne3A_3394 : i32 to vector<16xi32>
      %ne3A_3396 = arith.cmpi ne, %rem3A_3393, %ne3A_3395 : vector<16xi32>
      %and3A_3397 = arith.andi %ne3A_3391, %ne3A_3396 : vector<16xi1>
      %sub3A_3398 = arith.constant 1 : i32
      %sub3A_3399 = vector.broadcast %sub3A_3398 : i32 to vector<16xi32>
      %sub3A_3400 = arith.subi %div3A_3373, %sub3A_3399 : vector<16xi32>
      %select_n3A_3401 = arith.select %and3A_3397, %sub3A_3400, %div3A_3373 : vector<16xi1>, vector<16xi32>
      %mul3A_3402 = arith.constant 128 : i32
      %mul3A_3403 = vector.broadcast %mul3A_3402 : i32 to vector<16xi32>
      %mul3A_3404 = arith.muli %select_n3A_3401, %mul3A_3403 : vector<16xi32>
      %eq3A_3405 = arith.constant 11 : i32
      %eq3A_3406 = vector.broadcast %eq3A_3405 : i32 to vector<16xi32>
      %eq3A_3407 = arith.cmpi eq, %iota3A, %eq3A_3406 : vector<16xi32>
      %jit3A_3408 = arith.constant 0 : i32
      %broadcast_in_dim3A_3409 = vector.broadcast %jit3A_3408 : i32 to vector<16xi32>
      %select_n3A_3410 = arith.select %eq3A_3407, %mul3A_3404, %broadcast_in_dim3A_3409 : vector<16xi1>, vector<16xi32>
      %reduce_max3A_3411 = arith.constant true
      %reduce_max3A_3412 = vector.broadcast %reduce_max3A_3411 : i1 to vector<16xi1>
      %reduce_max3A_3413 = arith.constant -2147483648 : i32
      %reduce_max3A_3414 = vector.broadcast %reduce_max3A_3413 : i32 to vector<16xi32>
      %reduce_max3A_3415 = arith.xori %select_n3A_3410, %reduce_max3A_3414 : vector<16xi32>
      %reduce_max3A_3416 = tpu.scan <max>, %reduce_max3A_3415 masked %reduce_max3A_3412 : vector<16xi32>, vector<16xi1> -> vector<16xi32>
      %reduce_max3A_3417 = arith.xori %reduce_max3A_3416, %reduce_max3A_3414 : vector<16xi32>
      %reduce_max3A_3418 = vector.extract %reduce_max3A_3417[15] : i32 from vector<16xi32>
      %multiple_of3A_3419 = tpu.assume_multiple %reduce_max3A_3418, 128 : i32
      %dma_start3A_3420 = arith.constant 11 : i32
      %dma_start3A_3421 = arith.constant 0 : i32
      %dma_start3A_3422 = arith.constant 0 : i32
      %dma_start3A_3423 = tpu.memref_slice %arg6[%dma_start3A_3420, %dma_start3A_3421, %dma_start3A_3422] : memref<16x32x128xf32, #tpu.memory_space<vmem>> -> memref<1x32x128xf32, #tpu.memory_space<vmem>>
      %dma_start3A_3424 = tpu.memref_squeeze %dma_start3A_3423 : memref<1x32x128xf32, #tpu.memory_space<vmem>> -> memref<32x128xf32, #tpu.memory_space<vmem>>
      %dma_start3A_3425 = arith.constant 0 : i32
      %dma_start3A_3426 = tpu.memref_slice %arg2[%dma_start3A_3425, %multiple_of3A_3419] : memref<32x1000000xf32, #tpu.memory_space<hbm>> -> memref<32x128xf32, #tpu.memory_space<hbm>>
      %dma_start3A_3427 = arith.constant 0 : i32
      %dma_start3A_3428 = arith.constant 0 : i32
      %dma_start3A_3429 = tpu.memref_slice %arg6[%dma_start3A_3420, %dma_start3A_3427, %dma_start3A_3428] : memref<16x32x128xf32, #tpu.memory_space<vmem>> -> memref<1x32x128xf32, #tpu.memory_space<vmem>>
      %dma_start3A_3430 = tpu.memref_squeeze %dma_start3A_3429 : memref<1x32x128xf32, #tpu.memory_space<vmem>> -> memref<32x128xf32, #tpu.memory_space<vmem>>
      %dma_start3A_3431 = arith.constant 0 : i32
      %dma_start3A_3432 = tpu.memref_slice %arg2[%dma_start3A_3431, %multiple_of3A_3419] : memref<32x1000000xf32, #tpu.memory_space<hbm>> -> memref<32x128xf32, #tpu.memory_space<hbm>>
      tpu.enqueue_dma source(%dma_start3A_3432 : memref<32x128xf32, #tpu.memory_space<hbm>>) target(%dma_start3A_3430 : memref<32x128xf32, #tpu.memory_space<vmem>>) target_semaphore(%arg19 : memref<!tpu.dma_semaphore, #tpu.memory_space<semaphore_mem>>)
      %dma_wait3A_3433 = arith.constant 12 : i32
      %dma_wait3A_3434 = arith.constant 0 : i32
      %dma_wait3A_3435 = arith.constant 0 : i32
      %dma_wait3A_3436 = tpu.memref_slice %arg6[%dma_wait3A_3433, %dma_wait3A_3434, %dma_wait3A_3435] : memref<16x32x128xf32, #tpu.memory_space<vmem>> -> memref<1x32x128xf32, #tpu.memory_space<vmem>>
      %dma_wait3A_3437 = tpu.memref_squeeze %dma_wait3A_3436 : memref<1x32x128xf32, #tpu.memory_space<vmem>> -> memref<32x128xf32, #tpu.memory_space<vmem>>
      %dma_wait3A_3438 = arith.constant 0 : i32
      %dma_wait3A_3439 = arith.constant 0 : i32
      %dma_wait3A_3440 = tpu.memref_slice %arg2[%dma_wait3A_3438, %dma_wait3A_3439] : memref<32x1000000xf32, #tpu.memory_space<hbm>> -> memref<32x128xf32, #tpu.memory_space<hbm>>
      %dma_wait3A_3441 = arith.constant 0 : i32
      %dma_wait3A_3442 = arith.constant 0 : i32
      %dma_wait3A_3443 = tpu.memref_slice %arg6[%dma_wait3A_3433, %dma_wait3A_3441, %dma_wait3A_3442] : memref<16x32x128xf32, #tpu.memory_space<vmem>> -> memref<1x32x128xf32, #tpu.memory_space<vmem>>
      %dma_wait3A_3444 = tpu.memref_squeeze %dma_wait3A_3443 : memref<1x32x128xf32, #tpu.memory_space<vmem>> -> memref<32x128xf32, #tpu.memory_space<vmem>>
      %dma_wait3A_3445 = arith.constant 0 : i32
      %dma_wait3A_3446 = arith.constant 0 : i32
      %dma_wait3A_3447 = tpu.memref_slice %arg2[%dma_wait3A_3445, %dma_wait3A_3446] : memref<32x1000000xf32, #tpu.memory_space<hbm>> -> memref<32x128xf32, #tpu.memory_space<hbm>>
      tpu.wait_dma2 semaphore(%arg20 : memref<!tpu.dma_semaphore, #tpu.memory_space<semaphore_mem>>) src(%dma_wait3A_3447 : memref<32x128xf32, #tpu.memory_space<hbm>>) dst(%dma_wait3A_3444 : memref<32x128xf32, #tpu.memory_space<vmem>>)
      %sub3A_3448 = arith.constant 1 : i32
      %sub3A_3449 = arith.subi %scan3A_1896, %sub3A_3448 : i32
      %mul3A_3450 = arith.constant 16 : i32
      %mul3A_3451 = arith.muli %sub3A_3449, %mul3A_3450 : i32
      %get3A_3452 = arith.index_cast %mul3A_3451 : i32 to index
      %get3A_3453 = tpu.vector_load %arg5[%get3A_3452] {strides = array<i32>} : memref<512xi32, #tpu.memory_space<vmem>>, vector<16xi32>,
      %rem3A_3454 = arith.constant 128 : i32
      %rem3A_3455 = vector.broadcast %rem3A_3454 : i32 to vector<16xi32>
      %rem3A_3456 = arith.remsi %get3A_3453, %rem3A_3455 : vector<16xi32>
      %eq3A_3457 = arith.constant 12 : i32
      %eq3A_3458 = vector.broadcast %eq3A_3457 : i32 to vector<16xi32>
      %eq3A_3459 = arith.cmpi eq, %iota3A, %eq3A_3458 : vector<16xi32>
      %jit3A_3460 = arith.constant 0 : i32
      %broadcast_in_dim3A_3461 = vector.broadcast %jit3A_3460 : i32 to vector<16xi32>
      %select_n3A_3462 = arith.select %eq3A_3459, %rem3A_3456, %broadcast_in_dim3A_3461 : vector<16xi1>, vector<16xi32>
      %reduce_max3A_3463 = arith.constant true
      %reduce_max3A_3464 = vector.broadcast %reduce_max3A_3463 : i1 to vector<16xi1>
      %reduce_max3A_3465 = arith.constant -2147483648 : i32
      %reduce_max3A_3466 = vector.broadcast %reduce_max3A_3465 : i32 to vector<16xi32>
      %reduce_max3A_3467 = arith.xori %select_n3A_3462, %reduce_max3A_3466 : vector<16xi32>
      %reduce_max3A_3468 = tpu.scan <max>, %reduce_max3A_3467 masked %reduce_max3A_3464 : vector<16xi32>, vector<16xi1> -> vector<16xi32>
      %reduce_max3A_3469 = arith.xori %reduce_max3A_3468, %reduce_max3A_3466 : vector<16xi32>
      %reduce_max3A_3470 = vector.extract %reduce_max3A_3469[15] : i32 from vector<16xi32>
      %broadcast_in_dim3A_3471 = vector.broadcast %reduce_max3A_3470 : i32 to vector<16xi32>
      %mul3A_3472 = arith.constant 16 : i32
      %mul3A_3473 = arith.muli %sub3A_3449, %mul3A_3472 : i32
      %add3A_3474 = arith.constant 12 : i32
      %add3A_3475 = arith.addi %mul3A_3473, %add3A_3474 : i32
      %broadcast_in_dim3A_3476 = vector.broadcast %add3A_3475 : i32 to vector<16xi32>
      %add3A_3477 = arith.constant 0 : i32
      %add3A_3478 = vector.broadcast %add3A_3477 : i32 to vector<16xi32>
      %add3A_3479 = arith.addi %iota3A, %add3A_3478 : vector<16xi32>
      %gather3A_3480 = arith.constant 12 : i32
      %gather3A_3481 = arith.constant 0 : i32
      %gather3A_3482 = arith.constant 0 : i32
      %gather3A_3483 = tpu.memref_slice %arg6[%gather3A_3480, %gather3A_3481, %gather3A_3482] : memref<16x32x128xf32, #tpu.memory_space<vmem>> -> memref<1x32x128xf32, #tpu.memory_space<vmem>>
      %gather3A_3484 = tpu.memref_squeeze %gather3A_3483 : memref<1x32x128xf32, #tpu.memory_space<vmem>> -> memref<32x128xf32, #tpu.memory_space<vmem>>
      %gather3A_3485 = tpu.vector_load_idx %gather3A_3484[%add3A_3479, %broadcast_in_dim3A_3471] : memref<32x128xf32, #tpu.memory_space<vmem>>[vector<16xi32>, vector<16xi32>], vector<16xf32>,
      tpu.vector_store_idx %arg7[%add3A_3479, %broadcast_in_dim3A_3476], %gather3A_3485 : memref<32x512xf32, #tpu.memory_space<vmem>>[vector<16xi32>, vector<16xi32>], vector<16xf32>,
      %add3A_3486 = arith.constant 16 : i32
      %add3A_3487 = vector.broadcast %add3A_3486 : i32 to vector<16xi32>
      %add3A_3488 = arith.addi %iota3A, %add3A_3487 : vector<16xi32>
      %gather3A_3489 = arith.constant 12 : i32
      %gather3A_3490 = arith.constant 0 : i32
      %gather3A_3491 = arith.constant 0 : i32
      %gather3A_3492 = tpu.memref_slice %arg6[%gather3A_3489, %gather3A_3490, %gather3A_3491] : memref<16x32x128xf32, #tpu.memory_space<vmem>> -> memref<1x32x128xf32, #tpu.memory_space<vmem>>
      %gather3A_3493 = tpu.memref_squeeze %gather3A_3492 : memref<1x32x128xf32, #tpu.memory_space<vmem>> -> memref<32x128xf32, #tpu.memory_space<vmem>>
      %gather3A_3494 = tpu.vector_load_idx %gather3A_3493[%add3A_3488, %broadcast_in_dim3A_3471] : memref<32x128xf32, #tpu.memory_space<vmem>>[vector<16xi32>, vector<16xi32>], vector<16xf32>,
      tpu.vector_store_idx %arg7[%add3A_3488, %broadcast_in_dim3A_3476], %gather3A_3494 : memref<32x512xf32, #tpu.memory_space<vmem>>[vector<16xi32>, vector<16xi32>], vector<16xf32>,
      %mul3A_3495 = arith.constant 16 : i32
      %mul3A_3496 = arith.muli %scan3A_1896, %mul3A_3495 : i32
      %get3A_3497 = arith.index_cast %mul3A_3496 : i32 to index
      %get3A_3498 = tpu.vector_load %arg5[%get3A_3497] {strides = array<i32>} : memref<512xi32, #tpu.memory_space<vmem>>, vector<16xi32>,
      %jit3A_3499 = arith.constant 128 : i32
      %div3A_3500 = vector.broadcast %jit3A_3499 : i32 to vector<16xi32>
      %div3A_3501 = arith.divsi %get3A_3498, %div3A_3500 : vector<16xi32>
      %sign3A_3502 = arith.constant 0 : i32
      %sign3A_3503 = vector.broadcast %sign3A_3502 : i32 to vector<16xi32>
      %sign3A_3504 = arith.cmpi sgt, %get3A_3498, %sign3A_3503 : vector<16xi32>
      %sign3A_3505 = arith.extui %sign3A_3504 : vector<16xi1> to vector<16xi32>
      %sign3A_3506 = arith.constant 0 : i32
      %sign3A_3507 = vector.broadcast %sign3A_3506 : i32 to vector<16xi32>
      %sign3A_3508 = arith.cmpi slt, %get3A_3498, %sign3A_3507 : vector<16xi32>
      %sign3A_3509 = arith.extui %sign3A_3508 : vector<16xi1> to vector<16xi32>
      %sign3A_3510 = arith.subi %sign3A_3505, %sign3A_3509 : vector<16xi32>
      %sign3A_3511 = arith.constant 0 : i32
      %sign3A_3512 = arith.cmpi sgt, %jit3A_3499, %sign3A_3511 : i32
      %sign3A_3513 = arith.extui %sign3A_3512 : i1 to i32
      %sign3A_3514 = arith.constant 0 : i32
      %sign3A_3515 = arith.cmpi slt, %jit3A_3499, %sign3A_3514 : i32
      %sign3A_3516 = arith.extui %sign3A_3515 : i1 to i32
      %sign3A_3517 = arith.subi %sign3A_3513, %sign3A_3516 : i32
      %ne3A_3518 = vector.broadcast %sign3A_3517 : i32 to vector<16xi32>
      %ne3A_3519 = arith.cmpi ne, %sign3A_3510, %ne3A_3518 : vector<16xi32>
      %rem3A_3520 = vector.broadcast %jit3A_3499 : i32 to vector<16xi32>
      %rem3A_3521 = arith.remsi %get3A_3498, %rem3A_3520 : vector<16xi32>
      %ne3A_3522 = arith.constant 0 : i32
      %ne3A_3523 = vector.broadcast %ne3A_3522 : i32 to vector<16xi32>
      %ne3A_3524 = arith.cmpi ne, %rem3A_3521, %ne3A_3523 : vector<16xi32>
      %and3A_3525 = arith.andi %ne3A_3519, %ne3A_3524 : vector<16xi1>
      %sub3A_3526 = arith.constant 1 : i32
      %sub3A_3527 = vector.broadcast %sub3A_3526 : i32 to vector<16xi32>
      %sub3A_3528 = arith.subi %div3A_3501, %sub3A_3527 : vector<16xi32>
      %select_n3A_3529 = arith.select %and3A_3525, %sub3A_3528, %div3A_3501 : vector<16xi1>, vector<16xi32>
      %mul3A_3530 = arith.constant 128 : i32
      %mul3A_3531 = vector.broadcast %mul3A_3530 : i32 to vector<16xi32>
      %mul3A_3532 = arith.muli %select_n3A_3529, %mul3A_3531 : vector<16xi32>
      %eq3A_3533 = arith.constant 12 : i32
      %eq3A_3534 = vector.broadcast %eq3A_3533 : i32 to vector<16xi32>
      %eq3A_3535 = arith.cmpi eq, %iota3A, %eq3A_3534 : vector<16xi32>
      %jit3A_3536 = arith.constant 0 : i32
      %broadcast_in_dim3A_3537 = vector.broadcast %jit3A_3536 : i32 to vector<16xi32>
      %select_n3A_3538 = arith.select %eq3A_3535, %mul3A_3532, %broadcast_in_dim3A_3537 : vector<16xi1>, vector<16xi32>
      %reduce_max3A_3539 = arith.constant true
      %reduce_max3A_3540 = vector.broadcast %reduce_max3A_3539 : i1 to vector<16xi1>
      %reduce_max3A_3541 = arith.constant -2147483648 : i32
      %reduce_max3A_3542 = vector.broadcast %reduce_max3A_3541 : i32 to vector<16xi32>
      %reduce_max3A_3543 = arith.xori %select_n3A_3538, %reduce_max3A_3542 : vector<16xi32>
      %reduce_max3A_3544 = tpu.scan <max>, %reduce_max3A_3543 masked %reduce_max3A_3540 : vector<16xi32>, vector<16xi1> -> vector<16xi32>
      %reduce_max3A_3545 = arith.xori %reduce_max3A_3544, %reduce_max3A_3542 : vector<16xi32>
      %reduce_max3A_3546 = vector.extract %reduce_max3A_3545[15] : i32 from vector<16xi32>
      %multiple_of3A_3547 = tpu.assume_multiple %reduce_max3A_3546, 128 : i32
      %dma_start3A_3548 = arith.constant 12 : i32
      %dma_start3A_3549 = arith.constant 0 : i32
      %dma_start3A_3550 = arith.constant 0 : i32
      %dma_start3A_3551 = tpu.memref_slice %arg6[%dma_start3A_3548, %dma_start3A_3549, %dma_start3A_3550] : memref<16x32x128xf32, #tpu.memory_space<vmem>> -> memref<1x32x128xf32, #tpu.memory_space<vmem>>
      %dma_start3A_3552 = tpu.memref_squeeze %dma_start3A_3551 : memref<1x32x128xf32, #tpu.memory_space<vmem>> -> memref<32x128xf32, #tpu.memory_space<vmem>>
      %dma_start3A_3553 = arith.constant 0 : i32
      %dma_start3A_3554 = tpu.memref_slice %arg2[%dma_start3A_3553, %multiple_of3A_3547] : memref<32x1000000xf32, #tpu.memory_space<hbm>> -> memref<32x128xf32, #tpu.memory_space<hbm>>
      %dma_start3A_3555 = arith.constant 0 : i32
      %dma_start3A_3556 = arith.constant 0 : i32
      %dma_start3A_3557 = tpu.memref_slice %arg6[%dma_start3A_3548, %dma_start3A_3555, %dma_start3A_3556] : memref<16x32x128xf32, #tpu.memory_space<vmem>> -> memref<1x32x128xf32, #tpu.memory_space<vmem>>
      %dma_start3A_3558 = tpu.memref_squeeze %dma_start3A_3557 : memref<1x32x128xf32, #tpu.memory_space<vmem>> -> memref<32x128xf32, #tpu.memory_space<vmem>>
      %dma_start3A_3559 = arith.constant 0 : i32
      %dma_start3A_3560 = tpu.memref_slice %arg2[%dma_start3A_3559, %multiple_of3A_3547] : memref<32x1000000xf32, #tpu.memory_space<hbm>> -> memref<32x128xf32, #tpu.memory_space<hbm>>
      tpu.enqueue_dma source(%dma_start3A_3560 : memref<32x128xf32, #tpu.memory_space<hbm>>) target(%dma_start3A_3558 : memref<32x128xf32, #tpu.memory_space<vmem>>) target_semaphore(%arg20 : memref<!tpu.dma_semaphore, #tpu.memory_space<semaphore_mem>>)
      %dma_wait3A_3561 = arith.constant 13 : i32
      %dma_wait3A_3562 = arith.constant 0 : i32
      %dma_wait3A_3563 = arith.constant 0 : i32
      %dma_wait3A_3564 = tpu.memref_slice %arg6[%dma_wait3A_3561, %dma_wait3A_3562, %dma_wait3A_3563] : memref<16x32x128xf32, #tpu.memory_space<vmem>> -> memref<1x32x128xf32, #tpu.memory_space<vmem>>
      %dma_wait3A_3565 = tpu.memref_squeeze %dma_wait3A_3564 : memref<1x32x128xf32, #tpu.memory_space<vmem>> -> memref<32x128xf32, #tpu.memory_space<vmem>>
      %dma_wait3A_3566 = arith.constant 0 : i32
      %dma_wait3A_3567 = arith.constant 0 : i32
      %dma_wait3A_3568 = tpu.memref_slice %arg2[%dma_wait3A_3566, %dma_wait3A_3567] : memref<32x1000000xf32, #tpu.memory_space<hbm>> -> memref<32x128xf32, #tpu.memory_space<hbm>>
      %dma_wait3A_3569 = arith.constant 0 : i32
      %dma_wait3A_3570 = arith.constant 0 : i32
      %dma_wait3A_3571 = tpu.memref_slice %arg6[%dma_wait3A_3561, %dma_wait3A_3569, %dma_wait3A_3570] : memref<16x32x128xf32, #tpu.memory_space<vmem>> -> memref<1x32x128xf32, #tpu.memory_space<vmem>>
      %dma_wait3A_3572 = tpu.memref_squeeze %dma_wait3A_3571 : memref<1x32x128xf32, #tpu.memory_space<vmem>> -> memref<32x128xf32, #tpu.memory_space<vmem>>
      %dma_wait3A_3573 = arith.constant 0 : i32
      %dma_wait3A_3574 = arith.constant 0 : i32
      %dma_wait3A_3575 = tpu.memref_slice %arg2[%dma_wait3A_3573, %dma_wait3A_3574] : memref<32x1000000xf32, #tpu.memory_space<hbm>> -> memref<32x128xf32, #tpu.memory_space<hbm>>
      tpu.wait_dma2 semaphore(%arg21 : memref<!tpu.dma_semaphore, #tpu.memory_space<semaphore_mem>>) src(%dma_wait3A_3575 : memref<32x128xf32, #tpu.memory_space<hbm>>) dst(%dma_wait3A_3572 : memref<32x128xf32, #tpu.memory_space<vmem>>)
      %sub3A_3576 = arith.constant 1 : i32
      %sub3A_3577 = arith.subi %scan3A_1896, %sub3A_3576 : i32
      %mul3A_3578 = arith.constant 16 : i32
      %mul3A_3579 = arith.muli %sub3A_3577, %mul3A_3578 : i32
      %get3A_3580 = arith.index_cast %mul3A_3579 : i32 to index
      %get3A_3581 = tpu.vector_load %arg5[%get3A_3580] {strides = array<i32>} : memref<512xi32, #tpu.memory_space<vmem>>, vector<16xi32>,
      %rem3A_3582 = arith.constant 128 : i32
      %rem3A_3583 = vector.broadcast %rem3A_3582 : i32 to vector<16xi32>
      %rem3A_3584 = arith.remsi %get3A_3581, %rem3A_3583 : vector<16xi32>
      %eq3A_3585 = arith.constant 13 : i32
      %eq3A_3586 = vector.broadcast %eq3A_3585 : i32 to vector<16xi32>
      %eq3A_3587 = arith.cmpi eq, %iota3A, %eq3A_3586 : vector<16xi32>
      %jit3A_3588 = arith.constant 0 : i32
      %broadcast_in_dim3A_3589 = vector.broadcast %jit3A_3588 : i32 to vector<16xi32>
      %select_n3A_3590 = arith.select %eq3A_3587, %rem3A_3584, %broadcast_in_dim3A_3589 : vector<16xi1>, vector<16xi32>
      %reduce_max3A_3591 = arith.constant true
      %reduce_max3A_3592 = vector.broadcast %reduce_max3A_3591 : i1 to vector<16xi1>
      %reduce_max3A_3593 = arith.constant -2147483648 : i32
      %reduce_max3A_3594 = vector.broadcast %reduce_max3A_3593 : i32 to vector<16xi32>
      %reduce_max3A_3595 = arith.xori %select_n3A_3590, %reduce_max3A_3594 : vector<16xi32>
      %reduce_max3A_3596 = tpu.scan <max>, %reduce_max3A_3595 masked %reduce_max3A_3592 : vector<16xi32>, vector<16xi1> -> vector<16xi32>
      %reduce_max3A_3597 = arith.xori %reduce_max3A_3596, %reduce_max3A_3594 : vector<16xi32>
      %reduce_max3A_3598 = vector.extract %reduce_max3A_3597[15] : i32 from vector<16xi32>
      %broadcast_in_dim3A_3599 = vector.broadcast %reduce_max3A_3598 : i32 to vector<16xi32>
      %mul3A_3600 = arith.constant 16 : i32
      %mul3A_3601 = arith.muli %sub3A_3577, %mul3A_3600 : i32
      %add3A_3602 = arith.constant 13 : i32
      %add3A_3603 = arith.addi %mul3A_3601, %add3A_3602 : i32
      %broadcast_in_dim3A_3604 = vector.broadcast %add3A_3603 : i32 to vector<16xi32>
      %add3A_3605 = arith.constant 0 : i32
      %add3A_3606 = vector.broadcast %add3A_3605 : i32 to vector<16xi32>
      %add3A_3607 = arith.addi %iota3A, %add3A_3606 : vector<16xi32>
      %gather3A_3608 = arith.constant 13 : i32
      %gather3A_3609 = arith.constant 0 : i32
      %gather3A_3610 = arith.constant 0 : i32
      %gather3A_3611 = tpu.memref_slice %arg6[%gather3A_3608, %gather3A_3609, %gather3A_3610] : memref<16x32x128xf32, #tpu.memory_space<vmem>> -> memref<1x32x128xf32, #tpu.memory_space<vmem>>
      %gather3A_3612 = tpu.memref_squeeze %gather3A_3611 : memref<1x32x128xf32, #tpu.memory_space<vmem>> -> memref<32x128xf32, #tpu.memory_space<vmem>>
      %gather3A_3613 = tpu.vector_load_idx %gather3A_3612[%add3A_3607, %broadcast_in_dim3A_3599] : memref<32x128xf32, #tpu.memory_space<vmem>>[vector<16xi32>, vector<16xi32>], vector<16xf32>,
      tpu.vector_store_idx %arg7[%add3A_3607, %broadcast_in_dim3A_3604], %gather3A_3613 : memref<32x512xf32, #tpu.memory_space<vmem>>[vector<16xi32>, vector<16xi32>], vector<16xf32>,
      %add3A_3614 = arith.constant 16 : i32
      %add3A_3615 = vector.broadcast %add3A_3614 : i32 to vector<16xi32>
      %add3A_3616 = arith.addi %iota3A, %add3A_3615 : vector<16xi32>
      %gather3A_3617 = arith.constant 13 : i32
      %gather3A_3618 = arith.constant 0 : i32
      %gather3A_3619 = arith.constant 0 : i32
      %gather3A_3620 = tpu.memref_slice %arg6[%gather3A_3617, %gather3A_3618, %gather3A_3619] : memref<16x32x128xf32, #tpu.memory_space<vmem>> -> memref<1x32x128xf32, #tpu.memory_space<vmem>>
      %gather3A_3621 = tpu.memref_squeeze %gather3A_3620 : memref<1x32x128xf32, #tpu.memory_space<vmem>> -> memref<32x128xf32, #tpu.memory_space<vmem>>
      %gather3A_3622 = tpu.vector_load_idx %gather3A_3621[%add3A_3616, %broadcast_in_dim3A_3599] : memref<32x128xf32, #tpu.memory_space<vmem>>[vector<16xi32>, vector<16xi32>], vector<16xf32>,
      tpu.vector_store_idx %arg7[%add3A_3616, %broadcast_in_dim3A_3604], %gather3A_3622 : memref<32x512xf32, #tpu.memory_space<vmem>>[vector<16xi32>, vector<16xi32>], vector<16xf32>,
      %mul3A_3623 = arith.constant 16 : i32
      %mul3A_3624 = arith.muli %scan3A_1896, %mul3A_3623 : i32
      %get3A_3625 = arith.index_cast %mul3A_3624 : i32 to index
      %get3A_3626 = tpu.vector_load %arg5[%get3A_3625] {strides = array<i32>} : memref<512xi32, #tpu.memory_space<vmem>>, vector<16xi32>,
      %jit3A_3627 = arith.constant 128 : i32
      %div3A_3628 = vector.broadcast %jit3A_3627 : i32 to vector<16xi32>
      %div3A_3629 = arith.divsi %get3A_3626, %div3A_3628 : vector<16xi32>
      %sign3A_3630 = arith.constant 0 : i32
      %sign3A_3631 = vector.broadcast %sign3A_3630 : i32 to vector<16xi32>
      %sign3A_3632 = arith.cmpi sgt, %get3A_3626, %sign3A_3631 : vector<16xi32>
      %sign3A_3633 = arith.extui %sign3A_3632 : vector<16xi1> to vector<16xi32>
      %sign3A_3634 = arith.constant 0 : i32
      %sign3A_3635 = vector.broadcast %sign3A_3634 : i32 to vector<16xi32>
      %sign3A_3636 = arith.cmpi slt, %get3A_3626, %sign3A_3635 : vector<16xi32>
      %sign3A_3637 = arith.extui %sign3A_3636 : vector<16xi1> to vector<16xi32>
      %sign3A_3638 = arith.subi %sign3A_3633, %sign3A_3637 : vector<16xi32>
      %sign3A_3639 = arith.constant 0 : i32
      %sign3A_3640 = arith.cmpi sgt, %jit3A_3627, %sign3A_3639 : i32
      %sign3A_3641 = arith.extui %sign3A_3640 : i1 to i32
      %sign3A_3642 = arith.constant 0 : i32
      %sign3A_3643 = arith.cmpi slt, %jit3A_3627, %sign3A_3642 : i32
      %sign3A_3644 = arith.extui %sign3A_3643 : i1 to i32
      %sign3A_3645 = arith.subi %sign3A_3641, %sign3A_3644 : i32
      %ne3A_3646 = vector.broadcast %sign3A_3645 : i32 to vector<16xi32>
      %ne3A_3647 = arith.cmpi ne, %sign3A_3638, %ne3A_3646 : vector<16xi32>
      %rem3A_3648 = vector.broadcast %jit3A_3627 : i32 to vector<16xi32>
      %rem3A_3649 = arith.remsi %get3A_3626, %rem3A_3648 : vector<16xi32>
      %ne3A_3650 = arith.constant 0 : i32
      %ne3A_3651 = vector.broadcast %ne3A_3650 : i32 to vector<16xi32>
      %ne3A_3652 = arith.cmpi ne, %rem3A_3649, %ne3A_3651 : vector<16xi32>
      %and3A_3653 = arith.andi %ne3A_3647, %ne3A_3652 : vector<16xi1>
      %sub3A_3654 = arith.constant 1 : i32
      %sub3A_3655 = vector.broadcast %sub3A_3654 : i32 to vector<16xi32>
      %sub3A_3656 = arith.subi %div3A_3629, %sub3A_3655 : vector<16xi32>
      %select_n3A_3657 = arith.select %and3A_3653, %sub3A_3656, %div3A_3629 : vector<16xi1>, vector<16xi32>
      %mul3A_3658 = arith.constant 128 : i32
      %mul3A_3659 = vector.broadcast %mul3A_3658 : i32 to vector<16xi32>
      %mul3A_3660 = arith.muli %select_n3A_3657, %mul3A_3659 : vector<16xi32>
      %eq3A_3661 = arith.constant 13 : i32
      %eq3A_3662 = vector.broadcast %eq3A_3661 : i32 to vector<16xi32>
      %eq3A_3663 = arith.cmpi eq, %iota3A, %eq3A_3662 : vector<16xi32>
      %jit3A_3664 = arith.constant 0 : i32
      %broadcast_in_dim3A_3665 = vector.broadcast %jit3A_3664 : i32 to vector<16xi32>
      %select_n3A_3666 = arith.select %eq3A_3663, %mul3A_3660, %broadcast_in_dim3A_3665 : vector<16xi1>, vector<16xi32>
      %reduce_max3A_3667 = arith.constant true
      %reduce_max3A_3668 = vector.broadcast %reduce_max3A_3667 : i1 to vector<16xi1>
      %reduce_max3A_3669 = arith.constant -2147483648 : i32
      %reduce_max3A_3670 = vector.broadcast %reduce_max3A_3669 : i32 to vector<16xi32>
      %reduce_max3A_3671 = arith.xori %select_n3A_3666, %reduce_max3A_3670 : vector<16xi32>
      %reduce_max3A_3672 = tpu.scan <max>, %reduce_max3A_3671 masked %reduce_max3A_3668 : vector<16xi32>, vector<16xi1> -> vector<16xi32>
      %reduce_max3A_3673 = arith.xori %reduce_max3A_3672, %reduce_max3A_3670 : vector<16xi32>
      %reduce_max3A_3674 = vector.extract %reduce_max3A_3673[15] : i32 from vector<16xi32>
      %multiple_of3A_3675 = tpu.assume_multiple %reduce_max3A_3674, 128 : i32
      %dma_start3A_3676 = arith.constant 13 : i32
      %dma_start3A_3677 = arith.constant 0 : i32
      %dma_start3A_3678 = arith.constant 0 : i32
      %dma_start3A_3679 = tpu.memref_slice %arg6[%dma_start3A_3676, %dma_start3A_3677, %dma_start3A_3678] : memref<16x32x128xf32, #tpu.memory_space<vmem>> -> memref<1x32x128xf32, #tpu.memory_space<vmem>>
      %dma_start3A_3680 = tpu.memref_squeeze %dma_start3A_3679 : memref<1x32x128xf32, #tpu.memory_space<vmem>> -> memref<32x128xf32, #tpu.memory_space<vmem>>
      %dma_start3A_3681 = arith.constant 0 : i32
      %dma_start3A_3682 = tpu.memref_slice %arg2[%dma_start3A_3681, %multiple_of3A_3675] : memref<32x1000000xf32, #tpu.memory_space<hbm>> -> memref<32x128xf32, #tpu.memory_space<hbm>>
      %dma_start3A_3683 = arith.constant 0 : i32
      %dma_start3A_3684 = arith.constant 0 : i32
      %dma_start3A_3685 = tpu.memref_slice %arg6[%dma_start3A_3676, %dma_start3A_3683, %dma_start3A_3684] : memref<16x32x128xf32, #tpu.memory_space<vmem>> -> memref<1x32x128xf32, #tpu.memory_space<vmem>>
      %dma_start3A_3686 = tpu.memref_squeeze %dma_start3A_3685 : memref<1x32x128xf32, #tpu.memory_space<vmem>> -> memref<32x128xf32, #tpu.memory_space<vmem>>
      %dma_start3A_3687 = arith.constant 0 : i32
      %dma_start3A_3688 = tpu.memref_slice %arg2[%dma_start3A_3687, %multiple_of3A_3675] : memref<32x1000000xf32, #tpu.memory_space<hbm>> -> memref<32x128xf32, #tpu.memory_space<hbm>>
      tpu.enqueue_dma source(%dma_start3A_3688 : memref<32x128xf32, #tpu.memory_space<hbm>>) target(%dma_start3A_3686 : memref<32x128xf32, #tpu.memory_space<vmem>>) target_semaphore(%arg21 : memref<!tpu.dma_semaphore, #tpu.memory_space<semaphore_mem>>)
      %dma_wait3A_3689 = arith.constant 14 : i32
      %dma_wait3A_3690 = arith.constant 0 : i32
      %dma_wait3A_3691 = arith.constant 0 : i32
      %dma_wait3A_3692 = tpu.memref_slice %arg6[%dma_wait3A_3689, %dma_wait3A_3690, %dma_wait3A_3691] : memref<16x32x128xf32, #tpu.memory_space<vmem>> -> memref<1x32x128xf32, #tpu.memory_space<vmem>>
      %dma_wait3A_3693 = tpu.memref_squeeze %dma_wait3A_3692 : memref<1x32x128xf32, #tpu.memory_space<vmem>> -> memref<32x128xf32, #tpu.memory_space<vmem>>
      %dma_wait3A_3694 = arith.constant 0 : i32
      %dma_wait3A_3695 = arith.constant 0 : i32
      %dma_wait3A_3696 = tpu.memref_slice %arg2[%dma_wait3A_3694, %dma_wait3A_3695] : memref<32x1000000xf32, #tpu.memory_space<hbm>> -> memref<32x128xf32, #tpu.memory_space<hbm>>
      %dma_wait3A_3697 = arith.constant 0 : i32
      %dma_wait3A_3698 = arith.constant 0 : i32
      %dma_wait3A_3699 = tpu.memref_slice %arg6[%dma_wait3A_3689, %dma_wait3A_3697, %dma_wait3A_3698] : memref<16x32x128xf32, #tpu.memory_space<vmem>> -> memref<1x32x128xf32, #tpu.memory_space<vmem>>
      %dma_wait3A_3700 = tpu.memref_squeeze %dma_wait3A_3699 : memref<1x32x128xf32, #tpu.memory_space<vmem>> -> memref<32x128xf32, #tpu.memory_space<vmem>>
      %dma_wait3A_3701 = arith.constant 0 : i32
      %dma_wait3A_3702 = arith.constant 0 : i32
      %dma_wait3A_3703 = tpu.memref_slice %arg2[%dma_wait3A_3701, %dma_wait3A_3702] : memref<32x1000000xf32, #tpu.memory_space<hbm>> -> memref<32x128xf32, #tpu.memory_space<hbm>>
      tpu.wait_dma2 semaphore(%arg22 : memref<!tpu.dma_semaphore, #tpu.memory_space<semaphore_mem>>) src(%dma_wait3A_3703 : memref<32x128xf32, #tpu.memory_space<hbm>>) dst(%dma_wait3A_3700 : memref<32x128xf32, #tpu.memory_space<vmem>>)
      %sub3A_3704 = arith.constant 1 : i32
      %sub3A_3705 = arith.subi %scan3A_1896, %sub3A_3704 : i32
      %mul3A_3706 = arith.constant 16 : i32
      %mul3A_3707 = arith.muli %sub3A_3705, %mul3A_3706 : i32
      %get3A_3708 = arith.index_cast %mul3A_3707 : i32 to index
      %get3A_3709 = tpu.vector_load %arg5[%get3A_3708] {strides = array<i32>} : memref<512xi32, #tpu.memory_space<vmem>>, vector<16xi32>,
      %rem3A_3710 = arith.constant 128 : i32
      %rem3A_3711 = vector.broadcast %rem3A_3710 : i32 to vector<16xi32>
      %rem3A_3712 = arith.remsi %get3A_3709, %rem3A_3711 : vector<16xi32>
      %eq3A_3713 = arith.constant 14 : i32
      %eq3A_3714 = vector.broadcast %eq3A_3713 : i32 to vector<16xi32>
      %eq3A_3715 = arith.cmpi eq, %iota3A, %eq3A_3714 : vector<16xi32>
      %jit3A_3716 = arith.constant 0 : i32
      %broadcast_in_dim3A_3717 = vector.broadcast %jit3A_3716 : i32 to vector<16xi32>
      %select_n3A_3718 = arith.select %eq3A_3715, %rem3A_3712, %broadcast_in_dim3A_3717 : vector<16xi1>, vector<16xi32>
      %reduce_max3A_3719 = arith.constant true
      %reduce_max3A_3720 = vector.broadcast %reduce_max3A_3719 : i1 to vector<16xi1>
      %reduce_max3A_3721 = arith.constant -2147483648 : i32
      %reduce_max3A_3722 = vector.broadcast %reduce_max3A_3721 : i32 to vector<16xi32>
      %reduce_max3A_3723 = arith.xori %select_n3A_3718, %reduce_max3A_3722 : vector<16xi32>
      %reduce_max3A_3724 = tpu.scan <max>, %reduce_max3A_3723 masked %reduce_max3A_3720 : vector<16xi32>, vector<16xi1> -> vector<16xi32>
      %reduce_max3A_3725 = arith.xori %reduce_max3A_3724, %reduce_max3A_3722 : vector<16xi32>
      %reduce_max3A_3726 = vector.extract %reduce_max3A_3725[15] : i32 from vector<16xi32>
      %broadcast_in_dim3A_3727 = vector.broadcast %reduce_max3A_3726 : i32 to vector<16xi32>
      %mul3A_3728 = arith.constant 16 : i32
      %mul3A_3729 = arith.muli %sub3A_3705, %mul3A_3728 : i32
      %add3A_3730 = arith.constant 14 : i32
      %add3A_3731 = arith.addi %mul3A_3729, %add3A_3730 : i32
      %broadcast_in_dim3A_3732 = vector.broadcast %add3A_3731 : i32 to vector<16xi32>
      %add3A_3733 = arith.constant 0 : i32
      %add3A_3734 = vector.broadcast %add3A_3733 : i32 to vector<16xi32>
      %add3A_3735 = arith.addi %iota3A, %add3A_3734 : vector<16xi32>
      %gather3A_3736 = arith.constant 14 : i32
      %gather3A_3737 = arith.constant 0 : i32
      %gather3A_3738 = arith.constant 0 : i32
      %gather3A_3739 = tpu.memref_slice %arg6[%gather3A_3736, %gather3A_3737, %gather3A_3738] : memref<16x32x128xf32, #tpu.memory_space<vmem>> -> memref<1x32x128xf32, #tpu.memory_space<vmem>>
      %gather3A_3740 = tpu.memref_squeeze %gather3A_3739 : memref<1x32x128xf32, #tpu.memory_space<vmem>> -> memref<32x128xf32, #tpu.memory_space<vmem>>
      %gather3A_3741 = tpu.vector_load_idx %gather3A_3740[%add3A_3735, %broadcast_in_dim3A_3727] : memref<32x128xf32, #tpu.memory_space<vmem>>[vector<16xi32>, vector<16xi32>], vector<16xf32>,
      tpu.vector_store_idx %arg7[%add3A_3735, %broadcast_in_dim3A_3732], %gather3A_3741 : memref<32x512xf32, #tpu.memory_space<vmem>>[vector<16xi32>, vector<16xi32>], vector<16xf32>,
      %add3A_3742 = arith.constant 16 : i32
      %add3A_3743 = vector.broadcast %add3A_3742 : i32 to vector<16xi32>
      %add3A_3744 = arith.addi %iota3A, %add3A_3743 : vector<16xi32>
      %gather3A_3745 = arith.constant 14 : i32
      %gather3A_3746 = arith.constant 0 : i32
      %gather3A_3747 = arith.constant 0 : i32
      %gather3A_3748 = tpu.memref_slice %arg6[%gather3A_3745, %gather3A_3746, %gather3A_3747] : memref<16x32x128xf32, #tpu.memory_space<vmem>> -> memref<1x32x128xf32, #tpu.memory_space<vmem>>
      %gather3A_3749 = tpu.memref_squeeze %gather3A_3748 : memref<1x32x128xf32, #tpu.memory_space<vmem>> -> memref<32x128xf32, #tpu.memory_space<vmem>>
      %gather3A_3750 = tpu.vector_load_idx %gather3A_3749[%add3A_3744, %broadcast_in_dim3A_3727] : memref<32x128xf32, #tpu.memory_space<vmem>>[vector<16xi32>, vector<16xi32>], vector<16xf32>,
      tpu.vector_store_idx %arg7[%add3A_3744, %broadcast_in_dim3A_3732], %gather3A_3750 : memref<32x512xf32, #tpu.memory_space<vmem>>[vector<16xi32>, vector<16xi32>], vector<16xf32>,
      %mul3A_3751 = arith.constant 16 : i32
      %mul3A_3752 = arith.muli %scan3A_1896, %mul3A_3751 : i32
      %get3A_3753 = arith.index_cast %mul3A_3752 : i32 to index
      %get3A_3754 = tpu.vector_load %arg5[%get3A_3753] {strides = array<i32>} : memref<512xi32, #tpu.memory_space<vmem>>, vector<16xi32>,
      %jit3A_3755 = arith.constant 128 : i32
      %div3A_3756 = vector.broadcast %jit3A_3755 : i32 to vector<16xi32>
      %div3A_3757 = arith.divsi %get3A_3754, %div3A_3756 : vector<16xi32>
      %sign3A_3758 = arith.constant 0 : i32
      %sign3A_3759 = vector.broadcast %sign3A_3758 : i32 to vector<16xi32>
      %sign3A_3760 = arith.cmpi sgt, %get3A_3754, %sign3A_3759 : vector<16xi32>
      %sign3A_3761 = arith.extui %sign3A_3760 : vector<16xi1> to vector<16xi32>
      %sign3A_3762 = arith.constant 0 : i32
      %sign3A_3763 = vector.broadcast %sign3A_3762 : i32 to vector<16xi32>
      %sign3A_3764 = arith.cmpi slt, %get3A_3754, %sign3A_3763 : vector<16xi32>
      %sign3A_3765 = arith.extui %sign3A_3764 : vector<16xi1> to vector<16xi32>
      %sign3A_3766 = arith.subi %sign3A_3761, %sign3A_3765 : vector<16xi32>
      %sign3A_3767 = arith.constant 0 : i32
      %sign3A_3768 = arith.cmpi sgt, %jit3A_3755, %sign3A_3767 : i32
      %sign3A_3769 = arith.extui %sign3A_3768 : i1 to i32
      %sign3A_3770 = arith.constant 0 : i32
      %sign3A_3771 = arith.cmpi slt, %jit3A_3755, %sign3A_3770 : i32
      %sign3A_3772 = arith.extui %sign3A_3771 : i1 to i32
      %sign3A_3773 = arith.subi %sign3A_3769, %sign3A_3772 : i32
      %ne3A_3774 = vector.broadcast %sign3A_3773 : i32 to vector<16xi32>
      %ne3A_3775 = arith.cmpi ne, %sign3A_3766, %ne3A_3774 : vector<16xi32>
      %rem3A_3776 = vector.broadcast %jit3A_3755 : i32 to vector<16xi32>
      %rem3A_3777 = arith.remsi %get3A_3754, %rem3A_3776 : vector<16xi32>
      %ne3A_3778 = arith.constant 0 : i32
      %ne3A_3779 = vector.broadcast %ne3A_3778 : i32 to vector<16xi32>
      %ne3A_3780 = arith.cmpi ne, %rem3A_3777, %ne3A_3779 : vector<16xi32>
      %and3A_3781 = arith.andi %ne3A_3775, %ne3A_3780 : vector<16xi1>
      %sub3A_3782 = arith.constant 1 : i32
      %sub3A_3783 = vector.broadcast %sub3A_3782 : i32 to vector<16xi32>
      %sub3A_3784 = arith.subi %div3A_3757, %sub3A_3783 : vector<16xi32>
      %select_n3A_3785 = arith.select %and3A_3781, %sub3A_3784, %div3A_3757 : vector<16xi1>, vector<16xi32>
      %mul3A_3786 = arith.constant 128 : i32
      %mul3A_3787 = vector.broadcast %mul3A_3786 : i32 to vector<16xi32>
      %mul3A_3788 = arith.muli %select_n3A_3785, %mul3A_3787 : vector<16xi32>
      %eq3A_3789 = arith.constant 14 : i32
      %eq3A_3790 = vector.broadcast %eq3A_3789 : i32 to vector<16xi32>
      %eq3A_3791 = arith.cmpi eq, %iota3A, %eq3A_3790 : vector<16xi32>
      %jit3A_3792 = arith.constant 0 : i32
      %broadcast_in_dim3A_3793 = vector.broadcast %jit3A_3792 : i32 to vector<16xi32>
      %select_n3A_3794 = arith.select %eq3A_3791, %mul3A_3788, %broadcast_in_dim3A_3793 : vector<16xi1>, vector<16xi32>
      %reduce_max3A_3795 = arith.constant true
      %reduce_max3A_3796 = vector.broadcast %reduce_max3A_3795 : i1 to vector<16xi1>
      %reduce_max3A_3797 = arith.constant -2147483648 : i32
      %reduce_max3A_3798 = vector.broadcast %reduce_max3A_3797 : i32 to vector<16xi32>
      %reduce_max3A_3799 = arith.xori %select_n3A_3794, %reduce_max3A_3798 : vector<16xi32>
      %reduce_max3A_3800 = tpu.scan <max>, %reduce_max3A_3799 masked %reduce_max3A_3796 : vector<16xi32>, vector<16xi1> -> vector<16xi32>
      %reduce_max3A_3801 = arith.xori %reduce_max3A_3800, %reduce_max3A_3798 : vector<16xi32>
      %reduce_max3A_3802 = vector.extract %reduce_max3A_3801[15] : i32 from vector<16xi32>
      %multiple_of3A_3803 = tpu.assume_multiple %reduce_max3A_3802, 128 : i32
      %dma_start3A_3804 = arith.constant 14 : i32
      %dma_start3A_3805 = arith.constant 0 : i32
      %dma_start3A_3806 = arith.constant 0 : i32
      %dma_start3A_3807 = tpu.memref_slice %arg6[%dma_start3A_3804, %dma_start3A_3805, %dma_start3A_3806] : memref<16x32x128xf32, #tpu.memory_space<vmem>> -> memref<1x32x128xf32, #tpu.memory_space<vmem>>
      %dma_start3A_3808 = tpu.memref_squeeze %dma_start3A_3807 : memref<1x32x128xf32, #tpu.memory_space<vmem>> -> memref<32x128xf32, #tpu.memory_space<vmem>>
      %dma_start3A_3809 = arith.constant 0 : i32
      %dma_start3A_3810 = tpu.memref_slice %arg2[%dma_start3A_3809, %multiple_of3A_3803] : memref<32x1000000xf32, #tpu.memory_space<hbm>> -> memref<32x128xf32, #tpu.memory_space<hbm>>
      %dma_start3A_3811 = arith.constant 0 : i32
      %dma_start3A_3812 = arith.constant 0 : i32
      %dma_start3A_3813 = tpu.memref_slice %arg6[%dma_start3A_3804, %dma_start3A_3811, %dma_start3A_3812] : memref<16x32x128xf32, #tpu.memory_space<vmem>> -> memref<1x32x128xf32, #tpu.memory_space<vmem>>
      %dma_start3A_3814 = tpu.memref_squeeze %dma_start3A_3813 : memref<1x32x128xf32, #tpu.memory_space<vmem>> -> memref<32x128xf32, #tpu.memory_space<vmem>>
      %dma_start3A_3815 = arith.constant 0 : i32
      %dma_start3A_3816 = tpu.memref_slice %arg2[%dma_start3A_3815, %multiple_of3A_3803] : memref<32x1000000xf32, #tpu.memory_space<hbm>> -> memref<32x128xf32, #tpu.memory_space<hbm>>
      tpu.enqueue_dma source(%dma_start3A_3816 : memref<32x128xf32, #tpu.memory_space<hbm>>) target(%dma_start3A_3814 : memref<32x128xf32, #tpu.memory_space<vmem>>) target_semaphore(%arg22 : memref<!tpu.dma_semaphore, #tpu.memory_space<semaphore_mem>>)
      %dma_wait3A_3817 = arith.constant 15 : i32
      %dma_wait3A_3818 = arith.constant 0 : i32
      %dma_wait3A_3819 = arith.constant 0 : i32
      %dma_wait3A_3820 = tpu.memref_slice %arg6[%dma_wait3A_3817, %dma_wait3A_3818, %dma_wait3A_3819] : memref<16x32x128xf32, #tpu.memory_space<vmem>> -> memref<1x32x128xf32, #tpu.memory_space<vmem>>
      %dma_wait3A_3821 = tpu.memref_squeeze %dma_wait3A_3820 : memref<1x32x128xf32, #tpu.memory_space<vmem>> -> memref<32x128xf32, #tpu.memory_space<vmem>>
      %dma_wait3A_3822 = arith.constant 0 : i32
      %dma_wait3A_3823 = arith.constant 0 : i32
      %dma_wait3A_3824 = tpu.memref_slice %arg2[%dma_wait3A_3822, %dma_wait3A_3823] : memref<32x1000000xf32, #tpu.memory_space<hbm>> -> memref<32x128xf32, #tpu.memory_space<hbm>>
      %dma_wait3A_3825 = arith.constant 0 : i32
      %dma_wait3A_3826 = arith.constant 0 : i32
      %dma_wait3A_3827 = tpu.memref_slice %arg6[%dma_wait3A_3817, %dma_wait3A_3825, %dma_wait3A_3826] : memref<16x32x128xf32, #tpu.memory_space<vmem>> -> memref<1x32x128xf32, #tpu.memory_space<vmem>>
      %dma_wait3A_3828 = tpu.memref_squeeze %dma_wait3A_3827 : memref<1x32x128xf32, #tpu.memory_space<vmem>> -> memref<32x128xf32, #tpu.memory_space<vmem>>
      %dma_wait3A_3829 = arith.constant 0 : i32
      %dma_wait3A_3830 = arith.constant 0 : i32
      %dma_wait3A_3831 = tpu.memref_slice %arg2[%dma_wait3A_3829, %dma_wait3A_3830] : memref<32x1000000xf32, #tpu.memory_space<hbm>> -> memref<32x128xf32, #tpu.memory_space<hbm>>
      tpu.wait_dma2 semaphore(%arg23 : memref<!tpu.dma_semaphore, #tpu.memory_space<semaphore_mem>>) src(%dma_wait3A_3831 : memref<32x128xf32, #tpu.memory_space<hbm>>) dst(%dma_wait3A_3828 : memref<32x128xf32, #tpu.memory_space<vmem>>)
      %sub3A_3832 = arith.constant 1 : i32
      %sub3A_3833 = arith.subi %scan3A_1896, %sub3A_3832 : i32
      %mul3A_3834 = arith.constant 16 : i32
      %mul3A_3835 = arith.muli %sub3A_3833, %mul3A_3834 : i32
      %get3A_3836 = arith.index_cast %mul3A_3835 : i32 to index
      %get3A_3837 = tpu.vector_load %arg5[%get3A_3836] {strides = array<i32>} : memref<512xi32, #tpu.memory_space<vmem>>, vector<16xi32>,
      %rem3A_3838 = arith.constant 128 : i32
      %rem3A_3839 = vector.broadcast %rem3A_3838 : i32 to vector<16xi32>
      %rem3A_3840 = arith.remsi %get3A_3837, %rem3A_3839 : vector<16xi32>
      %eq3A_3841 = arith.constant 15 : i32
      %eq3A_3842 = vector.broadcast %eq3A_3841 : i32 to vector<16xi32>
      %eq3A_3843 = arith.cmpi eq, %iota3A, %eq3A_3842 : vector<16xi32>
      %jit3A_3844 = arith.constant 0 : i32
      %broadcast_in_dim3A_3845 = vector.broadcast %jit3A_3844 : i32 to vector<16xi32>
      %select_n3A_3846 = arith.select %eq3A_3843, %rem3A_3840, %broadcast_in_dim3A_3845 : vector<16xi1>, vector<16xi32>
      %reduce_max3A_3847 = arith.constant true
      %reduce_max3A_3848 = vector.broadcast %reduce_max3A_3847 : i1 to vector<16xi1>
      %reduce_max3A_3849 = arith.constant -2147483648 : i32
      %reduce_max3A_3850 = vector.broadcast %reduce_max3A_3849 : i32 to vector<16xi32>
      %reduce_max3A_3851 = arith.xori %select_n3A_3846, %reduce_max3A_3850 : vector<16xi32>
      %reduce_max3A_3852 = tpu.scan <max>, %reduce_max3A_3851 masked %reduce_max3A_3848 : vector<16xi32>, vector<16xi1> -> vector<16xi32>
      %reduce_max3A_3853 = arith.xori %reduce_max3A_3852, %reduce_max3A_3850 : vector<16xi32>
      %reduce_max3A_3854 = vector.extract %reduce_max3A_3853[15] : i32 from vector<16xi32>
      %broadcast_in_dim3A_3855 = vector.broadcast %reduce_max3A_3854 : i32 to vector<16xi32>
      %mul3A_3856 = arith.constant 16 : i32
      %mul3A_3857 = arith.muli %sub3A_3833, %mul3A_3856 : i32
      %add3A_3858 = arith.constant 15 : i32
      %add3A_3859 = arith.addi %mul3A_3857, %add3A_3858 : i32
      %broadcast_in_dim3A_3860 = vector.broadcast %add3A_3859 : i32 to vector<16xi32>
      %add3A_3861 = arith.constant 0 : i32
      %add3A_3862 = vector.broadcast %add3A_3861 : i32 to vector<16xi32>
      %add3A_3863 = arith.addi %iota3A, %add3A_3862 : vector<16xi32>
      %gather3A_3864 = arith.constant 15 : i32
      %gather3A_3865 = arith.constant 0 : i32
      %gather3A_3866 = arith.constant 0 : i32
      %gather3A_3867 = tpu.memref_slice %arg6[%gather3A_3864, %gather3A_3865, %gather3A_3866] : memref<16x32x128xf32, #tpu.memory_space<vmem>> -> memref<1x32x128xf32, #tpu.memory_space<vmem>>
      %gather3A_3868 = tpu.memref_squeeze %gather3A_3867 : memref<1x32x128xf32, #tpu.memory_space<vmem>> -> memref<32x128xf32, #tpu.memory_space<vmem>>
      %gather3A_3869 = tpu.vector_load_idx %gather3A_3868[%add3A_3863, %broadcast_in_dim3A_3855] : memref<32x128xf32, #tpu.memory_space<vmem>>[vector<16xi32>, vector<16xi32>], vector<16xf32>,
      tpu.vector_store_idx %arg7[%add3A_3863, %broadcast_in_dim3A_3860], %gather3A_3869 : memref<32x512xf32, #tpu.memory_space<vmem>>[vector<16xi32>, vector<16xi32>], vector<16xf32>,
      %add3A_3870 = arith.constant 16 : i32
      %add3A_3871 = vector.broadcast %add3A_3870 : i32 to vector<16xi32>
      %add3A_3872 = arith.addi %iota3A, %add3A_3871 : vector<16xi32>
      %gather3A_3873 = arith.constant 15 : i32
      %gather3A_3874 = arith.constant 0 : i32
      %gather3A_3875 = arith.constant 0 : i32
      %gather3A_3876 = tpu.memref_slice %arg6[%gather3A_3873, %gather3A_3874, %gather3A_3875] : memref<16x32x128xf32, #tpu.memory_space<vmem>> -> memref<1x32x128xf32, #tpu.memory_space<vmem>>
      %gather3A_3877 = tpu.memref_squeeze %gather3A_3876 : memref<1x32x128xf32, #tpu.memory_space<vmem>> -> memref<32x128xf32, #tpu.memory_space<vmem>>
      %gather3A_3878 = tpu.vector_load_idx %gather3A_3877[%add3A_3872, %broadcast_in_dim3A_3855] : memref<32x128xf32, #tpu.memory_space<vmem>>[vector<16xi32>, vector<16xi32>], vector<16xf32>,
      tpu.vector_store_idx %arg7[%add3A_3872, %broadcast_in_dim3A_3860], %gather3A_3878 : memref<32x512xf32, #tpu.memory_space<vmem>>[vector<16xi32>, vector<16xi32>], vector<16xf32>,
      %mul3A_3879 = arith.constant 16 : i32
      %mul3A_3880 = arith.muli %scan3A_1896, %mul3A_3879 : i32
      %get3A_3881 = arith.index_cast %mul3A_3880 : i32 to index
      %get3A_3882 = tpu.vector_load %arg5[%get3A_3881] {strides = array<i32>} : memref<512xi32, #tpu.memory_space<vmem>>, vector<16xi32>,
      %jit3A_3883 = arith.constant 128 : i32
      %div3A_3884 = vector.broadcast %jit3A_3883 : i32 to vector<16xi32>
      %div3A_3885 = arith.divsi %get3A_3882, %div3A_3884 : vector<16xi32>
      %sign3A_3886 = arith.constant 0 : i32
      %sign3A_3887 = vector.broadcast %sign3A_3886 : i32 to vector<16xi32>
      %sign3A_3888 = arith.cmpi sgt, %get3A_3882, %sign3A_3887 : vector<16xi32>
      %sign3A_3889 = arith.extui %sign3A_3888 : vector<16xi1> to vector<16xi32>
      %sign3A_3890 = arith.constant 0 : i32
      %sign3A_3891 = vector.broadcast %sign3A_3890 : i32 to vector<16xi32>
      %sign3A_3892 = arith.cmpi slt, %get3A_3882, %sign3A_3891 : vector<16xi32>
      %sign3A_3893 = arith.extui %sign3A_3892 : vector<16xi1> to vector<16xi32>
      %sign3A_3894 = arith.subi %sign3A_3889, %sign3A_3893 : vector<16xi32>
      %sign3A_3895 = arith.constant 0 : i32
      %sign3A_3896 = arith.cmpi sgt, %jit3A_3883, %sign3A_3895 : i32
      %sign3A_3897 = arith.extui %sign3A_3896 : i1 to i32
      %sign3A_3898 = arith.constant 0 : i32
      %sign3A_3899 = arith.cmpi slt, %jit3A_3883, %sign3A_3898 : i32
      %sign3A_3900 = arith.extui %sign3A_3899 : i1 to i32
      %sign3A_3901 = arith.subi %sign3A_3897, %sign3A_3900 : i32
      %ne3A_3902 = vector.broadcast %sign3A_3901 : i32 to vector<16xi32>
      %ne3A_3903 = arith.cmpi ne, %sign3A_3894, %ne3A_3902 : vector<16xi32>
      %rem3A_3904 = vector.broadcast %jit3A_3883 : i32 to vector<16xi32>
      %rem3A_3905 = arith.remsi %get3A_3882, %rem3A_3904 : vector<16xi32>
      %ne3A_3906 = arith.constant 0 : i32
      %ne3A_3907 = vector.broadcast %ne3A_3906 : i32 to vector<16xi32>
      %ne3A_3908 = arith.cmpi ne, %rem3A_3905, %ne3A_3907 : vector<16xi32>
      %and3A_3909 = arith.andi %ne3A_3903, %ne3A_3908 : vector<16xi1>
      %sub3A_3910 = arith.constant 1 : i32
      %sub3A_3911 = vector.broadcast %sub3A_3910 : i32 to vector<16xi32>
      %sub3A_3912 = arith.subi %div3A_3885, %sub3A_3911 : vector<16xi32>
      %select_n3A_3913 = arith.select %and3A_3909, %sub3A_3912, %div3A_3885 : vector<16xi1>, vector<16xi32>
      %mul3A_3914 = arith.constant 128 : i32
      %mul3A_3915 = vector.broadcast %mul3A_3914 : i32 to vector<16xi32>
      %mul3A_3916 = arith.muli %select_n3A_3913, %mul3A_3915 : vector<16xi32>
      %eq3A_3917 = arith.constant 15 : i32
      %eq3A_3918 = vector.broadcast %eq3A_3917 : i32 to vector<16xi32>
      %eq3A_3919 = arith.cmpi eq, %iota3A, %eq3A_3918 : vector<16xi32>
      %jit3A_3920 = arith.constant 0 : i32
      %broadcast_in_dim3A_3921 = vector.broadcast %jit3A_3920 : i32 to vector<16xi32>
      %select_n3A_3922 = arith.select %eq3A_3919, %mul3A_3916, %broadcast_in_dim3A_3921 : vector<16xi1>, vector<16xi32>
      %reduce_max3A_3923 = arith.constant true
      %reduce_max3A_3924 = vector.broadcast %reduce_max3A_3923 : i1 to vector<16xi1>
      %reduce_max3A_3925 = arith.constant -2147483648 : i32
      %reduce_max3A_3926 = vector.broadcast %reduce_max3A_3925 : i32 to vector<16xi32>
      %reduce_max3A_3927 = arith.xori %select_n3A_3922, %reduce_max3A_3926 : vector<16xi32>
      %reduce_max3A_3928 = tpu.scan <max>, %reduce_max3A_3927 masked %reduce_max3A_3924 : vector<16xi32>, vector<16xi1> -> vector<16xi32>
      %reduce_max3A_3929 = arith.xori %reduce_max3A_3928, %reduce_max3A_3926 : vector<16xi32>
      %reduce_max3A_3930 = vector.extract %reduce_max3A_3929[15] : i32 from vector<16xi32>
      %multiple_of3A_3931 = tpu.assume_multiple %reduce_max3A_3930, 128 : i32
      %dma_start3A_3932 = arith.constant 15 : i32
      %dma_start3A_3933 = arith.constant 0 : i32
      %dma_start3A_3934 = arith.constant 0 : i32
      %dma_start3A_3935 = tpu.memref_slice %arg6[%dma_start3A_3932, %dma_start3A_3933, %dma_start3A_3934] : memref<16x32x128xf32, #tpu.memory_space<vmem>> -> memref<1x32x128xf32, #tpu.memory_space<vmem>>
      %dma_start3A_3936 = tpu.memref_squeeze %dma_start3A_3935 : memref<1x32x128xf32, #tpu.memory_space<vmem>> -> memref<32x128xf32, #tpu.memory_space<vmem>>
      %dma_start3A_3937 = arith.constant 0 : i32
      %dma_start3A_3938 = tpu.memref_slice %arg2[%dma_start3A_3937, %multiple_of3A_3931] : memref<32x1000000xf32, #tpu.memory_space<hbm>> -> memref<32x128xf32, #tpu.memory_space<hbm>>
      %dma_start3A_3939 = arith.constant 0 : i32
      %dma_start3A_3940 = arith.constant 0 : i32
      %dma_start3A_3941 = tpu.memref_slice %arg6[%dma_start3A_3932, %dma_start3A_3939, %dma_start3A_3940] : memref<16x32x128xf32, #tpu.memory_space<vmem>> -> memref<1x32x128xf32, #tpu.memory_space<vmem>>
      %dma_start3A_3942 = tpu.memref_squeeze %dma_start3A_3941 : memref<1x32x128xf32, #tpu.memory_space<vmem>> -> memref<32x128xf32, #tpu.memory_space<vmem>>
      %dma_start3A_3943 = arith.constant 0 : i32
      %dma_start3A_3944 = tpu.memref_slice %arg2[%dma_start3A_3943, %multiple_of3A_3931] : memref<32x1000000xf32, #tpu.memory_space<hbm>> -> memref<32x128xf32, #tpu.memory_space<hbm>>
      tpu.enqueue_dma source(%dma_start3A_3944 : memref<32x128xf32, #tpu.memory_space<hbm>>) target(%dma_start3A_3942 : memref<32x128xf32, #tpu.memory_space<vmem>>) target_semaphore(%arg23 : memref<!tpu.dma_semaphore, #tpu.memory_space<semaphore_mem>>)
    }
    %scan3A_1017 = arith.constant 31 : i32
    %dma_wait3A = arith.constant 0 : i32
    %dma_wait3A_1018 = arith.constant 0 : i32
    %dma_wait3A_1019 = arith.constant 0 : i32
    %dma_wait3A_1020 = tpu.memref_slice %arg6[%dma_wait3A, %dma_wait3A_1018, %dma_wait3A_1019] : memref<16x32x128xf32, #tpu.memory_space<vmem>> -> memref<1x32x128xf32, #tpu.memory_space<vmem>>
    %dma_wait3A_1021 = tpu.memref_squeeze %dma_wait3A_1020 : memref<1x32x128xf32, #tpu.memory_space<vmem>> -> memref<32x128xf32, #tpu.memory_space<vmem>>
    %dma_wait3A_1022 = arith.constant 0 : i32
    %dma_wait3A_1023 = arith.constant 0 : i32
    %dma_wait3A_1024 = tpu.memref_slice %arg2[%dma_wait3A_1022, %dma_wait3A_1023] : memref<32x1000000xf32, #tpu.memory_space<hbm>> -> memref<32x128xf32, #tpu.memory_space<hbm>>
    %dma_wait3A_1025 = arith.constant 0 : i32
    %dma_wait3A_1026 = arith.constant 0 : i32
    %dma_wait3A_1027 = tpu.memref_slice %arg6[%dma_wait3A, %dma_wait3A_1025, %dma_wait3A_1026] : memref<16x32x128xf32, #tpu.memory_space<vmem>> -> memref<1x32x128xf32, #tpu.memory_space<vmem>>
    %dma_wait3A_1028 = tpu.memref_squeeze %dma_wait3A_1027 : memref<1x32x128xf32, #tpu.memory_space<vmem>> -> memref<32x128xf32, #tpu.memory_space<vmem>>
    %dma_wait3A_1029 = arith.constant 0 : i32
    %dma_wait3A_1030 = arith.constant 0 : i32
    %dma_wait3A_1031 = tpu.memref_slice %arg2[%dma_wait3A_1029, %dma_wait3A_1030] : memref<32x1000000xf32, #tpu.memory_space<hbm>> -> memref<32x128xf32, #tpu.memory_space<hbm>>
    tpu.wait_dma2 semaphore(%arg8 : memref<!tpu.dma_semaphore, #tpu.memory_space<semaphore_mem>>) src(%dma_wait3A_1031 : memref<32x128xf32, #tpu.memory_space<hbm>>) dst(%dma_wait3A_1028 : memref<32x128xf32, #tpu.memory_space<vmem>>)
    %get3A_1032 = arith.constant 496 : index
    %get3A_1033 = tpu.vector_load %arg5[%get3A_1032] {strides = array<i32>} : memref<512xi32, #tpu.memory_space<vmem>>, vector<16xi32>,
    %rem3A_1034 = arith.constant 128 : i32
    %rem3A_1035 = vector.broadcast %rem3A_1034 : i32 to vector<16xi32>
    %rem3A_1036 = arith.remsi %get3A_1033, %rem3A_1035 : vector<16xi32>
    %eq3A_1037 = arith.constant 0 : i32
    %eq3A_1038 = vector.broadcast %eq3A_1037 : i32 to vector<16xi32>
    %eq3A_1039 = arith.cmpi eq, %iota3A, %eq3A_1038 : vector<16xi32>
    %jit3A_1040 = arith.constant 0 : i32
    %broadcast_in_dim3A_1041 = vector.broadcast %jit3A_1040 : i32 to vector<16xi32>
    %select_n3A_1042 = arith.select %eq3A_1039, %rem3A_1036, %broadcast_in_dim3A_1041 : vector<16xi1>, vector<16xi32>
    %reduce_max3A_1043 = arith.constant true
    %reduce_max3A_1044 = vector.broadcast %reduce_max3A_1043 : i1 to vector<16xi1>
    %reduce_max3A_1045 = arith.constant -2147483648 : i32
    %reduce_max3A_1046 = vector.broadcast %reduce_max3A_1045 : i32 to vector<16xi32>
    %reduce_max3A_1047 = arith.xori %select_n3A_1042, %reduce_max3A_1046 : vector<16xi32>
    %reduce_max3A_1048 = tpu.scan <max>, %reduce_max3A_1047 masked %reduce_max3A_1044 : vector<16xi32>, vector<16xi1> -> vector<16xi32>
    %reduce_max3A_1049 = arith.xori %reduce_max3A_1048, %reduce_max3A_1046 : vector<16xi32>
    %reduce_max3A_1050 = vector.extract %reduce_max3A_1049[15] : i32 from vector<16xi32>
    %broadcast_in_dim3A_1051 = vector.broadcast %reduce_max3A_1050 : i32 to vector<16xi32>
    %broadcast_in_dim3A_1052 = arith.constant 496 : i32
    %broadcast_in_dim3A_1053 = vector.broadcast %broadcast_in_dim3A_1052 : i32 to vector<16xi32>
    %add3A_1054 = arith.constant 0 : i32
    %add3A_1055 = vector.broadcast %add3A_1054 : i32 to vector<16xi32>
    %add3A_1056 = arith.addi %iota3A, %add3A_1055 : vector<16xi32>
    %gather3A = arith.constant 0 : i32
    %gather3A_1057 = arith.constant 0 : i32
    %gather3A_1058 = arith.constant 0 : i32
    %gather3A_1059 = tpu.memref_slice %arg6[%gather3A, %gather3A_1057, %gather3A_1058] : memref<16x32x128xf32, #tpu.memory_space<vmem>> -> memref<1x32x128xf32, #tpu.memory_space<vmem>>
    %gather3A_1060 = tpu.memref_squeeze %gather3A_1059 : memref<1x32x128xf32, #tpu.memory_space<vmem>> -> memref<32x128xf32, #tpu.memory_space<vmem>>
    %gather3A_1061 = tpu.vector_load_idx %gather3A_1060[%add3A_1056, %broadcast_in_dim3A_1051] : memref<32x128xf32, #tpu.memory_space<vmem>>[vector<16xi32>, vector<16xi32>], vector<16xf32>,
    tpu.vector_store_idx %arg7[%add3A_1056, %broadcast_in_dim3A_1053], %gather3A_1061 : memref<32x512xf32, #tpu.memory_space<vmem>>[vector<16xi32>, vector<16xi32>], vector<16xf32>,
    %add3A_1062 = arith.constant 16 : i32
    %add3A_1063 = vector.broadcast %add3A_1062 : i32 to vector<16xi32>
    %add3A_1064 = arith.addi %iota3A, %add3A_1063 : vector<16xi32>
    %gather3A_1065 = arith.constant 0 : i32
    %gather3A_1066 = arith.constant 0 : i32
    %gather3A_1067 = arith.constant 0 : i32
    %gather3A_1068 = tpu.memref_slice %arg6[%gather3A_1065, %gather3A_1066, %gather3A_1067] : memref<16x32x128xf32, #tpu.memory_space<vmem>> -> memref<1x32x128xf32, #tpu.memory_space<vmem>>
    %gather3A_1069 = tpu.memref_squeeze %gather3A_1068 : memref<1x32x128xf32, #tpu.memory_space<vmem>> -> memref<32x128xf32, #tpu.memory_space<vmem>>
    %gather3A_1070 = tpu.vector_load_idx %gather3A_1069[%add3A_1064, %broadcast_in_dim3A_1051] : memref<32x128xf32, #tpu.memory_space<vmem>>[vector<16xi32>, vector<16xi32>], vector<16xf32>,
    tpu.vector_store_idx %arg7[%add3A_1064, %broadcast_in_dim3A_1053], %gather3A_1070 : memref<32x512xf32, #tpu.memory_space<vmem>>[vector<16xi32>, vector<16xi32>], vector<16xf32>,
    %dma_wait3A_1071 = arith.constant 1 : i32
    %dma_wait3A_1072 = arith.constant 0 : i32
    %dma_wait3A_1073 = arith.constant 0 : i32
    %dma_wait3A_1074 = tpu.memref_slice %arg6[%dma_wait3A_1071, %dma_wait3A_1072, %dma_wait3A_1073] : memref<16x32x128xf32, #tpu.memory_space<vmem>> -> memref<1x32x128xf32, #tpu.memory_space<vmem>>
    %dma_wait3A_1075 = tpu.memref_squeeze %dma_wait3A_1074 : memref<1x32x128xf32, #tpu.memory_space<vmem>> -> memref<32x128xf32, #tpu.memory_space<vmem>>
    %dma_wait3A_1076 = arith.constant 0 : i32
    %dma_wait3A_1077 = arith.constant 0 : i32
    %dma_wait3A_1078 = tpu.memref_slice %arg2[%dma_wait3A_1076, %dma_wait3A_1077] : memref<32x1000000xf32, #tpu.memory_space<hbm>> -> memref<32x128xf32, #tpu.memory_space<hbm>>
    %dma_wait3A_1079 = arith.constant 0 : i32
    %dma_wait3A_1080 = arith.constant 0 : i32
    %dma_wait3A_1081 = tpu.memref_slice %arg6[%dma_wait3A_1071, %dma_wait3A_1079, %dma_wait3A_1080] : memref<16x32x128xf32, #tpu.memory_space<vmem>> -> memref<1x32x128xf32, #tpu.memory_space<vmem>>
    %dma_wait3A_1082 = tpu.memref_squeeze %dma_wait3A_1081 : memref<1x32x128xf32, #tpu.memory_space<vmem>> -> memref<32x128xf32, #tpu.memory_space<vmem>>
    %dma_wait3A_1083 = arith.constant 0 : i32
    %dma_wait3A_1084 = arith.constant 0 : i32
    %dma_wait3A_1085 = tpu.memref_slice %arg2[%dma_wait3A_1083, %dma_wait3A_1084] : memref<32x1000000xf32, #tpu.memory_space<hbm>> -> memref<32x128xf32, #tpu.memory_space<hbm>>
    tpu.wait_dma2 semaphore(%arg9 : memref<!tpu.dma_semaphore, #tpu.memory_space<semaphore_mem>>) src(%dma_wait3A_1085 : memref<32x128xf32, #tpu.memory_space<hbm>>) dst(%dma_wait3A_1082 : memref<32x128xf32, #tpu.memory_space<vmem>>)
    %get3A_1086 = arith.constant 496 : index
    %get3A_1087 = tpu.vector_load %arg5[%get3A_1086] {strides = array<i32>} : memref<512xi32, #tpu.memory_space<vmem>>, vector<16xi32>,
    %rem3A_1088 = arith.constant 128 : i32
    %rem3A_1089 = vector.broadcast %rem3A_1088 : i32 to vector<16xi32>
    %rem3A_1090 = arith.remsi %get3A_1087, %rem3A_1089 : vector<16xi32>
    %eq3A_1091 = arith.constant 1 : i32
    %eq3A_1092 = vector.broadcast %eq3A_1091 : i32 to vector<16xi32>
    %eq3A_1093 = arith.cmpi eq, %iota3A, %eq3A_1092 : vector<16xi32>
    %jit3A_1094 = arith.constant 0 : i32
    %broadcast_in_dim3A_1095 = vector.broadcast %jit3A_1094 : i32 to vector<16xi32>
    %select_n3A_1096 = arith.select %eq3A_1093, %rem3A_1090, %broadcast_in_dim3A_1095 : vector<16xi1>, vector<16xi32>
    %reduce_max3A_1097 = arith.constant true
    %reduce_max3A_1098 = vector.broadcast %reduce_max3A_1097 : i1 to vector<16xi1>
    %reduce_max3A_1099 = arith.constant -2147483648 : i32
    %reduce_max3A_1100 = vector.broadcast %reduce_max3A_1099 : i32 to vector<16xi32>
    %reduce_max3A_1101 = arith.xori %select_n3A_1096, %reduce_max3A_1100 : vector<16xi32>
    %reduce_max3A_1102 = tpu.scan <max>, %reduce_max3A_1101 masked %reduce_max3A_1098 : vector<16xi32>, vector<16xi1> -> vector<16xi32>
    %reduce_max3A_1103 = arith.xori %reduce_max3A_1102, %reduce_max3A_1100 : vector<16xi32>
    %reduce_max3A_1104 = vector.extract %reduce_max3A_1103[15] : i32 from vector<16xi32>
    %broadcast_in_dim3A_1105 = vector.broadcast %reduce_max3A_1104 : i32 to vector<16xi32>
    %broadcast_in_dim3A_1106 = arith.constant 497 : i32
    %broadcast_in_dim3A_1107 = vector.broadcast %broadcast_in_dim3A_1106 : i32 to vector<16xi32>
    %add3A_1108 = arith.constant 0 : i32
    %add3A_1109 = vector.broadcast %add3A_1108 : i32 to vector<16xi32>
    %add3A_1110 = arith.addi %iota3A, %add3A_1109 : vector<16xi32>
    %gather3A_1111 = arith.constant 1 : i32
    %gather3A_1112 = arith.constant 0 : i32
    %gather3A_1113 = arith.constant 0 : i32
    %gather3A_1114 = tpu.memref_slice %arg6[%gather3A_1111, %gather3A_1112, %gather3A_1113] : memref<16x32x128xf32, #tpu.memory_space<vmem>> -> memref<1x32x128xf32, #tpu.memory_space<vmem>>
    %gather3A_1115 = tpu.memref_squeeze %gather3A_1114 : memref<1x32x128xf32, #tpu.memory_space<vmem>> -> memref<32x128xf32, #tpu.memory_space<vmem>>
    %gather3A_1116 = tpu.vector_load_idx %gather3A_1115[%add3A_1110, %broadcast_in_dim3A_1105] : memref<32x128xf32, #tpu.memory_space<vmem>>[vector<16xi32>, vector<16xi32>], vector<16xf32>,
    tpu.vector_store_idx %arg7[%add3A_1110, %broadcast_in_dim3A_1107], %gather3A_1116 : memref<32x512xf32, #tpu.memory_space<vmem>>[vector<16xi32>, vector<16xi32>], vector<16xf32>,
    %add3A_1117 = arith.constant 16 : i32
    %add3A_1118 = vector.broadcast %add3A_1117 : i32 to vector<16xi32>
    %add3A_1119 = arith.addi %iota3A, %add3A_1118 : vector<16xi32>
    %gather3A_1120 = arith.constant 1 : i32
    %gather3A_1121 = arith.constant 0 : i32
    %gather3A_1122 = arith.constant 0 : i32
    %gather3A_1123 = tpu.memref_slice %arg6[%gather3A_1120, %gather3A_1121, %gather3A_1122] : memref<16x32x128xf32, #tpu.memory_space<vmem>> -> memref<1x32x128xf32, #tpu.memory_space<vmem>>
    %gather3A_1124 = tpu.memref_squeeze %gather3A_1123 : memref<1x32x128xf32, #tpu.memory_space<vmem>> -> memref<32x128xf32, #tpu.memory_space<vmem>>
    %gather3A_1125 = tpu.vector_load_idx %gather3A_1124[%add3A_1119, %broadcast_in_dim3A_1105] : memref<32x128xf32, #tpu.memory_space<vmem>>[vector<16xi32>, vector<16xi32>], vector<16xf32>,
    tpu.vector_store_idx %arg7[%add3A_1119, %broadcast_in_dim3A_1107], %gather3A_1125 : memref<32x512xf32, #tpu.memory_space<vmem>>[vector<16xi32>, vector<16xi32>], vector<16xf32>,
    %dma_wait3A_1126 = arith.constant 2 : i32
    %dma_wait3A_1127 = arith.constant 0 : i32
    %dma_wait3A_1128 = arith.constant 0 : i32
    %dma_wait3A_1129 = tpu.memref_slice %arg6[%dma_wait3A_1126, %dma_wait3A_1127, %dma_wait3A_1128] : memref<16x32x128xf32, #tpu.memory_space<vmem>> -> memref<1x32x128xf32, #tpu.memory_space<vmem>>
    %dma_wait3A_1130 = tpu.memref_squeeze %dma_wait3A_1129 : memref<1x32x128xf32, #tpu.memory_space<vmem>> -> memref<32x128xf32, #tpu.memory_space<vmem>>
    %dma_wait3A_1131 = arith.constant 0 : i32
    %dma_wait3A_1132 = arith.constant 0 : i32
    %dma_wait3A_1133 = tpu.memref_slice %arg2[%dma_wait3A_1131, %dma_wait3A_1132] : memref<32x1000000xf32, #tpu.memory_space<hbm>> -> memref<32x128xf32, #tpu.memory_space<hbm>>
    %dma_wait3A_1134 = arith.constant 0 : i32
    %dma_wait3A_1135 = arith.constant 0 : i32
    %dma_wait3A_1136 = tpu.memref_slice %arg6[%dma_wait3A_1126, %dma_wait3A_1134, %dma_wait3A_1135] : memref<16x32x128xf32, #tpu.memory_space<vmem>> -> memref<1x32x128xf32, #tpu.memory_space<vmem>>
    %dma_wait3A_1137 = tpu.memref_squeeze %dma_wait3A_1136 : memref<1x32x128xf32, #tpu.memory_space<vmem>> -> memref<32x128xf32, #tpu.memory_space<vmem>>
    %dma_wait3A_1138 = arith.constant 0 : i32
    %dma_wait3A_1139 = arith.constant 0 : i32
    %dma_wait3A_1140 = tpu.memref_slice %arg2[%dma_wait3A_1138, %dma_wait3A_1139] : memref<32x1000000xf32, #tpu.memory_space<hbm>> -> memref<32x128xf32, #tpu.memory_space<hbm>>
    tpu.wait_dma2 semaphore(%arg10 : memref<!tpu.dma_semaphore, #tpu.memory_space<semaphore_mem>>) src(%dma_wait3A_1140 : memref<32x128xf32, #tpu.memory_space<hbm>>) dst(%dma_wait3A_1137 : memref<32x128xf32, #tpu.memory_space<vmem>>)
    %get3A_1141 = arith.constant 496 : index
    %get3A_1142 = tpu.vector_load %arg5[%get3A_1141] {strides = array<i32>} : memref<512xi32, #tpu.memory_space<vmem>>, vector<16xi32>,
    %rem3A_1143 = arith.constant 128 : i32
    %rem3A_1144 = vector.broadcast %rem3A_1143 : i32 to vector<16xi32>
    %rem3A_1145 = arith.remsi %get3A_1142, %rem3A_1144 : vector<16xi32>
    %eq3A_1146 = arith.constant 2 : i32
    %eq3A_1147 = vector.broadcast %eq3A_1146 : i32 to vector<16xi32>
    %eq3A_1148 = arith.cmpi eq, %iota3A, %eq3A_1147 : vector<16xi32>
    %jit3A_1149 = arith.constant 0 : i32
    %broadcast_in_dim3A_1150 = vector.broadcast %jit3A_1149 : i32 to vector<16xi32>
    %select_n3A_1151 = arith.select %eq3A_1148, %rem3A_1145, %broadcast_in_dim3A_1150 : vector<16xi1>, vector<16xi32>
    %reduce_max3A_1152 = arith.constant true
    %reduce_max3A_1153 = vector.broadcast %reduce_max3A_1152 : i1 to vector<16xi1>
    %reduce_max3A_1154 = arith.constant -2147483648 : i32
    %reduce_max3A_1155 = vector.broadcast %reduce_max3A_1154 : i32 to vector<16xi32>
    %reduce_max3A_1156 = arith.xori %select_n3A_1151, %reduce_max3A_1155 : vector<16xi32>
    %reduce_max3A_1157 = tpu.scan <max>, %reduce_max3A_1156 masked %reduce_max3A_1153 : vector<16xi32>, vector<16xi1> -> vector<16xi32>
    %reduce_max3A_1158 = arith.xori %reduce_max3A_1157, %reduce_max3A_1155 : vector<16xi32>
    %reduce_max3A_1159 = vector.extract %reduce_max3A_1158[15] : i32 from vector<16xi32>
    %broadcast_in_dim3A_1160 = vector.broadcast %reduce_max3A_1159 : i32 to vector<16xi32>
    %broadcast_in_dim3A_1161 = arith.constant 498 : i32
    %broadcast_in_dim3A_1162 = vector.broadcast %broadcast_in_dim3A_1161 : i32 to vector<16xi32>
    %add3A_1163 = arith.constant 0 : i32
    %add3A_1164 = vector.broadcast %add3A_1163 : i32 to vector<16xi32>
    %add3A_1165 = arith.addi %iota3A, %add3A_1164 : vector<16xi32>
    %gather3A_1166 = arith.constant 2 : i32
    %gather3A_1167 = arith.constant 0 : i32
    %gather3A_1168 = arith.constant 0 : i32
    %gather3A_1169 = tpu.memref_slice %arg6[%gather3A_1166, %gather3A_1167, %gather3A_1168] : memref<16x32x128xf32, #tpu.memory_space<vmem>> -> memref<1x32x128xf32, #tpu.memory_space<vmem>>
    %gather3A_1170 = tpu.memref_squeeze %gather3A_1169 : memref<1x32x128xf32, #tpu.memory_space<vmem>> -> memref<32x128xf32, #tpu.memory_space<vmem>>
    %gather3A_1171 = tpu.vector_load_idx %gather3A_1170[%add3A_1165, %broadcast_in_dim3A_1160] : memref<32x128xf32, #tpu.memory_space<vmem>>[vector<16xi32>, vector<16xi32>], vector<16xf32>,
    tpu.vector_store_idx %arg7[%add3A_1165, %broadcast_in_dim3A_1162], %gather3A_1171 : memref<32x512xf32, #tpu.memory_space<vmem>>[vector<16xi32>, vector<16xi32>], vector<16xf32>,
    %add3A_1172 = arith.constant 16 : i32
    %add3A_1173 = vector.broadcast %add3A_1172 : i32 to vector<16xi32>
    %add3A_1174 = arith.addi %iota3A, %add3A_1173 : vector<16xi32>
    %gather3A_1175 = arith.constant 2 : i32
    %gather3A_1176 = arith.constant 0 : i32
    %gather3A_1177 = arith.constant 0 : i32
    %gather3A_1178 = tpu.memref_slice %arg6[%gather3A_1175, %gather3A_1176, %gather3A_1177] : memref<16x32x128xf32, #tpu.memory_space<vmem>> -> memref<1x32x128xf32, #tpu.memory_space<vmem>>
    %gather3A_1179 = tpu.memref_squeeze %gather3A_1178 : memref<1x32x128xf32, #tpu.memory_space<vmem>> -> memref<32x128xf32, #tpu.memory_space<vmem>>
    %gather3A_1180 = tpu.vector_load_idx %gather3A_1179[%add3A_1174, %broadcast_in_dim3A_1160] : memref<32x128xf32, #tpu.memory_space<vmem>>[vector<16xi32>, vector<16xi32>], vector<16xf32>,
    tpu.vector_store_idx %arg7[%add3A_1174, %broadcast_in_dim3A_1162], %gather3A_1180 : memref<32x512xf32, #tpu.memory_space<vmem>>[vector<16xi32>, vector<16xi32>], vector<16xf32>,
    %dma_wait3A_1181 = arith.constant 3 : i32
    %dma_wait3A_1182 = arith.constant 0 : i32
    %dma_wait3A_1183 = arith.constant 0 : i32
    %dma_wait3A_1184 = tpu.memref_slice %arg6[%dma_wait3A_1181, %dma_wait3A_1182, %dma_wait3A_1183] : memref<16x32x128xf32, #tpu.memory_space<vmem>> -> memref<1x32x128xf32, #tpu.memory_space<vmem>>
    %dma_wait3A_1185 = tpu.memref_squeeze %dma_wait3A_1184 : memref<1x32x128xf32, #tpu.memory_space<vmem>> -> memref<32x128xf32, #tpu.memory_space<vmem>>
    %dma_wait3A_1186 = arith.constant 0 : i32
    %dma_wait3A_1187 = arith.constant 0 : i32
    %dma_wait3A_1188 = tpu.memref_slice %arg2[%dma_wait3A_1186, %dma_wait3A_1187] : memref<32x1000000xf32, #tpu.memory_space<hbm>> -> memref<32x128xf32, #tpu.memory_space<hbm>>
    %dma_wait3A_1189 = arith.constant 0 : i32
    %dma_wait3A_1190 = arith.constant 0 : i32
    %dma_wait3A_1191 = tpu.memref_slice %arg6[%dma_wait3A_1181, %dma_wait3A_1189, %dma_wait3A_1190] : memref<16x32x128xf32, #tpu.memory_space<vmem>> -> memref<1x32x128xf32, #tpu.memory_space<vmem>>
    %dma_wait3A_1192 = tpu.memref_squeeze %dma_wait3A_1191 : memref<1x32x128xf32, #tpu.memory_space<vmem>> -> memref<32x128xf32, #tpu.memory_space<vmem>>
    %dma_wait3A_1193 = arith.constant 0 : i32
    %dma_wait3A_1194 = arith.constant 0 : i32
    %dma_wait3A_1195 = tpu.memref_slice %arg2[%dma_wait3A_1193, %dma_wait3A_1194] : memref<32x1000000xf32, #tpu.memory_space<hbm>> -> memref<32x128xf32, #tpu.memory_space<hbm>>
    tpu.wait_dma2 semaphore(%arg11 : memref<!tpu.dma_semaphore, #tpu.memory_space<semaphore_mem>>) src(%dma_wait3A_1195 : memref<32x128xf32, #tpu.memory_space<hbm>>) dst(%dma_wait3A_1192 : memref<32x128xf32, #tpu.memory_space<vmem>>)
    %get3A_1196 = arith.constant 496 : index
    %get3A_1197 = tpu.vector_load %arg5[%get3A_1196] {strides = array<i32>} : memref<512xi32, #tpu.memory_space<vmem>>, vector<16xi32>,
    %rem3A_1198 = arith.constant 128 : i32
    %rem3A_1199 = vector.broadcast %rem3A_1198 : i32 to vector<16xi32>
    %rem3A_1200 = arith.remsi %get3A_1197, %rem3A_1199 : vector<16xi32>
    %eq3A_1201 = arith.constant 3 : i32
    %eq3A_1202 = vector.broadcast %eq3A_1201 : i32 to vector<16xi32>
    %eq3A_1203 = arith.cmpi eq, %iota3A, %eq3A_1202 : vector<16xi32>
    %jit3A_1204 = arith.constant 0 : i32
    %broadcast_in_dim3A_1205 = vector.broadcast %jit3A_1204 : i32 to vector<16xi32>
    %select_n3A_1206 = arith.select %eq3A_1203, %rem3A_1200, %broadcast_in_dim3A_1205 : vector<16xi1>, vector<16xi32>
    %reduce_max3A_1207 = arith.constant true
    %reduce_max3A_1208 = vector.broadcast %reduce_max3A_1207 : i1 to vector<16xi1>
    %reduce_max3A_1209 = arith.constant -2147483648 : i32
    %reduce_max3A_1210 = vector.broadcast %reduce_max3A_1209 : i32 to vector<16xi32>
    %reduce_max3A_1211 = arith.xori %select_n3A_1206, %reduce_max3A_1210 : vector<16xi32>
    %reduce_max3A_1212 = tpu.scan <max>, %reduce_max3A_1211 masked %reduce_max3A_1208 : vector<16xi32>, vector<16xi1> -> vector<16xi32>
    %reduce_max3A_1213 = arith.xori %reduce_max3A_1212, %reduce_max3A_1210 : vector<16xi32>
    %reduce_max3A_1214 = vector.extract %reduce_max3A_1213[15] : i32 from vector<16xi32>
    %broadcast_in_dim3A_1215 = vector.broadcast %reduce_max3A_1214 : i32 to vector<16xi32>
    %broadcast_in_dim3A_1216 = arith.constant 499 : i32
    %broadcast_in_dim3A_1217 = vector.broadcast %broadcast_in_dim3A_1216 : i32 to vector<16xi32>
    %add3A_1218 = arith.constant 0 : i32
    %add3A_1219 = vector.broadcast %add3A_1218 : i32 to vector<16xi32>
    %add3A_1220 = arith.addi %iota3A, %add3A_1219 : vector<16xi32>
    %gather3A_1221 = arith.constant 3 : i32
    %gather3A_1222 = arith.constant 0 : i32
    %gather3A_1223 = arith.constant 0 : i32
    %gather3A_1224 = tpu.memref_slice %arg6[%gather3A_1221, %gather3A_1222, %gather3A_1223] : memref<16x32x128xf32, #tpu.memory_space<vmem>> -> memref<1x32x128xf32, #tpu.memory_space<vmem>>
    %gather3A_1225 = tpu.memref_squeeze %gather3A_1224 : memref<1x32x128xf32, #tpu.memory_space<vmem>> -> memref<32x128xf32, #tpu.memory_space<vmem>>
    %gather3A_1226 = tpu.vector_load_idx %gather3A_1225[%add3A_1220, %broadcast_in_dim3A_1215] : memref<32x128xf32, #tpu.memory_space<vmem>>[vector<16xi32>, vector<16xi32>], vector<16xf32>,
    tpu.vector_store_idx %arg7[%add3A_1220, %broadcast_in_dim3A_1217], %gather3A_1226 : memref<32x512xf32, #tpu.memory_space<vmem>>[vector<16xi32>, vector<16xi32>], vector<16xf32>,
    %add3A_1227 = arith.constant 16 : i32
    %add3A_1228 = vector.broadcast %add3A_1227 : i32 to vector<16xi32>
    %add3A_1229 = arith.addi %iota3A, %add3A_1228 : vector<16xi32>
    %gather3A_1230 = arith.constant 3 : i32
    %gather3A_1231 = arith.constant 0 : i32
    %gather3A_1232 = arith.constant 0 : i32
    %gather3A_1233 = tpu.memref_slice %arg6[%gather3A_1230, %gather3A_1231, %gather3A_1232] : memref<16x32x128xf32, #tpu.memory_space<vmem>> -> memref<1x32x128xf32, #tpu.memory_space<vmem>>
    %gather3A_1234 = tpu.memref_squeeze %gather3A_1233 : memref<1x32x128xf32, #tpu.memory_space<vmem>> -> memref<32x128xf32, #tpu.memory_space<vmem>>
    %gather3A_1235 = tpu.vector_load_idx %gather3A_1234[%add3A_1229, %broadcast_in_dim3A_1215] : memref<32x128xf32, #tpu.memory_space<vmem>>[vector<16xi32>, vector<16xi32>], vector<16xf32>,
    tpu.vector_store_idx %arg7[%add3A_1229, %broadcast_in_dim3A_1217], %gather3A_1235 : memref<32x512xf32, #tpu.memory_space<vmem>>[vector<16xi32>, vector<16xi32>], vector<16xf32>,
    %dma_wait3A_1236 = arith.constant 4 : i32
    %dma_wait3A_1237 = arith.constant 0 : i32
    %dma_wait3A_1238 = arith.constant 0 : i32
    %dma_wait3A_1239 = tpu.memref_slice %arg6[%dma_wait3A_1236, %dma_wait3A_1237, %dma_wait3A_1238] : memref<16x32x128xf32, #tpu.memory_space<vmem>> -> memref<1x32x128xf32, #tpu.memory_space<vmem>>
    %dma_wait3A_1240 = tpu.memref_squeeze %dma_wait3A_1239 : memref<1x32x128xf32, #tpu.memory_space<vmem>> -> memref<32x128xf32, #tpu.memory_space<vmem>>
    %dma_wait3A_1241 = arith.constant 0 : i32
    %dma_wait3A_1242 = arith.constant 0 : i32
    %dma_wait3A_1243 = tpu.memref_slice %arg2[%dma_wait3A_1241, %dma_wait3A_1242] : memref<32x1000000xf32, #tpu.memory_space<hbm>> -> memref<32x128xf32, #tpu.memory_space<hbm>>
    %dma_wait3A_1244 = arith.constant 0 : i32
    %dma_wait3A_1245 = arith.constant 0 : i32
    %dma_wait3A_1246 = tpu.memref_slice %arg6[%dma_wait3A_1236, %dma_wait3A_1244, %dma_wait3A_1245] : memref<16x32x128xf32, #tpu.memory_space<vmem>> -> memref<1x32x128xf32, #tpu.memory_space<vmem>>
    %dma_wait3A_1247 = tpu.memref_squeeze %dma_wait3A_1246 : memref<1x32x128xf32, #tpu.memory_space<vmem>> -> memref<32x128xf32, #tpu.memory_space<vmem>>
    %dma_wait3A_1248 = arith.constant 0 : i32
    %dma_wait3A_1249 = arith.constant 0 : i32
    %dma_wait3A_1250 = tpu.memref_slice %arg2[%dma_wait3A_1248, %dma_wait3A_1249] : memref<32x1000000xf32, #tpu.memory_space<hbm>> -> memref<32x128xf32, #tpu.memory_space<hbm>>
    tpu.wait_dma2 semaphore(%arg12 : memref<!tpu.dma_semaphore, #tpu.memory_space<semaphore_mem>>) src(%dma_wait3A_1250 : memref<32x128xf32, #tpu.memory_space<hbm>>) dst(%dma_wait3A_1247 : memref<32x128xf32, #tpu.memory_space<vmem>>)
    %get3A_1251 = arith.constant 496 : index
    %get3A_1252 = tpu.vector_load %arg5[%get3A_1251] {strides = array<i32>} : memref<512xi32, #tpu.memory_space<vmem>>, vector<16xi32>,
    %rem3A_1253 = arith.constant 128 : i32
    %rem3A_1254 = vector.broadcast %rem3A_1253 : i32 to vector<16xi32>
    %rem3A_1255 = arith.remsi %get3A_1252, %rem3A_1254 : vector<16xi32>
    %eq3A_1256 = arith.constant 4 : i32
    %eq3A_1257 = vector.broadcast %eq3A_1256 : i32 to vector<16xi32>
    %eq3A_1258 = arith.cmpi eq, %iota3A, %eq3A_1257 : vector<16xi32>
    %jit3A_1259 = arith.constant 0 : i32
    %broadcast_in_dim3A_1260 = vector.broadcast %jit3A_1259 : i32 to vector<16xi32>
    %select_n3A_1261 = arith.select %eq3A_1258, %rem3A_1255, %broadcast_in_dim3A_1260 : vector<16xi1>, vector<16xi32>
    %reduce_max3A_1262 = arith.constant true
    %reduce_max3A_1263 = vector.broadcast %reduce_max3A_1262 : i1 to vector<16xi1>
    %reduce_max3A_1264 = arith.constant -2147483648 : i32
    %reduce_max3A_1265 = vector.broadcast %reduce_max3A_1264 : i32 to vector<16xi32>
    %reduce_max3A_1266 = arith.xori %select_n3A_1261, %reduce_max3A_1265 : vector<16xi32>
    %reduce_max3A_1267 = tpu.scan <max>, %reduce_max3A_1266 masked %reduce_max3A_1263 : vector<16xi32>, vector<16xi1> -> vector<16xi32>
    %reduce_max3A_1268 = arith.xori %reduce_max3A_1267, %reduce_max3A_1265 : vector<16xi32>
    %reduce_max3A_1269 = vector.extract %reduce_max3A_1268[15] : i32 from vector<16xi32>
    %broadcast_in_dim3A_1270 = vector.broadcast %reduce_max3A_1269 : i32 to vector<16xi32>
    %broadcast_in_dim3A_1271 = arith.constant 500 : i32
    %broadcast_in_dim3A_1272 = vector.broadcast %broadcast_in_dim3A_1271 : i32 to vector<16xi32>
    %add3A_1273 = arith.constant 0 : i32
    %add3A_1274 = vector.broadcast %add3A_1273 : i32 to vector<16xi32>
    %add3A_1275 = arith.addi %iota3A, %add3A_1274 : vector<16xi32>
    %gather3A_1276 = arith.constant 4 : i32
    %gather3A_1277 = arith.constant 0 : i32
    %gather3A_1278 = arith.constant 0 : i32
    %gather3A_1279 = tpu.memref_slice %arg6[%gather3A_1276, %gather3A_1277, %gather3A_1278] : memref<16x32x128xf32, #tpu.memory_space<vmem>> -> memref<1x32x128xf32, #tpu.memory_space<vmem>>
    %gather3A_1280 = tpu.memref_squeeze %gather3A_1279 : memref<1x32x128xf32, #tpu.memory_space<vmem>> -> memref<32x128xf32, #tpu.memory_space<vmem>>
    %gather3A_1281 = tpu.vector_load_idx %gather3A_1280[%add3A_1275, %broadcast_in_dim3A_1270] : memref<32x128xf32, #tpu.memory_space<vmem>>[vector<16xi32>, vector<16xi32>], vector<16xf32>,
    tpu.vector_store_idx %arg7[%add3A_1275, %broadcast_in_dim3A_1272], %gather3A_1281 : memref<32x512xf32, #tpu.memory_space<vmem>>[vector<16xi32>, vector<16xi32>], vector<16xf32>,
    %add3A_1282 = arith.constant 16 : i32
    %add3A_1283 = vector.broadcast %add3A_1282 : i32 to vector<16xi32>
    %add3A_1284 = arith.addi %iota3A, %add3A_1283 : vector<16xi32>
    %gather3A_1285 = arith.constant 4 : i32
    %gather3A_1286 = arith.constant 0 : i32
    %gather3A_1287 = arith.constant 0 : i32
    %gather3A_1288 = tpu.memref_slice %arg6[%gather3A_1285, %gather3A_1286, %gather3A_1287] : memref<16x32x128xf32, #tpu.memory_space<vmem>> -> memref<1x32x128xf32, #tpu.memory_space<vmem>>
    %gather3A_1289 = tpu.memref_squeeze %gather3A_1288 : memref<1x32x128xf32, #tpu.memory_space<vmem>> -> memref<32x128xf32, #tpu.memory_space<vmem>>
    %gather3A_1290 = tpu.vector_load_idx %gather3A_1289[%add3A_1284, %broadcast_in_dim3A_1270] : memref<32x128xf32, #tpu.memory_space<vmem>>[vector<16xi32>, vector<16xi32>], vector<16xf32>,
    tpu.vector_store_idx %arg7[%add3A_1284, %broadcast_in_dim3A_1272], %gather3A_1290 : memref<32x512xf32, #tpu.memory_space<vmem>>[vector<16xi32>, vector<16xi32>], vector<16xf32>,
    %dma_wait3A_1291 = arith.constant 5 : i32
    %dma_wait3A_1292 = arith.constant 0 : i32
    %dma_wait3A_1293 = arith.constant 0 : i32
    %dma_wait3A_1294 = tpu.memref_slice %arg6[%dma_wait3A_1291, %dma_wait3A_1292, %dma_wait3A_1293] : memref<16x32x128xf32, #tpu.memory_space<vmem>> -> memref<1x32x128xf32, #tpu.memory_space<vmem>>
    %dma_wait3A_1295 = tpu.memref_squeeze %dma_wait3A_1294 : memref<1x32x128xf32, #tpu.memory_space<vmem>> -> memref<32x128xf32, #tpu.memory_space<vmem>>
    %dma_wait3A_1296 = arith.constant 0 : i32
    %dma_wait3A_1297 = arith.constant 0 : i32
    %dma_wait3A_1298 = tpu.memref_slice %arg2[%dma_wait3A_1296, %dma_wait3A_1297] : memref<32x1000000xf32, #tpu.memory_space<hbm>> -> memref<32x128xf32, #tpu.memory_space<hbm>>
    %dma_wait3A_1299 = arith.constant 0 : i32
    %dma_wait3A_1300 = arith.constant 0 : i32
    %dma_wait3A_1301 = tpu.memref_slice %arg6[%dma_wait3A_1291, %dma_wait3A_1299, %dma_wait3A_1300] : memref<16x32x128xf32, #tpu.memory_space<vmem>> -> memref<1x32x128xf32, #tpu.memory_space<vmem>>
    %dma_wait3A_1302 = tpu.memref_squeeze %dma_wait3A_1301 : memref<1x32x128xf32, #tpu.memory_space<vmem>> -> memref<32x128xf32, #tpu.memory_space<vmem>>
    %dma_wait3A_1303 = arith.constant 0 : i32
    %dma_wait3A_1304 = arith.constant 0 : i32
    %dma_wait3A_1305 = tpu.memref_slice %arg2[%dma_wait3A_1303, %dma_wait3A_1304] : memref<32x1000000xf32, #tpu.memory_space<hbm>> -> memref<32x128xf32, #tpu.memory_space<hbm>>
    tpu.wait_dma2 semaphore(%arg13 : memref<!tpu.dma_semaphore, #tpu.memory_space<semaphore_mem>>) src(%dma_wait3A_1305 : memref<32x128xf32, #tpu.memory_space<hbm>>) dst(%dma_wait3A_1302 : memref<32x128xf32, #tpu.memory_space<vmem>>)
    %get3A_1306 = arith.constant 496 : index
    %get3A_1307 = tpu.vector_load %arg5[%get3A_1306] {strides = array<i32>} : memref<512xi32, #tpu.memory_space<vmem>>, vector<16xi32>,
    %rem3A_1308 = arith.constant 128 : i32
    %rem3A_1309 = vector.broadcast %rem3A_1308 : i32 to vector<16xi32>
    %rem3A_1310 = arith.remsi %get3A_1307, %rem3A_1309 : vector<16xi32>
    %eq3A_1311 = arith.constant 5 : i32
    %eq3A_1312 = vector.broadcast %eq3A_1311 : i32 to vector<16xi32>
    %eq3A_1313 = arith.cmpi eq, %iota3A, %eq3A_1312 : vector<16xi32>
    %jit3A_1314 = arith.constant 0 : i32
    %broadcast_in_dim3A_1315 = vector.broadcast %jit3A_1314 : i32 to vector<16xi32>
    %select_n3A_1316 = arith.select %eq3A_1313, %rem3A_1310, %broadcast_in_dim3A_1315 : vector<16xi1>, vector<16xi32>
    %reduce_max3A_1317 = arith.constant true
    %reduce_max3A_1318 = vector.broadcast %reduce_max3A_1317 : i1 to vector<16xi1>
    %reduce_max3A_1319 = arith.constant -2147483648 : i32
    %reduce_max3A_1320 = vector.broadcast %reduce_max3A_1319 : i32 to vector<16xi32>
    %reduce_max3A_1321 = arith.xori %select_n3A_1316, %reduce_max3A_1320 : vector<16xi32>
    %reduce_max3A_1322 = tpu.scan <max>, %reduce_max3A_1321 masked %reduce_max3A_1318 : vector<16xi32>, vector<16xi1> -> vector<16xi32>
    %reduce_max3A_1323 = arith.xori %reduce_max3A_1322, %reduce_max3A_1320 : vector<16xi32>
    %reduce_max3A_1324 = vector.extract %reduce_max3A_1323[15] : i32 from vector<16xi32>
    %broadcast_in_dim3A_1325 = vector.broadcast %reduce_max3A_1324 : i32 to vector<16xi32>
    %broadcast_in_dim3A_1326 = arith.constant 501 : i32
    %broadcast_in_dim3A_1327 = vector.broadcast %broadcast_in_dim3A_1326 : i32 to vector<16xi32>
    %add3A_1328 = arith.constant 0 : i32
    %add3A_1329 = vector.broadcast %add3A_1328 : i32 to vector<16xi32>
    %add3A_1330 = arith.addi %iota3A, %add3A_1329 : vector<16xi32>
    %gather3A_1331 = arith.constant 5 : i32
    %gather3A_1332 = arith.constant 0 : i32
    %gather3A_1333 = arith.constant 0 : i32
    %gather3A_1334 = tpu.memref_slice %arg6[%gather3A_1331, %gather3A_1332, %gather3A_1333] : memref<16x32x128xf32, #tpu.memory_space<vmem>> -> memref<1x32x128xf32, #tpu.memory_space<vmem>>
    %gather3A_1335 = tpu.memref_squeeze %gather3A_1334 : memref<1x32x128xf32, #tpu.memory_space<vmem>> -> memref<32x128xf32, #tpu.memory_space<vmem>>
    %gather3A_1336 = tpu.vector_load_idx %gather3A_1335[%add3A_1330, %broadcast_in_dim3A_1325] : memref<32x128xf32, #tpu.memory_space<vmem>>[vector<16xi32>, vector<16xi32>], vector<16xf32>,
    tpu.vector_store_idx %arg7[%add3A_1330, %broadcast_in_dim3A_1327], %gather3A_1336 : memref<32x512xf32, #tpu.memory_space<vmem>>[vector<16xi32>, vector<16xi32>], vector<16xf32>,
    %add3A_1337 = arith.constant 16 : i32
    %add3A_1338 = vector.broadcast %add3A_1337 : i32 to vector<16xi32>
    %add3A_1339 = arith.addi %iota3A, %add3A_1338 : vector<16xi32>
    %gather3A_1340 = arith.constant 5 : i32
    %gather3A_1341 = arith.constant 0 : i32
    %gather3A_1342 = arith.constant 0 : i32
    %gather3A_1343 = tpu.memref_slice %arg6[%gather3A_1340, %gather3A_1341, %gather3A_1342] : memref<16x32x128xf32, #tpu.memory_space<vmem>> -> memref<1x32x128xf32, #tpu.memory_space<vmem>>
    %gather3A_1344 = tpu.memref_squeeze %gather3A_1343 : memref<1x32x128xf32, #tpu.memory_space<vmem>> -> memref<32x128xf32, #tpu.memory_space<vmem>>
    %gather3A_1345 = tpu.vector_load_idx %gather3A_1344[%add3A_1339, %broadcast_in_dim3A_1325] : memref<32x128xf32, #tpu.memory_space<vmem>>[vector<16xi32>, vector<16xi32>], vector<16xf32>,
    tpu.vector_store_idx %arg7[%add3A_1339, %broadcast_in_dim3A_1327], %gather3A_1345 : memref<32x512xf32, #tpu.memory_space<vmem>>[vector<16xi32>, vector<16xi32>], vector<16xf32>,
    %dma_wait3A_1346 = arith.constant 6 : i32
    %dma_wait3A_1347 = arith.constant 0 : i32
    %dma_wait3A_1348 = arith.constant 0 : i32
    %dma_wait3A_1349 = tpu.memref_slice %arg6[%dma_wait3A_1346, %dma_wait3A_1347, %dma_wait3A_1348] : memref<16x32x128xf32, #tpu.memory_space<vmem>> -> memref<1x32x128xf32, #tpu.memory_space<vmem>>
    %dma_wait3A_1350 = tpu.memref_squeeze %dma_wait3A_1349 : memref<1x32x128xf32, #tpu.memory_space<vmem>> -> memref<32x128xf32, #tpu.memory_space<vmem>>
    %dma_wait3A_1351 = arith.constant 0 : i32
    %dma_wait3A_1352 = arith.constant 0 : i32
    %dma_wait3A_1353 = tpu.memref_slice %arg2[%dma_wait3A_1351, %dma_wait3A_1352] : memref<32x1000000xf32, #tpu.memory_space<hbm>> -> memref<32x128xf32, #tpu.memory_space<hbm>>
    %dma_wait3A_1354 = arith.constant 0 : i32
    %dma_wait3A_1355 = arith.constant 0 : i32
    %dma_wait3A_1356 = tpu.memref_slice %arg6[%dma_wait3A_1346, %dma_wait3A_1354, %dma_wait3A_1355] : memref<16x32x128xf32, #tpu.memory_space<vmem>> -> memref<1x32x128xf32, #tpu.memory_space<vmem>>
    %dma_wait3A_1357 = tpu.memref_squeeze %dma_wait3A_1356 : memref<1x32x128xf32, #tpu.memory_space<vmem>> -> memref<32x128xf32, #tpu.memory_space<vmem>>
    %dma_wait3A_1358 = arith.constant 0 : i32
    %dma_wait3A_1359 = arith.constant 0 : i32
    %dma_wait3A_1360 = tpu.memref_slice %arg2[%dma_wait3A_1358, %dma_wait3A_1359] : memref<32x1000000xf32, #tpu.memory_space<hbm>> -> memref<32x128xf32, #tpu.memory_space<hbm>>
    tpu.wait_dma2 semaphore(%arg14 : memref<!tpu.dma_semaphore, #tpu.memory_space<semaphore_mem>>) src(%dma_wait3A_1360 : memref<32x128xf32, #tpu.memory_space<hbm>>) dst(%dma_wait3A_1357 : memref<32x128xf32, #tpu.memory_space<vmem>>)
    %get3A_1361 = arith.constant 496 : index
    %get3A_1362 = tpu.vector_load %arg5[%get3A_1361] {strides = array<i32>} : memref<512xi32, #tpu.memory_space<vmem>>, vector<16xi32>,
    %rem3A_1363 = arith.constant 128 : i32
    %rem3A_1364 = vector.broadcast %rem3A_1363 : i32 to vector<16xi32>
    %rem3A_1365 = arith.remsi %get3A_1362, %rem3A_1364 : vector<16xi32>
    %eq3A_1366 = arith.constant 6 : i32
    %eq3A_1367 = vector.broadcast %eq3A_1366 : i32 to vector<16xi32>
    %eq3A_1368 = arith.cmpi eq, %iota3A, %eq3A_1367 : vector<16xi32>
    %jit3A_1369 = arith.constant 0 : i32
    %broadcast_in_dim3A_1370 = vector.broadcast %jit3A_1369 : i32 to vector<16xi32>
    %select_n3A_1371 = arith.select %eq3A_1368, %rem3A_1365, %broadcast_in_dim3A_1370 : vector<16xi1>, vector<16xi32>
    %reduce_max3A_1372 = arith.constant true
    %reduce_max3A_1373 = vector.broadcast %reduce_max3A_1372 : i1 to vector<16xi1>
    %reduce_max3A_1374 = arith.constant -2147483648 : i32
    %reduce_max3A_1375 = vector.broadcast %reduce_max3A_1374 : i32 to vector<16xi32>
    %reduce_max3A_1376 = arith.xori %select_n3A_1371, %reduce_max3A_1375 : vector<16xi32>
    %reduce_max3A_1377 = tpu.scan <max>, %reduce_max3A_1376 masked %reduce_max3A_1373 : vector<16xi32>, vector<16xi1> -> vector<16xi32>
    %reduce_max3A_1378 = arith.xori %reduce_max3A_1377, %reduce_max3A_1375 : vector<16xi32>
    %reduce_max3A_1379 = vector.extract %reduce_max3A_1378[15] : i32 from vector<16xi32>
    %broadcast_in_dim3A_1380 = vector.broadcast %reduce_max3A_1379 : i32 to vector<16xi32>
    %broadcast_in_dim3A_1381 = arith.constant 502 : i32
    %broadcast_in_dim3A_1382 = vector.broadcast %broadcast_in_dim3A_1381 : i32 to vector<16xi32>
    %add3A_1383 = arith.constant 0 : i32
    %add3A_1384 = vector.broadcast %add3A_1383 : i32 to vector<16xi32>
    %add3A_1385 = arith.addi %iota3A, %add3A_1384 : vector<16xi32>
    %gather3A_1386 = arith.constant 6 : i32
    %gather3A_1387 = arith.constant 0 : i32
    %gather3A_1388 = arith.constant 0 : i32
    %gather3A_1389 = tpu.memref_slice %arg6[%gather3A_1386, %gather3A_1387, %gather3A_1388] : memref<16x32x128xf32, #tpu.memory_space<vmem>> -> memref<1x32x128xf32, #tpu.memory_space<vmem>>
    %gather3A_1390 = tpu.memref_squeeze %gather3A_1389 : memref<1x32x128xf32, #tpu.memory_space<vmem>> -> memref<32x128xf32, #tpu.memory_space<vmem>>
    %gather3A_1391 = tpu.vector_load_idx %gather3A_1390[%add3A_1385, %broadcast_in_dim3A_1380] : memref<32x128xf32, #tpu.memory_space<vmem>>[vector<16xi32>, vector<16xi32>], vector<16xf32>,
    tpu.vector_store_idx %arg7[%add3A_1385, %broadcast_in_dim3A_1382], %gather3A_1391 : memref<32x512xf32, #tpu.memory_space<vmem>>[vector<16xi32>, vector<16xi32>], vector<16xf32>,
    %add3A_1392 = arith.constant 16 : i32
    %add3A_1393 = vector.broadcast %add3A_1392 : i32 to vector<16xi32>
    %add3A_1394 = arith.addi %iota3A, %add3A_1393 : vector<16xi32>
    %gather3A_1395 = arith.constant 6 : i32
    %gather3A_1396 = arith.constant 0 : i32
    %gather3A_1397 = arith.constant 0 : i32
    %gather3A_1398 = tpu.memref_slice %arg6[%gather3A_1395, %gather3A_1396, %gather3A_1397] : memref<16x32x128xf32, #tpu.memory_space<vmem>> -> memref<1x32x128xf32, #tpu.memory_space<vmem>>
    %gather3A_1399 = tpu.memref_squeeze %gather3A_1398 : memref<1x32x128xf32, #tpu.memory_space<vmem>> -> memref<32x128xf32, #tpu.memory_space<vmem>>
    %gather3A_1400 = tpu.vector_load_idx %gather3A_1399[%add3A_1394, %broadcast_in_dim3A_1380] : memref<32x128xf32, #tpu.memory_space<vmem>>[vector<16xi32>, vector<16xi32>], vector<16xf32>,
    tpu.vector_store_idx %arg7[%add3A_1394, %broadcast_in_dim3A_1382], %gather3A_1400 : memref<32x512xf32, #tpu.memory_space<vmem>>[vector<16xi32>, vector<16xi32>], vector<16xf32>,
    %dma_wait3A_1401 = arith.constant 7 : i32
    %dma_wait3A_1402 = arith.constant 0 : i32
    %dma_wait3A_1403 = arith.constant 0 : i32
    %dma_wait3A_1404 = tpu.memref_slice %arg6[%dma_wait3A_1401, %dma_wait3A_1402, %dma_wait3A_1403] : memref<16x32x128xf32, #tpu.memory_space<vmem>> -> memref<1x32x128xf32, #tpu.memory_space<vmem>>
    %dma_wait3A_1405 = tpu.memref_squeeze %dma_wait3A_1404 : memref<1x32x128xf32, #tpu.memory_space<vmem>> -> memref<32x128xf32, #tpu.memory_space<vmem>>
    %dma_wait3A_1406 = arith.constant 0 : i32
    %dma_wait3A_1407 = arith.constant 0 : i32
    %dma_wait3A_1408 = tpu.memref_slice %arg2[%dma_wait3A_1406, %dma_wait3A_1407] : memref<32x1000000xf32, #tpu.memory_space<hbm>> -> memref<32x128xf32, #tpu.memory_space<hbm>>
    %dma_wait3A_1409 = arith.constant 0 : i32
    %dma_wait3A_1410 = arith.constant 0 : i32
    %dma_wait3A_1411 = tpu.memref_slice %arg6[%dma_wait3A_1401, %dma_wait3A_1409, %dma_wait3A_1410] : memref<16x32x128xf32, #tpu.memory_space<vmem>> -> memref<1x32x128xf32, #tpu.memory_space<vmem>>
    %dma_wait3A_1412 = tpu.memref_squeeze %dma_wait3A_1411 : memref<1x32x128xf32, #tpu.memory_space<vmem>> -> memref<32x128xf32, #tpu.memory_space<vmem>>
    %dma_wait3A_1413 = arith.constant 0 : i32
    %dma_wait3A_1414 = arith.constant 0 : i32
    %dma_wait3A_1415 = tpu.memref_slice %arg2[%dma_wait3A_1413, %dma_wait3A_1414] : memref<32x1000000xf32, #tpu.memory_space<hbm>> -> memref<32x128xf32, #tpu.memory_space<hbm>>
    tpu.wait_dma2 semaphore(%arg15 : memref<!tpu.dma_semaphore, #tpu.memory_space<semaphore_mem>>) src(%dma_wait3A_1415 : memref<32x128xf32, #tpu.memory_space<hbm>>) dst(%dma_wait3A_1412 : memref<32x128xf32, #tpu.memory_space<vmem>>)
    %get3A_1416 = arith.constant 496 : index
    %get3A_1417 = tpu.vector_load %arg5[%get3A_1416] {strides = array<i32>} : memref<512xi32, #tpu.memory_space<vmem>>, vector<16xi32>,
    %rem3A_1418 = arith.constant 128 : i32
    %rem3A_1419 = vector.broadcast %rem3A_1418 : i32 to vector<16xi32>
    %rem3A_1420 = arith.remsi %get3A_1417, %rem3A_1419 : vector<16xi32>
    %eq3A_1421 = arith.constant 7 : i32
    %eq3A_1422 = vector.broadcast %eq3A_1421 : i32 to vector<16xi32>
    %eq3A_1423 = arith.cmpi eq, %iota3A, %eq3A_1422 : vector<16xi32>
    %jit3A_1424 = arith.constant 0 : i32
    %broadcast_in_dim3A_1425 = vector.broadcast %jit3A_1424 : i32 to vector<16xi32>
    %select_n3A_1426 = arith.select %eq3A_1423, %rem3A_1420, %broadcast_in_dim3A_1425 : vector<16xi1>, vector<16xi32>
    %reduce_max3A_1427 = arith.constant true
    %reduce_max3A_1428 = vector.broadcast %reduce_max3A_1427 : i1 to vector<16xi1>
    %reduce_max3A_1429 = arith.constant -2147483648 : i32
    %reduce_max3A_1430 = vector.broadcast %reduce_max3A_1429 : i32 to vector<16xi32>
    %reduce_max3A_1431 = arith.xori %select_n3A_1426, %reduce_max3A_1430 : vector<16xi32>
    %reduce_max3A_1432 = tpu.scan <max>, %reduce_max3A_1431 masked %reduce_max3A_1428 : vector<16xi32>, vector<16xi1> -> vector<16xi32>
    %reduce_max3A_1433 = arith.xori %reduce_max3A_1432, %reduce_max3A_1430 : vector<16xi32>
    %reduce_max3A_1434 = vector.extract %reduce_max3A_1433[15] : i32 from vector<16xi32>
    %broadcast_in_dim3A_1435 = vector.broadcast %reduce_max3A_1434 : i32 to vector<16xi32>
    %broadcast_in_dim3A_1436 = arith.constant 503 : i32
    %broadcast_in_dim3A_1437 = vector.broadcast %broadcast_in_dim3A_1436 : i32 to vector<16xi32>
    %add3A_1438 = arith.constant 0 : i32
    %add3A_1439 = vector.broadcast %add3A_1438 : i32 to vector<16xi32>
    %add3A_1440 = arith.addi %iota3A, %add3A_1439 : vector<16xi32>
    %gather3A_1441 = arith.constant 7 : i32
    %gather3A_1442 = arith.constant 0 : i32
    %gather3A_1443 = arith.constant 0 : i32
    %gather3A_1444 = tpu.memref_slice %arg6[%gather3A_1441, %gather3A_1442, %gather3A_1443] : memref<16x32x128xf32, #tpu.memory_space<vmem>> -> memref<1x32x128xf32, #tpu.memory_space<vmem>>
    %gather3A_1445 = tpu.memref_squeeze %gather3A_1444 : memref<1x32x128xf32, #tpu.memory_space<vmem>> -> memref<32x128xf32, #tpu.memory_space<vmem>>
    %gather3A_1446 = tpu.vector_load_idx %gather3A_1445[%add3A_1440, %broadcast_in_dim3A_1435] : memref<32x128xf32, #tpu.memory_space<vmem>>[vector<16xi32>, vector<16xi32>], vector<16xf32>,
    tpu.vector_store_idx %arg7[%add3A_1440, %broadcast_in_dim3A_1437], %gather3A_1446 : memref<32x512xf32, #tpu.memory_space<vmem>>[vector<16xi32>, vector<16xi32>], vector<16xf32>,
    %add3A_1447 = arith.constant 16 : i32
    %add3A_1448 = vector.broadcast %add3A_1447 : i32 to vector<16xi32>
    %add3A_1449 = arith.addi %iota3A, %add3A_1448 : vector<16xi32>
    %gather3A_1450 = arith.constant 7 : i32
    %gather3A_1451 = arith.constant 0 : i32
    %gather3A_1452 = arith.constant 0 : i32
    %gather3A_1453 = tpu.memref_slice %arg6[%gather3A_1450, %gather3A_1451, %gather3A_1452] : memref<16x32x128xf32, #tpu.memory_space<vmem>> -> memref<1x32x128xf32, #tpu.memory_space<vmem>>
    %gather3A_1454 = tpu.memref_squeeze %gather3A_1453 : memref<1x32x128xf32, #tpu.memory_space<vmem>> -> memref<32x128xf32, #tpu.memory_space<vmem>>
    %gather3A_1455 = tpu.vector_load_idx %gather3A_1454[%add3A_1449, %broadcast_in_dim3A_1435] : memref<32x128xf32, #tpu.memory_space<vmem>>[vector<16xi32>, vector<16xi32>], vector<16xf32>,
    tpu.vector_store_idx %arg7[%add3A_1449, %broadcast_in_dim3A_1437], %gather3A_1455 : memref<32x512xf32, #tpu.memory_space<vmem>>[vector<16xi32>, vector<16xi32>], vector<16xf32>,
    %dma_wait3A_1456 = arith.constant 8 : i32
    %dma_wait3A_1457 = arith.constant 0 : i32
    %dma_wait3A_1458 = arith.constant 0 : i32
    %dma_wait3A_1459 = tpu.memref_slice %arg6[%dma_wait3A_1456, %dma_wait3A_1457, %dma_wait3A_1458] : memref<16x32x128xf32, #tpu.memory_space<vmem>> -> memref<1x32x128xf32, #tpu.memory_space<vmem>>
    %dma_wait3A_1460 = tpu.memref_squeeze %dma_wait3A_1459 : memref<1x32x128xf32, #tpu.memory_space<vmem>> -> memref<32x128xf32, #tpu.memory_space<vmem>>
    %dma_wait3A_1461 = arith.constant 0 : i32
    %dma_wait3A_1462 = arith.constant 0 : i32
    %dma_wait3A_1463 = tpu.memref_slice %arg2[%dma_wait3A_1461, %dma_wait3A_1462] : memref<32x1000000xf32, #tpu.memory_space<hbm>> -> memref<32x128xf32, #tpu.memory_space<hbm>>
    %dma_wait3A_1464 = arith.constant 0 : i32
    %dma_wait3A_1465 = arith.constant 0 : i32
    %dma_wait3A_1466 = tpu.memref_slice %arg6[%dma_wait3A_1456, %dma_wait3A_1464, %dma_wait3A_1465] : memref<16x32x128xf32, #tpu.memory_space<vmem>> -> memref<1x32x128xf32, #tpu.memory_space<vmem>>
    %dma_wait3A_1467 = tpu.memref_squeeze %dma_wait3A_1466 : memref<1x32x128xf32, #tpu.memory_space<vmem>> -> memref<32x128xf32, #tpu.memory_space<vmem>>
    %dma_wait3A_1468 = arith.constant 0 : i32
    %dma_wait3A_1469 = arith.constant 0 : i32
    %dma_wait3A_1470 = tpu.memref_slice %arg2[%dma_wait3A_1468, %dma_wait3A_1469] : memref<32x1000000xf32, #tpu.memory_space<hbm>> -> memref<32x128xf32, #tpu.memory_space<hbm>>
    tpu.wait_dma2 semaphore(%arg16 : memref<!tpu.dma_semaphore, #tpu.memory_space<semaphore_mem>>) src(%dma_wait3A_1470 : memref<32x128xf32, #tpu.memory_space<hbm>>) dst(%dma_wait3A_1467 : memref<32x128xf32, #tpu.memory_space<vmem>>)
    %get3A_1471 = arith.constant 496 : index
    %get3A_1472 = tpu.vector_load %arg5[%get3A_1471] {strides = array<i32>} : memref<512xi32, #tpu.memory_space<vmem>>, vector<16xi32>,
    %rem3A_1473 = arith.constant 128 : i32
    %rem3A_1474 = vector.broadcast %rem3A_1473 : i32 to vector<16xi32>
    %rem3A_1475 = arith.remsi %get3A_1472, %rem3A_1474 : vector<16xi32>
    %eq3A_1476 = arith.constant 8 : i32
    %eq3A_1477 = vector.broadcast %eq3A_1476 : i32 to vector<16xi32>
    %eq3A_1478 = arith.cmpi eq, %iota3A, %eq3A_1477 : vector<16xi32>
    %jit3A_1479 = arith.constant 0 : i32
    %broadcast_in_dim3A_1480 = vector.broadcast %jit3A_1479 : i32 to vector<16xi32>
    %select_n3A_1481 = arith.select %eq3A_1478, %rem3A_1475, %broadcast_in_dim3A_1480 : vector<16xi1>, vector<16xi32>
    %reduce_max3A_1482 = arith.constant true
    %reduce_max3A_1483 = vector.broadcast %reduce_max3A_1482 : i1 to vector<16xi1>
    %reduce_max3A_1484 = arith.constant -2147483648 : i32
    %reduce_max3A_1485 = vector.broadcast %reduce_max3A_1484 : i32 to vector<16xi32>
    %reduce_max3A_1486 = arith.xori %select_n3A_1481, %reduce_max3A_1485 : vector<16xi32>
    %reduce_max3A_1487 = tpu.scan <max>, %reduce_max3A_1486 masked %reduce_max3A_1483 : vector<16xi32>, vector<16xi1> -> vector<16xi32>
    %reduce_max3A_1488 = arith.xori %reduce_max3A_1487, %reduce_max3A_1485 : vector<16xi32>
    %reduce_max3A_1489 = vector.extract %reduce_max3A_1488[15] : i32 from vector<16xi32>
    %broadcast_in_dim3A_1490 = vector.broadcast %reduce_max3A_1489 : i32 to vector<16xi32>
    %broadcast_in_dim3A_1491 = arith.constant 504 : i32
    %broadcast_in_dim3A_1492 = vector.broadcast %broadcast_in_dim3A_1491 : i32 to vector<16xi32>
    %add3A_1493 = arith.constant 0 : i32
    %add3A_1494 = vector.broadcast %add3A_1493 : i32 to vector<16xi32>
    %add3A_1495 = arith.addi %iota3A, %add3A_1494 : vector<16xi32>
    %gather3A_1496 = arith.constant 8 : i32
    %gather3A_1497 = arith.constant 0 : i32
    %gather3A_1498 = arith.constant 0 : i32
    %gather3A_1499 = tpu.memref_slice %arg6[%gather3A_1496, %gather3A_1497, %gather3A_1498] : memref<16x32x128xf32, #tpu.memory_space<vmem>> -> memref<1x32x128xf32, #tpu.memory_space<vmem>>
    %gather3A_1500 = tpu.memref_squeeze %gather3A_1499 : memref<1x32x128xf32, #tpu.memory_space<vmem>> -> memref<32x128xf32, #tpu.memory_space<vmem>>
    %gather3A_1501 = tpu.vector_load_idx %gather3A_1500[%add3A_1495, %broadcast_in_dim3A_1490] : memref<32x128xf32, #tpu.memory_space<vmem>>[vector<16xi32>, vector<16xi32>], vector<16xf32>,
    tpu.vector_store_idx %arg7[%add3A_1495, %broadcast_in_dim3A_1492], %gather3A_1501 : memref<32x512xf32, #tpu.memory_space<vmem>>[vector<16xi32>, vector<16xi32>], vector<16xf32>,
    %add3A_1502 = arith.constant 16 : i32
    %add3A_1503 = vector.broadcast %add3A_1502 : i32 to vector<16xi32>
    %add3A_1504 = arith.addi %iota3A, %add3A_1503 : vector<16xi32>
    %gather3A_1505 = arith.constant 8 : i32
    %gather3A_1506 = arith.constant 0 : i32
    %gather3A_1507 = arith.constant 0 : i32
    %gather3A_1508 = tpu.memref_slice %arg6[%gather3A_1505, %gather3A_1506, %gather3A_1507] : memref<16x32x128xf32, #tpu.memory_space<vmem>> -> memref<1x32x128xf32, #tpu.memory_space<vmem>>
    %gather3A_1509 = tpu.memref_squeeze %gather3A_1508 : memref<1x32x128xf32, #tpu.memory_space<vmem>> -> memref<32x128xf32, #tpu.memory_space<vmem>>
    %gather3A_1510 = tpu.vector_load_idx %gather3A_1509[%add3A_1504, %broadcast_in_dim3A_1490] : memref<32x128xf32, #tpu.memory_space<vmem>>[vector<16xi32>, vector<16xi32>], vector<16xf32>,
    tpu.vector_store_idx %arg7[%add3A_1504, %broadcast_in_dim3A_1492], %gather3A_1510 : memref<32x512xf32, #tpu.memory_space<vmem>>[vector<16xi32>, vector<16xi32>], vector<16xf32>,
    %dma_wait3A_1511 = arith.constant 9 : i32
    %dma_wait3A_1512 = arith.constant 0 : i32
    %dma_wait3A_1513 = arith.constant 0 : i32
    %dma_wait3A_1514 = tpu.memref_slice %arg6[%dma_wait3A_1511, %dma_wait3A_1512, %dma_wait3A_1513] : memref<16x32x128xf32, #tpu.memory_space<vmem>> -> memref<1x32x128xf32, #tpu.memory_space<vmem>>
    %dma_wait3A_1515 = tpu.memref_squeeze %dma_wait3A_1514 : memref<1x32x128xf32, #tpu.memory_space<vmem>> -> memref<32x128xf32, #tpu.memory_space<vmem>>
    %dma_wait3A_1516 = arith.constant 0 : i32
    %dma_wait3A_1517 = arith.constant 0 : i32
    %dma_wait3A_1518 = tpu.memref_slice %arg2[%dma_wait3A_1516, %dma_wait3A_1517] : memref<32x1000000xf32, #tpu.memory_space<hbm>> -> memref<32x128xf32, #tpu.memory_space<hbm>>
    %dma_wait3A_1519 = arith.constant 0 : i32
    %dma_wait3A_1520 = arith.constant 0 : i32
    %dma_wait3A_1521 = tpu.memref_slice %arg6[%dma_wait3A_1511, %dma_wait3A_1519, %dma_wait3A_1520] : memref<16x32x128xf32, #tpu.memory_space<vmem>> -> memref<1x32x128xf32, #tpu.memory_space<vmem>>
    %dma_wait3A_1522 = tpu.memref_squeeze %dma_wait3A_1521 : memref<1x32x128xf32, #tpu.memory_space<vmem>> -> memref<32x128xf32, #tpu.memory_space<vmem>>
    %dma_wait3A_1523 = arith.constant 0 : i32
    %dma_wait3A_1524 = arith.constant 0 : i32
    %dma_wait3A_1525 = tpu.memref_slice %arg2[%dma_wait3A_1523, %dma_wait3A_1524] : memref<32x1000000xf32, #tpu.memory_space<hbm>> -> memref<32x128xf32, #tpu.memory_space<hbm>>
    tpu.wait_dma2 semaphore(%arg17 : memref<!tpu.dma_semaphore, #tpu.memory_space<semaphore_mem>>) src(%dma_wait3A_1525 : memref<32x128xf32, #tpu.memory_space<hbm>>) dst(%dma_wait3A_1522 : memref<32x128xf32, #tpu.memory_space<vmem>>)
    %get3A_1526 = arith.constant 496 : index
    %get3A_1527 = tpu.vector_load %arg5[%get3A_1526] {strides = array<i32>} : memref<512xi32, #tpu.memory_space<vmem>>, vector<16xi32>,
    %rem3A_1528 = arith.constant 128 : i32
    %rem3A_1529 = vector.broadcast %rem3A_1528 : i32 to vector<16xi32>
    %rem3A_1530 = arith.remsi %get3A_1527, %rem3A_1529 : vector<16xi32>
    %eq3A_1531 = arith.constant 9 : i32
    %eq3A_1532 = vector.broadcast %eq3A_1531 : i32 to vector<16xi32>
    %eq3A_1533 = arith.cmpi eq, %iota3A, %eq3A_1532 : vector<16xi32>
    %jit3A_1534 = arith.constant 0 : i32
    %broadcast_in_dim3A_1535 = vector.broadcast %jit3A_1534 : i32 to vector<16xi32>
    %select_n3A_1536 = arith.select %eq3A_1533, %rem3A_1530, %broadcast_in_dim3A_1535 : vector<16xi1>, vector<16xi32>
    %reduce_max3A_1537 = arith.constant true
    %reduce_max3A_1538 = vector.broadcast %reduce_max3A_1537 : i1 to vector<16xi1>
    %reduce_max3A_1539 = arith.constant -2147483648 : i32
    %reduce_max3A_1540 = vector.broadcast %reduce_max3A_1539 : i32 to vector<16xi32>
    %reduce_max3A_1541 = arith.xori %select_n3A_1536, %reduce_max3A_1540 : vector<16xi32>
    %reduce_max3A_1542 = tpu.scan <max>, %reduce_max3A_1541 masked %reduce_max3A_1538 : vector<16xi32>, vector<16xi1> -> vector<16xi32>
    %reduce_max3A_1543 = arith.xori %reduce_max3A_1542, %reduce_max3A_1540 : vector<16xi32>
    %reduce_max3A_1544 = vector.extract %reduce_max3A_1543[15] : i32 from vector<16xi32>
    %broadcast_in_dim3A_1545 = vector.broadcast %reduce_max3A_1544 : i32 to vector<16xi32>
    %broadcast_in_dim3A_1546 = arith.constant 505 : i32
    %broadcast_in_dim3A_1547 = vector.broadcast %broadcast_in_dim3A_1546 : i32 to vector<16xi32>
    %add3A_1548 = arith.constant 0 : i32
    %add3A_1549 = vector.broadcast %add3A_1548 : i32 to vector<16xi32>
    %add3A_1550 = arith.addi %iota3A, %add3A_1549 : vector<16xi32>
    %gather3A_1551 = arith.constant 9 : i32
    %gather3A_1552 = arith.constant 0 : i32
    %gather3A_1553 = arith.constant 0 : i32
    %gather3A_1554 = tpu.memref_slice %arg6[%gather3A_1551, %gather3A_1552, %gather3A_1553] : memref<16x32x128xf32, #tpu.memory_space<vmem>> -> memref<1x32x128xf32, #tpu.memory_space<vmem>>
    %gather3A_1555 = tpu.memref_squeeze %gather3A_1554 : memref<1x32x128xf32, #tpu.memory_space<vmem>> -> memref<32x128xf32, #tpu.memory_space<vmem>>
    %gather3A_1556 = tpu.vector_load_idx %gather3A_1555[%add3A_1550, %broadcast_in_dim3A_1545] : memref<32x128xf32, #tpu.memory_space<vmem>>[vector<16xi32>, vector<16xi32>], vector<16xf32>,
    tpu.vector_store_idx %arg7[%add3A_1550, %broadcast_in_dim3A_1547], %gather3A_1556 : memref<32x512xf32, #tpu.memory_space<vmem>>[vector<16xi32>, vector<16xi32>], vector<16xf32>,
    %add3A_1557 = arith.constant 16 : i32
    %add3A_1558 = vector.broadcast %add3A_1557 : i32 to vector<16xi32>
    %add3A_1559 = arith.addi %iota3A, %add3A_1558 : vector<16xi32>
    %gather3A_1560 = arith.constant 9 : i32
    %gather3A_1561 = arith.constant 0 : i32
    %gather3A_1562 = arith.constant 0 : i32
    %gather3A_1563 = tpu.memref_slice %arg6[%gather3A_1560, %gather3A_1561, %gather3A_1562] : memref<16x32x128xf32, #tpu.memory_space<vmem>> -> memref<1x32x128xf32, #tpu.memory_space<vmem>>
    %gather3A_1564 = tpu.memref_squeeze %gather3A_1563 : memref<1x32x128xf32, #tpu.memory_space<vmem>> -> memref<32x128xf32, #tpu.memory_space<vmem>>
    %gather3A_1565 = tpu.vector_load_idx %gather3A_1564[%add3A_1559, %broadcast_in_dim3A_1545] : memref<32x128xf32, #tpu.memory_space<vmem>>[vector<16xi32>, vector<16xi32>], vector<16xf32>,
    tpu.vector_store_idx %arg7[%add3A_1559, %broadcast_in_dim3A_1547], %gather3A_1565 : memref<32x512xf32, #tpu.memory_space<vmem>>[vector<16xi32>, vector<16xi32>], vector<16xf32>,
    %dma_wait3A_1566 = arith.constant 10 : i32
    %dma_wait3A_1567 = arith.constant 0 : i32
    %dma_wait3A_1568 = arith.constant 0 : i32
    %dma_wait3A_1569 = tpu.memref_slice %arg6[%dma_wait3A_1566, %dma_wait3A_1567, %dma_wait3A_1568] : memref<16x32x128xf32, #tpu.memory_space<vmem>> -> memref<1x32x128xf32, #tpu.memory_space<vmem>>
    %dma_wait3A_1570 = tpu.memref_squeeze %dma_wait3A_1569 : memref<1x32x128xf32, #tpu.memory_space<vmem>> -> memref<32x128xf32, #tpu.memory_space<vmem>>
    %dma_wait3A_1571 = arith.constant 0 : i32
    %dma_wait3A_1572 = arith.constant 0 : i32
    %dma_wait3A_1573 = tpu.memref_slice %arg2[%dma_wait3A_1571, %dma_wait3A_1572] : memref<32x1000000xf32, #tpu.memory_space<hbm>> -> memref<32x128xf32, #tpu.memory_space<hbm>>
    %dma_wait3A_1574 = arith.constant 0 : i32
    %dma_wait3A_1575 = arith.constant 0 : i32
    %dma_wait3A_1576 = tpu.memref_slice %arg6[%dma_wait3A_1566, %dma_wait3A_1574, %dma_wait3A_1575] : memref<16x32x128xf32, #tpu.memory_space<vmem>> -> memref<1x32x128xf32, #tpu.memory_space<vmem>>
    %dma_wait3A_1577 = tpu.memref_squeeze %dma_wait3A_1576 : memref<1x32x128xf32, #tpu.memory_space<vmem>> -> memref<32x128xf32, #tpu.memory_space<vmem>>
    %dma_wait3A_1578 = arith.constant 0 : i32
    %dma_wait3A_1579 = arith.constant 0 : i32
    %dma_wait3A_1580 = tpu.memref_slice %arg2[%dma_wait3A_1578, %dma_wait3A_1579] : memref<32x1000000xf32, #tpu.memory_space<hbm>> -> memref<32x128xf32, #tpu.memory_space<hbm>>
    tpu.wait_dma2 semaphore(%arg18 : memref<!tpu.dma_semaphore, #tpu.memory_space<semaphore_mem>>) src(%dma_wait3A_1580 : memref<32x128xf32, #tpu.memory_space<hbm>>) dst(%dma_wait3A_1577 : memref<32x128xf32, #tpu.memory_space<vmem>>)
    %get3A_1581 = arith.constant 496 : index
    %get3A_1582 = tpu.vector_load %arg5[%get3A_1581] {strides = array<i32>} : memref<512xi32, #tpu.memory_space<vmem>>, vector<16xi32>,
    %rem3A_1583 = arith.constant 128 : i32
    %rem3A_1584 = vector.broadcast %rem3A_1583 : i32 to vector<16xi32>
    %rem3A_1585 = arith.remsi %get3A_1582, %rem3A_1584 : vector<16xi32>
    %eq3A_1586 = arith.constant 10 : i32
    %eq3A_1587 = vector.broadcast %eq3A_1586 : i32 to vector<16xi32>
    %eq3A_1588 = arith.cmpi eq, %iota3A, %eq3A_1587 : vector<16xi32>
    %jit3A_1589 = arith.constant 0 : i32
    %broadcast_in_dim3A_1590 = vector.broadcast %jit3A_1589 : i32 to vector<16xi32>
    %select_n3A_1591 = arith.select %eq3A_1588, %rem3A_1585, %broadcast_in_dim3A_1590 : vector<16xi1>, vector<16xi32>
    %reduce_max3A_1592 = arith.constant true
    %reduce_max3A_1593 = vector.broadcast %reduce_max3A_1592 : i1 to vector<16xi1>
    %reduce_max3A_1594 = arith.constant -2147483648 : i32
    %reduce_max3A_1595 = vector.broadcast %reduce_max3A_1594 : i32 to vector<16xi32>
    %reduce_max3A_1596 = arith.xori %select_n3A_1591, %reduce_max3A_1595 : vector<16xi32>
    %reduce_max3A_1597 = tpu.scan <max>, %reduce_max3A_1596 masked %reduce_max3A_1593 : vector<16xi32>, vector<16xi1> -> vector<16xi32>
    %reduce_max3A_1598 = arith.xori %reduce_max3A_1597, %reduce_max3A_1595 : vector<16xi32>
    %reduce_max3A_1599 = vector.extract %reduce_max3A_1598[15] : i32 from vector<16xi32>
    %broadcast_in_dim3A_1600 = vector.broadcast %reduce_max3A_1599 : i32 to vector<16xi32>
    %broadcast_in_dim3A_1601 = arith.constant 506 : i32
    %broadcast_in_dim3A_1602 = vector.broadcast %broadcast_in_dim3A_1601 : i32 to vector<16xi32>
    %add3A_1603 = arith.constant 0 : i32
    %add3A_1604 = vector.broadcast %add3A_1603 : i32 to vector<16xi32>
    %add3A_1605 = arith.addi %iota3A, %add3A_1604 : vector<16xi32>
    %gather3A_1606 = arith.constant 10 : i32
    %gather3A_1607 = arith.constant 0 : i32
    %gather3A_1608 = arith.constant 0 : i32
    %gather3A_1609 = tpu.memref_slice %arg6[%gather3A_1606, %gather3A_1607, %gather3A_1608] : memref<16x32x128xf32, #tpu.memory_space<vmem>> -> memref<1x32x128xf32, #tpu.memory_space<vmem>>
    %gather3A_1610 = tpu.memref_squeeze %gather3A_1609 : memref<1x32x128xf32, #tpu.memory_space<vmem>> -> memref<32x128xf32, #tpu.memory_space<vmem>>
    %gather3A_1611 = tpu.vector_load_idx %gather3A_1610[%add3A_1605, %broadcast_in_dim3A_1600] : memref<32x128xf32, #tpu.memory_space<vmem>>[vector<16xi32>, vector<16xi32>], vector<16xf32>,
    tpu.vector_store_idx %arg7[%add3A_1605, %broadcast_in_dim3A_1602], %gather3A_1611 : memref<32x512xf32, #tpu.memory_space<vmem>>[vector<16xi32>, vector<16xi32>], vector<16xf32>,
    %add3A_1612 = arith.constant 16 : i32
    %add3A_1613 = vector.broadcast %add3A_1612 : i32 to vector<16xi32>
    %add3A_1614 = arith.addi %iota3A, %add3A_1613 : vector<16xi32>
    %gather3A_1615 = arith.constant 10 : i32
    %gather3A_1616 = arith.constant 0 : i32
    %gather3A_1617 = arith.constant 0 : i32
    %gather3A_1618 = tpu.memref_slice %arg6[%gather3A_1615, %gather3A_1616, %gather3A_1617] : memref<16x32x128xf32, #tpu.memory_space<vmem>> -> memref<1x32x128xf32, #tpu.memory_space<vmem>>
    %gather3A_1619 = tpu.memref_squeeze %gather3A_1618 : memref<1x32x128xf32, #tpu.memory_space<vmem>> -> memref<32x128xf32, #tpu.memory_space<vmem>>
    %gather3A_1620 = tpu.vector_load_idx %gather3A_1619[%add3A_1614, %broadcast_in_dim3A_1600] : memref<32x128xf32, #tpu.memory_space<vmem>>[vector<16xi32>, vector<16xi32>], vector<16xf32>,
    tpu.vector_store_idx %arg7[%add3A_1614, %broadcast_in_dim3A_1602], %gather3A_1620 : memref<32x512xf32, #tpu.memory_space<vmem>>[vector<16xi32>, vector<16xi32>], vector<16xf32>,
    %dma_wait3A_1621 = arith.constant 11 : i32
    %dma_wait3A_1622 = arith.constant 0 : i32
    %dma_wait3A_1623 = arith.constant 0 : i32
    %dma_wait3A_1624 = tpu.memref_slice %arg6[%dma_wait3A_1621, %dma_wait3A_1622, %dma_wait3A_1623] : memref<16x32x128xf32, #tpu.memory_space<vmem>> -> memref<1x32x128xf32, #tpu.memory_space<vmem>>
    %dma_wait3A_1625 = tpu.memref_squeeze %dma_wait3A_1624 : memref<1x32x128xf32, #tpu.memory_space<vmem>> -> memref<32x128xf32, #tpu.memory_space<vmem>>
    %dma_wait3A_1626 = arith.constant 0 : i32
    %dma_wait3A_1627 = arith.constant 0 : i32
    %dma_wait3A_1628 = tpu.memref_slice %arg2[%dma_wait3A_1626, %dma_wait3A_1627] : memref<32x1000000xf32, #tpu.memory_space<hbm>> -> memref<32x128xf32, #tpu.memory_space<hbm>>
    %dma_wait3A_1629 = arith.constant 0 : i32
    %dma_wait3A_1630 = arith.constant 0 : i32
    %dma_wait3A_1631 = tpu.memref_slice %arg6[%dma_wait3A_1621, %dma_wait3A_1629, %dma_wait3A_1630] : memref<16x32x128xf32, #tpu.memory_space<vmem>> -> memref<1x32x128xf32, #tpu.memory_space<vmem>>
    %dma_wait3A_1632 = tpu.memref_squeeze %dma_wait3A_1631 : memref<1x32x128xf32, #tpu.memory_space<vmem>> -> memref<32x128xf32, #tpu.memory_space<vmem>>
    %dma_wait3A_1633 = arith.constant 0 : i32
    %dma_wait3A_1634 = arith.constant 0 : i32
    %dma_wait3A_1635 = tpu.memref_slice %arg2[%dma_wait3A_1633, %dma_wait3A_1634] : memref<32x1000000xf32, #tpu.memory_space<hbm>> -> memref<32x128xf32, #tpu.memory_space<hbm>>
    tpu.wait_dma2 semaphore(%arg19 : memref<!tpu.dma_semaphore, #tpu.memory_space<semaphore_mem>>) src(%dma_wait3A_1635 : memref<32x128xf32, #tpu.memory_space<hbm>>) dst(%dma_wait3A_1632 : memref<32x128xf32, #tpu.memory_space<vmem>>)
    %get3A_1636 = arith.constant 496 : index
    %get3A_1637 = tpu.vector_load %arg5[%get3A_1636] {strides = array<i32>} : memref<512xi32, #tpu.memory_space<vmem>>, vector<16xi32>,
    %rem3A_1638 = arith.constant 128 : i32
    %rem3A_1639 = vector.broadcast %rem3A_1638 : i32 to vector<16xi32>
    %rem3A_1640 = arith.remsi %get3A_1637, %rem3A_1639 : vector<16xi32>
    %eq3A_1641 = arith.constant 11 : i32
    %eq3A_1642 = vector.broadcast %eq3A_1641 : i32 to vector<16xi32>
    %eq3A_1643 = arith.cmpi eq, %iota3A, %eq3A_1642 : vector<16xi32>
    %jit3A_1644 = arith.constant 0 : i32
    %broadcast_in_dim3A_1645 = vector.broadcast %jit3A_1644 : i32 to vector<16xi32>
    %select_n3A_1646 = arith.select %eq3A_1643, %rem3A_1640, %broadcast_in_dim3A_1645 : vector<16xi1>, vector<16xi32>
    %reduce_max3A_1647 = arith.constant true
    %reduce_max3A_1648 = vector.broadcast %reduce_max3A_1647 : i1 to vector<16xi1>
    %reduce_max3A_1649 = arith.constant -2147483648 : i32
    %reduce_max3A_1650 = vector.broadcast %reduce_max3A_1649 : i32 to vector<16xi32>
    %reduce_max3A_1651 = arith.xori %select_n3A_1646, %reduce_max3A_1650 : vector<16xi32>
    %reduce_max3A_1652 = tpu.scan <max>, %reduce_max3A_1651 masked %reduce_max3A_1648 : vector<16xi32>, vector<16xi1> -> vector<16xi32>
    %reduce_max3A_1653 = arith.xori %reduce_max3A_1652, %reduce_max3A_1650 : vector<16xi32>
    %reduce_max3A_1654 = vector.extract %reduce_max3A_1653[15] : i32 from vector<16xi32>
    %broadcast_in_dim3A_1655 = vector.broadcast %reduce_max3A_1654 : i32 to vector<16xi32>
    %broadcast_in_dim3A_1656 = arith.constant 507 : i32
    %broadcast_in_dim3A_1657 = vector.broadcast %broadcast_in_dim3A_1656 : i32 to vector<16xi32>
    %add3A_1658 = arith.constant 0 : i32
    %add3A_1659 = vector.broadcast %add3A_1658 : i32 to vector<16xi32>
    %add3A_1660 = arith.addi %iota3A, %add3A_1659 : vector<16xi32>
    %gather3A_1661 = arith.constant 11 : i32
    %gather3A_1662 = arith.constant 0 : i32
    %gather3A_1663 = arith.constant 0 : i32
    %gather3A_1664 = tpu.memref_slice %arg6[%gather3A_1661, %gather3A_1662, %gather3A_1663] : memref<16x32x128xf32, #tpu.memory_space<vmem>> -> memref<1x32x128xf32, #tpu.memory_space<vmem>>
    %gather3A_1665 = tpu.memref_squeeze %gather3A_1664 : memref<1x32x128xf32, #tpu.memory_space<vmem>> -> memref<32x128xf32, #tpu.memory_space<vmem>>
    %gather3A_1666 = tpu.vector_load_idx %gather3A_1665[%add3A_1660, %broadcast_in_dim3A_1655] : memref<32x128xf32, #tpu.memory_space<vmem>>[vector<16xi32>, vector<16xi32>], vector<16xf32>,
    tpu.vector_store_idx %arg7[%add3A_1660, %broadcast_in_dim3A_1657], %gather3A_1666 : memref<32x512xf32, #tpu.memory_space<vmem>>[vector<16xi32>, vector<16xi32>], vector<16xf32>,
    %add3A_1667 = arith.constant 16 : i32
    %add3A_1668 = vector.broadcast %add3A_1667 : i32 to vector<16xi32>
    %add3A_1669 = arith.addi %iota3A, %add3A_1668 : vector<16xi32>
    %gather3A_1670 = arith.constant 11 : i32
    %gather3A_1671 = arith.constant 0 : i32
    %gather3A_1672 = arith.constant 0 : i32
    %gather3A_1673 = tpu.memref_slice %arg6[%gather3A_1670, %gather3A_1671, %gather3A_1672] : memref<16x32x128xf32, #tpu.memory_space<vmem>> -> memref<1x32x128xf32, #tpu.memory_space<vmem>>
    %gather3A_1674 = tpu.memref_squeeze %gather3A_1673 : memref<1x32x128xf32, #tpu.memory_space<vmem>> -> memref<32x128xf32, #tpu.memory_space<vmem>>
    %gather3A_1675 = tpu.vector_load_idx %gather3A_1674[%add3A_1669, %broadcast_in_dim3A_1655] : memref<32x128xf32, #tpu.memory_space<vmem>>[vector<16xi32>, vector<16xi32>], vector<16xf32>,
    tpu.vector_store_idx %arg7[%add3A_1669, %broadcast_in_dim3A_1657], %gather3A_1675 : memref<32x512xf32, #tpu.memory_space<vmem>>[vector<16xi32>, vector<16xi32>], vector<16xf32>,
    %dma_wait3A_1676 = arith.constant 12 : i32
    %dma_wait3A_1677 = arith.constant 0 : i32
    %dma_wait3A_1678 = arith.constant 0 : i32
    %dma_wait3A_1679 = tpu.memref_slice %arg6[%dma_wait3A_1676, %dma_wait3A_1677, %dma_wait3A_1678] : memref<16x32x128xf32, #tpu.memory_space<vmem>> -> memref<1x32x128xf32, #tpu.memory_space<vmem>>
    %dma_wait3A_1680 = tpu.memref_squeeze %dma_wait3A_1679 : memref<1x32x128xf32, #tpu.memory_space<vmem>> -> memref<32x128xf32, #tpu.memory_space<vmem>>
    %dma_wait3A_1681 = arith.constant 0 : i32
    %dma_wait3A_1682 = arith.constant 0 : i32
    %dma_wait3A_1683 = tpu.memref_slice %arg2[%dma_wait3A_1681, %dma_wait3A_1682] : memref<32x1000000xf32, #tpu.memory_space<hbm>> -> memref<32x128xf32, #tpu.memory_space<hbm>>
    %dma_wait3A_1684 = arith.constant 0 : i32
    %dma_wait3A_1685 = arith.constant 0 : i32
    %dma_wait3A_1686 = tpu.memref_slice %arg6[%dma_wait3A_1676, %dma_wait3A_1684, %dma_wait3A_1685] : memref<16x32x128xf32, #tpu.memory_space<vmem>> -> memref<1x32x128xf32, #tpu.memory_space<vmem>>
    %dma_wait3A_1687 = tpu.memref_squeeze %dma_wait3A_1686 : memref<1x32x128xf32, #tpu.memory_space<vmem>> -> memref<32x128xf32, #tpu.memory_space<vmem>>
    %dma_wait3A_1688 = arith.constant 0 : i32
    %dma_wait3A_1689 = arith.constant 0 : i32
    %dma_wait3A_1690 = tpu.memref_slice %arg2[%dma_wait3A_1688, %dma_wait3A_1689] : memref<32x1000000xf32, #tpu.memory_space<hbm>> -> memref<32x128xf32, #tpu.memory_space<hbm>>
    tpu.wait_dma2 semaphore(%arg20 : memref<!tpu.dma_semaphore, #tpu.memory_space<semaphore_mem>>) src(%dma_wait3A_1690 : memref<32x128xf32, #tpu.memory_space<hbm>>) dst(%dma_wait3A_1687 : memref<32x128xf32, #tpu.memory_space<vmem>>)
    %get3A_1691 = arith.constant 496 : index
    %get3A_1692 = tpu.vector_load %arg5[%get3A_1691] {strides = array<i32>} : memref<512xi32, #tpu.memory_space<vmem>>, vector<16xi32>,
    %rem3A_1693 = arith.constant 128 : i32
    %rem3A_1694 = vector.broadcast %rem3A_1693 : i32 to vector<16xi32>
    %rem3A_1695 = arith.remsi %get3A_1692, %rem3A_1694 : vector<16xi32>
    %eq3A_1696 = arith.constant 12 : i32
    %eq3A_1697 = vector.broadcast %eq3A_1696 : i32 to vector<16xi32>
    %eq3A_1698 = arith.cmpi eq, %iota3A, %eq3A_1697 : vector<16xi32>
    %jit3A_1699 = arith.constant 0 : i32
    %broadcast_in_dim3A_1700 = vector.broadcast %jit3A_1699 : i32 to vector<16xi32>
    %select_n3A_1701 = arith.select %eq3A_1698, %rem3A_1695, %broadcast_in_dim3A_1700 : vector<16xi1>, vector<16xi32>
    %reduce_max3A_1702 = arith.constant true
    %reduce_max3A_1703 = vector.broadcast %reduce_max3A_1702 : i1 to vector<16xi1>
    %reduce_max3A_1704 = arith.constant -2147483648 : i32
    %reduce_max3A_1705 = vector.broadcast %reduce_max3A_1704 : i32 to vector<16xi32>
    %reduce_max3A_1706 = arith.xori %select_n3A_1701, %reduce_max3A_1705 : vector<16xi32>
    %reduce_max3A_1707 = tpu.scan <max>, %reduce_max3A_1706 masked %reduce_max3A_1703 : vector<16xi32>, vector<16xi1> -> vector<16xi32>
    %reduce_max3A_1708 = arith.xori %reduce_max3A_1707, %reduce_max3A_1705 : vector<16xi32>
    %reduce_max3A_1709 = vector.extract %reduce_max3A_1708[15] : i32 from vector<16xi32>
    %broadcast_in_dim3A_1710 = vector.broadcast %reduce_max3A_1709 : i32 to vector<16xi32>
    %broadcast_in_dim3A_1711 = arith.constant 508 : i32
    %broadcast_in_dim3A_1712 = vector.broadcast %broadcast_in_dim3A_1711 : i32 to vector<16xi32>
    %add3A_1713 = arith.constant 0 : i32
    %add3A_1714 = vector.broadcast %add3A_1713 : i32 to vector<16xi32>
    %add3A_1715 = arith.addi %iota3A, %add3A_1714 : vector<16xi32>
    %gather3A_1716 = arith.constant 12 : i32
    %gather3A_1717 = arith.constant 0 : i32
    %gather3A_1718 = arith.constant 0 : i32
    %gather3A_1719 = tpu.memref_slice %arg6[%gather3A_1716, %gather3A_1717, %gather3A_1718] : memref<16x32x128xf32, #tpu.memory_space<vmem>> -> memref<1x32x128xf32, #tpu.memory_space<vmem>>
    %gather3A_1720 = tpu.memref_squeeze %gather3A_1719 : memref<1x32x128xf32, #tpu.memory_space<vmem>> -> memref<32x128xf32, #tpu.memory_space<vmem>>
    %gather3A_1721 = tpu.vector_load_idx %gather3A_1720[%add3A_1715, %broadcast_in_dim3A_1710] : memref<32x128xf32, #tpu.memory_space<vmem>>[vector<16xi32>, vector<16xi32>], vector<16xf32>,
    tpu.vector_store_idx %arg7[%add3A_1715, %broadcast_in_dim3A_1712], %gather3A_1721 : memref<32x512xf32, #tpu.memory_space<vmem>>[vector<16xi32>, vector<16xi32>], vector<16xf32>,
    %add3A_1722 = arith.constant 16 : i32
    %add3A_1723 = vector.broadcast %add3A_1722 : i32 to vector<16xi32>
    %add3A_1724 = arith.addi %iota3A, %add3A_1723 : vector<16xi32>
    %gather3A_1725 = arith.constant 12 : i32
    %gather3A_1726 = arith.constant 0 : i32
    %gather3A_1727 = arith.constant 0 : i32
    %gather3A_1728 = tpu.memref_slice %arg6[%gather3A_1725, %gather3A_1726, %gather3A_1727] : memref<16x32x128xf32, #tpu.memory_space<vmem>> -> memref<1x32x128xf32, #tpu.memory_space<vmem>>
    %gather3A_1729 = tpu.memref_squeeze %gather3A_1728 : memref<1x32x128xf32, #tpu.memory_space<vmem>> -> memref<32x128xf32, #tpu.memory_space<vmem>>
    %gather3A_1730 = tpu.vector_load_idx %gather3A_1729[%add3A_1724, %broadcast_in_dim3A_1710] : memref<32x128xf32, #tpu.memory_space<vmem>>[vector<16xi32>, vector<16xi32>], vector<16xf32>,
    tpu.vector_store_idx %arg7[%add3A_1724, %broadcast_in_dim3A_1712], %gather3A_1730 : memref<32x512xf32, #tpu.memory_space<vmem>>[vector<16xi32>, vector<16xi32>], vector<16xf32>,
    %dma_wait3A_1731 = arith.constant 13 : i32
    %dma_wait3A_1732 = arith.constant 0 : i32
    %dma_wait3A_1733 = arith.constant 0 : i32
    %dma_wait3A_1734 = tpu.memref_slice %arg6[%dma_wait3A_1731, %dma_wait3A_1732, %dma_wait3A_1733] : memref<16x32x128xf32, #tpu.memory_space<vmem>> -> memref<1x32x128xf32, #tpu.memory_space<vmem>>
    %dma_wait3A_1735 = tpu.memref_squeeze %dma_wait3A_1734 : memref<1x32x128xf32, #tpu.memory_space<vmem>> -> memref<32x128xf32, #tpu.memory_space<vmem>>
    %dma_wait3A_1736 = arith.constant 0 : i32
    %dma_wait3A_1737 = arith.constant 0 : i32
    %dma_wait3A_1738 = tpu.memref_slice %arg2[%dma_wait3A_1736, %dma_wait3A_1737] : memref<32x1000000xf32, #tpu.memory_space<hbm>> -> memref<32x128xf32, #tpu.memory_space<hbm>>
    %dma_wait3A_1739 = arith.constant 0 : i32
    %dma_wait3A_1740 = arith.constant 0 : i32
    %dma_wait3A_1741 = tpu.memref_slice %arg6[%dma_wait3A_1731, %dma_wait3A_1739, %dma_wait3A_1740] : memref<16x32x128xf32, #tpu.memory_space<vmem>> -> memref<1x32x128xf32, #tpu.memory_space<vmem>>
    %dma_wait3A_1742 = tpu.memref_squeeze %dma_wait3A_1741 : memref<1x32x128xf32, #tpu.memory_space<vmem>> -> memref<32x128xf32, #tpu.memory_space<vmem>>
    %dma_wait3A_1743 = arith.constant 0 : i32
    %dma_wait3A_1744 = arith.constant 0 : i32
    %dma_wait3A_1745 = tpu.memref_slice %arg2[%dma_wait3A_1743, %dma_wait3A_1744] : memref<32x1000000xf32, #tpu.memory_space<hbm>> -> memref<32x128xf32, #tpu.memory_space<hbm>>
    tpu.wait_dma2 semaphore(%arg21 : memref<!tpu.dma_semaphore, #tpu.memory_space<semaphore_mem>>) src(%dma_wait3A_1745 : memref<32x128xf32, #tpu.memory_space<hbm>>) dst(%dma_wait3A_1742 : memref<32x128xf32, #tpu.memory_space<vmem>>)
    %get3A_1746 = arith.constant 496 : index
    %get3A_1747 = tpu.vector_load %arg5[%get3A_1746] {strides = array<i32>} : memref<512xi32, #tpu.memory_space<vmem>>, vector<16xi32>,
    %rem3A_1748 = arith.constant 128 : i32
    %rem3A_1749 = vector.broadcast %rem3A_1748 : i32 to vector<16xi32>
    %rem3A_1750 = arith.remsi %get3A_1747, %rem3A_1749 : vector<16xi32>
    %eq3A_1751 = arith.constant 13 : i32
    %eq3A_1752 = vector.broadcast %eq3A_1751 : i32 to vector<16xi32>
    %eq3A_1753 = arith.cmpi eq, %iota3A, %eq3A_1752 : vector<16xi32>
    %jit3A_1754 = arith.constant 0 : i32
    %broadcast_in_dim3A_1755 = vector.broadcast %jit3A_1754 : i32 to vector<16xi32>
    %select_n3A_1756 = arith.select %eq3A_1753, %rem3A_1750, %broadcast_in_dim3A_1755 : vector<16xi1>, vector<16xi32>
    %reduce_max3A_1757 = arith.constant true
    %reduce_max3A_1758 = vector.broadcast %reduce_max3A_1757 : i1 to vector<16xi1>
    %reduce_max3A_1759 = arith.constant -2147483648 : i32
    %reduce_max3A_1760 = vector.broadcast %reduce_max3A_1759 : i32 to vector<16xi32>
    %reduce_max3A_1761 = arith.xori %select_n3A_1756, %reduce_max3A_1760 : vector<16xi32>
    %reduce_max3A_1762 = tpu.scan <max>, %reduce_max3A_1761 masked %reduce_max3A_1758 : vector<16xi32>, vector<16xi1> -> vector<16xi32>
    %reduce_max3A_1763 = arith.xori %reduce_max3A_1762, %reduce_max3A_1760 : vector<16xi32>
    %reduce_max3A_1764 = vector.extract %reduce_max3A_1763[15] : i32 from vector<16xi32>
    %broadcast_in_dim3A_1765 = vector.broadcast %reduce_max3A_1764 : i32 to vector<16xi32>
    %broadcast_in_dim3A_1766 = arith.constant 509 : i32
    %broadcast_in_dim3A_1767 = vector.broadcast %broadcast_in_dim3A_1766 : i32 to vector<16xi32>
    %add3A_1768 = arith.constant 0 : i32
    %add3A_1769 = vector.broadcast %add3A_1768 : i32 to vector<16xi32>
    %add3A_1770 = arith.addi %iota3A, %add3A_1769 : vector<16xi32>
    %gather3A_1771 = arith.constant 13 : i32
    %gather3A_1772 = arith.constant 0 : i32
    %gather3A_1773 = arith.constant 0 : i32
    %gather3A_1774 = tpu.memref_slice %arg6[%gather3A_1771, %gather3A_1772, %gather3A_1773] : memref<16x32x128xf32, #tpu.memory_space<vmem>> -> memref<1x32x128xf32, #tpu.memory_space<vmem>>
    %gather3A_1775 = tpu.memref_squeeze %gather3A_1774 : memref<1x32x128xf32, #tpu.memory_space<vmem>> -> memref<32x128xf32, #tpu.memory_space<vmem>>
    %gather3A_1776 = tpu.vector_load_idx %gather3A_1775[%add3A_1770, %broadcast_in_dim3A_1765] : memref<32x128xf32, #tpu.memory_space<vmem>>[vector<16xi32>, vector<16xi32>], vector<16xf32>,
    tpu.vector_store_idx %arg7[%add3A_1770, %broadcast_in_dim3A_1767], %gather3A_1776 : memref<32x512xf32, #tpu.memory_space<vmem>>[vector<16xi32>, vector<16xi32>], vector<16xf32>,
    %add3A_1777 = arith.constant 16 : i32
    %add3A_1778 = vector.broadcast %add3A_1777 : i32 to vector<16xi32>
    %add3A_1779 = arith.addi %iota3A, %add3A_1778 : vector<16xi32>
    %gather3A_1780 = arith.constant 13 : i32
    %gather3A_1781 = arith.constant 0 : i32
    %gather3A_1782 = arith.constant 0 : i32
    %gather3A_1783 = tpu.memref_slice %arg6[%gather3A_1780, %gather3A_1781, %gather3A_1782] : memref<16x32x128xf32, #tpu.memory_space<vmem>> -> memref<1x32x128xf32, #tpu.memory_space<vmem>>
    %gather3A_1784 = tpu.memref_squeeze %gather3A_1783 : memref<1x32x128xf32, #tpu.memory_space<vmem>> -> memref<32x128xf32, #tpu.memory_space<vmem>>
    %gather3A_1785 = tpu.vector_load_idx %gather3A_1784[%add3A_1779, %broadcast_in_dim3A_1765] : memref<32x128xf32, #tpu.memory_space<vmem>>[vector<16xi32>, vector<16xi32>], vector<16xf32>,
    tpu.vector_store_idx %arg7[%add3A_1779, %broadcast_in_dim3A_1767], %gather3A_1785 : memref<32x512xf32, #tpu.memory_space<vmem>>[vector<16xi32>, vector<16xi32>], vector<16xf32>,
    %dma_wait3A_1786 = arith.constant 14 : i32
    %dma_wait3A_1787 = arith.constant 0 : i32
    %dma_wait3A_1788 = arith.constant 0 : i32
    %dma_wait3A_1789 = tpu.memref_slice %arg6[%dma_wait3A_1786, %dma_wait3A_1787, %dma_wait3A_1788] : memref<16x32x128xf32, #tpu.memory_space<vmem>> -> memref<1x32x128xf32, #tpu.memory_space<vmem>>
    %dma_wait3A_1790 = tpu.memref_squeeze %dma_wait3A_1789 : memref<1x32x128xf32, #tpu.memory_space<vmem>> -> memref<32x128xf32, #tpu.memory_space<vmem>>
    %dma_wait3A_1791 = arith.constant 0 : i32
    %dma_wait3A_1792 = arith.constant 0 : i32
    %dma_wait3A_1793 = tpu.memref_slice %arg2[%dma_wait3A_1791, %dma_wait3A_1792] : memref<32x1000000xf32, #tpu.memory_space<hbm>> -> memref<32x128xf32, #tpu.memory_space<hbm>>
    %dma_wait3A_1794 = arith.constant 0 : i32
    %dma_wait3A_1795 = arith.constant 0 : i32
    %dma_wait3A_1796 = tpu.memref_slice %arg6[%dma_wait3A_1786, %dma_wait3A_1794, %dma_wait3A_1795] : memref<16x32x128xf32, #tpu.memory_space<vmem>> -> memref<1x32x128xf32, #tpu.memory_space<vmem>>
    %dma_wait3A_1797 = tpu.memref_squeeze %dma_wait3A_1796 : memref<1x32x128xf32, #tpu.memory_space<vmem>> -> memref<32x128xf32, #tpu.memory_space<vmem>>
    %dma_wait3A_1798 = arith.constant 0 : i32
    %dma_wait3A_1799 = arith.constant 0 : i32
    %dma_wait3A_1800 = tpu.memref_slice %arg2[%dma_wait3A_1798, %dma_wait3A_1799] : memref<32x1000000xf32, #tpu.memory_space<hbm>> -> memref<32x128xf32, #tpu.memory_space<hbm>>
    tpu.wait_dma2 semaphore(%arg22 : memref<!tpu.dma_semaphore, #tpu.memory_space<semaphore_mem>>) src(%dma_wait3A_1800 : memref<32x128xf32, #tpu.memory_space<hbm>>) dst(%dma_wait3A_1797 : memref<32x128xf32, #tpu.memory_space<vmem>>)
    %get3A_1801 = arith.constant 496 : index
    %get3A_1802 = tpu.vector_load %arg5[%get3A_1801] {strides = array<i32>} : memref<512xi32, #tpu.memory_space<vmem>>, vector<16xi32>,
    %rem3A_1803 = arith.constant 128 : i32
    %rem3A_1804 = vector.broadcast %rem3A_1803 : i32 to vector<16xi32>
    %rem3A_1805 = arith.remsi %get3A_1802, %rem3A_1804 : vector<16xi32>
    %eq3A_1806 = arith.constant 14 : i32
    %eq3A_1807 = vector.broadcast %eq3A_1806 : i32 to vector<16xi32>
    %eq3A_1808 = arith.cmpi eq, %iota3A, %eq3A_1807 : vector<16xi32>
    %jit3A_1809 = arith.constant 0 : i32
    %broadcast_in_dim3A_1810 = vector.broadcast %jit3A_1809 : i32 to vector<16xi32>
    %select_n3A_1811 = arith.select %eq3A_1808, %rem3A_1805, %broadcast_in_dim3A_1810 : vector<16xi1>, vector<16xi32>
    %reduce_max3A_1812 = arith.constant true
    %reduce_max3A_1813 = vector.broadcast %reduce_max3A_1812 : i1 to vector<16xi1>
    %reduce_max3A_1814 = arith.constant -2147483648 : i32
    %reduce_max3A_1815 = vector.broadcast %reduce_max3A_1814 : i32 to vector<16xi32>
    %reduce_max3A_1816 = arith.xori %select_n3A_1811, %reduce_max3A_1815 : vector<16xi32>
    %reduce_max3A_1817 = tpu.scan <max>, %reduce_max3A_1816 masked %reduce_max3A_1813 : vector<16xi32>, vector<16xi1> -> vector<16xi32>
    %reduce_max3A_1818 = arith.xori %reduce_max3A_1817, %reduce_max3A_1815 : vector<16xi32>
    %reduce_max3A_1819 = vector.extract %reduce_max3A_1818[15] : i32 from vector<16xi32>
    %broadcast_in_dim3A_1820 = vector.broadcast %reduce_max3A_1819 : i32 to vector<16xi32>
    %broadcast_in_dim3A_1821 = arith.constant 510 : i32
    %broadcast_in_dim3A_1822 = vector.broadcast %broadcast_in_dim3A_1821 : i32 to vector<16xi32>
    %add3A_1823 = arith.constant 0 : i32
    %add3A_1824 = vector.broadcast %add3A_1823 : i32 to vector<16xi32>
    %add3A_1825 = arith.addi %iota3A, %add3A_1824 : vector<16xi32>
    %gather3A_1826 = arith.constant 14 : i32
    %gather3A_1827 = arith.constant 0 : i32
    %gather3A_1828 = arith.constant 0 : i32
    %gather3A_1829 = tpu.memref_slice %arg6[%gather3A_1826, %gather3A_1827, %gather3A_1828] : memref<16x32x128xf32, #tpu.memory_space<vmem>> -> memref<1x32x128xf32, #tpu.memory_space<vmem>>
    %gather3A_1830 = tpu.memref_squeeze %gather3A_1829 : memref<1x32x128xf32, #tpu.memory_space<vmem>> -> memref<32x128xf32, #tpu.memory_space<vmem>>
    %gather3A_1831 = tpu.vector_load_idx %gather3A_1830[%add3A_1825, %broadcast_in_dim3A_1820] : memref<32x128xf32, #tpu.memory_space<vmem>>[vector<16xi32>, vector<16xi32>], vector<16xf32>,
    tpu.vector_store_idx %arg7[%add3A_1825, %broadcast_in_dim3A_1822], %gather3A_1831 : memref<32x512xf32, #tpu.memory_space<vmem>>[vector<16xi32>, vector<16xi32>], vector<16xf32>,
    %add3A_1832 = arith.constant 16 : i32
    %add3A_1833 = vector.broadcast %add3A_1832 : i32 to vector<16xi32>
    %add3A_1834 = arith.addi %iota3A, %add3A_1833 : vector<16xi32>
    %gather3A_1835 = arith.constant 14 : i32
    %gather3A_1836 = arith.constant 0 : i32
    %gather3A_1837 = arith.constant 0 : i32
    %gather3A_1838 = tpu.memref_slice %arg6[%gather3A_1835, %gather3A_1836, %gather3A_1837] : memref<16x32x128xf32, #tpu.memory_space<vmem>> -> memref<1x32x128xf32, #tpu.memory_space<vmem>>
    %gather3A_1839 = tpu.memref_squeeze %gather3A_1838 : memref<1x32x128xf32, #tpu.memory_space<vmem>> -> memref<32x128xf32, #tpu.memory_space<vmem>>
    %gather3A_1840 = tpu.vector_load_idx %gather3A_1839[%add3A_1834, %broadcast_in_dim3A_1820] : memref<32x128xf32, #tpu.memory_space<vmem>>[vector<16xi32>, vector<16xi32>], vector<16xf32>,
    tpu.vector_store_idx %arg7[%add3A_1834, %broadcast_in_dim3A_1822], %gather3A_1840 : memref<32x512xf32, #tpu.memory_space<vmem>>[vector<16xi32>, vector<16xi32>], vector<16xf32>,
    %dma_wait3A_1841 = arith.constant 15 : i32
    %dma_wait3A_1842 = arith.constant 0 : i32
    %dma_wait3A_1843 = arith.constant 0 : i32
    %dma_wait3A_1844 = tpu.memref_slice %arg6[%dma_wait3A_1841, %dma_wait3A_1842, %dma_wait3A_1843] : memref<16x32x128xf32, #tpu.memory_space<vmem>> -> memref<1x32x128xf32, #tpu.memory_space<vmem>>
    %dma_wait3A_1845 = tpu.memref_squeeze %dma_wait3A_1844 : memref<1x32x128xf32, #tpu.memory_space<vmem>> -> memref<32x128xf32, #tpu.memory_space<vmem>>
    %dma_wait3A_1846 = arith.constant 0 : i32
    %dma_wait3A_1847 = arith.constant 0 : i32
    %dma_wait3A_1848 = tpu.memref_slice %arg2[%dma_wait3A_1846, %dma_wait3A_1847] : memref<32x1000000xf32, #tpu.memory_space<hbm>> -> memref<32x128xf32, #tpu.memory_space<hbm>>
    %dma_wait3A_1849 = arith.constant 0 : i32
    %dma_wait3A_1850 = arith.constant 0 : i32
    %dma_wait3A_1851 = tpu.memref_slice %arg6[%dma_wait3A_1841, %dma_wait3A_1849, %dma_wait3A_1850] : memref<16x32x128xf32, #tpu.memory_space<vmem>> -> memref<1x32x128xf32, #tpu.memory_space<vmem>>
    %dma_wait3A_1852 = tpu.memref_squeeze %dma_wait3A_1851 : memref<1x32x128xf32, #tpu.memory_space<vmem>> -> memref<32x128xf32, #tpu.memory_space<vmem>>
    %dma_wait3A_1853 = arith.constant 0 : i32
    %dma_wait3A_1854 = arith.constant 0 : i32
    %dma_wait3A_1855 = tpu.memref_slice %arg2[%dma_wait3A_1853, %dma_wait3A_1854] : memref<32x1000000xf32, #tpu.memory_space<hbm>> -> memref<32x128xf32, #tpu.memory_space<hbm>>
    tpu.wait_dma2 semaphore(%arg23 : memref<!tpu.dma_semaphore, #tpu.memory_space<semaphore_mem>>) src(%dma_wait3A_1855 : memref<32x128xf32, #tpu.memory_space<hbm>>) dst(%dma_wait3A_1852 : memref<32x128xf32, #tpu.memory_space<vmem>>)
    %get3A_1856 = arith.constant 496 : index
    %get3A_1857 = tpu.vector_load %arg5[%get3A_1856] {strides = array<i32>} : memref<512xi32, #tpu.memory_space<vmem>>, vector<16xi32>,
    %rem3A_1858 = arith.constant 128 : i32
    %rem3A_1859 = vector.broadcast %rem3A_1858 : i32 to vector<16xi32>
    %rem3A_1860 = arith.remsi %get3A_1857, %rem3A_1859 : vector<16xi32>
    %eq3A_1861 = arith.constant 15 : i32
    %eq3A_1862 = vector.broadcast %eq3A_1861 : i32 to vector<16xi32>
    %eq3A_1863 = arith.cmpi eq, %iota3A, %eq3A_1862 : vector<16xi32>
    %jit3A_1864 = arith.constant 0 : i32
    %broadcast_in_dim3A_1865 = vector.broadcast %jit3A_1864 : i32 to vector<16xi32>
    %select_n3A_1866 = arith.select %eq3A_1863, %rem3A_1860, %broadcast_in_dim3A_1865 : vector<16xi1>, vector<16xi32>
    %reduce_max3A_1867 = arith.constant true
    %reduce_max3A_1868 = vector.broadcast %reduce_max3A_1867 : i1 to vector<16xi1>
    %reduce_max3A_1869 = arith.constant -2147483648 : i32
    %reduce_max3A_1870 = vector.broadcast %reduce_max3A_1869 : i32 to vector<16xi32>
    %reduce_max3A_1871 = arith.xori %select_n3A_1866, %reduce_max3A_1870 : vector<16xi32>
    %reduce_max3A_1872 = tpu.scan <max>, %reduce_max3A_1871 masked %reduce_max3A_1868 : vector<16xi32>, vector<16xi1> -> vector<16xi32>
    %reduce_max3A_1873 = arith.xori %reduce_max3A_1872, %reduce_max3A_1870 : vector<16xi32>
    %reduce_max3A_1874 = vector.extract %reduce_max3A_1873[15] : i32 from vector<16xi32>
    %broadcast_in_dim3A_1875 = vector.broadcast %reduce_max3A_1874 : i32 to vector<16xi32>
    %broadcast_in_dim3A_1876 = arith.constant 511 : i32
    %broadcast_in_dim3A_1877 = vector.broadcast %broadcast_in_dim3A_1876 : i32 to vector<16xi32>
    %add3A_1878 = arith.constant 0 : i32
    %add3A_1879 = vector.broadcast %add3A_1878 : i32 to vector<16xi32>
    %add3A_1880 = arith.addi %iota3A, %add3A_1879 : vector<16xi32>
    %gather3A_1881 = arith.constant 15 : i32
    %gather3A_1882 = arith.constant 0 : i32
    %gather3A_1883 = arith.constant 0 : i32
    %gather3A_1884 = tpu.memref_slice %arg6[%gather3A_1881, %gather3A_1882, %gather3A_1883] : memref<16x32x128xf32, #tpu.memory_space<vmem>> -> memref<1x32x128xf32, #tpu.memory_space<vmem>>
    %gather3A_1885 = tpu.memref_squeeze %gather3A_1884 : memref<1x32x128xf32, #tpu.memory_space<vmem>> -> memref<32x128xf32, #tpu.memory_space<vmem>>
    %gather3A_1886 = tpu.vector_load_idx %gather3A_1885[%add3A_1880, %broadcast_in_dim3A_1875] : memref<32x128xf32, #tpu.memory_space<vmem>>[vector<16xi32>, vector<16xi32>], vector<16xf32>,
    tpu.vector_store_idx %arg7[%add3A_1880, %broadcast_in_dim3A_1877], %gather3A_1886 : memref<32x512xf32, #tpu.memory_space<vmem>>[vector<16xi32>, vector<16xi32>], vector<16xf32>,
    %add3A_1887 = arith.constant 16 : i32
    %add3A_1888 = vector.broadcast %add3A_1887 : i32 to vector<16xi32>
    %add3A_1889 = arith.addi %iota3A, %add3A_1888 : vector<16xi32>
    %gather3A_1890 = arith.constant 15 : i32
    %gather3A_1891 = arith.constant 0 : i32
    %gather3A_1892 = arith.constant 0 : i32
    %gather3A_1893 = tpu.memref_slice %arg6[%gather3A_1890, %gather3A_1891, %gather3A_1892] : memref<16x32x128xf32, #tpu.memory_space<vmem>> -> memref<1x32x128xf32, #tpu.memory_space<vmem>>
    %gather3A_1894 = tpu.memref_squeeze %gather3A_1893 : memref<1x32x128xf32, #tpu.memory_space<vmem>> -> memref<32x128xf32, #tpu.memory_space<vmem>>
    %gather3A_1895 = tpu.vector_load_idx %gather3A_1894[%add3A_1889, %broadcast_in_dim3A_1875] : memref<32x128xf32, #tpu.memory_space<vmem>>[vector<16xi32>, vector<16xi32>], vector<16xf32>,
    tpu.vector_store_idx %arg7[%add3A_1889, %broadcast_in_dim3A_1877], %gather3A_1895 : memref<32x512xf32, #tpu.memory_space<vmem>>[vector<16xi32>, vector<16xi32>], vector<16xf32>,
    "tpu.region"() ({
      %run_scoped3A = tpu.sem_alloc : memref<!tpu.dma_semaphore, #tpu.memory_space<semaphore_mem>>
      %dma_start3A_1896 = arith.constant 0 : i32
      %dma_start3A_1897 = tpu.memref_slice %arg4[%dma_start3A_1896, %mul3A_2] : memref<32x16384xf32, #tpu.memory_space<hbm>> -> memref<32x512xf32, #tpu.memory_space<hbm>>
      %dma_start3A_1898 = arith.constant 0 : i32
      %dma_start3A_1899 = tpu.memref_slice %arg4[%dma_start3A_1898, %mul3A_2] : memref<32x16384xf32, #tpu.memory_space<hbm>> -> memref<32x512xf32, #tpu.memory_space<hbm>>
      tpu.enqueue_dma source(%arg7 : memref<32x512xf32, #tpu.memory_space<vmem>>) target(%dma_start3A_1899 : memref<32x512xf32, #tpu.memory_space<hbm>>) target_semaphore(%run_scoped3A : memref<!tpu.dma_semaphore, #tpu.memory_space<semaphore_mem>>)
      %dma_wait3A_1900 = arith.constant 0 : i32
      %dma_wait3A_1901 = tpu.memref_slice %arg4[%dma_wait3A_1900, %mul3A_2] : memref<32x16384xf32, #tpu.memory_space<hbm>> -> memref<32x512xf32, #tpu.memory_space<hbm>>
      %dma_wait3A_1902 = arith.constant 0 : i32
      %dma_wait3A_1903 = tpu.memref_slice %arg4[%dma_wait3A_1902, %mul3A_2] : memref<32x16384xf32, #tpu.memory_space<hbm>> -> memref<32x512xf32, #tpu.memory_space<hbm>>
      tpu.wait_dma2 semaphore(%run_scoped3A : memref<!tpu.dma_semaphore, #tpu.memory_space<semaphore_mem>>) src(%arg7 : memref<32x512xf32, #tpu.memory_space<vmem>>) dst(%dma_wait3A_1903 : memref<32x512xf32, #tpu.memory_space<hbm>>)
      tpu.yield
    }) : () -> ()
    return
  }
}

</mosaic_0001>

<sc_bundles>
// kernel: kernel.3.cloned.1.call-start
scs
__scs_entry_jumppad:
0x0: {  	(pc) =	sbr.rel $0x88, $3  }
0x1: {  	(tag) =	ssettag $0x0;
	lr =	simm.s32 $0x1  }
0x2: {  	[smem:$0x3F9F] =	sst lr;
	_ =	strace $0xD0000000  }
0x3: {  	_ = 	snop  }
0x4: {  	_ = 	snop  }
0x5: {  	_ = 	snop  }
0x6: {  	_ = 	snop  }
0x7: {  	_ = 	snop  }
__scs_overlays_trampoline_lowered:
0x8: {  	[smem:$0x3FAE] =	sst s0  }
0x9: {  	[smem:$0x3FAF] =	sst s1  }
0xa: {  	[smem:$0x3FB0] =	sst s2  }
0xb: {  	[smem:$0x3FB1] =	sst s3  }
0xc: {  	[smem:$0x3FB2] =	sst s4  }
0xd: {  	[smem:$0x3FB3] =	sst s5  }
0xe: {  	[smem:$0x3FB4] =	sst s6  }
0xf: {  	[smem:$0x3FB5] =	sst s7  }
0x10: {  	[smem:$0x3FB6] =	sst s8  }
0x11: {  	[smem:$0x3FB7] =	sst s9;
	s0 =	simm.s32 @!p0 $0x0  }
0x12: {  	s1 =	sld [smem:$0x3F9D];
	s0 =	simm.s32 @p0 $0x1  }
0x13: {  	[smem:$0x3FB8] =	sst s0;
	s0 =	simm.s32 @!p1 $0x0  }
0x14: {  	s2 =	sld [smem:$0x3F9C];
	s0 =	simm.s32 @p1 $0x1  }
0x15: {  	[smem:$0x3FB9] =	sst s0;
	s0 =	simm.s32 @!p2 $0x0  }
0x16: {  	s3 =	sld [smem:$0x3FDB];
	s0 =	simm.s32 @p2 $0x1  }
0x17: {  	s4 =	simm.s32 $0x1BF5;
	[smem:$0x3FBB] =	sst s0  }
0x18: {  	s0 =	sld [smem:$0x3F9E];
	_ =	swait.ge [sflag:s4], $0x0  }
0x19: {  	s7 =	sld [smem:$0x3F9F]  }
0x1a: {  	s8 =	sadd.s32 $0xFFFFE003, lr  }
0x1b: {  	s9 =	sadd.s32 $0xFFFFFEF7, lr;
	s5 =	simm.s32 $0xFFFFFFFF;
	p2 =	slt.u32 s8, $0xFFFFF086  }
0x1c: {  	p1 =	slt.u32 s9, $0xF7A;
	s5 =	simm.s32 @!p2 $0x0  }
0x1d: {  	s5 =	simm.s32 @p1 $0x1;
	p0 =	seq.s32 s7, s2  }
0x1e: {  	s7 =	smul.u32 @!p0 $0xF7A, s2;
	p2 =	seq.s32 @!p0 s5, $0x0  }
0x1f: {  	s9 =	smul.u32 $0xF7A, s1;
	s8 =	simm.s32 @!p0 $0x1BF5;
	p2 =	por !p2, p0  }
0x20: {  	[sflag:s8] =	ssyncset.s32 @!p0 $0xFFFFF086;
	s6 =	sadd.s32 @!p0 s3, s7;
	s7 =	simm.s32 @!p0 $0x108  }
0x21: {  	s3 =	sadd.s32 s3, s9;
	s6 =	sadd.s32 @!p0 $0x88, s6;
	s7 =	simm.s32 @p2 $0x1082  }
0x22: {  	[simem:s7], [sflag:s8] =	dma.local @!p0 [hbm:s6], $0xF7A  }
0x23: {  	s9 =	sor.u32 $0xD0000000, s2;
	s6 =	simm.s32 $0x108;
	_ =	swait.ge @!p0 [sflag:s8], $0x0  }
0x24: {  	s3 =	sadd.s32 $0x88, s3;
	s6 =	simm.s32 @!p1 $0x1082;
	[sflag:s4] =	ssyncset.s32 $0xFFFFF086  }
0x25: {  	[simem:s6], [sflag:s4] =	dma.local [hbm:s3], $0xF7A  }
0x26: {  	[smem:$0x3F9F] =	sst s1;
	(tag) =	ssettag s2;
	_ =	strace s9  }
0x27: {  	s1 =	sld [smem:$0x3FAF]  }
0x28: {  	s2 =	sld [smem:$0x3FB0]  }
0x29: {  	s4 =	sld [smem:$0x3FB2]  }
0x2a: {  	p0 =	seq.s32 s5, $0x0;
	s5 =	sld [smem:$0x3FB3]  }
0x2b: {  	s6 =	sld [smem:$0x3FB4]  }
0x2c: {  	s7 =	sld [smem:$0x3FB5]  }
0x2d: {  	s3 =	simm.s32 $0x108;
	s8 =	sld [smem:$0x3FB6]  }
0x2e: {  	s3 =	simm.s32 @!p0 $0x1082;
	s9 =	sld [smem:$0x3FB7]  }
0x2f: {  	lr =	sadd.s32 s0, s3;
	s0 =	sld [smem:$0x3FAE]  }
0x30: {  	s3 =	sld [smem:$0x3FB1]  }
0x31: {  	[smem:$0x3FBA] =	sst s10  }
0x32: {  	s10 =	sld [smem:$0x3FB8];
	_ =	sdelay $0x3  }
0x33: {  	p0 =	seq.s32 s10, $0x1;
	s10 =	sld [smem:$0x3FBA];
	_ =	sdelay $0x3  }
0x34: {  	[smem:$0x3FBA] =	sst s10  }
0x35: {  	s10 =	sld [smem:$0x3FB9];
	_ =	sdelay $0x3  }
0x36: {  	p1 =	seq.s32 s10, $0x1;
	s10 =	sld [smem:$0x3FBA];
	_ =	sdelay $0x3  }
0x37: {  	[smem:$0x3FBA] =	sst s10  }
0x38: {  	s10 =	sld [smem:$0x3FBB]  }
0x39: {  	_ = 	snop;
	(pc) =	sbr.ind lr, $3  }
0x3a: {  	_ = 	snop  }
0x3b: {  	_ = 	snop  }
0x3c: {  	p2 =	seq.s32 s10, $0x1;
	s10 =	sld [smem:$0x3FBA]  }
0x3d: {  	_ =	shalt  }
0x3e: {  	_ =	shalt  }
0x3f: {  	_ =	shalt  }
0x40: {  	_ =	shalt  }
0x41: {  	_ =	shalt  }
0x42: {  	_ =	shalt  }
0x43: {  	_ =	shalt  }
0x44: {  	_ =	shalt  }
0x45: {  	_ =	shalt  }
0x46: {  	_ =	shalt  }
0x47: {  	_ =	shalt  }
0x48: {  	_ =	shalt  }
0x49: {  	_ =	shalt  }
0x4a: {  	_ =	shalt  }
0x4b: {  	_ =	shalt  }
0x4c: {  	_ =	shalt  }
0x4d: {  	_ =	shalt  }
0x4e: {  	_ =	shalt  }
0x4f: {  	_ =	shalt  }
0x50: {  	_ =	shalt  }
0x51: {  	_ =	shalt  }
0x52: {  	_ =	shalt  }
0x53: {  	_ =	shalt  }
0x54: {  	_ =	shalt  }
0x55: {  	_ =	shalt  }
0x56: {  	_ =	shalt  }
0x57: {  	_ =	shalt  }
0x58: {  	_ =	shalt  }
0x59: {  	_ =	shalt  }
0x5a: {  	_ =	shalt  }
0x5b: {  	_ =	shalt  }
0x5c: {  	_ =	shalt  }
0x5d: {  	_ =	shalt  }
0x5e: {  	_ =	shalt  }
0x5f: {  	_ =	shalt  }
0x60: {  	_ =	shalt  }
0x61: {  	_ =	shalt  }
0x62: {  	_ =	shalt  }
0x63: {  	_ =	shalt  }
0x64: {  	_ =	shalt  }
0x65: {  	_ =	shalt  }
0x66: {  	_ =	shalt  }
0x67: {  	_ =	shalt  }
0x68: {  	_ =	shalt  }
0x69: {  	_ =	shalt  }
0x6a: {  	_ =	shalt  }
0x6b: {  	_ =	shalt  }
0x6c: {  	_ =	shalt  }
0x6d: {  	_ =	shalt  }
0x6e: {  	_ =	shalt  }
0x6f: {  	_ =	shalt  }
0x70: {  	_ =	shalt  }
0x71: {  	_ =	shalt  }
0x72: {  	_ =	shalt  }
0x73: {  	_ =	shalt  }
0x74: {  	_ =	shalt  }
0x75: {  	_ =	shalt  }
0x76: {  	_ =	shalt  }
0x77: {  	_ =	shalt  }
0x78: {  	_ =	shalt  }
0x79: {  	_ =	shalt  }
0x7a: {  	_ =	shalt  }
0x7b: {  	_ =	shalt  }
0x7c: {  	_ =	shalt  }
0x7d: {  	_ =	shalt  }
0x7e: {  	_ =	shalt  }
0x7f: {  	_ =	shalt  }
0x80: {  	_ =	shalt  }
0x81: {  	_ =	shalt  }
0x82: {  	_ =	shalt  }
0x83: {  	_ =	shalt  }
0x84: {  	_ =	shalt  }
0x85: {  	_ =	shalt  }
0x86: {  	_ =	shalt  }
0x87: {  	_ =	shalt  }
.Lfunc_end0:
.L_simem_size_0:
called_computation_lowered:
.L_overlay_start_0:
0x88: {  	s2 =	sld [smem:$0x3FD9]  }
0x89: {  	s3 =	sld [smem:$0x3FFE];
	_ =	sdelay $0x1  }
0x8a: {  	s1 =	srdreg.scid  }
0x8b: {  	s0 =	sand.u32 $0x1, s1  }
0x8c: {  	s18 =	sshll.u32 s0, $0xA;
	s2 =	sadd.s32 s3, s2  }
0x8d: {  	s2 =	sadd.s32 s2, s18  }
0x8e: {  	[smem:$0x3FC6] =	sst s2  }
0x8f: {  	_ = 	snop  }
0x90: {  	s2 =	sld [smem:$0x3FC9]  }
0x91: {  	s19 =	sld [smem:$0x3FC8]  }
0x92: {  	s4 =	sld [smem:$0x3FD0];
	(tm) =	ssettm $0x1  }
0x93: {  	s5 =	sld [smem:$0x3FFB];
	_ =	sdelay $0x3  }
0x94: {  	_ =	strace s5  }
0x95: {  	s5 =	sld [smem:$0x3FFC];
	_ =	sdelay $0x3  }
0x96: {  	_ =	strace s5  }
0x97: {  	s5 =	sld [smem:$0x3FFD];
	_ =	sdelay $0x3  }
0x98: {  	_ =	strace s5  }
0x99: {  	_ =	strace $0x8FFFFFFF  }
0x9a: {  	s20 =	sld [smem:$0x3FDB];
	_ =	sdelay $0x1  }
0x9b: {  	s6 =	simm.s32 $_scs_section_size  }
0x9c: {  	s7 =	simm.s32 $_size__tile_overlayer_lowered;
	s8 =	simm.s32 $_tile_overlayer_lowered  }
0x9d: {  	s23 =	simm.s32 $0x1BFF;
	s22 =	sshll.u32 s8, $0x1;
	s5 =	sadd.s32 s6, s20  }
0x9e: {  	s9 =	simm.s32 $0x0;
	s21 =	sshll.u32 s7, $0x1;
	s7 =	sadd.s32 s22, s5  }
0x9f: {  	[timem:s9], [sflag:s23] =	dma.local [hbm:s7], s21  }
0xa0: {  	_ =	swait.ge [sflag:s23], s21  }
0xa1: {  	s6 =	ssub.s32 $0x0, s21;
	[sflag:s23] =	ssyncset.done $0x0  }
0xa2: {  	[sflag:s23] =	ssyncadd.s32 s6;
	_ =	sdelay $0x1  }
0xa3: {  	s24 =	simm.s32 $0x1B8B  }
0xa4: {  	_ =	swait.ge [sflag:s24], $0x1  }
0xa5: {  	[sflag:s24] =	ssyncset.done $0x0  }
0xa6: {  	s25 =	simm.s32 $0x1B8E;
	[sflag:s24] =	ssyncadd.s32 $0xFFFFFFFF  }
0xa7: {  	s26 =	simm.s32 $execute0_lowered;
	[smem:$0x3FD2] =	sst s25  }
0xa8: {  	s6 =	sshll.u32 s26, $0x1;
	_ =	strace $0x80000046;
	[dreg:$0x1] =	wrdreg $0xFFFFFFFF  }
0xa9: {  	s28 =	simm.s32 $_size_execute0_lowered;
	s5 =	sadd.s32 s5, s6;
	[dreg:$0x0] =	wrdreg $0x0  }
0xaa: {  	s6 =	sshll.u32 s28, $0x1;
	[dreg:$0x2] =	wrdreg s5  }
0xab: {  	[dreg:$0x3] =	wrdreg s6  }
0xac: {  	[dreg:$0x4] =	wrdreg $0xC0  }
0xad: {  	_ =	task [dreg:s9], $0x5FFFF  }
0xae: {  	[dreg:$0x1] =	wrdreg $0xFFFFFFFF  }
0xaf: {  	[dreg:$0x0] =	wrdreg $0x60  }
0xb0: {  	[dreg:$0x2] =	wrdreg s19  }
0xb1: {  	[dreg:$0x3] =	wrdreg s2  }
0xb2: {  	[dreg:$0x4] =	wrdreg s4  }
0xb3: {  	[dreg:$0x5] =	wrdreg $0x9  }
0xb4: {  	_ =	task.clear_ibuf [dreg:s9], $0x6FFFF;
	_ =	strace $0x90000046  }
0xb5: {  	s29 =	simm.s32 $0x9;
	_ =	strace $0x80000048  }
0xb6: {  	_ =	swait.ge [sflag:s29], $0x1  }
0xb7: {  	[sflag:s29] =	ssyncadd.s32 $0xFFFFFFFF  }
0xb8: {  	_ =	strace $0x90000048  }
0xb9: {  	_ =	sfence  }
0xba: {  	s30 =	sld [smem:$0x0];
	_ =	sdelay $0x2  }
0xbb: {  	s31 =	sshll.u32 s1, $0xD;
	s1 =	sshrl.u32 s1, $0x2  }
0xbc: {  	s3 =	sand.u32 $0x4000, s31;
	s1 =	sadd.s32 s1, s30  }
0xbd: {  	s0 =	sor.u32 s3, s0;
	s1 =	sshll.u32 s1, $0x11  }
0xbe: {  	s0 =	sor.u32 s1, s0  }
0xbf: {  	s0 =	sadd.s32 $0x8F2B, s0  }
0xc0: {  	[sflag:s0] =	ssyncadd.remote.s32 $0x1  }
0xc1: {  	_ =	sfence.sel $0xFFFF  }
0xc2: {  	[dreg:$0x0] =	wrdreg $0xFFFFFFFF;
	(pc) =	sbr.abs _section_cstart, $3  }
0xc3: {  	[dreg:$0x1] =	wrdreg $0xFFFFFFFF  }
0xc4: {  	_ =	task.clear_ibuf [dreg:s9], $0x2FFFF;
	_ =	strace $0x9FFFFFFF  }
0xc5: {  	(tm) =	ssettm $0x7FFFFFFF  }
tec
execute0_lowered:
.L_overlay_start_1:
0x0: {  	(tag) =	ssettag $0x1  }
0x1: {  	v0 =	vimm.s32 $0x0;
	vm0 =	vmmov $0x1;
	v1 =	vimm.s32 $0x1380  }
0x2: {  	vm9 =	vcmask $0x300;
	vm13 =	vcmask $0x704;
	vm4 =	vcmask $0xF14  }
0x3: {  	vm10 =	vcmask $0xB08;
	vm5 =	vcmask $0x1318;
	vm15 =	vcmask $0xF0C  }
0x4: {  	vm6 =	vcmask $0x171C;
	vm11 =	vcmask $0x1310;
	vm7 =	vcmask $0x1B20  }
0x5: {  	vm12 =	vcmask $0x1714;
	vm8 =	vcmask $0x1F24;
	vm1 =	vcmask $0x1B18  }
0x6: {  	v2 =	vimm.s32 $0x3380;
	v3 =	vimm.s32 $0x1FF0;
	v4 =	vimm.s32 $0x3FF0  }
0x7: {  	v5 =	vimm.s32 $0x1FF1;
	v6 =	vimm.s32 $0x3FF1;
	v7 =	vimm.s32 $0x1FF2  }
0x8: {  	v8 =	vimm.s32 $0x3FF2;
	v9 =	vimm.s32 $0x1FF3;
	v10 =	vimm.s32 $0x3FF3  }
0x9: {  	v11 =	vimm.s32 $0x1FF4;
	v12 =	vimm.s32 $0x3FF4;
	v13 =	vimm.s32 $0x1FF5  }
0xa: {  	v14 =	vimm.s32 $0x3FF5;
	v15 =	vimm.s32 $0x1FF6;
	v16 =	vimm.s32 $0x3FF6  }
0xb: {  	v17 =	vimm.s32 $0x1FF7;
	v18 =	vimm.s32 $0x3FF7;
	v19 =	vimm.s32 $0x1FF8  }
0xc: {  	v20 =	vimm.s32 $0x3FF8;
	v21 =	vimm.s32 $0x1FF9;
	v22 =	vimm.s32 $0x3FF9  }
0xd: {  	v23 =	vimm.s32 $0x1FFA;
	v24 =	vimm.s32 $0x3FFA;
	v25 =	vimm.s32 $0x1FFB  }
0xe: {  	v26 =	vimm.s32 $0x3FFB;
	v27 =	vimm.s32 $0x1FFC;
	v28 =	vimm.s32 $0x3FFC  }
0xf: {  	v29 =	vimm.s32 $0x1FFD;
	v30 =	vimm.s32 $0x3FFD;
	v31 =	vimm.s32 $0x1FFE  }
0x10: {  	v32 =	vimm.s32 $0x3FFE;
	v33 =	vimm.s32 $0x1FFF;
	v34 =	vimm.s32 $0x3FFF  }
0x11: {  	vm14 =	vcmask $0x1F1C;
	v35 =	vlaneseq.u32;
	v1 =	vsel vm9, $0x0, v1  }
0x12: {  	v2 =	vsel vm9, $0x2000, v2;
	v3 =	vsel vm9, $0xC70, v3;
	v4 =	vsel vm9, $0x2C70, v4  }
0x13: {  	v5 =	vsel vm9, $0xC71, v5;
	v6 =	vsel vm9, $0x2C71, v6;
	v7 =	vsel vm9, $0xC72, v7  }
0x14: {  	v8 =	vsel vm9, $0x2C72, v8;
	v9 =	vsel vm9, $0xC73, v9;
	v10 =	vsel vm9, $0x2C73, v10  }
0x15: {  	v11 =	vsel vm9, $0xC74, v11;
	v12 =	vsel vm9, $0x2C74, v12;
	v13 =	vsel vm9, $0xC75, v13  }
0x16: {  	v14 =	vsel vm9, $0x2C75, v14;
	v15 =	vsel vm9, $0xC76, v15;
	v16 =	vsel vm9, $0x2C76, v16  }
0x17: {  	v17 =	vsel vm9, $0xC77, v17;
	v18 =	vsel vm9, $0x2C77, v18;
	v19 =	vsel vm9, $0xC78, v19  }
0x18: {  	v20 =	vsel vm9, $0x2C78, v20;
	v21 =	vsel vm9, $0xC79, v21;
	v22 =	vsel vm9, $0x2C79, v22  }
0x19: {  	v23 =	vsel vm9, $0xC7A, v23;
	v24 =	vsel vm9, $0x2C7A, v24;
	v25 =	vsel vm9, $0xC7B, v25  }
0x1a: {  	v26 =	vsel vm9, $0x2C7B, v26;
	v27 =	vsel vm9, $0xC7C, v27;
	v28 =	vsel vm9, $0x2C7C, v28  }
0x1b: {  	v29 =	vsel vm9, $0xC7D, v29;
	v30 =	vsel vm9, $0x2C7D, v30;
	v31 =	vsel vm9, $0xC7E, v31  }
0x1c: {  	v32 =	vsel vm9, $0x2C7E, v32;
	v33 =	vsel vm9, $0xC7F, v33;
	v34 =	vsel vm9, $0x2C7F, v34  }
0x1d: {  	vm9 =	vcmask $0x2328;
	v1 =	vsel vm13, $0x80, v1;
	v2 =	vsel vm13, $0x2080, v2  }
0x1e: {  	v3 =	vsel vm13, $0xCF0, v3;
	v4 =	vsel vm13, $0x2CF0, v4;
	v5 =	vsel vm13, $0xCF1, v5  }
0x1f: {  	v6 =	vsel vm13, $0x2CF1, v6;
	v7 =	vsel vm13, $0xCF2, v7;
	v8 =	vsel vm13, $0x2CF2, v8  }
0x20: {  	v9 =	vsel vm13, $0xCF3, v9;
	v10 =	vsel vm13, $0x2CF3, v10;
	v11 =	vsel vm13, $0xCF4, v11  }
0x21: {  	v12 =	vsel vm13, $0x2CF4, v12;
	v13 =	vsel vm13, $0xCF5, v13;
	v14 =	vsel vm13, $0x2CF5, v14  }
0x22: {  	v15 =	vsel vm13, $0xCF6, v15;
	v16 =	vsel vm13, $0x2CF6, v16;
	v17 =	vsel vm13, $0xCF7, v17  }
0x23: {  	v18 =	vsel vm13, $0x2CF7, v18;
	v19 =	vsel vm13, $0xCF8, v19;
	v20 =	vsel vm13, $0x2CF8, v20  }
0x24: {  	v21 =	vsel vm13, $0xCF9, v21;
	v22 =	vsel vm13, $0x2CF9, v22;
	v23 =	vsel vm13, $0xCFA, v23  }
0x25: {  	v24 =	vsel vm13, $0x2CFA, v24;
	v25 =	vsel vm13, $0xCFB, v25;
	v26 =	vsel vm13, $0x2CFB, v26  }
0x26: {  	v27 =	vsel vm13, $0xCFC, v27;
	v28 =	vsel vm13, $0x2CFC, v28;
	v29 =	vsel vm13, $0xCFD, v29  }
0x27: {  	v30 =	vsel vm13, $0x2CFD, v30;
	v31 =	vsel vm13, $0xCFE, v31;
	v32 =	vsel vm13, $0x2CFE, v32  }
0x28: {  	v33 =	vsel vm13, $0xCFF, v33;
	v34 =	vsel vm13, $0x2CFF, v34;
	vm13 =	vcmask $0x2320  }
0x29: {  	v1 =	vsel vm10, $0x100, v1;
	v2 =	vsel vm10, $0x2100, v2;
	v3 =	vsel vm10, $0xD70, v3  }
0x2a: {  	v4 =	vsel vm10, $0x2D70, v4;
	v5 =	vsel vm10, $0xD71, v5;
	v6 =	vsel vm10, $0x2D71, v6  }
0x2b: {  	v7 =	vsel vm10, $0xD72, v7;
	v8 =	vsel vm10, $0x2D72, v8;
	v9 =	vsel vm10, $0xD73, v9  }
0x2c: {  	v10 =	vsel vm10, $0x2D73, v10;
	v11 =	vsel vm10, $0xD74, v11;
	v12 =	vsel vm10, $0x2D74, v12  }
0x2d: {  	v13 =	vsel vm10, $0xD75, v13;
	v14 =	vsel vm10, $0x2D75, v14;
	v15 =	vsel vm10, $0xD76, v15  }
0x2e: {  	v16 =	vsel vm10, $0x2D76, v16;
	v17 =	vsel vm10, $0xD77, v17;
	v18 =	vsel vm10, $0x2D77, v18  }
0x2f: {  	v19 =	vsel vm10, $0xD78, v19;
	v20 =	vsel vm10, $0x2D78, v20;
	v21 =	vsel vm10, $0xD79, v21  }
0x30: {  	v22 =	vsel vm10, $0x2D79, v22;
	v23 =	vsel vm10, $0xD7A, v23;
	v24 =	vsel vm10, $0x2D7A, v24  }
0x31: {  	v25 =	vsel vm10, $0xD7B, v25;
	v26 =	vsel vm10, $0x2D7B, v26;
	v27 =	vsel vm10, $0xD7C, v27  }
0x32: {  	v28 =	vsel vm10, $0x2D7C, v28;
	v29 =	vsel vm10, $0xD7D, v29;
	v30 =	vsel vm10, $0x2D7D, v30  }
0x33: {  	v31 =	vsel vm10, $0xD7E, v31;
	v32 =	vsel vm10, $0x2D7E, v32;
	v33 =	vsel vm10, $0xD7F, v33  }
0x34: {  	v34 =	vsel vm10, $0x2D7F, v34;
	vm10 =	vcmask $0x272C;
	v1 =	vsel vm15, $0x180, v1  }
0x35: {  	v2 =	vsel vm15, $0x2180, v2;
	v3 =	vsel vm15, $0xDF0, v3;
	v4 =	vsel vm15, $0x2DF0, v4  }
0x36: {  	v5 =	vsel vm15, $0xDF1, v5;
	v6 =	vsel vm15, $0x2DF1, v6;
	v7 =	vsel vm15, $0xDF2, v7  }
0x37: {  	v8 =	vsel vm15, $0x2DF2, v8;
	v9 =	vsel vm15, $0xDF3, v9;
	v10 =	vsel vm15, $0x2DF3, v10  }
0x38: {  	v11 =	vsel vm15, $0xDF4, v11;
	v12 =	vsel vm15, $0x2DF4, v12;
	v13 =	vsel vm15, $0xDF5, v13  }
0x39: {  	v14 =	vsel vm15, $0x2DF5, v14;
	v15 =	vsel vm15, $0xDF6, v15;
	v16 =	vsel vm15, $0x2DF6, v16  }
0x3a: {  	v17 =	vsel vm15, $0xDF7, v17;
	v18 =	vsel vm15, $0x2DF7, v18;
	v19 =	vsel vm15, $0xDF8, v19  }
0x3b: {  	v20 =	vsel vm15, $0x2DF8, v20;
	v21 =	vsel vm15, $0xDF9, v21;
	v22 =	vsel vm15, $0x2DF9, v22  }
0x3c: {  	v23 =	vsel vm15, $0xDFA, v23;
	v24 =	vsel vm15, $0x2DFA, v24;
	v25 =	vsel vm15, $0xDFB, v25  }
0x3d: {  	v26 =	vsel vm15, $0x2DFB, v26;
	v27 =	vsel vm15, $0xDFC, v27;
	v28 =	vsel vm15, $0x2DFC, v28  }
0x3e: {  	v29 =	vsel vm15, $0xDFD, v29;
	v30 =	vsel vm15, $0x2DFD, v30;
	v31 =	vsel vm15, $0xDFE, v31  }
0x3f: {  	v32 =	vsel vm15, $0x2DFE, v32;
	v33 =	vsel vm15, $0xDFF, v33;
	v34 =	vsel vm15, $0x2DFF, v34  }
0x40: {  	vm15 =	vcmask $0x2724;
	v1 =	vsel vm11, $0x200, v1;
	v2 =	vsel vm11, $0x2200, v2  }
0x41: {  	v3 =	vsel vm11, $0xE70, v3;
	v4 =	vsel vm11, $0x2E70, v4;
	v5 =	vsel vm11, $0xE71, v5  }
0x42: {  	v6 =	vsel vm11, $0x2E71, v6;
	v7 =	vsel vm11, $0xE72, v7;
	v8 =	vsel vm11, $0x2E72, v8  }
0x43: {  	v9 =	vsel vm11, $0xE73, v9;
	v10 =	vsel vm11, $0x2E73, v10;
	v11 =	vsel vm11, $0xE74, v11  }
0x44: {  	v12 =	vsel vm11, $0x2E74, v12;
	v13 =	vsel vm11, $0xE75, v13;
	v14 =	vsel vm11, $0x2E75, v14  }
0x45: {  	v15 =	vsel vm11, $0xE76, v15;
	v16 =	vsel vm11, $0x2E76, v16;
	v17 =	vsel vm11, $0xE77, v17  }
0x46: {  	v18 =	vsel vm11, $0x2E77, v18;
	v19 =	vsel vm11, $0xE78, v19;
	v20 =	vsel vm11, $0x2E78, v20  }
0x47: {  	v21 =	vsel vm11, $0xE79, v21;
	v22 =	vsel vm11, $0x2E79, v22;
	v23 =	vsel vm11, $0xE7A, v23  }
0x48: {  	v24 =	vsel vm11, $0x2E7A, v24;
	v25 =	vsel vm11, $0xE7B, v25;
	v26 =	vsel vm11, $0x2E7B, v26  }
0x49: {  	v27 =	vsel vm11, $0xE7C, v27;
	v28 =	vsel vm11, $0x2E7C, v28;
	v29 =	vsel vm11, $0xE7D, v29  }
0x4a: {  	v30 =	vsel vm11, $0x2E7D, v30;
	v31 =	vsel vm11, $0xE7E, v31;
	v32 =	vsel vm11, $0x2E7E, v32  }
0x4b: {  	v33 =	vsel vm11, $0xE7F, v33;
	v34 =	vsel vm11, $0x2E7F, v34;
	vm11 =	vcmask $0x2B30  }
0x4c: {  	v1 =	vsel vm12, $0x280, v1;
	v2 =	vsel vm12, $0x2280, v2;
	v3 =	vsel vm12, $0xEF0, v3  }
0x4d: {  	v4 =	vsel vm12, $0x2EF0, v4;
	v5 =	vsel vm12, $0xEF1, v5;
	v6 =	vsel vm12, $0x2EF1, v6  }
0x4e: {  	v7 =	vsel vm12, $0xEF2, v7;
	v8 =	vsel vm12, $0x2EF2, v8;
	v9 =	vsel vm12, $0xEF3, v9  }
0x4f: {  	v10 =	vsel vm12, $0x2EF3, v10;
	v11 =	vsel vm12, $0xEF4, v11;
	v12 =	vsel vm12, $0x2EF4, v12  }
0x50: {  	v13 =	vsel vm12, $0xEF5, v13;
	v14 =	vsel vm12, $0x2EF5, v14;
	v15 =	vsel vm12, $0xEF6, v15  }
0x51: {  	v16 =	vsel vm12, $0x2EF6, v16;
	v17 =	vsel vm12, $0xEF7, v17;
	v18 =	vsel vm12, $0x2EF7, v18  }
0x52: {  	v19 =	vsel vm12, $0xEF8, v19;
	v20 =	vsel vm12, $0x2EF8, v20;
	v21 =	vsel vm12, $0xEF9, v21  }
0x53: {  	v22 =	vsel vm12, $0x2EF9, v22;
	v23 =	vsel vm12, $0xEFA, v23;
	v24 =	vsel vm12, $0x2EFA, v24  }
0x54: {  	v25 =	vsel vm12, $0xEFB, v25;
	v26 =	vsel vm12, $0x2EFB, v26;
	v27 =	vsel vm12, $0xEFC, v27  }
0x55: {  	v28 =	vsel vm12, $0x2EFC, v28;
	v29 =	vsel vm12, $0xEFD, v29;
	v30 =	vsel vm12, $0x2EFD, v30  }
0x56: {  	v31 =	vsel vm12, $0xEFE, v31;
	v32 =	vsel vm12, $0x2EFE, v32;
	v33 =	vsel vm12, $0xEFF, v33  }
0x57: {  	v34 =	vsel vm12, $0x2EFF, v34;
	vm12 =	vcmask $0x2F34;
	v1 =	vsel vm1, $0x300, v1  }
0x58: {  	v2 =	vsel vm1, $0x2300, v2;
	v3 =	vsel vm1, $0xF70, v3;
	v4 =	vsel vm1, $0x2F70, v4  }
0x59: {  	v5 =	vsel vm1, $0xF71, v5;
	v6 =	vsel vm1, $0x2F71, v6;
	v7 =	vsel vm1, $0xF72, v7  }
0x5a: {  	v8 =	vsel vm1, $0x2F72, v8;
	v9 =	vsel vm1, $0xF73, v9;
	v10 =	vsel vm1, $0x2F73, v10  }
0x5b: {  	v11 =	vsel vm1, $0xF74, v11;
	v12 =	vsel vm1, $0x2F74, v12;
	v13 =	vsel vm1, $0xF75, v13  }
0x5c: {  	v14 =	vsel vm1, $0x2F75, v14;
	v15 =	vsel vm1, $0xF76, v15;
	v16 =	vsel vm1, $0x2F76, v16  }
0x5d: {  	v17 =	vsel vm1, $0xF77, v17;
	v18 =	vsel vm1, $0x2F77, v18;
	v19 =	vsel vm1, $0xF78, v19  }
0x5e: {  	v20 =	vsel vm1, $0x2F78, v20;
	v21 =	vsel vm1, $0xF79, v21;
	v22 =	vsel vm1, $0x2F79, v22  }
0x5f: {  	v23 =	vsel vm1, $0xF7A, v23;
	v24 =	vsel vm1, $0x2F7A, v24;
	v25 =	vsel vm1, $0xF7B, v25  }
0x60: {  	v26 =	vsel vm1, $0x2F7B, v26;
	v27 =	vsel vm1, $0xF7C, v27;
	v28 =	vsel vm1, $0x2F7C, v28  }
0x61: {  	v29 =	vsel vm1, $0xF7D, v29;
	v30 =	vsel vm1, $0x2F7D, v30;
	v31 =	vsel vm1, $0xF7E, v31  }
0x62: {  	v32 =	vsel vm1, $0x2F7E, v32;
	v33 =	vsel vm1, $0xF7F, v33;
	v34 =	vsel vm1, $0x2F7F, v34  }
0x63: {  	v1 =	vsel vm14, $0x380, v1;
	v2 =	vsel vm14, $0x2380, v2;
	v3 =	vsel vm14, $0xFF0, v3  }
0x64: {  	v4 =	vsel vm14, $0x2FF0, v4;
	v5 =	vsel vm14, $0xFF1, v5;
	v6 =	vsel vm14, $0x2FF1, v6  }
0x65: {  	v7 =	vsel vm14, $0xFF2, v7;
	v8 =	vsel vm14, $0x2FF2, v8;
	v9 =	vsel vm14, $0xFF3, v9  }
0x66: {  	v10 =	vsel vm14, $0x2FF3, v10;
	v11 =	vsel vm14, $0xFF4, v11;
	v12 =	vsel vm14, $0x2FF4, v12  }
0x67: {  	v13 =	vsel vm14, $0xFF5, v13;
	v14 =	vsel vm14, $0x2FF5, v14;
	v15 =	vsel vm14, $0xFF6, v15  }
0x68: {  	v16 =	vsel vm14, $0x2FF6, v16;
	v17 =	vsel vm14, $0xFF7, v17;
	v18 =	vsel vm14, $0x2FF7, v18  }
0x69: {  	v19 =	vsel vm14, $0xFF8, v19;
	v20 =	vsel vm14, $0x2FF8, v20;
	v21 =	vsel vm14, $0xFF9, v21  }
0x6a: {  	v22 =	vsel vm14, $0x2FF9, v22;
	v23 =	vsel vm14, $0xFFA, v23;
	v24 =	vsel vm14, $0x2FFA, v24  }
0x6b: {  	v25 =	vsel vm14, $0xFFB, v25;
	v26 =	vsel vm14, $0x2FFB, v26;
	v27 =	vsel vm14, $0xFFC, v27  }
0x6c: {  	v28 =	vsel vm14, $0x2FFC, v28;
	v29 =	vsel vm14, $0xFFD, v29;
	v30 =	vsel vm14, $0x2FFD, v30  }
0x6d: {  	v31 =	vsel vm14, $0xFFE, v31;
	v32 =	vsel vm14, $0x2FFE, v32;
	v33 =	vsel vm14, $0xFFF, v33  }
0x6e: {  	v34 =	vsel vm14, $0x2FFF, v34;
	vm14 =	vcmask $0x2B28;
	v1 =	vsel vm13, $0x1000, v1  }
0x6f: {  	v2 =	vsel vm13, $0x3000, v2;
	v3 =	vsel vm13, $0x1C70, v3;
	v4 =	vsel vm13, $0x3C70, v4  }
0x70: {  	v5 =	vsel vm13, $0x1C71, v5;
	v6 =	vsel vm13, $0x3C71, v6;
	v7 =	vsel vm13, $0x1C72, v7  }
0x71: {  	v8 =	vsel vm13, $0x3C72, v8;
	v9 =	vsel vm13, $0x1C73, v9;
	v10 =	vsel vm13, $0x3C73, v10  }
0x72: {  	v11 =	vsel vm13, $0x1C74, v11;
	v12 =	vsel vm13, $0x3C74, v12;
	v13 =	vsel vm13, $0x1C75, v13  }
0x73: {  	v14 =	vsel vm13, $0x3C75, v14;
	v15 =	vsel vm13, $0x1C76, v15;
	v16 =	vsel vm13, $0x3C76, v16  }
0x74: {  	v17 =	vsel vm13, $0x1C77, v17;
	v18 =	vsel vm13, $0x3C77, v18;
	v19 =	vsel vm13, $0x1C78, v19  }
0x75: {  	v20 =	vsel vm13, $0x3C78, v20;
	v21 =	vsel vm13, $0x1C79, v21;
	v22 =	vsel vm13, $0x3C79, v22  }
0x76: {  	v23 =	vsel vm13, $0x1C7A, v23;
	v24 =	vsel vm13, $0x3C7A, v24;
	v25 =	vsel vm13, $0x1C7B, v25  }
0x77: {  	v26 =	vsel vm13, $0x3C7B, v26;
	v27 =	vsel vm13, $0x1C7C, v27;
	v28 =	vsel vm13, $0x3C7C, v28  }
0x78: {  	v29 =	vsel vm13, $0x1C7D, v29;
	v30 =	vsel vm13, $0x3C7D, v30;
	v31 =	vsel vm13, $0x1C7E, v31  }
0x79: {  	v32 =	vsel vm13, $0x3C7E, v32;
	v33 =	vsel vm13, $0x1C7F, v33;
	v34 =	vsel vm13, $0x3C7F, v34  }
0x7a: {  	vm13 =	vcmask $0x3338;
	v1 =	vsel vm15, $0x1080, v1;
	v2 =	vsel vm15, $0x3080, v2  }
0x7b: {  	v3 =	vsel vm15, $0x1CF0, v3;
	v4 =	vsel vm15, $0x3CF0, v4;
	v5 =	vsel vm15, $0x1CF1, v5  }
0x7c: {  	v6 =	vsel vm15, $0x3CF1, v6;
	v7 =	vsel vm15, $0x1CF2, v7;
	v8 =	vsel vm15, $0x3CF2, v8  }
0x7d: {  	v9 =	vsel vm15, $0x1CF3, v9;
	v10 =	vsel vm15, $0x3CF3, v10;
	v11 =	vsel vm15, $0x1CF4, v11  }
0x7e: {  	v12 =	vsel vm15, $0x3CF4, v12;
	v13 =	vsel vm15, $0x1CF5, v13;
	v14 =	vsel vm15, $0x3CF5, v14  }
0x7f: {  	v15 =	vsel vm15, $0x1CF6, v15;
	v16 =	vsel vm15, $0x3CF6, v16;
	v17 =	vsel vm15, $0x1CF7, v17  }
0x80: {  	v18 =	vsel vm15, $0x3CF7, v18;
	v19 =	vsel vm15, $0x1CF8, v19;
	v20 =	vsel vm15, $0x3CF8, v20  }
0x81: {  	v21 =	vsel vm15, $0x1CF9, v21;
	v22 =	vsel vm15, $0x3CF9, v22;
	v23 =	vsel vm15, $0x1CFA, v23  }
0x82: {  	v24 =	vsel vm15, $0x3CFA, v24;
	v25 =	vsel vm15, $0x1CFB, v25;
	v26 =	vsel vm15, $0x3CFB, v26  }
0x83: {  	v27 =	vsel vm15, $0x1CFC, v27;
	v28 =	vsel vm15, $0x3CFC, v28;
	v29 =	vsel vm15, $0x1CFD, v29  }
0x84: {  	v30 =	vsel vm15, $0x3CFD, v30;
	v31 =	vsel vm15, $0x1CFE, v31;
	v32 =	vsel vm15, $0x3CFE, v32  }
0x85: {  	v33 =	vsel vm15, $0x1CFF, v33;
	v34 =	vsel vm15, $0x3CFF, v34;
	vm15 =	vcmask $0x2F2C  }
0x86: {  	v1 =	vsel vm14, $0x1100, v1;
	v2 =	vsel vm14, $0x3100, v2;
	v3 =	vsel vm14, $0x1D70, v3  }
0x87: {  	v4 =	vsel vm14, $0x3D70, v4;
	v5 =	vsel vm14, $0x1D71, v5;
	v6 =	vsel vm14, $0x3D71, v6  }
0x88: {  	v7 =	vsel vm14, $0x1D72, v7;
	v8 =	vsel vm14, $0x3D72, v8;
	v9 =	vsel vm14, $0x1D73, v9  }
0x89: {  	v10 =	vsel vm14, $0x3D73, v10;
	v11 =	vsel vm14, $0x1D74, v11;
	v12 =	vsel vm14, $0x3D74, v12  }
0x8a: {  	v13 =	vsel vm14, $0x1D75, v13;
	v14 =	vsel vm14, $0x3D75, v14;
	v15 =	vsel vm14, $0x1D76, v15  }
0x8b: {  	v16 =	vsel vm14, $0x3D76, v16;
	v17 =	vsel vm14, $0x1D77, v17;
	v18 =	vsel vm14, $0x3D77, v18  }
0x8c: {  	v19 =	vsel vm14, $0x1D78, v19;
	v20 =	vsel vm14, $0x3D78, v20;
	v21 =	vsel vm14, $0x1D79, v21  }
0x8d: {  	v22 =	vsel vm14, $0x3D79, v22;
	v23 =	vsel vm14, $0x1D7A, v23;
	v24 =	vsel vm14, $0x3D7A, v24  }
0x8e: {  	v25 =	vsel vm14, $0x1D7B, v25;
	v26 =	vsel vm14, $0x3D7B, v26;
	v27 =	vsel vm14, $0x1D7C, v27  }
0x8f: {  	v28 =	vsel vm14, $0x3D7C, v28;
	v29 =	vsel vm14, $0x1D7D, v29;
	v30 =	vsel vm14, $0x3D7D, v30  }
0x90: {  	v31 =	vsel vm14, $0x1D7E, v31;
	v32 =	vsel vm14, $0x3D7E, v32;
	v33 =	vsel vm14, $0x1D7F, v33  }
0x91: {  	v34 =	vsel vm14, $0x3D7F, v34;
	v1 =	vsel vm15, $0x1180, v1;
	v2 =	vsel vm15, $0x3180, v2  }
0x92: {  	v3 =	vsel vm15, $0x1DF0, v3;
	v4 =	vsel vm15, $0x3DF0, v4;
	v5 =	vsel vm15, $0x1DF1, v5  }
0x93: {  	v6 =	vsel vm15, $0x3DF1, v6;
	v7 =	vsel vm15, $0x1DF2, v7;
	v8 =	vsel vm15, $0x3DF2, v8  }
0x94: {  	v9 =	vsel vm15, $0x1DF3, v9;
	v10 =	vsel vm15, $0x3DF3, v10;
	v11 =	vsel vm15, $0x1DF4, v11  }
0x95: {  	v12 =	vsel vm15, $0x3DF4, v12;
	v13 =	vsel vm15, $0x1DF5, v13;
	v14 =	vsel vm15, $0x3DF5, v14  }
0x96: {  	v15 =	vsel vm15, $0x1DF6, v15;
	v16 =	vsel vm15, $0x3DF6, v16;
	v17 =	vsel vm15, $0x1DF7, v17  }
0x97: {  	v18 =	vsel vm15, $0x3DF7, v18;
	v19 =	vsel vm15, $0x1DF8, v19;
	v20 =	vsel vm15, $0x3DF8, v20  }
0x98: {  	v21 =	vsel vm15, $0x1DF9, v21;
	v22 =	vsel vm15, $0x3DF9, v22;
	v23 =	vsel vm15, $0x1DFA, v23  }
0x99: {  	v24 =	vsel vm15, $0x3DFA, v24;
	v25 =	vsel vm15, $0x1DFB, v25;
	v26 =	vsel vm15, $0x3DFB, v26  }
0x9a: {  	v27 =	vsel vm15, $0x1DFC, v27;
	v28 =	vsel vm15, $0x3DFC, v28;
	v29 =	vsel vm15, $0x1DFD, v29  }
0x9b: {  	v30 =	vsel vm15, $0x3DFD, v30;
	v31 =	vsel vm15, $0x1DFE, v31;
	v32 =	vsel vm15, $0x3DFE, v32  }
0x9c: {  	v33 =	vsel vm15, $0x1DFF, v33;
	v34 =	vsel vm15, $0x3DFF, v34;
	vm15 =	vcmask $0x3330  }
0x9d: {  	vm14 =	vcmask $0x373C;
	v36 =	vsel vm15, $0x1200, v1;
	v2 =	vsel vm15, $0x3200, v2  }
0x9e: {  	v3 =	vsel vm15, $0x1E70, v3;
	v4 =	vsel vm15, $0x3E70, v4;
	v5 =	vsel vm15, $0x1E71, v5  }
0x9f: {  	v6 =	vsel vm15, $0x3E71, v6;
	v7 =	vsel vm15, $0x1E72, v7;
	v8 =	vsel vm15, $0x3E72, v8  }
0xa0: {  	v9 =	vsel vm15, $0x1E73, v9;
	v10 =	vsel vm15, $0x3E73, v10;
	v11 =	vsel vm15, $0x1E74, v11  }
0xa1: {  	v12 =	vsel vm15, $0x3E74, v12;
	v13 =	vsel vm15, $0x1E75, v13;
	v14 =	vsel vm15, $0x3E75, v14  }
0xa2: {  	v15 =	vsel vm15, $0x1E76, v15;
	v16 =	vsel vm15, $0x3E76, v16;
	v17 =	vsel vm15, $0x1E77, v17  }
0xa3: {  	v18 =	vsel vm15, $0x3E77, v18;
	v19 =	vsel vm15, $0x1E78, v19;
	v20 =	vsel vm15, $0x3E78, v20  }
0xa4: {  	v21 =	vsel vm15, $0x1E79, v21;
	v22 =	vsel vm15, $0x3E79, v22;
	v23 =	vsel vm15, $0x1E7A, v23  }
0xa5: {  	v24 =	vsel vm15, $0x3E7A, v24;
	v25 =	vsel vm15, $0x1E7B, v25;
	v26 =	vsel vm15, $0x3E7B, v26  }
0xa6: {  	v27 =	vsel vm15, $0x1E7C, v27;
	v28 =	vsel vm15, $0x3E7C, v28;
	v29 =	vsel vm15, $0x1E7D, v29  }
0xa7: {  	v30 =	vsel vm15, $0x3E7D, v30;
	v31 =	vsel vm15, $0x1E7E, v31;
	v32 =	vsel vm15, $0x3E7E, v32  }
0xa8: {  	v33 =	vsel vm15, $0x1E7F, v33;
	v34 =	vsel vm15, $0x3E7F, v34;
	vm15 =	vcmask $0x3734  }
0xa9: {  	v1 =	vmul.u32 $0x80, v35;
	v35 =	vsel vm15, $0x1280, v36;
	v36 =	vsel vm15, $0x3280, v2  }
0xaa: {  	v37 =	vsel vm15, $0x1EF0, v3;
	v38 =	vsel vm15, $0x3EF0, v4;
	v39 =	vsel vm15, $0x1EF1, v5  }
0xab: {  	v40 =	vsel vm15, $0x3EF1, v6;
	v41 =	vsel vm15, $0x1EF2, v7;
	v42 =	vsel vm15, $0x3EF2, v8  }
0xac: {  	v43 =	vsel vm15, $0x1EF3, v9;
	v44 =	vsel vm15, $0x3EF3, v10;
	v45 =	vsel vm15, $0x1EF4, v11  }
0xad: {  	v46 =	vsel vm15, $0x3EF4, v12;
	v47 =	vsel vm15, $0x1EF5, v13;
	v48 =	vsel vm15, $0x3EF5, v14  }
0xae: {  	s0 =	rddreg [dreg:$0x0];
	v49 =	vsel vm15, $0x1EF6, v15;
	v50 =	vsel vm15, $0x3EF6, v16;
	v51 =	vsel vm15, $0x1EF7, v17  }
0xaf: {  	s1 =	rddreg [dreg:$0x1];
	v52 =	vsel vm15, $0x3EF7, v18;
	v53 =	vsel vm15, $0x1EF8, v19;
	v54 =	vsel vm15, $0x3EF8, v20  }
0xb0: {  	s2 =	rddreg [dreg:$0x2];
	v55 =	vsel vm15, $0x1EF9, v21;
	v56 =	vsel vm15, $0x3EF9, v22;
	v57 =	vsel vm15, $0x1EFA, v23  }
0xb1: {  	s3 =	srdreg.scid;
	s6 =	simm.s32 $0x0;
	s17 =	simm.s32 $0x11;
	v58 =	vsel vm15, $0x3EFA, v24;
	v59 =	vsel vm15, $0x1EFB, v25;
	v60 =	vsel vm15, $0x3EFB, v26  }
0xb2: {  	s5 =	stileid.u32;
	s8 =	simm.s32 $0x400;
	s9 =	simm.s32 $0x7A1400;
	v61 =	vsel vm15, $0x1EFC, v27;
	v62 =	vsel vm15, $0x3EFC, v28;
	v63 =	vsel vm15, $0x1EFD, v29  }
0xb3: {  	s18 =	simm.s32 $0x8200;
	s19 =	simm.s32 $0x9200;
	s20 =	simm.s32 $0xA200;
	v4 =	vsel vm15, $0x3EFD, v30;
	v5 =	vsel vm15, $0x1EFE, v31;
	v6 =	vsel vm15, $0x3EFE, v32  }
0xb4: {  	s21 =	simm.s32 $0xB200;
	s22 =	simm.s32 $0xC200;
	s23 =	simm.s32 $0xD200;
	v7 =	vsel vm15, $0x1EFF, v33;
	v8 =	vsel vm15, $0x3EFF, v34;
	vm15 =	vcmask $0x3B38  }
0xb5: {  	s28 =	simm.s32 $0x10200;
	s29 =	simm.s32 $0x2;
	s30 =	simm.s32 $0x3;
	v2 =	vsel vm15, $0x1300, v35;
	v3 =	vsel vm15, $0x3300, v36;
	v37 =	vsel vm15, $0x1F70, v37  }
0xb6: {  	s31 =	simm.s32 $0x4;
	s7 =	simm.s32 $0xA;
	s10 =	simm.s32 $0xC;
	v38 =	vsel vm15, $0x3F70, v38;
	v39 =	vsel vm15, $0x1F71, v39;
	v40 =	vsel vm15, $0x3F71, v40  }
0xb7: {  	s11 =	simm.s32 $0xD;
	s12 =	simm.s32 $0xE;
	s13 =	simm.s32 $0xF;
	v41 =	vsel vm15, $0x1F72, v41;
	v9 =	vsel vm15, $0x3F72, v42;
	v10 =	vsel vm15, $0x1F73, v43  }
0xb8: {  	s14 =	simm.s32 $0x10;
	s16 =	simm.s32 $0x0;
	s3 =	sand.u32 $0x1, s3;
	v11 =	vsel vm15, $0x3F73, v44;
	v12 =	vsel vm15, $0x1F74, v45;
	v13 =	vsel vm15, $0x3F74, v46  }
0xb9: {  	s5 =	sshll.u32 s5, $0xA;
	[smem:$0x7FF] =	sst s6;
	s4 =	ssub.s32 $0x2, s3;
	v14 =	vsel vm15, $0x1F75, v47;
	v15 =	vsel vm15, $0x3F75, v48;
	v16 =	vsel vm15, $0x1F76, v49  }
0xba: {  	s6 =	simm.s32 $0xB;
	s3 =	sshll.u32 s3, $0x9;
	s24 =	sshrl.u32 s4, $0x1;
	v17 =	vsel vm15, $0x3F76, v50;
	v18 =	vsel vm15, $0x1F77, v51;
	v19 =	vsel vm15, $0x3F77, v52  }
0xbb: {  	_ =	strace $0x80000047;
	s3 =	sor.u32 s3, s5;
	s4 =	ssub.s32 s4, s24;
	v20 =	vsel vm15, $0x1F78, v53;
	v21 =	vsel vm15, $0x3F78, v54;
	v22 =	vsel vm15, $0x1F79, v55  }
0xbc: {  	s5 =	sshrl.u32 s3, $0x3;
	s25 =	sadd.s32 s2, s3;
	s24 =	simm.s32 $0xE200;
	v23 =	vsel vm15, $0x3F79, v56;
	v24 =	vsel vm15, $0x1F7A, v57;
	v25 =	vsel vm15, $0x3F7A, v58  }
0xbd: {  	s2 =	simm.s32 $0x6;
	s3 =	simm.s32 $0x7;
	s1 =	sadd.s32 s1, s5;
	v26 =	vsel vm15, $0x1F7B, v59;
	v27 =	vsel vm15, $0x3F7B, v60;
	v28 =	vsel vm15, $0x1F7C, v61  }
0xbe: {  	[dreg:$0x5] =	wrdreg s25;
	s26 =	smax.u32 s4, $0x1;
	s25 =	simm.s32 $0xF200;
	v29 =	vsel vm15, $0x3F7C, v62;
	v30 =	vsel vm15, $0x1F7D, v63;
	v31 =	vsel vm15, $0x3F7D, v4  }
0xbf: {  	s4 =	simm.s32 $0x8;
	s5 =	simm.s32 $0x9;
	[dreg:$0x4] =	wrdreg s1;
	v32 =	vsel vm15, $0x1F7E, v5;
	v33 =	vsel vm15, $0x3F7E, v6;
	v34 =	vsel vm15, $0x1F7F, v7  }
0xc0: {  	[dreg:$0x6] =	wrdreg s26;
	s26 =	simm.s32 $0x1;
	s1 =	simm.s32 $0x5;
	v35 =	vsel vm15, $0x3F7F, v8;
	vm15 =	vmmov $0x7fff;
	v36 =	vor.u32 $0x800, v1  }
.LBB2_1:
0xc1: {  	[dreg:$0x7] =	wrdreg s16  }
0xc2: {  	s15 =	simm.s32 $0x0;
	s16 =	rddreg [dreg:$0x4]  }
0xc3: {  	[tilespmem:s15], [sflag:$0x11] =	stream.linear.gather [hbm4b:s16+s15], $0x200, $0x38;
	[tilespmem:$0x14200] =	vst v63  }
0xc4: {  	_ =	swait.ge [sflag:s17], $0x200  }
0xc5: {  	[sflag:s17] =	ssyncset.done $0x0  }
0xc6: {  	[sflag:s17] =	ssyncadd.s32 $0xFFFFFE00  }
0xc7: {  	v4 =	vld [tilespmem:$0x0];
	_ =	sdelay $0x4  }
0xc8: {  	v5 =	vshra.s32 v4, $0x1F;
	v6 =	vand.u32 $0x7F, v4  }
0xc9: {  	vm1 =	vlt.s32 v4, $0x1;
	v5 =	vshrl.u32 v5, $0x19;
	vm2 =	vne.s32 v6, $0x0  }
0xca: {  	v4 =	vadd.s32 v5, v4;
	vm1 =	vmand vm1, vm2  }
0xcb: {  	v4 =	vshrl.u32 v4, $0x7;
	v5 =	vsel vm1, $0xFFFFFFFF, v0  }
0xcc: {  	v4 =	vadd.s32 v5, v4  }
0xcd: {  	v4 =	vshll.u32 v4, $0x7  }
0xce: {  	v4 =	vnsel vm0, $0x0, v4  }
0xcf: {  	v4 =	vxor.u32 $0x80000000, v4  }
0xd0: {  	(xrf0) =	vmax.scan.msk.u32 $0xffff, v4;
	_ =	sdelay $0x5  }
0xd1: {  	v4, _, _ =	vpop (xrf0)  }
0xd2: {  	(v2sf) =	vpush v4, $0xF;
	_ =	sdelay $0xe  }
0xd3: {  	s16 =	spop (v2sf)  }
0xd4: {  	s15 =	sand.u32 $0x1FFFFF80, s16  }
0xd5: {  	s17 =	simm.s32 $0x200;
	s15 =	sadd.s32 s0, s15  }
0xd6: {  	[tilespmem:s17], [sflag:$0x1] =	stream.strided.gather [hbm4b:s15+s8], $0x1000, s9, s8, $0x38;
	[tilespmem:$0x14200] =	vst v63  }
0xd7: {  	v4 =	vld [tilespmem:$0x0];
	_ =	sdelay $0x4  }
0xd8: {  	v5 =	vshra.s32 v4, $0x1F;
	v49 =	vand.u32 $0x7F, v4  }
0xd9: {  	vm1 =	vlt.s32 v4, $0x1;
	v5 =	vshrl.u32 v5, $0x19;
	vm2 =	vne.s32 v49, $0x0  }
0xda: {  	v4 =	vadd.s32 v5, v4;
	vm1 =	vmand vm1, vm2  }
0xdb: {  	v4 =	vshrl.u32 v4, $0x7;
	v5 =	vsel vm1, $0xFFFFFFFF, v0  }
0xdc: {  	v4 =	vadd.s32 v5, v4  }
0xdd: {  	vm1 =	vcmask $0x308;
	v4 =	vshll.u32 v4, $0x7  }
0xde: {  	v4 =	vsel vm1, $0x0, v4  }
0xdf: {  	v4 =	vxor.u32 $0x80000000, v4  }
0xe0: {  	(xrf0) =	vmax.scan.msk.u32 $0xffff, v4;
	_ =	sdelay $0x5  }
0xe1: {  	v4, _, _ =	vpop (xrf0)  }
0xe2: {  	(v2sf) =	vpush v4, $0xF;
	_ =	sdelay $0xe  }
0xe3: {  	s16 =	spop (v2sf)  }
0xe4: {  	s15 =	sand.u32 $0x1FFFFF80, s16  }
0xe5: {  	s17 =	simm.s32 $0x1200;
	s15 =	sadd.s32 s0, s15  }
0xe6: {  	[tilespmem:s17], [sflag:$0x2] =	stream.strided.gather [hbm4b:s15+s8], $0x1000, s9, s8, $0x38;
	[tilespmem:$0x14200] =	vst v63  }
0xe7: {  	v4 =	vld [tilespmem:$0x0];
	_ =	sdelay $0x4  }
0xe8: {  	v5 =	vshra.s32 v4, $0x1F;
	v50 =	vand.u32 $0x7F, v4  }
0xe9: {  	vm1 =	vlt.s32 v4, $0x1;
	v5 =	vshrl.u32 v5, $0x19;
	vm2 =	vne.s32 v50, $0x0  }
0xea: {  	v4 =	vadd.s32 v5, v4;
	vm1 =	vmand vm1, vm2  }
0xeb: {  	v4 =	vshrl.u32 v4, $0x7;
	v5 =	vsel vm1, $0xFFFFFFFF, v0  }
0xec: {  	v4 =	vadd.s32 v5, v4  }
0xed: {  	vm1 =	vcmask $0x70C;
	v4 =	vshll.u32 v4, $0x7  }
0xee: {  	v4 =	vsel vm1, $0x0, v4  }
0xef: {  	v4 =	vxor.u32 $0x80000000, v4  }
0xf0: {  	(xrf0) =	vmax.scan.msk.u32 $0xffff, v4;
	_ =	sdelay $0x5  }
0xf1: {  	v4, _, _ =	vpop (xrf0)  }
0xf2: {  	(v2sf) =	vpush v4, $0xF;
	_ =	sdelay $0xe  }
0xf3: {  	s16 =	spop (v2sf)  }
0xf4: {  	s15 =	sand.u32 $0x1FFFFF80, s16  }
0xf5: {  	s17 =	simm.s32 $0x2200;
	s15 =	sadd.s32 s0, s15  }
0xf6: {  	[tilespmem:s17], [sflag:$0x3] =	stream.strided.gather [hbm4b:s15+s8], $0x1000, s9, s8, $0x38;
	[tilespmem:$0x14200] =	vst v63  }
0xf7: {  	v4 =	vld [tilespmem:$0x0];
	_ =	sdelay $0x4  }
0xf8: {  	v5 =	vshra.s32 v4, $0x1F;
	v51 =	vand.u32 $0x7F, v4  }
0xf9: {  	vm1 =	vlt.s32 v4, $0x1;
	v5 =	vshrl.u32 v5, $0x19;
	vm2 =	vne.s32 v51, $0x0  }
0xfa: {  	v4 =	vadd.s32 v5, v4;
	vm1 =	vmand vm1, vm2  }
0xfb: {  	v4 =	vshrl.u32 v4, $0x7;
	v5 =	vsel vm1, $0xFFFFFFFF, v0  }
0xfc: {  	v4 =	vadd.s32 v5, v4  }
0xfd: {  	vm1 =	vcmask $0xB10;
	v4 =	vshll.u32 v4, $0x7  }
0xfe: {  	v4 =	vsel vm1, $0x0, v4  }
0xff: {  	v4 =	vxor.u32 $0x80000000, v4  }
0x100: {  	(xrf0) =	vmax.scan.msk.u32 $0xffff, v4;
	_ =	sdelay $0x5  }
0x101: {  	v4, _, _ =	vpop (xrf0)  }
0x102: {  	(v2sf) =	vpush v4, $0xF;
	_ =	sdelay $0xe  }
0x103: {  	s16 =	spop (v2sf)  }
0x104: {  	s15 =	sand.u32 $0x1FFFFF80, s16  }
0x105: {  	s17 =	simm.s32 $0x3200;
	s15 =	sadd.s32 s0, s15  }
0x106: {  	[tilespmem:s17], [sflag:$0x4] =	stream.strided.gather [hbm4b:s15+s8], $0x1000, s9, s8, $0x38;
	[tilespmem:$0x14200] =	vst v63  }
0x107: {  	v4 =	vld [tilespmem:$0x0];
	_ =	sdelay $0x4  }
0x108: {  	v5 =	vshra.s32 v4, $0x1F;
	v52 =	vand.u32 $0x7F, v4  }
0x109: {  	vm1 =	vlt.s32 v4, $0x1;
	v5 =	vshrl.u32 v5, $0x19;
	vm2 =	vne.s32 v52, $0x0  }
0x10a: {  	v4 =	vadd.s32 v5, v4;
	vm1 =	vmand vm1, vm2  }
0x10b: {  	v4 =	vshrl.u32 v4, $0x7;
	v5 =	vsel vm1, $0xFFFFFFFF, v0  }
0x10c: {  	v4 =	vadd.s32 v5, v4  }
0x10d: {  	v4 =	vshll.u32 v4, $0x7  }
0x10e: {  	v4 =	vsel vm4, $0x0, v4  }
0x10f: {  	v4 =	vxor.u32 $0x80000000, v4  }
0x110: {  	(xrf0) =	vmax.scan.msk.u32 $0xffff, v4;
	_ =	sdelay $0x5  }
0x111: {  	v4, _, _ =	vpop (xrf0)  }
0x112: {  	(v2sf) =	vpush v4, $0xF;
	_ =	sdelay $0xe  }
0x113: {  	s16 =	spop (v2sf)  }
0x114: {  	s15 =	sand.u32 $0x1FFFFF80, s16  }
0x115: {  	s17 =	simm.s32 $0x4200;
	s15 =	sadd.s32 s0, s15  }
0x116: {  	[tilespmem:s17], [sflag:$0x5] =	stream.strided.gather [hbm4b:s15+s8], $0x1000, s9, s8, $0x38;
	[tilespmem:$0x14200] =	vst v63  }
0x117: {  	v4 =	vld [tilespmem:$0x0];
	_ =	sdelay $0x4  }
0x118: {  	v5 =	vshra.s32 v4, $0x1F;
	v53 =	vand.u32 $0x7F, v4  }
0x119: {  	vm1 =	vlt.s32 v4, $0x1;
	v5 =	vshrl.u32 v5, $0x19;
	vm2 =	vne.s32 v53, $0x0  }
0x11a: {  	v4 =	vadd.s32 v5, v4;
	vm1 =	vmand vm1, vm2  }
0x11b: {  	v4 =	vshrl.u32 v4, $0x7;
	v5 =	vsel vm1, $0xFFFFFFFF, v0  }
0x11c: {  	v4 =	vadd.s32 v5, v4  }
0x11d: {  	v4 =	vshll.u32 v4, $0x7  }
0x11e: {  	v4 =	vsel vm5, $0x0, v4  }
0x11f: {  	v4 =	vxor.u32 $0x80000000, v4  }
0x120: {  	(xrf0) =	vmax.scan.msk.u32 $0xffff, v4;
	_ =	sdelay $0x5  }
0x121: {  	v4, _, _ =	vpop (xrf0)  }
0x122: {  	(v2sf) =	vpush v4, $0xF;
	_ =	sdelay $0xe  }
0x123: {  	s16 =	spop (v2sf)  }
0x124: {  	s15 =	sand.u32 $0x1FFFFF80, s16  }
0x125: {  	s17 =	simm.s32 $0x5200;
	s15 =	sadd.s32 s0, s15  }
0x126: {  	[tilespmem:s17], [sflag:$0x6] =	stream.strided.gather [hbm4b:s15+s8], $0x1000, s9, s8, $0x38;
	[tilespmem:$0x14200] =	vst v63  }
0x127: {  	v4 =	vld [tilespmem:$0x0];
	_ =	sdelay $0x4  }
0x128: {  	v5 =	vshra.s32 v4, $0x1F;
	v54 =	vand.u32 $0x7F, v4  }
0x129: {  	vm1 =	vlt.s32 v4, $0x1;
	v5 =	vshrl.u32 v5, $0x19;
	vm2 =	vne.s32 v54, $0x0  }
0x12a: {  	v4 =	vadd.s32 v5, v4;
	vm1 =	vmand vm1, vm2  }
0x12b: {  	v4 =	vshrl.u32 v4, $0x7;
	v5 =	vsel vm1, $0xFFFFFFFF, v0  }
0x12c: {  	v4 =	vadd.s32 v5, v4  }
0x12d: {  	v4 =	vshll.u32 v4, $0x7  }
0x12e: {  	v4 =	vsel vm6, $0x0, v4  }
0x12f: {  	v4 =	vxor.u32 $0x80000000, v4  }
0x130: {  	(xrf0) =	vmax.scan.msk.u32 $0xffff, v4;
	_ =	sdelay $0x5  }
0x131: {  	v4, _, _ =	vpop (xrf0)  }
0x132: {  	(v2sf) =	vpush v4, $0xF;
	_ =	sdelay $0xe  }
0x133: {  	s16 =	spop (v2sf)  }
0x134: {  	s15 =	sand.u32 $0x1FFFFF80, s16  }
0x135: {  	s17 =	simm.s32 $0x6200;
	s15 =	sadd.s32 s0, s15  }
0x136: {  	[tilespmem:s17], [sflag:$0x7] =	stream.strided.gather [hbm4b:s15+s8], $0x1000, s9, s8, $0x38;
	[tilespmem:$0x14200] =	vst v63  }
0x137: {  	v4 =	vld [tilespmem:$0x0];
	_ =	sdelay $0x4  }
0x138: {  	v5 =	vshra.s32 v4, $0x1F;
	v55 =	vand.u32 $0x7F, v4  }
0x139: {  	vm1 =	vlt.s32 v4, $0x1;
	v5 =	vshrl.u32 v5, $0x19;
	vm2 =	vne.s32 v55, $0x0  }
0x13a: {  	v4 =	vadd.s32 v5, v4;
	vm1 =	vmand vm1, vm2  }
0x13b: {  	v4 =	vshrl.u32 v4, $0x7;
	v5 =	vsel vm1, $0xFFFFFFFF, v0  }
0x13c: {  	v4 =	vadd.s32 v5, v4  }
0x13d: {  	v4 =	vshll.u32 v4, $0x7  }
0x13e: {  	v4 =	vsel vm7, $0x0, v4  }
0x13f: {  	v4 =	vxor.u32 $0x80000000, v4  }
0x140: {  	(xrf0) =	vmax.scan.msk.u32 $0xffff, v4;
	_ =	sdelay $0x5  }
0x141: {  	v4, _, _ =	vpop (xrf0)  }
0x142: {  	(v2sf) =	vpush v4, $0xF;
	_ =	sdelay $0xe  }
0x143: {  	s16 =	spop (v2sf)  }
0x144: {  	s15 =	sand.u32 $0x1FFFFF80, s16  }
0x145: {  	s17 =	simm.s32 $0x7200;
	s15 =	sadd.s32 s0, s15  }
0x146: {  	[tilespmem:s17], [sflag:$0x8] =	stream.strided.gather [hbm4b:s15+s8], $0x1000, s9, s8, $0x38;
	[tilespmem:$0x14200] =	vst v63  }
0x147: {  	v4 =	vld [tilespmem:$0x0];
	_ =	sdelay $0x4  }
0x148: {  	v5 =	vshra.s32 v4, $0x1F;
	v56 =	vand.u32 $0x7F, v4  }
0x149: {  	vm1 =	vlt.s32 v4, $0x1;
	v5 =	vshrl.u32 v5, $0x19;
	vm2 =	vne.s32 v56, $0x0  }
0x14a: {  	v4 =	vadd.s32 v5, v4;
	vm1 =	vmand vm1, vm2  }
0x14b: {  	v4 =	vshrl.u32 v4, $0x7;
	v5 =	vsel vm1, $0xFFFFFFFF, v0  }
0x14c: {  	v4 =	vadd.s32 v5, v4  }
0x14d: {  	v4 =	vshll.u32 v4, $0x7  }
0x14e: {  	v4 =	vsel vm8, $0x0, v4  }
0x14f: {  	v4 =	vxor.u32 $0x80000000, v4  }
0x150: {  	(xrf0) =	vmax.scan.msk.u32 $0xffff, v4;
	_ =	sdelay $0x5  }
0x151: {  	v4, _, _ =	vpop (xrf0)  }
0x152: {  	(v2sf) =	vpush v4, $0xF;
	_ =	sdelay $0xe  }
0x153: {  	s17 =	spop (v2sf)  }
0x154: {  	s15 =	sand.u32 $0x1FFFFF80, s17  }
0x155: {  	s15 =	sadd.s32 s0, s15  }
0x156: {  	[tilespmem:s18], [sflag:$0x9] =	stream.strided.gather [hbm4b:s15+s8], $0x1000, s9, s8, $0x38;
	[tilespmem:$0x14200] =	vst v63  }
0x157: {  	v4 =	vld [tilespmem:$0x0];
	_ =	sdelay $0x4  }
0x158: {  	v5 =	vshra.s32 v4, $0x1F;
	v57 =	vand.u32 $0x7F, v4  }
0x159: {  	vm1 =	vlt.s32 v4, $0x1;
	v5 =	vshrl.u32 v5, $0x19;
	vm2 =	vne.s32 v57, $0x0  }
0x15a: {  	v4 =	vadd.s32 v5, v4;
	vm1 =	vmand vm1, vm2  }
0x15b: {  	v4 =	vshrl.u32 v4, $0x7;
	v5 =	vsel vm1, $0xFFFFFFFF, v0  }
0x15c: {  	v4 =	vadd.s32 v5, v4  }
0x15d: {  	v4 =	vshll.u32 v4, $0x7  }
0x15e: {  	v4 =	vsel vm9, $0x0, v4  }
0x15f: {  	v4 =	vxor.u32 $0x80000000, v4  }
0x160: {  	(xrf0) =	vmax.scan.msk.u32 $0xffff, v4;
	_ =	sdelay $0x5  }
0x161: {  	v4, _, _ =	vpop (xrf0)  }
0x162: {  	(v2sf) =	vpush v4, $0xF;
	_ =	sdelay $0xe  }
0x163: {  	s18 =	spop (v2sf)  }
0x164: {  	s15 =	sand.u32 $0x1FFFFF80, s18  }
0x165: {  	s15 =	sadd.s32 s0, s15  }
0x166: {  	[tilespmem:s19], [sflag:$0xA] =	stream.strided.gather [hbm4b:s15+s8], $0x1000, s9, s8, $0x38;
	[tilespmem:$0x14200] =	vst v63  }
0x167: {  	v4 =	vld [tilespmem:$0x0];
	_ =	sdelay $0x4  }
0x168: {  	v5 =	vshra.s32 v4, $0x1F;
	v58 =	vand.u32 $0x7F, v4  }
0x169: {  	vm1 =	vlt.s32 v4, $0x1;
	v5 =	vshrl.u32 v5, $0x19;
	vm2 =	vne.s32 v58, $0x0  }
0x16a: {  	v4 =	vadd.s32 v5, v4;
	vm1 =	vmand vm1, vm2  }
0x16b: {  	v4 =	vshrl.u32 v4, $0x7;
	v5 =	vsel vm1, $0xFFFFFFFF, v0  }
0x16c: {  	v4 =	vadd.s32 v5, v4  }
0x16d: {  	v4 =	vshll.u32 v4, $0x7  }
0x16e: {  	v4 =	vsel vm10, $0x0, v4  }
0x16f: {  	v4 =	vxor.u32 $0x80000000, v4  }
0x170: {  	(xrf0) =	vmax.scan.msk.u32 $0xffff, v4;
	_ =	sdelay $0x5  }
0x171: {  	v4, _, _ =	vpop (xrf0)  }
0x172: {  	(v2sf) =	vpush v4, $0xF;
	_ =	sdelay $0xe  }
0x173: {  	s16 =	spop (v2sf)  }
0x174: {  	s15 =	sand.u32 $0x1FFFFF80, s16  }
0x175: {  	s15 =	sadd.s32 s0, s15  }
0x176: {  	[tilespmem:s20], [sflag:$0xB] =	stream.strided.gather [hbm4b:s15+s8], $0x1000, s9, s8, $0x38;
	[tilespmem:$0x14200] =	vst v63  }
0x177: {  	v4 =	vld [tilespmem:$0x0];
	_ =	sdelay $0x4  }
0x178: {  	v5 =	vshra.s32 v4, $0x1F;
	v59 =	vand.u32 $0x7F, v4  }
0x179: {  	vm1 =	vlt.s32 v4, $0x1;
	v5 =	vshrl.u32 v5, $0x19;
	vm2 =	vne.s32 v59, $0x0  }
0x17a: {  	v4 =	vadd.s32 v5, v4;
	vm1 =	vmand vm1, vm2  }
0x17b: {  	v4 =	vshrl.u32 v4, $0x7;
	v5 =	vsel vm1, $0xFFFFFFFF, v0  }
0x17c: {  	v4 =	vadd.s32 v5, v4  }
0x17d: {  	v4 =	vshll.u32 v4, $0x7  }
0x17e: {  	v4 =	vsel vm11, $0x0, v4  }
0x17f: {  	v4 =	vxor.u32 $0x80000000, v4  }
0x180: {  	(xrf0) =	vmax.scan.msk.u32 $0xffff, v4;
	_ =	sdelay $0x5  }
0x181: {  	v4, _, _ =	vpop (xrf0)  }
0x182: {  	(v2sf) =	vpush v4, $0xF;
	_ =	sdelay $0xe  }
0x183: {  	s17 =	spop (v2sf)  }
0x184: {  	s15 =	sand.u32 $0x1FFFFF80, s17  }
0x185: {  	s15 =	sadd.s32 s0, s15  }
0x186: {  	[tilespmem:s21], [sflag:$0xC] =	stream.strided.gather [hbm4b:s15+s8], $0x1000, s9, s8, $0x38;
	[tilespmem:$0x14200] =	vst v63  }
0x187: {  	v4 =	vld [tilespmem:$0x0];
	_ =	sdelay $0x4  }
0x188: {  	v5 =	vshra.s32 v4, $0x1F;
	v60 =	vand.u32 $0x7F, v4  }
0x189: {  	vm1 =	vlt.s32 v4, $0x1;
	v5 =	vshrl.u32 v5, $0x19;
	vm2 =	vne.s32 v60, $0x0  }
0x18a: {  	v4 =	vadd.s32 v5, v4;
	vm1 =	vmand vm1, vm2  }
0x18b: {  	v4 =	vshrl.u32 v4, $0x7;
	v5 =	vsel vm1, $0xFFFFFFFF, v0  }
0x18c: {  	v4 =	vadd.s32 v5, v4  }
0x18d: {  	v4 =	vshll.u32 v4, $0x7  }
0x18e: {  	v4 =	vsel vm12, $0x0, v4  }
0x18f: {  	v4 =	vxor.u32 $0x80000000, v4  }
0x190: {  	(xrf0) =	vmax.scan.msk.u32 $0xffff, v4;
	_ =	sdelay $0x5  }
0x191: {  	v4, _, _ =	vpop (xrf0)  }
0x192: {  	(v2sf) =	vpush v4, $0xF;
	_ =	sdelay $0xe  }
0x193: {  	s18 =	spop (v2sf)  }
0x194: {  	s15 =	sand.u32 $0x1FFFFF80, s18  }
0x195: {  	s15 =	sadd.s32 s0, s15  }
0x196: {  	[tilespmem:s22], [sflag:$0xD] =	stream.strided.gather [hbm4b:s15+s8], $0x1000, s9, s8, $0x38;
	[tilespmem:$0x14200] =	vst v63  }
0x197: {  	v4 =	vld [tilespmem:$0x0];
	_ =	sdelay $0x4  }
0x198: {  	v5 =	vshra.s32 v4, $0x1F;
	v61 =	vand.u32 $0x7F, v4  }
0x199: {  	vm1 =	vlt.s32 v4, $0x1;
	v5 =	vshrl.u32 v5, $0x19;
	vm2 =	vne.s32 v61, $0x0  }
0x19a: {  	v4 =	vadd.s32 v5, v4;
	vm1 =	vmand vm1, vm2  }
0x19b: {  	v4 =	vshrl.u32 v4, $0x7;
	v5 =	vsel vm1, $0xFFFFFFFF, v0  }
0x19c: {  	v4 =	vadd.s32 v5, v4  }
0x19d: {  	v4 =	vshll.u32 v4, $0x7  }
0x19e: {  	v4 =	vsel vm13, $0x0, v4  }
0x19f: {  	v4 =	vxor.u32 $0x80000000, v4  }
0x1a0: {  	(xrf0) =	vmax.scan.msk.u32 $0xffff, v4;
	_ =	sdelay $0x5  }
0x1a1: {  	v4, _, _ =	vpop (xrf0)  }
0x1a2: {  	(v2sf) =	vpush v4, $0xF;
	_ =	sdelay $0xe  }
0x1a3: {  	s16 =	spop (v2sf)  }
0x1a4: {  	s15 =	sand.u32 $0x1FFFFF80, s16  }
0x1a5: {  	s15 =	sadd.s32 s0, s15  }
0x1a6: {  	[tilespmem:s23], [sflag:$0xE] =	stream.strided.gather [hbm4b:s15+s8], $0x1000, s9, s8, $0x38;
	[tilespmem:$0x14200] =	vst v63  }
0x1a7: {  	v4 =	vld [tilespmem:$0x0];
	_ =	sdelay $0x4  }
0x1a8: {  	v5 =	vshra.s32 v4, $0x1F;
	v62 =	vand.u32 $0x7F, v4  }
0x1a9: {  	vm1 =	vlt.s32 v4, $0x1;
	v5 =	vshrl.u32 v5, $0x19;
	vm2 =	vne.s32 v62, $0x0  }
0x1aa: {  	v4 =	vadd.s32 v5, v4;
	vm1 =	vmand vm1, vm2  }
0x1ab: {  	v4 =	vshrl.u32 v4, $0x7;
	v5 =	vsel vm1, $0xFFFFFFFF, v0  }
0x1ac: {  	v4 =	vadd.s32 v5, v4  }
0x1ad: {  	v4 =	vshll.u32 v4, $0x7  }
0x1ae: {  	v4 =	vsel vm14, $0x0, v4  }
0x1af: {  	v4 =	vxor.u32 $0x80000000, v4  }
0x1b0: {  	(xrf0) =	vmax.scan.msk.u32 $0xffff, v4;
	_ =	sdelay $0x5  }
0x1b1: {  	v4, _, _ =	vpop (xrf0)  }
0x1b2: {  	(v2sf) =	vpush v4, $0xF;
	_ =	sdelay $0xe  }
0x1b3: {  	s17 =	spop (v2sf)  }
0x1b4: {  	s15 =	sand.u32 $0x1FFFFF80, s17  }
0x1b5: {  	s15 =	sadd.s32 s0, s15  }
0x1b6: {  	[tilespmem:s24], [sflag:$0xF] =	stream.strided.gather [hbm4b:s15+s8], $0x1000, s9, s8, $0x38;
	[tilespmem:$0x14200] =	vst v63  }
0x1b7: {  	v4 =	vld [tilespmem:$0x0];
	_ =	sdelay $0x4  }
0x1b8: {  	v5 =	vshra.s32 v4, $0x1F;
	v63 =	vand.u32 $0x7F, v4  }
0x1b9: {  	vm2 =	vlt.s32 v4, $0x1;
	vm1 =	vne.s32 v63, $0x0;
	v5 =	vshrl.u32 v5, $0x19  }
0x1ba: {  	vm1 =	vmand vm2, vm1;
	v4 =	vadd.s32 v5, v4  }
0x1bb: {  	v5 =	vsel vm1, $0xFFFFFFFF, v0;
	v4 =	vshrl.u32 v4, $0x7  }
0x1bc: {  	v4 =	vadd.s32 v5, v4  }
0x1bd: {  	v4 =	vshll.u32 v4, $0x7  }
0x1be: {  	v4 =	vsel vm15, $0x0, v4  }
0x1bf: {  	v4 =	vxor.u32 $0x80000000, v4  }
0x1c0: {  	(xrf0) =	vmax.scan.msk.u32 $0xffff, v4;
	_ =	sdelay $0x5  }
0x1c1: {  	v4, _, _ =	vpop (xrf0)  }
0x1c2: {  	(v2sf) =	vpush v4, $0xF;
	_ =	sdelay $0xe  }
0x1c3: {  	s18 =	spop (v2sf)  }
0x1c4: {  	s15 =	sand.u32 $0x1FFFFF80, s18  }
0x1c5: {  	s15 =	sadd.s32 s0, s15  }
0x1c6: {  	[tilespmem:s25], [sflag:$0x10] =	stream.strided.gather [hbm4b:s15+s8], $0x1000, s9, s8, $0x38;
	[tilespmem:$0x14200] =	vst v63  }
0x1c7: {  	s16 =	simm.s32 $0xF;
	s15 =	simm.s32 $0x10  }
.LBB2_2:
0x1c8: {  	_ =	swait.ge [sflag:s26], $0x1000  }
0x1c9: {  	[sflag:s26] =	ssyncset.done $0x0  }
0x1ca: {  	[sflag:s26] =	ssyncadd.s32 $0xFFFFF000  }
0x1cb: {  	v4 =	vld [tilespmem:s15+$0xFFFFFFF0];
	_ =	sdelay $0x4  }
0x1cc: {  	v5 =	vshra.s32 v4, $0x1F  }
0x1cd: {  	v5 =	vshrl.u32 v5, $0x19  }
0x1ce: {  	v5 =	vadd.s32 v5, v4  }
0x1cf: {  	v5 =	vand.u32 $0xFFFFFF80, v5  }
0x1d0: {  	v4 =	vsub.s32 v4, v5  }
0x1d1: {  	v4 =	vnsel vm0, $0x0, v4  }
0x1d2: {  	v4 =	vxor.u32 $0x80000000, v4  }
0x1d3: {  	(xrf0) =	vmax.scan.msk.u32 $0xffff, v4;
	_ =	sdelay $0x5  }
0x1d4: {  	v4, _, _ =	vpop (xrf0)  }
0x1d5: {  	(v2sf) =	vpush v4, $0xF;
	_ =	sdelay $0xe  }
0x1d6: {  	s17 =	spop (v2sf)  }
0x1d7: {  	s17 =	sxor.u32 $0x80000000, s17  }
0x1d8: {  	s18 =	sadd.s32 $0xFFFFFFF1, s16;
	v4 =	vadd.s32 s17, v1  }
0x1d9: {  	v5 =	vmov s18  }
0x1da: {  	v6 =	vshll.u32 v5, $0x3  }
0x1db: {  	v5 =	vand.u32 $0x70, v5;
	v6 =	vand.u32 $0xFFFFFC00, v6  }
0x1dc: {  	s18 =	simm.s32 $0x200;
	v5 =	vor.u32 v5, v6  }
0x1dd: {  	v6 =	vadd.s32 v2, v5;
	v4 =	vld.idx.msk [tilespmem:v4+s18+$0x0], $0xffff  }
0x1de: {  	v7 =	vadd.s32 s17, v36;
	_ =	sdelay $0x3  }
0x1df: {  	[tilespmem:v6+s28+$0x0] =	vst.idx.msk $0xffff, v4  }
0x1e0: {  	v5 =	vadd.s32 v3, v5;
	v4 =	vld.idx.msk [tilespmem:v7+s18+$0x0], $0xffff;
	_ =	sdelay $0x4  }
0x1e1: {  	[tilespmem:v5+s28+$0x0] =	vst.idx.msk $0xffff, v4  }
0x1e2: {  	v4 =	vld [tilespmem:s15+$0x0];
	_ =	sdelay $0x4  }
0x1e3: {  	v5 =	vshra.s32 v4, $0x1F;
	v62 =	vand.u32 $0x7F, v4  }
0x1e4: {  	vm1 =	vlt.s32 v4, $0x1;
	v5 =	vshrl.u32 v5, $0x19;
	vm2 =	vne.s32 v62, $0x0  }
0x1e5: {  	v4 =	vadd.s32 v5, v4;
	vm1 =	vmand vm1, vm2  }
0x1e6: {  	v4 =	vshrl.u32 v4, $0x7;
	v5 =	vsel vm1, $0xFFFFFFFF, v0  }
0x1e7: {  	v4 =	vadd.s32 v5, v4  }
0x1e8: {  	v4 =	vshll.u32 v4, $0x7  }
0x1e9: {  	v4 =	vnsel vm0, $0x0, v4  }
0x1ea: {  	v4 =	vxor.u32 $0x80000000, v4  }
0x1eb: {  	(xrf0) =	vmax.scan.msk.u32 $0xffff, v4;
	_ =	sdelay $0x5  }
0x1ec: {  	v4, _, _ =	vpop (xrf0)  }
0x1ed: {  	(v2sf) =	vpush v4, $0xF;
	_ =	sdelay $0xe  }
0x1ee: {  	s17 =	spop (v2sf)  }
0x1ef: {  	s17 =	sand.u32 $0x1FFFFF80, s17  }
0x1f0: {  	s17 =	sadd.s32 s0, s17  }
0x1f1: {  	[tilespmem:s18], [sflag:$0x1] =	stream.strided.gather [hbm4b:s17+s8], $0x1000, s9, s8, $0x38;
	[tilespmem:$0x14200] =	vst v63  }
0x1f2: {  	_ =	swait.ge [sflag:s29], $0x1000  }
0x1f3: {  	[sflag:s29] =	ssyncset.done $0x0  }
0x1f4: {  	[sflag:s29] =	ssyncadd.s32 $0xFFFFF000  }
0x1f5: {  	v4 =	vld [tilespmem:s15+$0xFFFFFFF0];
	_ =	sdelay $0x4  }
0x1f6: {  	v5 =	vshra.s32 v4, $0x1F  }
0x1f7: {  	v5 =	vshrl.u32 v5, $0x19  }
0x1f8: {  	v5 =	vadd.s32 v5, v4  }
0x1f9: {  	v5 =	vand.u32 $0xFFFFFF80, v5  }
0x1fa: {  	vm3 =	vcmask $0x308;
	v4 =	vsub.s32 v4, v5  }
0x1fb: {  	v4 =	vsel vm3, $0x0, v4  }
0x1fc: {  	v4 =	vxor.u32 $0x80000000, v4  }
0x1fd: {  	(xrf0) =	vmax.scan.msk.u32 $0xffff, v4;
	_ =	sdelay $0x5  }
0x1fe: {  	v4, _, _ =	vpop (xrf0)  }
0x1ff: {  	(v2sf) =	vpush v4, $0xF;
	_ =	sdelay $0xe  }
0x200: {  	s18 =	spop (v2sf)  }
0x201: {  	s17 =	sxor.u32 $0x80000000, s18  }
0x202: {  	s18 =	sadd.s32 $0xFFFFFFF2, s16;
	v4 =	vadd.s32 s17, v1  }
0x203: {  	v5 =	vmov s18  }
0x204: {  	v63 =	vshll.u32 v5, $0x3  }
0x205: {  	v5 =	vand.u32 $0x71, v5;
	v6 =	vand.u32 $0xFFFFFC00, v63  }
0x206: {  	s18 =	simm.s32 $0x1200;
	v5 =	vor.u32 v5, v6  }
0x207: {  	v6 =	vadd.s32 v2, v5;
	v4 =	vld.idx.msk [tilespmem:v4+s18+$0x0], $0xffff  }
0x208: {  	v42 =	vadd.s32 s17, v36;
	_ =	sdelay $0x3  }
0x209: {  	[tilespmem:v6+s28+$0x0] =	vst.idx.msk $0xffff, v4  }
0x20a: {  	v5 =	vadd.s32 v3, v5;
	v4 =	vld.idx.msk [tilespmem:v42+s18+$0x0], $0xffff;
	_ =	sdelay $0x4  }
0x20b: {  	[tilespmem:v5+s28+$0x0] =	vst.idx.msk $0xffff, v4  }
0x20c: {  	v4 =	vld [tilespmem:s15+$0x0];
	_ =	sdelay $0x4  }
0x20d: {  	v5 =	vshra.s32 v4, $0x1F;
	v43 =	vand.u32 $0x7F, v4  }
0x20e: {  	vm1 =	vlt.s32 v4, $0x1;
	v5 =	vshrl.u32 v5, $0x19;
	vm2 =	vne.s32 v43, $0x0  }
0x20f: {  	v4 =	vadd.s32 v5, v4;
	vm1 =	vmand vm1, vm2  }
0x210: {  	v4 =	vshrl.u32 v4, $0x7;
	v5 =	vsel vm1, $0xFFFFFFFF, v0  }
0x211: {  	v4 =	vadd.s32 v5, v4  }
0x212: {  	v4 =	vshll.u32 v4, $0x7  }
0x213: {  	v4 =	vsel vm3, $0x0, v4  }
0x214: {  	v4 =	vxor.u32 $0x80000000, v4  }
0x215: {  	(xrf0) =	vmax.scan.msk.u32 $0xffff, v4;
	_ =	sdelay $0x5  }
0x216: {  	v4, _, _ =	vpop (xrf0)  }
0x217: {  	(v2sf) =	vpush v4, $0xF;
	_ =	sdelay $0xe  }
0x218: {  	s17 =	spop (v2sf)  }
0x219: {  	s17 =	sand.u32 $0x1FFFFF80, s17  }
0x21a: {  	s17 =	sadd.s32 s0, s17  }
0x21b: {  	[tilespmem:s18], [sflag:$0x2] =	stream.strided.gather [hbm4b:s17+s8], $0x1000, s9, s8, $0x38;
	[tilespmem:$0x14200] =	vst v63  }
0x21c: {  	_ =	swait.ge [sflag:s30], $0x1000  }
0x21d: {  	[sflag:s30] =	ssyncset.done $0x0  }
0x21e: {  	[sflag:s30] =	ssyncadd.s32 $0xFFFFF000  }
0x21f: {  	v4 =	vld [tilespmem:s15+$0xFFFFFFF0];
	_ =	sdelay $0x4  }
0x220: {  	v5 =	vshra.s32 v4, $0x1F  }
0x221: {  	v5 =	vshrl.u32 v5, $0x19  }
0x222: {  	v5 =	vadd.s32 v5, v4  }
0x223: {  	v5 =	vand.u32 $0xFFFFFF80, v5  }
0x224: {  	vm3 =	vcmask $0x70C;
	v4 =	vsub.s32 v4, v5  }
0x225: {  	v4 =	vsel vm3, $0x0, v4  }
0x226: {  	v4 =	vxor.u32 $0x80000000, v4  }
0x227: {  	(xrf0) =	vmax.scan.msk.u32 $0xffff, v4;
	_ =	sdelay $0x5  }
0x228: {  	v4, _, _ =	vpop (xrf0)  }
0x229: {  	(v2sf) =	vpush v4, $0xF;
	_ =	sdelay $0xe  }
0x22a: {  	s18 =	spop (v2sf)  }
0x22b: {  	s17 =	sxor.u32 $0x80000000, s18  }
0x22c: {  	s18 =	sadd.s32 $0xFFFFFFF3, s16;
	v4 =	vadd.s32 s17, v1  }
0x22d: {  	v5 =	vmov s18  }
0x22e: {  	v44 =	vshll.u32 v5, $0x3  }
0x22f: {  	v5 =	vand.u32 $0x72, v5;
	v6 =	vand.u32 $0xFFFFFC00, v44  }
0x230: {  	s18 =	simm.s32 $0x2200;
	v5 =	vor.u32 v5, v6  }
0x231: {  	v6 =	vadd.s32 v2, v5;
	v4 =	vld.idx.msk [tilespmem:v4+s18+$0x0], $0xffff  }
0x232: {  	v45 =	vadd.s32 s17, v36;
	_ =	sdelay $0x3  }
0x233: {  	[tilespmem:v6+s28+$0x0] =	vst.idx.msk $0xffff, v4  }
0x234: {  	v5 =	vadd.s32 v3, v5;
	v4 =	vld.idx.msk [tilespmem:v45+s18+$0x0], $0xffff;
	_ =	sdelay $0x4  }
0x235: {  	[tilespmem:v5+s28+$0x0] =	vst.idx.msk $0xffff, v4  }
0x236: {  	v4 =	vld [tilespmem:s15+$0x0];
	_ =	sdelay $0x4  }
0x237: {  	v5 =	vshra.s32 v4, $0x1F;
	v46 =	vand.u32 $0x7F, v4  }
0x238: {  	vm1 =	vlt.s32 v4, $0x1;
	v5 =	vshrl.u32 v5, $0x19;
	vm2 =	vne.s32 v46, $0x0  }
0x239: {  	v4 =	vadd.s32 v5, v4;
	vm1 =	vmand vm1, vm2  }
0x23a: {  	v4 =	vshrl.u32 v4, $0x7;
	v5 =	vsel vm1, $0xFFFFFFFF, v0  }
0x23b: {  	v4 =	vadd.s32 v5, v4  }
0x23c: {  	v4 =	vshll.u32 v4, $0x7  }
0x23d: {  	v4 =	vsel vm3, $0x0, v4  }
0x23e: {  	v4 =	vxor.u32 $0x80000000, v4  }
0x23f: {  	(xrf0) =	vmax.scan.msk.u32 $0xffff, v4;
	_ =	sdelay $0x5  }
0x240: {  	v4, _, _ =	vpop (xrf0)  }
0x241: {  	(v2sf) =	vpush v4, $0xF;
	_ =	sdelay $0xe  }
0x242: {  	s17 =	spop (v2sf)  }
0x243: {  	s17 =	sand.u32 $0x1FFFFF80, s17  }
0x244: {  	s17 =	sadd.s32 s0, s17  }
0x245: {  	[tilespmem:s18], [sflag:$0x3] =	stream.strided.gather [hbm4b:s17+s8], $0x1000, s9, s8, $0x38;
	[tilespmem:$0x14200] =	vst v63  }
0x246: {  	_ =	swait.ge [sflag:s31], $0x1000  }
0x247: {  	[sflag:s31] =	ssyncset.done $0x0  }
0x248: {  	[sflag:s31] =	ssyncadd.s32 $0xFFFFF000  }
0x249: {  	v4 =	vld [tilespmem:s15+$0xFFFFFFF0];
	_ =	sdelay $0x4  }
0x24a: {  	v5 =	vshra.s32 v4, $0x1F  }
0x24b: {  	v5 =	vshrl.u32 v5, $0x19  }
0x24c: {  	v5 =	vadd.s32 v5, v4  }
0x24d: {  	v5 =	vand.u32 $0xFFFFFF80, v5  }
0x24e: {  	vm3 =	vcmask $0xB10;
	v4 =	vsub.s32 v4, v5  }
0x24f: {  	v4 =	vsel vm3, $0x0, v4  }
0x250: {  	v4 =	vxor.u32 $0x80000000, v4  }
0x251: {  	(xrf0) =	vmax.scan.msk.u32 $0xffff, v4;
	_ =	sdelay $0x5  }
0x252: {  	v4, _, _ =	vpop (xrf0)  }
0x253: {  	(v2sf) =	vpush v4, $0xF;
	_ =	sdelay $0xe  }
0x254: {  	s18 =	spop (v2sf)  }
0x255: {  	s17 =	sxor.u32 $0x80000000, s18  }
0x256: {  	s18 =	sadd.s32 $0xFFFFFFF4, s16;
	v4 =	vadd.s32 s17, v1  }
0x257: {  	v5 =	vmov s18  }
0x258: {  	v47 =	vshll.u32 v5, $0x3  }
0x259: {  	v5 =	vand.u32 $0x73, v5;
	v6 =	vand.u32 $0xFFFFFC00, v47  }
0x25a: {  	s18 =	simm.s32 $0x3200;
	v5 =	vor.u32 v5, v6  }
0x25b: {  	v6 =	vadd.s32 v2, v5;
	v4 =	vld.idx.msk [tilespmem:v4+s18+$0x0], $0xffff  }
0x25c: {  	v48 =	vadd.s32 s17, v36;
	_ =	sdelay $0x3  }
0x25d: {  	[tilespmem:v6+s28+$0x0] =	vst.idx.msk $0xffff, v4  }
0x25e: {  	v5 =	vadd.s32 v3, v5;
	v4 =	vld.idx.msk [tilespmem:v48+s18+$0x0], $0xffff;
	_ =	sdelay $0x4  }
0x25f: {  	[tilespmem:v5+s28+$0x0] =	vst.idx.msk $0xffff, v4  }
0x260: {  	v4 =	vld [tilespmem:s15+$0x0];
	_ =	sdelay $0x4  }
0x261: {  	v5 =	vshra.s32 v4, $0x1F;
	v49 =	vand.u32 $0x7F, v4  }
0x262: {  	vm1 =	vlt.s32 v4, $0x1;
	v5 =	vshrl.u32 v5, $0x19;
	vm2 =	vne.s32 v49, $0x0  }
0x263: {  	v4 =	vadd.s32 v5, v4;
	vm1 =	vmand vm1, vm2  }
0x264: {  	v4 =	vshrl.u32 v4, $0x7;
	v5 =	vsel vm1, $0xFFFFFFFF, v0  }
0x265: {  	v4 =	vadd.s32 v5, v4  }
0x266: {  	v4 =	vshll.u32 v4, $0x7  }
0x267: {  	v4 =	vsel vm3, $0x0, v4  }
0x268: {  	v4 =	vxor.u32 $0x80000000, v4  }
0x269: {  	(xrf0) =	vmax.scan.msk.u32 $0xffff, v4;
	_ =	sdelay $0x5  }
0x26a: {  	v4, _, _ =	vpop (xrf0)  }
0x26b: {  	(v2sf) =	vpush v4, $0xF;
	_ =	sdelay $0xe  }
0x26c: {  	s17 =	spop (v2sf)  }
0x26d: {  	s17 =	sand.u32 $0x1FFFFF80, s17  }
0x26e: {  	s17 =	sadd.s32 s0, s17  }
0x26f: {  	[tilespmem:s18], [sflag:$0x4] =	stream.strided.gather [hbm4b:s17+s8], $0x1000, s9, s8, $0x38;
	[tilespmem:$0x14200] =	vst v63  }
0x270: {  	_ =	swait.ge [sflag:s1], $0x1000  }
0x271: {  	[sflag:s1] =	ssyncset.done $0x0  }
0x272: {  	[sflag:s1] =	ssyncadd.s32 $0xFFFFF000  }
0x273: {  	v4 =	vld [tilespmem:s15+$0xFFFFFFF0];
	_ =	sdelay $0x4  }
0x274: {  	v5 =	vshra.s32 v4, $0x1F  }
0x275: {  	v5 =	vshrl.u32 v5, $0x19  }
0x276: {  	v5 =	vadd.s32 v5, v4  }
0x277: {  	v5 =	vand.u32 $0xFFFFFF80, v5  }
0x278: {  	v4 =	vsub.s32 v4, v5  }
0x279: {  	v4 =	vsel vm4, $0x0, v4  }
0x27a: {  	v4 =	vxor.u32 $0x80000000, v4  }
0x27b: {  	(xrf0) =	vmax.scan.msk.u32 $0xffff, v4;
	_ =	sdelay $0x5  }
0x27c: {  	v4, _, _ =	vpop (xrf0)  }
0x27d: {  	(v2sf) =	vpush v4, $0xF;
	_ =	sdelay $0xe  }
0x27e: {  	s18 =	spop (v2sf)  }
0x27f: {  	s17 =	sxor.u32 $0x80000000, s18  }
0x280: {  	s18 =	sadd.s32 $0xFFFFFFF5, s16;
	v4 =	vadd.s32 s17, v1  }
0x281: {  	v5 =	vmov s18  }
0x282: {  	v50 =	vshll.u32 v5, $0x3  }
0x283: {  	v5 =	vand.u32 $0x74, v5;
	v6 =	vand.u32 $0xFFFFFC00, v50  }
0x284: {  	s18 =	simm.s32 $0x4200;
	v5 =	vor.u32 v5, v6  }
0x285: {  	v6 =	vadd.s32 v2, v5;
	v4 =	vld.idx.msk [tilespmem:v4+s18+$0x0], $0xffff  }
0x286: {  	v51 =	vadd.s32 s17, v36;
	_ =	sdelay $0x3  }
0x287: {  	[tilespmem:v6+s28+$0x0] =	vst.idx.msk $0xffff, v4  }
0x288: {  	v5 =	vadd.s32 v3, v5;
	v4 =	vld.idx.msk [tilespmem:v51+s18+$0x0], $0xffff;
	_ =	sdelay $0x4  }
0x289: {  	[tilespmem:v5+s28+$0x0] =	vst.idx.msk $0xffff, v4  }
0x28a: {  	v4 =	vld [tilespmem:s15+$0x0];
	_ =	sdelay $0x4  }
0x28b: {  	v5 =	vshra.s32 v4, $0x1F;
	v52 =	vand.u32 $0x7F, v4  }
0x28c: {  	vm1 =	vlt.s32 v4, $0x1;
	v5 =	vshrl.u32 v5, $0x19;
	vm2 =	vne.s32 v52, $0x0  }
0x28d: {  	v4 =	vadd.s32 v5, v4;
	vm1 =	vmand vm1, vm2  }
0x28e: {  	v4 =	vshrl.u32 v4, $0x7;
	v5 =	vsel vm1, $0xFFFFFFFF, v0  }
0x28f: {  	v4 =	vadd.s32 v5, v4  }
0x290: {  	v4 =	vshll.u32 v4, $0x7  }
0x291: {  	v4 =	vsel vm4, $0x0, v4  }
0x292: {  	v4 =	vxor.u32 $0x80000000, v4  }
0x293: {  	(xrf0) =	vmax.scan.msk.u32 $0xffff, v4;
	_ =	sdelay $0x5  }
0x294: {  	v4, _, _ =	vpop (xrf0)  }
0x295: {  	(v2sf) =	vpush v4, $0xF;
	_ =	sdelay $0xe  }
0x296: {  	s17 =	spop (v2sf)  }
0x297: {  	s17 =	sand.u32 $0x1FFFFF80, s17  }
0x298: {  	s17 =	sadd.s32 s0, s17  }
0x299: {  	[tilespmem:s18], [sflag:$0x5] =	stream.strided.gather [hbm4b:s17+s8], $0x1000, s9, s8, $0x38;
	[tilespmem:$0x14200] =	vst v63  }
0x29a: {  	_ =	swait.ge [sflag:s2], $0x1000  }
0x29b: {  	[sflag:s2] =	ssyncset.done $0x0  }
0x29c: {  	[sflag:s2] =	ssyncadd.s32 $0xFFFFF000  }
0x29d: {  	v4 =	vld [tilespmem:s15+$0xFFFFFFF0];
	_ =	sdelay $0x4  }
0x29e: {  	v5 =	vshra.s32 v4, $0x1F  }
0x29f: {  	v5 =	vshrl.u32 v5, $0x19  }
0x2a0: {  	v5 =	vadd.s32 v5, v4  }
0x2a1: {  	v5 =	vand.u32 $0xFFFFFF80, v5  }
0x2a2: {  	v4 =	vsub.s32 v4, v5  }
0x2a3: {  	v4 =	vsel vm5, $0x0, v4  }
0x2a4: {  	v4 =	vxor.u32 $0x80000000, v4  }
0x2a5: {  	(xrf0) =	vmax.scan.msk.u32 $0xffff, v4;
	_ =	sdelay $0x5  }
0x2a6: {  	v4, _, _ =	vpop (xrf0)  }
0x2a7: {  	(v2sf) =	vpush v4, $0xF;
	_ =	sdelay $0xe  }
0x2a8: {  	s18 =	spop (v2sf)  }
0x2a9: {  	s17 =	sxor.u32 $0x80000000, s18  }
0x2aa: {  	s18 =	sadd.s32 $0xFFFFFFF6, s16;
	v4 =	vadd.s32 s17, v1  }
0x2ab: {  	v5 =	vmov s18  }
0x2ac: {  	v53 =	vshll.u32 v5, $0x3  }
0x2ad: {  	v5 =	vand.u32 $0x75, v5;
	v6 =	vand.u32 $0xFFFFFC00, v53  }
0x2ae: {  	s18 =	simm.s32 $0x5200;
	v5 =	vor.u32 v5, v6  }
0x2af: {  	v6 =	vadd.s32 v2, v5;
	v4 =	vld.idx.msk [tilespmem:v4+s18+$0x0], $0xffff  }
0x2b0: {  	v54 =	vadd.s32 s17, v36;
	_ =	sdelay $0x3  }
0x2b1: {  	[tilespmem:v6+s28+$0x0] =	vst.idx.msk $0xffff, v4  }
0x2b2: {  	v5 =	vadd.s32 v3, v5;
	v4 =	vld.idx.msk [tilespmem:v54+s18+$0x0], $0xffff;
	_ =	sdelay $0x4  }
0x2b3: {  	[tilespmem:v5+s28+$0x0] =	vst.idx.msk $0xffff, v4  }
0x2b4: {  	v4 =	vld [tilespmem:s15+$0x0];
	_ =	sdelay $0x4  }
0x2b5: {  	v5 =	vshra.s32 v4, $0x1F;
	v55 =	vand.u32 $0x7F, v4  }
0x2b6: {  	vm1 =	vlt.s32 v4, $0x1;
	v5 =	vshrl.u32 v5, $0x19;
	vm2 =	vne.s32 v55, $0x0  }
0x2b7: {  	v4 =	vadd.s32 v5, v4;
	vm1 =	vmand vm1, vm2  }
0x2b8: {  	v4 =	vshrl.u32 v4, $0x7;
	v5 =	vsel vm1, $0xFFFFFFFF, v0  }
0x2b9: {  	v4 =	vadd.s32 v5, v4  }
0x2ba: {  	v4 =	vshll.u32 v4, $0x7  }
0x2bb: {  	v4 =	vsel vm5, $0x0, v4  }
0x2bc: {  	v4 =	vxor.u32 $0x80000000, v4  }
0x2bd: {  	(xrf0) =	vmax.scan.msk.u32 $0xffff, v4;
	_ =	sdelay $0x5  }
0x2be: {  	v4, _, _ =	vpop (xrf0)  }
0x2bf: {  	(v2sf) =	vpush v4, $0xF;
	_ =	sdelay $0xe  }
0x2c0: {  	s17 =	spop (v2sf)  }
0x2c1: {  	s17 =	sand.u32 $0x1FFFFF80, s17  }
0x2c2: {  	s17 =	sadd.s32 s0, s17  }
0x2c3: {  	[tilespmem:s18], [sflag:$0x6] =	stream.strided.gather [hbm4b:s17+s8], $0x1000, s9, s8, $0x38;
	[tilespmem:$0x14200] =	vst v63  }
0x2c4: {  	_ =	swait.ge [sflag:s3], $0x1000  }
0x2c5: {  	[sflag:s3] =	ssyncset.done $0x0  }
0x2c6: {  	[sflag:s3] =	ssyncadd.s32 $0xFFFFF000  }
0x2c7: {  	v4 =	vld [tilespmem:s15+$0xFFFFFFF0];
	_ =	sdelay $0x4  }
0x2c8: {  	v5 =	vshra.s32 v4, $0x1F  }
0x2c9: {  	v5 =	vshrl.u32 v5, $0x19  }
0x2ca: {  	v5 =	vadd.s32 v5, v4  }
0x2cb: {  	v5 =	vand.u32 $0xFFFFFF80, v5  }
0x2cc: {  	v4 =	vsub.s32 v4, v5  }
0x2cd: {  	v4 =	vsel vm6, $0x0, v4  }
0x2ce: {  	v4 =	vxor.u32 $0x80000000, v4  }
0x2cf: {  	(xrf0) =	vmax.scan.msk.u32 $0xffff, v4;
	_ =	sdelay $0x5  }
0x2d0: {  	v4, _, _ =	vpop (xrf0)  }
0x2d1: {  	(v2sf) =	vpush v4, $0xF;
	_ =	sdelay $0xe  }
0x2d2: {  	s18 =	spop (v2sf)  }
0x2d3: {  	s17 =	sxor.u32 $0x80000000, s18  }
0x2d4: {  	s18 =	sadd.s32 $0xFFFFFFF7, s16;
	v4 =	vadd.s32 s17, v1  }
0x2d5: {  	v5 =	vmov s18  }
0x2d6: {  	v56 =	vshll.u32 v5, $0x3  }
0x2d7: {  	v5 =	vand.u32 $0x76, v5;
	v6 =	vand.u32 $0xFFFFFC00, v56  }
0x2d8: {  	s18 =	simm.s32 $0x6200;
	v5 =	vor.u32 v5, v6  }
0x2d9: {  	v6 =	vadd.s32 v2, v5;
	v4 =	vld.idx.msk [tilespmem:v4+s18+$0x0], $0xffff  }
0x2da: {  	v57 =	vadd.s32 s17, v36;
	_ =	sdelay $0x3  }
0x2db: {  	[tilespmem:v6+s28+$0x0] =	vst.idx.msk $0xffff, v4  }
0x2dc: {  	v5 =	vadd.s32 v3, v5;
	v4 =	vld.idx.msk [tilespmem:v57+s18+$0x0], $0xffff;
	_ =	sdelay $0x4  }
0x2dd: {  	[tilespmem:v5+s28+$0x0] =	vst.idx.msk $0xffff, v4  }
0x2de: {  	v4 =	vld [tilespmem:s15+$0x0];
	_ =	sdelay $0x4  }
0x2df: {  	v5 =	vshra.s32 v4, $0x1F;
	v58 =	vand.u32 $0x7F, v4  }
0x2e0: {  	vm1 =	vlt.s32 v4, $0x1;
	v5 =	vshrl.u32 v5, $0x19;
	vm2 =	vne.s32 v58, $0x0  }
0x2e1: {  	v4 =	vadd.s32 v5, v4;
	vm1 =	vmand vm1, vm2  }
0x2e2: {  	v4 =	vshrl.u32 v4, $0x7;
	v5 =	vsel vm1, $0xFFFFFFFF, v0  }
0x2e3: {  	v4 =	vadd.s32 v5, v4  }
0x2e4: {  	v4 =	vshll.u32 v4, $0x7  }
0x2e5: {  	v4 =	vsel vm6, $0x0, v4  }
0x2e6: {  	v4 =	vxor.u32 $0x80000000, v4  }
0x2e7: {  	(xrf0) =	vmax.scan.msk.u32 $0xffff, v4;
	_ =	sdelay $0x5  }
0x2e8: {  	v4, _, _ =	vpop (xrf0)  }
0x2e9: {  	(v2sf) =	vpush v4, $0xF;
	_ =	sdelay $0xe  }
0x2ea: {  	s17 =	spop (v2sf)  }
0x2eb: {  	s17 =	sand.u32 $0x1FFFFF80, s17  }
0x2ec: {  	s17 =	sadd.s32 s0, s17  }
0x2ed: {  	[tilespmem:s18], [sflag:$0x7] =	stream.strided.gather [hbm4b:s17+s8], $0x1000, s9, s8, $0x38;
	[tilespmem:$0x14200] =	vst v63  }
0x2ee: {  	_ =	swait.ge [sflag:s4], $0x1000  }
0x2ef: {  	[sflag:s4] =	ssyncset.done $0x0  }
0x2f0: {  	[sflag:s4] =	ssyncadd.s32 $0xFFFFF000  }
0x2f1: {  	v4 =	vld [tilespmem:s15+$0xFFFFFFF0];
	_ =	sdelay $0x4  }
0x2f2: {  	v5 =	vshra.s32 v4, $0x1F  }
0x2f3: {  	v5 =	vshrl.u32 v5, $0x19  }
0x2f4: {  	v5 =	vadd.s32 v5, v4  }
0x2f5: {  	v5 =	vand.u32 $0xFFFFFF80, v5  }
0x2f6: {  	v4 =	vsub.s32 v4, v5  }
0x2f7: {  	v4 =	vsel vm7, $0x0, v4  }
0x2f8: {  	v4 =	vxor.u32 $0x80000000, v4  }
0x2f9: {  	(xrf0) =	vmax.scan.msk.u32 $0xffff, v4;
	_ =	sdelay $0x5  }
0x2fa: {  	v4, _, _ =	vpop (xrf0)  }
0x2fb: {  	(v2sf) =	vpush v4, $0xF;
	_ =	sdelay $0xe  }
0x2fc: {  	s18 =	spop (v2sf)  }
0x2fd: {  	s17 =	sxor.u32 $0x80000000, s18  }
0x2fe: {  	s18 =	sadd.s32 $0xFFFFFFF8, s16;
	v4 =	vadd.s32 s17, v1  }
0x2ff: {  	v5 =	vmov s18  }
0x300: {  	v59 =	vshll.u32 v5, $0x3  }
0x301: {  	v5 =	vand.u32 $0x77, v5;
	v6 =	vand.u32 $0xFFFFFC00, v59  }
0x302: {  	s18 =	simm.s32 $0x7200;
	v5 =	vor.u32 v5, v6  }
0x303: {  	v6 =	vadd.s32 v2, v5;
	v4 =	vld.idx.msk [tilespmem:v4+s18+$0x0], $0xffff  }
0x304: {  	v60 =	vadd.s32 s17, v36;
	_ =	sdelay $0x3  }
0x305: {  	[tilespmem:v6+s28+$0x0] =	vst.idx.msk $0xffff, v4  }
0x306: {  	v5 =	vadd.s32 v3, v5;
	v4 =	vld.idx.msk [tilespmem:v60+s18+$0x0], $0xffff;
	_ =	sdelay $0x4  }
0x307: {  	[tilespmem:v5+s28+$0x0] =	vst.idx.msk $0xffff, v4  }
0x308: {  	v4 =	vld [tilespmem:s15+$0x0];
	_ =	sdelay $0x4  }
0x309: {  	v5 =	vshra.s32 v4, $0x1F;
	v61 =	vand.u32 $0x7F, v4  }
0x30a: {  	vm1 =	vlt.s32 v4, $0x1;
	v5 =	vshrl.u32 v5, $0x19;
	vm2 =	vne.s32 v61, $0x0  }
0x30b: {  	v4 =	vadd.s32 v5, v4;
	vm1 =	vmand vm1, vm2  }
0x30c: {  	v4 =	vshrl.u32 v4, $0x7;
	v5 =	vsel vm1, $0xFFFFFFFF, v0  }
0x30d: {  	v4 =	vadd.s32 v5, v4  }
0x30e: {  	v4 =	vshll.u32 v4, $0x7  }
0x30f: {  	v4 =	vsel vm7, $0x0, v4  }
0x310: {  	v4 =	vxor.u32 $0x80000000, v4  }
0x311: {  	(xrf0) =	vmax.scan.msk.u32 $0xffff, v4;
	_ =	sdelay $0x5  }
0x312: {  	v4, _, _ =	vpop (xrf0)  }
0x313: {  	(v2sf) =	vpush v4, $0xF;
	_ =	sdelay $0xe  }
0x314: {  	s17 =	spop (v2sf)  }
0x315: {  	s17 =	sand.u32 $0x1FFFFF80, s17  }
0x316: {  	s17 =	sadd.s32 s0, s17  }
0x317: {  	[tilespmem:s18], [sflag:$0x8] =	stream.strided.gather [hbm4b:s17+s8], $0x1000, s9, s8, $0x38;
	[tilespmem:$0x14200] =	vst v63  }
0x318: {  	_ =	swait.ge [sflag:s5], $0x1000  }
0x319: {  	[sflag:s5] =	ssyncset.done $0x0  }
0x31a: {  	[sflag:s5] =	ssyncadd.s32 $0xFFFFF000  }
0x31b: {  	v4 =	vld [tilespmem:s15+$0xFFFFFFF0];
	_ =	sdelay $0x4  }
0x31c: {  	v5 =	vshra.s32 v4, $0x1F  }
0x31d: {  	v5 =	vshrl.u32 v5, $0x19  }
0x31e: {  	v5 =	vadd.s32 v5, v4  }
0x31f: {  	v5 =	vand.u32 $0xFFFFFF80, v5  }
0x320: {  	v4 =	vsub.s32 v4, v5  }
0x321: {  	v4 =	vsel vm8, $0x0, v4  }
0x322: {  	v4 =	vxor.u32 $0x80000000, v4  }
0x323: {  	(xrf0) =	vmax.scan.msk.u32 $0xffff, v4;
	_ =	sdelay $0x5  }
0x324: {  	v4, _, _ =	vpop (xrf0)  }
0x325: {  	(v2sf) =	vpush v4, $0xF;
	_ =	sdelay $0xe  }
0x326: {  	s18 =	spop (v2sf)  }
0x327: {  	s17 =	sxor.u32 $0x80000000, s18  }
0x328: {  	s18 =	sadd.s32 $0xFFFFFFF9, s16;
	v4 =	vadd.s32 s17, v1  }
0x329: {  	v5 =	vmov s18  }
0x32a: {  	v62 =	vshll.u32 v5, $0x3  }
0x32b: {  	v5 =	vand.u32 $0x78, v5;
	v6 =	vand.u32 $0xFFFFFC00, v62  }
0x32c: {  	s18 =	simm.s32 $0x8200;
	v5 =	vor.u32 v5, v6  }
0x32d: {  	v6 =	vadd.s32 v2, v5;
	v4 =	vld.idx.msk [tilespmem:v4+s18+$0x0], $0xffff  }
0x32e: {  	v63 =	vadd.s32 s17, v36;
	_ =	sdelay $0x3  }
0x32f: {  	[tilespmem:v6+s28+$0x0] =	vst.idx.msk $0xffff, v4  }
0x330: {  	v5 =	vadd.s32 v3, v5;
	v4 =	vld.idx.msk [tilespmem:v63+s18+$0x0], $0xffff;
	_ =	sdelay $0x4  }
0x331: {  	[tilespmem:v5+s28+$0x0] =	vst.idx.msk $0xffff, v4  }
0x332: {  	v4 =	vld [tilespmem:s15+$0x0];
	_ =	sdelay $0x4  }
0x333: {  	v5 =	vshra.s32 v4, $0x1F;
	v42 =	vand.u32 $0x7F, v4  }
0x334: {  	vm1 =	vlt.s32 v4, $0x1;
	v5 =	vshrl.u32 v5, $0x19;
	vm2 =	vne.s32 v42, $0x0  }
0x335: {  	v4 =	vadd.s32 v5, v4;
	vm1 =	vmand vm1, vm2  }
0x336: {  	v4 =	vshrl.u32 v4, $0x7;
	v5 =	vsel vm1, $0xFFFFFFFF, v0  }
0x337: {  	v4 =	vadd.s32 v5, v4  }
0x338: {  	v4 =	vshll.u32 v4, $0x7  }
0x339: {  	v4 =	vsel vm8, $0x0, v4  }
0x33a: {  	v4 =	vxor.u32 $0x80000000, v4  }
0x33b: {  	(xrf0) =	vmax.scan.msk.u32 $0xffff, v4;
	_ =	sdelay $0x5  }
0x33c: {  	v4, _, _ =	vpop (xrf0)  }
0x33d: {  	(v2sf) =	vpush v4, $0xF;
	_ =	sdelay $0xe  }
0x33e: {  	s17 =	spop (v2sf)  }
0x33f: {  	s17 =	sand.u32 $0x1FFFFF80, s17  }
0x340: {  	s17 =	sadd.s32 s0, s17  }
0x341: {  	[tilespmem:s18], [sflag:$0x9] =	stream.strided.gather [hbm4b:s17+s8], $0x1000, s9, s8, $0x38;
	[tilespmem:$0x14200] =	vst v63  }
0x342: {  	_ =	swait.ge [sflag:s7], $0x1000  }
0x343: {  	[sflag:s7] =	ssyncset.done $0x0  }
0x344: {  	[sflag:s7] =	ssyncadd.s32 $0xFFFFF000  }
0x345: {  	v4 =	vld [tilespmem:s15+$0xFFFFFFF0];
	_ =	sdelay $0x4  }
0x346: {  	v5 =	vshra.s32 v4, $0x1F  }
0x347: {  	v5 =	vshrl.u32 v5, $0x19  }
0x348: {  	v5 =	vadd.s32 v5, v4  }
0x349: {  	v5 =	vand.u32 $0xFFFFFF80, v5  }
0x34a: {  	v4 =	vsub.s32 v4, v5  }
0x34b: {  	v4 =	vsel vm9, $0x0, v4  }
0x34c: {  	v4 =	vxor.u32 $0x80000000, v4  }
0x34d: {  	(xrf0) =	vmax.scan.msk.u32 $0xffff, v4;
	_ =	sdelay $0x5  }
0x34e: {  	v4, _, _ =	vpop (xrf0)  }
0x34f: {  	(v2sf) =	vpush v4, $0xF;
	_ =	sdelay $0xe  }
0x350: {  	s18 =	spop (v2sf)  }
0x351: {  	s17 =	sxor.u32 $0x80000000, s18  }
0x352: {  	s18 =	sadd.s32 $0xFFFFFFFA, s16;
	v4 =	vadd.s32 s17, v1  }
0x353: {  	v5 =	vmov s18  }
0x354: {  	v43 =	vshll.u32 v5, $0x3  }
0x355: {  	v5 =	vand.u32 $0x79, v5;
	v6 =	vand.u32 $0xFFFFFC00, v43  }
0x356: {  	v5 =	vor.u32 v5, v6  }
0x357: {  	v6 =	vadd.s32 v2, v5;
	v4 =	vld.idx.msk [tilespmem:v4+s19+$0x0], $0xffff  }
0x358: {  	v44 =	vadd.s32 s17, v36;
	_ =	sdelay $0x3  }
0x359: {  	[tilespmem:v6+s28+$0x0] =	vst.idx.msk $0xffff, v4  }
0x35a: {  	v5 =	vadd.s32 v3, v5;
	v4 =	vld.idx.msk [tilespmem:v44+s19+$0x0], $0xffff;
	_ =	sdelay $0x4  }
0x35b: {  	[tilespmem:v5+s28+$0x0] =	vst.idx.msk $0xffff, v4  }
0x35c: {  	v4 =	vld [tilespmem:s15+$0x0];
	_ =	sdelay $0x4  }
0x35d: {  	v5 =	vshra.s32 v4, $0x1F;
	v45 =	vand.u32 $0x7F, v4  }
0x35e: {  	vm1 =	vlt.s32 v4, $0x1;
	v5 =	vshrl.u32 v5, $0x19;
	vm2 =	vne.s32 v45, $0x0  }
0x35f: {  	v4 =	vadd.s32 v5, v4;
	vm1 =	vmand vm1, vm2  }
0x360: {  	v4 =	vshrl.u32 v4, $0x7;
	v5 =	vsel vm1, $0xFFFFFFFF, v0  }
0x361: {  	v4 =	vadd.s32 v5, v4  }
0x362: {  	v4 =	vshll.u32 v4, $0x7  }
0x363: {  	v4 =	vsel vm9, $0x0, v4  }
0x364: {  	v4 =	vxor.u32 $0x80000000, v4  }
0x365: {  	(xrf0) =	vmax.scan.msk.u32 $0xffff, v4;
	_ =	sdelay $0x5  }
0x366: {  	v4, _, _ =	vpop (xrf0)  }
0x367: {  	(v2sf) =	vpush v4, $0xF;
	_ =	sdelay $0xe  }
0x368: {  	s18 =	spop (v2sf)  }
0x369: {  	s17 =	sand.u32 $0x1FFFFF80, s18  }
0x36a: {  	s17 =	sadd.s32 s0, s17  }
0x36b: {  	[tilespmem:s19], [sflag:$0xA] =	stream.strided.gather [hbm4b:s17+s8], $0x1000, s9, s8, $0x38;
	[tilespmem:$0x14200] =	vst v63  }
0x36c: {  	_ =	swait.ge [sflag:s6], $0x1000  }
0x36d: {  	[sflag:s6] =	ssyncset.done $0x0  }
0x36e: {  	[sflag:s6] =	ssyncadd.s32 $0xFFFFF000  }
0x36f: {  	v4 =	vld [tilespmem:s15+$0xFFFFFFF0];
	_ =	sdelay $0x4  }
0x370: {  	v5 =	vshra.s32 v4, $0x1F  }
0x371: {  	v5 =	vshrl.u32 v5, $0x19  }
0x372: {  	v5 =	vadd.s32 v5, v4  }
0x373: {  	v5 =	vand.u32 $0xFFFFFF80, v5  }
0x374: {  	v4 =	vsub.s32 v4, v5  }
0x375: {  	v4 =	vsel vm10, $0x0, v4  }
0x376: {  	v4 =	vxor.u32 $0x80000000, v4  }
0x377: {  	(xrf0) =	vmax.scan.msk.u32 $0xffff, v4;
	_ =	sdelay $0x5  }
0x378: {  	v4, _, _ =	vpop (xrf0)  }
0x379: {  	(v2sf) =	vpush v4, $0xF;
	_ =	sdelay $0xe  }
0x37a: {  	s18 =	spop (v2sf)  }
0x37b: {  	s17 =	sxor.u32 $0x80000000, s18  }
0x37c: {  	s18 =	sadd.s32 $0xFFFFFFFB, s16;
	v4 =	vadd.s32 s17, v1  }
0x37d: {  	v5 =	vmov s18  }
0x37e: {  	v46 =	vshll.u32 v5, $0x3  }
0x37f: {  	v5 =	vand.u32 $0x7A, v5;
	v6 =	vand.u32 $0xFFFFFC00, v46  }
0x380: {  	v5 =	vor.u32 v5, v6  }
0x381: {  	v6 =	vadd.s32 v2, v5;
	v4 =	vld.idx.msk [tilespmem:v4+s20+$0x0], $0xffff  }
0x382: {  	v47 =	vadd.s32 s17, v36;
	_ =	sdelay $0x3  }
0x383: {  	[tilespmem:v6+s28+$0x0] =	vst.idx.msk $0xffff, v4  }
0x384: {  	v5 =	vadd.s32 v3, v5;
	v4 =	vld.idx.msk [tilespmem:v47+s20+$0x0], $0xffff;
	_ =	sdelay $0x4  }
0x385: {  	[tilespmem:v5+s28+$0x0] =	vst.idx.msk $0xffff, v4  }
0x386: {  	v4 =	vld [tilespmem:s15+$0x0];
	_ =	sdelay $0x4  }
0x387: {  	v5 =	vshra.s32 v4, $0x1F;
	v48 =	vand.u32 $0x7F, v4  }
0x388: {  	vm1 =	vlt.s32 v4, $0x1;
	v5 =	vshrl.u32 v5, $0x19;
	vm2 =	vne.s32 v48, $0x0  }
0x389: {  	v4 =	vadd.s32 v5, v4;
	vm1 =	vmand vm1, vm2  }
0x38a: {  	v4 =	vshrl.u32 v4, $0x7;
	v5 =	vsel vm1, $0xFFFFFFFF, v0  }
0x38b: {  	v4 =	vadd.s32 v5, v4  }
0x38c: {  	v4 =	vshll.u32 v4, $0x7  }
0x38d: {  	v4 =	vsel vm10, $0x0, v4  }
0x38e: {  	v4 =	vxor.u32 $0x80000000, v4  }
0x38f: {  	(xrf0) =	vmax.scan.msk.u32 $0xffff, v4;
	_ =	sdelay $0x5  }
0x390: {  	v4, _, _ =	vpop (xrf0)  }
0x391: {  	(v2sf) =	vpush v4, $0xF;
	_ =	sdelay $0xe  }
0x392: {  	s18 =	spop (v2sf)  }
0x393: {  	s17 =	sand.u32 $0x1FFFFF80, s18  }
0x394: {  	s17 =	sadd.s32 s0, s17  }
0x395: {  	[tilespmem:s20], [sflag:$0xB] =	stream.strided.gather [hbm4b:s17+s8], $0x1000, s9, s8, $0x38;
	[tilespmem:$0x14200] =	vst v63  }
0x396: {  	_ =	swait.ge [sflag:s10], $0x1000  }
0x397: {  	[sflag:s10] =	ssyncset.done $0x0  }
0x398: {  	[sflag:s10] =	ssyncadd.s32 $0xFFFFF000  }
0x399: {  	v4 =	vld [tilespmem:s15+$0xFFFFFFF0];
	_ =	sdelay $0x4  }
0x39a: {  	v5 =	vshra.s32 v4, $0x1F  }
0x39b: {  	v5 =	vshrl.u32 v5, $0x19  }
0x39c: {  	v5 =	vadd.s32 v5, v4  }
0x39d: {  	v5 =	vand.u32 $0xFFFFFF80, v5  }
0x39e: {  	v4 =	vsub.s32 v4, v5  }
0x39f: {  	v4 =	vsel vm11, $0x0, v4  }
0x3a0: {  	v4 =	vxor.u32 $0x80000000, v4  }
0x3a1: {  	(xrf0) =	vmax.scan.msk.u32 $0xffff, v4;
	_ =	sdelay $0x5  }
0x3a2: {  	v4, _, _ =	vpop (xrf0)  }
0x3a3: {  	(v2sf) =	vpush v4, $0xF;
	_ =	sdelay $0xe  }
0x3a4: {  	s18 =	spop (v2sf)  }
0x3a5: {  	s17 =	sxor.u32 $0x80000000, s18  }
0x3a6: {  	s18 =	sadd.s32 $0xFFFFFFFC, s16;
	v4 =	vadd.s32 s17, v1  }
0x3a7: {  	v5 =	vmov s18  }
0x3a8: {  	v49 =	vshll.u32 v5, $0x3  }
0x3a9: {  	v5 =	vand.u32 $0x7B, v5;
	v6 =	vand.u32 $0xFFFFFC00, v49  }
0x3aa: {  	v5 =	vor.u32 v5, v6  }
0x3ab: {  	v6 =	vadd.s32 v2, v5;
	v4 =	vld.idx.msk [tilespmem:v4+s21+$0x0], $0xffff  }
0x3ac: {  	v50 =	vadd.s32 s17, v36;
	_ =	sdelay $0x3  }
0x3ad: {  	[tilespmem:v6+s28+$0x0] =	vst.idx.msk $0xffff, v4  }
0x3ae: {  	v5 =	vadd.s32 v3, v5;
	v4 =	vld.idx.msk [tilespmem:v50+s21+$0x0], $0xffff;
	_ =	sdelay $0x4  }
0x3af: {  	[tilespmem:v5+s28+$0x0] =	vst.idx.msk $0xffff, v4  }
0x3b0: {  	v4 =	vld [tilespmem:s15+$0x0];
	_ =	sdelay $0x4  }
0x3b1: {  	v5 =	vshra.s32 v4, $0x1F;
	v51 =	vand.u32 $0x7F, v4  }
0x3b2: {  	vm1 =	vlt.s32 v4, $0x1;
	v5 =	vshrl.u32 v5, $0x19;
	vm2 =	vne.s32 v51, $0x0  }
0x3b3: {  	v4 =	vadd.s32 v5, v4;
	vm1 =	vmand vm1, vm2  }
0x3b4: {  	v4 =	vshrl.u32 v4, $0x7;
	v5 =	vsel vm1, $0xFFFFFFFF, v0  }
0x3b5: {  	v4 =	vadd.s32 v5, v4  }
0x3b6: {  	v4 =	vshll.u32 v4, $0x7  }
0x3b7: {  	v4 =	vsel vm11, $0x0, v4  }
0x3b8: {  	v4 =	vxor.u32 $0x80000000, v4  }
0x3b9: {  	(xrf0) =	vmax.scan.msk.u32 $0xffff, v4;
	_ =	sdelay $0x5  }
0x3ba: {  	v4, _, _ =	vpop (xrf0)  }
0x3bb: {  	(v2sf) =	vpush v4, $0xF;
	_ =	sdelay $0xe  }
0x3bc: {  	s18 =	spop (v2sf)  }
0x3bd: {  	s17 =	sand.u32 $0x1FFFFF80, s18  }
0x3be: {  	s17 =	sadd.s32 s0, s17  }
0x3bf: {  	[tilespmem:s21], [sflag:$0xC] =	stream.strided.gather [hbm4b:s17+s8], $0x1000, s9, s8, $0x38;
	[tilespmem:$0x14200] =	vst v63  }
0x3c0: {  	_ =	swait.ge [sflag:s11], $0x1000  }
0x3c1: {  	[sflag:s11] =	ssyncset.done $0x0  }
0x3c2: {  	[sflag:s11] =	ssyncadd.s32 $0xFFFFF000  }
0x3c3: {  	v4 =	vld [tilespmem:s15+$0xFFFFFFF0];
	_ =	sdelay $0x4  }
0x3c4: {  	v5 =	vshra.s32 v4, $0x1F  }
0x3c5: {  	v5 =	vshrl.u32 v5, $0x19  }
0x3c6: {  	v5 =	vadd.s32 v5, v4  }
0x3c7: {  	v5 =	vand.u32 $0xFFFFFF80, v5  }
0x3c8: {  	v4 =	vsub.s32 v4, v5  }
0x3c9: {  	v4 =	vsel vm12, $0x0, v4  }
0x3ca: {  	v4 =	vxor.u32 $0x80000000, v4  }
0x3cb: {  	(xrf0) =	vmax.scan.msk.u32 $0xffff, v4;
	_ =	sdelay $0x5  }
0x3cc: {  	v4, _, _ =	vpop (xrf0)  }
0x3cd: {  	(v2sf) =	vpush v4, $0xF;
	_ =	sdelay $0xe  }
0x3ce: {  	s18 =	spop (v2sf)  }
0x3cf: {  	s17 =	sxor.u32 $0x80000000, s18  }
0x3d0: {  	s18 =	sadd.s32 $0xFFFFFFFD, s16;
	v4 =	vadd.s32 s17, v1  }
0x3d1: {  	v5 =	vmov s18  }
0x3d2: {  	v52 =	vshll.u32 v5, $0x3  }
0x3d3: {  	v5 =	vand.u32 $0x7C, v5;
	v6 =	vand.u32 $0xFFFFFC00, v52  }
0x3d4: {  	v5 =	vor.u32 v5, v6  }
0x3d5: {  	v6 =	vadd.s32 v2, v5;
	v4 =	vld.idx.msk [tilespmem:v4+s22+$0x0], $0xffff  }
0x3d6: {  	v53 =	vadd.s32 s17, v36;
	_ =	sdelay $0x3  }
0x3d7: {  	[tilespmem:v6+s28+$0x0] =	vst.idx.msk $0xffff, v4  }
0x3d8: {  	v5 =	vadd.s32 v3, v5;
	v4 =	vld.idx.msk [tilespmem:v53+s22+$0x0], $0xffff;
	_ =	sdelay $0x4  }
0x3d9: {  	[tilespmem:v5+s28+$0x0] =	vst.idx.msk $0xffff, v4  }
0x3da: {  	v4 =	vld [tilespmem:s15+$0x0];
	_ =	sdelay $0x4  }
0x3db: {  	v5 =	vshra.s32 v4, $0x1F;
	v54 =	vand.u32 $0x7F, v4  }
0x3dc: {  	vm1 =	vlt.s32 v4, $0x1;
	v5 =	vshrl.u32 v5, $0x19;
	vm2 =	vne.s32 v54, $0x0  }
0x3dd: {  	v4 =	vadd.s32 v5, v4;
	vm1 =	vmand vm1, vm2  }
0x3de: {  	v4 =	vshrl.u32 v4, $0x7;
	v5 =	vsel vm1, $0xFFFFFFFF, v0  }
0x3df: {  	v4 =	vadd.s32 v5, v4  }
0x3e0: {  	v4 =	vshll.u32 v4, $0x7  }
0x3e1: {  	v4 =	vsel vm12, $0x0, v4  }
0x3e2: {  	v4 =	vxor.u32 $0x80000000, v4  }
0x3e3: {  	(xrf0) =	vmax.scan.msk.u32 $0xffff, v4;
	_ =	sdelay $0x5  }
0x3e4: {  	v4, _, _ =	vpop (xrf0)  }
0x3e5: {  	(v2sf) =	vpush v4, $0xF;
	_ =	sdelay $0xe  }
0x3e6: {  	s18 =	spop (v2sf)  }
0x3e7: {  	s17 =	sand.u32 $0x1FFFFF80, s18  }
0x3e8: {  	s17 =	sadd.s32 s0, s17  }
0x3e9: {  	[tilespmem:s22], [sflag:$0xD] =	stream.strided.gather [hbm4b:s17+s8], $0x1000, s9, s8, $0x38;
	[tilespmem:$0x14200] =	vst v63  }
0x3ea: {  	_ =	swait.ge [sflag:s12], $0x1000  }
0x3eb: {  	[sflag:s12] =	ssyncset.done $0x0  }
0x3ec: {  	[sflag:s12] =	ssyncadd.s32 $0xFFFFF000  }
0x3ed: {  	v4 =	vld [tilespmem:s15+$0xFFFFFFF0];
	_ =	sdelay $0x4  }
0x3ee: {  	v5 =	vshra.s32 v4, $0x1F  }
0x3ef: {  	v5 =	vshrl.u32 v5, $0x19  }
0x3f0: {  	v5 =	vadd.s32 v5, v4  }
0x3f1: {  	v5 =	vand.u32 $0xFFFFFF80, v5  }
0x3f2: {  	v4 =	vsub.s32 v4, v5  }
0x3f3: {  	v4 =	vsel vm13, $0x0, v4  }
0x3f4: {  	v4 =	vxor.u32 $0x80000000, v4  }
0x3f5: {  	(xrf0) =	vmax.scan.msk.u32 $0xffff, v4;
	_ =	sdelay $0x5  }
0x3f6: {  	v4, _, _ =	vpop (xrf0)  }
0x3f7: {  	(v2sf) =	vpush v4, $0xF;
	_ =	sdelay $0xe  }
0x3f8: {  	s18 =	spop (v2sf)  }
0x3f9: {  	s17 =	sxor.u32 $0x80000000, s18  }
0x3fa: {  	s18 =	sadd.s32 $0xFFFFFFFE, s16;
	v4 =	vadd.s32 s17, v1  }
0x3fb: {  	v5 =	vmov s18  }
0x3fc: {  	v55 =	vshll.u32 v5, $0x3  }
0x3fd: {  	v5 =	vand.u32 $0x7D, v5;
	v6 =	vand.u32 $0xFFFFFC00, v55  }
0x3fe: {  	v5 =	vor.u32 v5, v6  }
0x3ff: {  	v6 =	vadd.s32 v2, v5;
	v4 =	vld.idx.msk [tilespmem:v4+s23+$0x0], $0xffff  }
0x400: {  	v56 =	vadd.s32 s17, v36;
	_ =	sdelay $0x3  }
0x401: {  	[tilespmem:v6+s28+$0x0] =	vst.idx.msk $0xffff, v4  }
0x402: {  	v5 =	vadd.s32 v3, v5;
	v4 =	vld.idx.msk [tilespmem:v56+s23+$0x0], $0xffff;
	_ =	sdelay $0x4  }
0x403: {  	[tilespmem:v5+s28+$0x0] =	vst.idx.msk $0xffff, v4  }
0x404: {  	v4 =	vld [tilespmem:s15+$0x0];
	_ =	sdelay $0x4  }
0x405: {  	v5 =	vshra.s32 v4, $0x1F;
	v57 =	vand.u32 $0x7F, v4  }
0x406: {  	vm1 =	vlt.s32 v4, $0x1;
	v5 =	vshrl.u32 v5, $0x19;
	vm2 =	vne.s32 v57, $0x0  }
0x407: {  	v4 =	vadd.s32 v5, v4;
	vm1 =	vmand vm1, vm2  }
0x408: {  	v4 =	vshrl.u32 v4, $0x7;
	v5 =	vsel vm1, $0xFFFFFFFF, v0  }
0x409: {  	v4 =	vadd.s32 v5, v4  }
0x40a: {  	v4 =	vshll.u32 v4, $0x7  }
0x40b: {  	v4 =	vsel vm13, $0x0, v4  }
0x40c: {  	v4 =	vxor.u32 $0x80000000, v4  }
0x40d: {  	(xrf0) =	vmax.scan.msk.u32 $0xffff, v4;
	_ =	sdelay $0x5  }
0x40e: {  	v4, _, _ =	vpop (xrf0)  }
0x40f: {  	(v2sf) =	vpush v4, $0xF;
	_ =	sdelay $0xe  }
0x410: {  	s18 =	spop (v2sf)  }
0x411: {  	s17 =	sand.u32 $0x1FFFFF80, s18  }
0x412: {  	s17 =	sadd.s32 s0, s17  }
0x413: {  	[tilespmem:s23], [sflag:$0xE] =	stream.strided.gather [hbm4b:s17+s8], $0x1000, s9, s8, $0x38;
	[tilespmem:$0x14200] =	vst v63  }
0x414: {  	_ =	swait.ge [sflag:s13], $0x1000  }
0x415: {  	[sflag:s13] =	ssyncset.done $0x0  }
0x416: {  	[sflag:s13] =	ssyncadd.s32 $0xFFFFF000  }
0x417: {  	v4 =	vld [tilespmem:s15+$0xFFFFFFF0];
	_ =	sdelay $0x4  }
0x418: {  	v5 =	vshra.s32 v4, $0x1F  }
0x419: {  	v5 =	vshrl.u32 v5, $0x19  }
0x41a: {  	v5 =	vadd.s32 v5, v4  }
0x41b: {  	v5 =	vand.u32 $0xFFFFFF80, v5  }
0x41c: {  	v4 =	vsub.s32 v4, v5  }
0x41d: {  	v4 =	vsel vm14, $0x0, v4  }
0x41e: {  	v4 =	vxor.u32 $0x80000000, v4  }
0x41f: {  	(xrf0) =	vmax.scan.msk.u32 $0xffff, v4;
	_ =	sdelay $0x5  }
0x420: {  	v4, _, _ =	vpop (xrf0)  }
0x421: {  	(v2sf) =	vpush v4, $0xF;
	_ =	sdelay $0xe  }
0x422: {  	s18 =	spop (v2sf)  }
0x423: {  	s17 =	sxor.u32 $0x80000000, s18  }
0x424: {  	s18 =	sadd.s32 $0xFFFFFFFF, s16;
	v4 =	vadd.s32 s17, v1  }
0x425: {  	v5 =	vmov s18  }
0x426: {  	v58 =	vshll.u32 v5, $0x3  }
0x427: {  	v5 =	vand.u32 $0x7E, v5;
	v6 =	vand.u32 $0xFFFFFC00, v58  }
0x428: {  	v5 =	vor.u32 v5, v6  }
0x429: {  	v6 =	vadd.s32 v2, v5;
	v4 =	vld.idx.msk [tilespmem:v4+s24+$0x0], $0xffff  }
0x42a: {  	v59 =	vadd.s32 s17, v36;
	_ =	sdelay $0x3  }
0x42b: {  	[tilespmem:v6+s28+$0x0] =	vst.idx.msk $0xffff, v4  }
0x42c: {  	v5 =	vadd.s32 v3, v5;
	v4 =	vld.idx.msk [tilespmem:v59+s24+$0x0], $0xffff;
	_ =	sdelay $0x4  }
0x42d: {  	[tilespmem:v5+s28+$0x0] =	vst.idx.msk $0xffff, v4  }
0x42e: {  	v4 =	vld [tilespmem:s15+$0x0];
	_ =	sdelay $0x4  }
0x42f: {  	v5 =	vshra.s32 v4, $0x1F;
	v60 =	vand.u32 $0x7F, v4  }
0x430: {  	vm1 =	vlt.s32 v4, $0x1;
	v5 =	vshrl.u32 v5, $0x19;
	vm2 =	vne.s32 v60, $0x0  }
0x431: {  	v4 =	vadd.s32 v5, v4;
	vm1 =	vmand vm1, vm2  }
0x432: {  	v4 =	vshrl.u32 v4, $0x7;
	v5 =	vsel vm1, $0xFFFFFFFF, v0  }
0x433: {  	v4 =	vadd.s32 v5, v4  }
0x434: {  	v4 =	vshll.u32 v4, $0x7  }
0x435: {  	v4 =	vsel vm14, $0x0, v4  }
0x436: {  	v4 =	vxor.u32 $0x80000000, v4  }
0x437: {  	(xrf0) =	vmax.scan.msk.u32 $0xffff, v4;
	_ =	sdelay $0x5  }
0x438: {  	v4, _, _ =	vpop (xrf0)  }
0x439: {  	(v2sf) =	vpush v4, $0xF;
	_ =	sdelay $0xe  }
0x43a: {  	s18 =	spop (v2sf)  }
0x43b: {  	s17 =	sand.u32 $0x1FFFFF80, s18  }
0x43c: {  	s17 =	sadd.s32 s0, s17  }
0x43d: {  	[tilespmem:s24], [sflag:$0xF] =	stream.strided.gather [hbm4b:s17+s8], $0x1000, s9, s8, $0x38;
	[tilespmem:$0x14200] =	vst v63  }
0x43e: {  	_ =	swait.ge [sflag:s14], $0x1000  }
0x43f: {  	[sflag:s14] =	ssyncset.done $0x0  }
0x440: {  	[sflag:s14] =	ssyncadd.s32 $0xFFFFF000  }
0x441: {  	v4 =	vld [tilespmem:s15+$0xFFFFFFF0];
	_ =	sdelay $0x4  }
0x442: {  	v5 =	vshra.s32 v4, $0x1F  }
0x443: {  	v5 =	vshrl.u32 v5, $0x19  }
0x444: {  	v5 =	vadd.s32 v5, v4  }
0x445: {  	v5 =	vand.u32 $0xFFFFFF80, v5  }
0x446: {  	v4 =	vsub.s32 v4, v5  }
0x447: {  	v4 =	vsel vm15, $0x0, v4  }
0x448: {  	v4 =	vxor.u32 $0x80000000, v4  }
0x449: {  	(xrf0) =	vmax.scan.msk.u32 $0xffff, v4;
	_ =	sdelay $0x5  }
0x44a: {  	v4, _, _ =	vpop (xrf0)  }
0x44b: {  	(v2sf) =	vpush v4, $0xF;
	_ =	sdelay $0xe  }
0x44c: {  	s18 =	spop (v2sf)  }
0x44d: {  	s17 =	sxor.u32 $0x80000000, s18  }
0x44e: {  	v4 =	vadd.s32 s17, v1  }
0x44f: {  	v5 =	vmov s16  }
0x450: {  	v61 =	vshll.u32 v5, $0x3  }
0x451: {  	v5 =	vand.u32 $0x7F, v5;
	v6 =	vand.u32 $0xFFFFFC00, v61  }
0x452: {  	v5 =	vor.u32 v5, v6  }
0x453: {  	v6 =	vadd.s32 v2, v5;
	v4 =	vld.idx.msk [tilespmem:v4+s25+$0x0], $0xffff  }
0x454: {  	v62 =	vadd.s32 s17, v36;
	_ =	sdelay $0x3  }
0x455: {  	[tilespmem:v6+s28+$0x0] =	vst.idx.msk $0xffff, v4  }
0x456: {  	v5 =	vadd.s32 v3, v5;
	v4 =	vld.idx.msk [tilespmem:v62+s25+$0x0], $0xffff;
	_ =	sdelay $0x4  }
0x457: {  	[tilespmem:v5+s28+$0x0] =	vst.idx.msk $0xffff, v4  }
0x458: {  	v4 =	vld [tilespmem:s15+$0x0];
	_ =	sdelay $0x4  }
0x459: {  	v5 =	vshra.s32 v4, $0x1F;
	v63 =	vand.u32 $0x7F, v4  }
0x45a: {  	vm1 =	vlt.s32 v4, $0x1;
	v5 =	vshrl.u32 v5, $0x19;
	vm2 =	vne.s32 v63, $0x0  }
0x45b: {  	vm1 =	vmand vm1, vm2;
	v4 =	vadd.s32 v5, v4  }
0x45c: {  	v5 =	vsel vm1, $0xFFFFFFFF, v0;
	v4 =	vshrl.u32 v4, $0x7  }
0x45d: {  	v4 =	vadd.s32 v5, v4  }
0x45e: {  	v4 =	vshll.u32 v4, $0x7  }
0x45f: {  	v4 =	vsel vm15, $0x0, v4  }
0x460: {  	v4 =	vxor.u32 $0x80000000, v4  }
0x461: {  	(xrf0) =	vmax.scan.msk.u32 $0xffff, v4;
	_ =	sdelay $0x5  }
0x462: {  	v4, _, _ =	vpop (xrf0)  }
0x463: {  	(v2sf) =	vpush v4, $0xF;
	_ =	sdelay $0xc  }
0x464: {  	p0 =	sne.s32 s16, $0x1EF  }
.Ltmp0:
0x465: {  	_ = 	snop;
	(pc) =	sbr.rel @p0 .LBB2_2-.Ltmp0, $4  }
0x466: {  	s18 =	spop (v2sf)  }
0x467: {  	s17 =	sand.u32 $0x1FFFFF80, s18  }
0x468: {  	s16 =	sadd.s32 $0x10, s16;
	s15 =	sadd.s32 $0x10, s15;
	s17 =	sadd.s32 s0, s17  }
0x469: {  	[tilespmem:s25], [sflag:$0x10] =	stream.strided.gather [hbm4b:s17+s8], $0x1000, s9, s8, $0x38;
	[tilespmem:$0x14200] =	vst v63  }
0x46a: {  	_ =	swait.ge [sflag:s26], $0x1000  }
0x46b: {  	[sflag:s26] =	ssyncset.done $0x0  }
0x46c: {  	[sflag:s26] =	ssyncadd.s32 $0xFFFFF000  }
0x46d: {  	v4 =	vld [tilespmem:$0x1F0];
	_ =	sdelay $0x4  }
0x46e: {  	v5 =	vshra.s32 v4, $0x1F  }
0x46f: {  	v5 =	vshrl.u32 v5, $0x19  }
0x470: {  	v5 =	vadd.s32 v5, v4  }
0x471: {  	v5 =	vand.u32 $0xFFFFFF80, v5  }
0x472: {  	v4 =	vsub.s32 v4, v5  }
0x473: {  	v4 =	vnsel vm0, $0x0, v4  }
0x474: {  	v4 =	vxor.u32 $0x80000000, v4  }
0x475: {  	(xrf0) =	vmax.scan.msk.u32 $0xffff, v4;
	_ =	sdelay $0x5  }
0x476: {  	v4, _, _ =	vpop (xrf0)  }
0x477: {  	(v2sf) =	vpush v4, $0xF;
	_ =	sdelay $0xe  }
0x478: {  	s15 =	spop (v2sf)  }
0x479: {  	s15 =	sxor.u32 $0x80000000, s15  }
0x47a: {  	v4 =	vadd.s32 s15, v1;
	_ =	sdelay $0x3  }
0x47b: {  	s16 =	simm.s32 $0x200  }
0x47c: {  	v4 =	vld.idx.msk [tilespmem:v4+s16+$0x0], $0xffff  }
0x47d: {  	v5 =	vadd.s32 s15, v36;
	_ =	sdelay $0x3  }
0x47e: {  	[tilespmem:v37+s28+$0x0] =	vst.idx.msk $0xffff, v4  }
0x47f: {  	v4 =	vld.idx.msk [tilespmem:v5+s16+$0x0], $0xffff;
	_ =	sdelay $0x4  }
0x480: {  	[tilespmem:v38+s28+$0x0] =	vst.idx.msk $0xffff, v4  }
0x481: {  	_ =	swait.ge [sflag:s29], $0x1000  }
0x482: {  	[sflag:s29] =	ssyncset.done $0x0  }
0x483: {  	[sflag:s29] =	ssyncadd.s32 $0xFFFFF000  }
0x484: {  	v4 =	vld [tilespmem:$0x1F0];
	_ =	sdelay $0x4  }
0x485: {  	v5 =	vshra.s32 v4, $0x1F  }
0x486: {  	v5 =	vshrl.u32 v5, $0x19  }
0x487: {  	v5 =	vadd.s32 v5, v4  }
0x488: {  	v5 =	vand.u32 $0xFFFFFF80, v5  }
0x489: {  	vm1 =	vcmask $0x308;
	v4 =	vsub.s32 v4, v5  }
0x48a: {  	v4 =	vsel vm1, $0x0, v4  }
0x48b: {  	v4 =	vxor.u32 $0x80000000, v4  }
0x48c: {  	(xrf0) =	vmax.scan.msk.u32 $0xffff, v4;
	_ =	sdelay $0x5  }
0x48d: {  	v4, _, _ =	vpop (xrf0)  }
0x48e: {  	(v2sf) =	vpush v4, $0xF;
	_ =	sdelay $0xe  }
0x48f: {  	s17 =	spop (v2sf)  }
0x490: {  	s15 =	sxor.u32 $0x80000000, s17  }
0x491: {  	v4 =	vadd.s32 s15, v1;
	_ =	sdelay $0x3  }
0x492: {  	s18 =	simm.s32 $0x1200  }
0x493: {  	v4 =	vld.idx.msk [tilespmem:v4+s18+$0x0], $0xffff  }
0x494: {  	v5 =	vadd.s32 s15, v36;
	_ =	sdelay $0x3  }
0x495: {  	[tilespmem:v39+s28+$0x0] =	vst.idx.msk $0xffff, v4  }
0x496: {  	v4 =	vld.idx.msk [tilespmem:v5+s18+$0x0], $0xffff;
	_ =	sdelay $0x4  }
0x497: {  	[tilespmem:v40+s28+$0x0] =	vst.idx.msk $0xffff, v4  }
0x498: {  	_ =	swait.ge [sflag:s30], $0x1000  }
0x499: {  	[sflag:s30] =	ssyncset.done $0x0  }
0x49a: {  	[sflag:s30] =	ssyncadd.s32 $0xFFFFF000  }
0x49b: {  	v4 =	vld [tilespmem:$0x1F0];
	_ =	sdelay $0x4  }
0x49c: {  	v5 =	vshra.s32 v4, $0x1F  }
0x49d: {  	v5 =	vshrl.u32 v5, $0x19  }
0x49e: {  	v5 =	vadd.s32 v5, v4  }
0x49f: {  	v5 =	vand.u32 $0xFFFFFF80, v5  }
0x4a0: {  	vm1 =	vcmask $0x70C;
	v4 =	vsub.s32 v4, v5  }
0x4a1: {  	v4 =	vsel vm1, $0x0, v4  }
0x4a2: {  	v4 =	vxor.u32 $0x80000000, v4  }
0x4a3: {  	(xrf0) =	vmax.scan.msk.u32 $0xffff, v4;
	_ =	sdelay $0x5  }
0x4a4: {  	v4, _, _ =	vpop (xrf0)  }
0x4a5: {  	(v2sf) =	vpush v4, $0xF;
	_ =	sdelay $0xe  }
0x4a6: {  	s17 =	spop (v2sf)  }
0x4a7: {  	s15 =	sxor.u32 $0x80000000, s17  }
0x4a8: {  	v4 =	vadd.s32 s15, v1;
	_ =	sdelay $0x3  }
0x4a9: {  	s18 =	simm.s32 $0x2200  }
0x4aa: {  	v4 =	vld.idx.msk [tilespmem:v4+s18+$0x0], $0xffff  }
0x4ab: {  	v5 =	vadd.s32 s15, v36;
	_ =	sdelay $0x3  }
0x4ac: {  	[tilespmem:v41+s28+$0x0] =	vst.idx.msk $0xffff, v4  }
0x4ad: {  	v4 =	vld.idx.msk [tilespmem:v5+s18+$0x0], $0xffff;
	_ =	sdelay $0x4  }
0x4ae: {  	[tilespmem:v9+s28+$0x0] =	vst.idx.msk $0xffff, v4  }
0x4af: {  	_ =	swait.ge [sflag:s31], $0x1000  }
0x4b0: {  	[sflag:s31] =	ssyncset.done $0x0  }
0x4b1: {  	[sflag:s31] =	ssyncadd.s32 $0xFFFFF000  }
0x4b2: {  	v4 =	vld [tilespmem:$0x1F0];
	_ =	sdelay $0x4  }
0x4b3: {  	v5 =	vshra.s32 v4, $0x1F  }
0x4b4: {  	v5 =	vshrl.u32 v5, $0x19  }
0x4b5: {  	v5 =	vadd.s32 v5, v4  }
0x4b6: {  	v5 =	vand.u32 $0xFFFFFF80, v5  }
0x4b7: {  	vm1 =	vcmask $0xB10;
	v4 =	vsub.s32 v4, v5  }
0x4b8: {  	v4 =	vsel vm1, $0x0, v4  }
0x4b9: {  	v4 =	vxor.u32 $0x80000000, v4  }
0x4ba: {  	(xrf0) =	vmax.scan.msk.u32 $0xffff, v4;
	_ =	sdelay $0x5  }
0x4bb: {  	v4, _, _ =	vpop (xrf0)  }
0x4bc: {  	(v2sf) =	vpush v4, $0xF;
	_ =	sdelay $0xe  }
0x4bd: {  	s17 =	spop (v2sf)  }
0x4be: {  	s15 =	sxor.u32 $0x80000000, s17  }
0x4bf: {  	v4 =	vadd.s32 s15, v1;
	_ =	sdelay $0x3  }
0x4c0: {  	s18 =	simm.s32 $0x3200  }
0x4c1: {  	v4 =	vld.idx.msk [tilespmem:v4+s18+$0x0], $0xffff  }
0x4c2: {  	v5 =	vadd.s32 s15, v36;
	_ =	sdelay $0x3  }
0x4c3: {  	[tilespmem:v10+s28+$0x0] =	vst.idx.msk $0xffff, v4  }
0x4c4: {  	v4 =	vld.idx.msk [tilespmem:v5+s18+$0x0], $0xffff;
	_ =	sdelay $0x4  }
0x4c5: {  	[tilespmem:v11+s28+$0x0] =	vst.idx.msk $0xffff, v4  }
0x4c6: {  	_ =	swait.ge [sflag:s1], $0x1000  }
0x4c7: {  	[sflag:s1] =	ssyncset.done $0x0  }
0x4c8: {  	[sflag:s1] =	ssyncadd.s32 $0xFFFFF000  }
0x4c9: {  	v4 =	vld [tilespmem:$0x1F0];
	_ =	sdelay $0x4  }
0x4ca: {  	v5 =	vshra.s32 v4, $0x1F  }
0x4cb: {  	v5 =	vshrl.u32 v5, $0x19  }
0x4cc: {  	v5 =	vadd.s32 v5, v4  }
0x4cd: {  	v5 =	vand.u32 $0xFFFFFF80, v5  }
0x4ce: {  	v4 =	vsub.s32 v4, v5  }
0x4cf: {  	v4 =	vsel vm4, $0x0, v4  }
0x4d0: {  	v4 =	vxor.u32 $0x80000000, v4  }
0x4d1: {  	(xrf0) =	vmax.scan.msk.u32 $0xffff, v4;
	_ =	sdelay $0x5  }
0x4d2: {  	v4, _, _ =	vpop (xrf0)  }
0x4d3: {  	(v2sf) =	vpush v4, $0xF;
	_ =	sdelay $0xe  }
0x4d4: {  	s17 =	spop (v2sf)  }
0x4d5: {  	s15 =	sxor.u32 $0x80000000, s17  }
0x4d6: {  	v4 =	vadd.s32 s15, v1;
	_ =	sdelay $0x3  }
0x4d7: {  	s18 =	simm.s32 $0x4200  }
0x4d8: {  	v4 =	vld.idx.msk [tilespmem:v4+s18+$0x0], $0xffff  }
0x4d9: {  	v5 =	vadd.s32 s15, v36;
	_ =	sdelay $0x3  }
0x4da: {  	[tilespmem:v12+s28+$0x0] =	vst.idx.msk $0xffff, v4  }
0x4db: {  	v4 =	vld.idx.msk [tilespmem:v5+s18+$0x0], $0xffff;
	_ =	sdelay $0x4  }
0x4dc: {  	[tilespmem:v13+s28+$0x0] =	vst.idx.msk $0xffff, v4  }
0x4dd: {  	_ =	swait.ge [sflag:s2], $0x1000  }
0x4de: {  	[sflag:s2] =	ssyncset.done $0x0  }
0x4df: {  	[sflag:s2] =	ssyncadd.s32 $0xFFFFF000  }
0x4e0: {  	v4 =	vld [tilespmem:$0x1F0];
	_ =	sdelay $0x4  }
0x4e1: {  	v5 =	vshra.s32 v4, $0x1F  }
0x4e2: {  	v5 =	vshrl.u32 v5, $0x19  }
0x4e3: {  	v5 =	vadd.s32 v5, v4  }
0x4e4: {  	v5 =	vand.u32 $0xFFFFFF80, v5  }
0x4e5: {  	v4 =	vsub.s32 v4, v5  }
0x4e6: {  	v4 =	vsel vm5, $0x0, v4  }
0x4e7: {  	v4 =	vxor.u32 $0x80000000, v4  }
0x4e8: {  	(xrf0) =	vmax.scan.msk.u32 $0xffff, v4;
	_ =	sdelay $0x5  }
0x4e9: {  	v4, _, _ =	vpop (xrf0)  }
0x4ea: {  	(v2sf) =	vpush v4, $0xF;
	_ =	sdelay $0xe  }
0x4eb: {  	s17 =	spop (v2sf)  }
0x4ec: {  	s15 =	sxor.u32 $0x80000000, s17  }
0x4ed: {  	v4 =	vadd.s32 s15, v1;
	_ =	sdelay $0x3  }
0x4ee: {  	s18 =	simm.s32 $0x5200  }
0x4ef: {  	v4 =	vld.idx.msk [tilespmem:v4+s18+$0x0], $0xffff  }
0x4f0: {  	v5 =	vadd.s32 s15, v36;
	_ =	sdelay $0x3  }
0x4f1: {  	[tilespmem:v14+s28+$0x0] =	vst.idx.msk $0xffff, v4  }
0x4f2: {  	v4 =	vld.idx.msk [tilespmem:v5+s18+$0x0], $0xffff;
	_ =	sdelay $0x4  }
0x4f3: {  	[tilespmem:v15+s28+$0x0] =	vst.idx.msk $0xffff, v4  }
0x4f4: {  	_ =	swait.ge [sflag:s3], $0x1000  }
0x4f5: {  	[sflag:s3] =	ssyncset.done $0x0  }
0x4f6: {  	[sflag:s3] =	ssyncadd.s32 $0xFFFFF000  }
0x4f7: {  	v4 =	vld [tilespmem:$0x1F0];
	_ =	sdelay $0x4  }
0x4f8: {  	v5 =	vshra.s32 v4, $0x1F  }
0x4f9: {  	v5 =	vshrl.u32 v5, $0x19  }
0x4fa: {  	v5 =	vadd.s32 v5, v4  }
0x4fb: {  	v5 =	vand.u32 $0xFFFFFF80, v5  }
0x4fc: {  	v4 =	vsub.s32 v4, v5  }
0x4fd: {  	v4 =	vsel vm6, $0x0, v4  }
0x4fe: {  	v4 =	vxor.u32 $0x80000000, v4  }
0x4ff: {  	(xrf0) =	vmax.scan.msk.u32 $0xffff, v4;
	_ =	sdelay $0x5  }
0x500: {  	v4, _, _ =	vpop (xrf0)  }
0x501: {  	(v2sf) =	vpush v4, $0xF;
	_ =	sdelay $0xe  }
0x502: {  	s17 =	spop (v2sf)  }
0x503: {  	s15 =	sxor.u32 $0x80000000, s17  }
0x504: {  	v4 =	vadd.s32 s15, v1;
	_ =	sdelay $0x3  }
0x505: {  	s18 =	simm.s32 $0x6200  }
0x506: {  	v4 =	vld.idx.msk [tilespmem:v4+s18+$0x0], $0xffff  }
0x507: {  	v5 =	vadd.s32 s15, v36;
	_ =	sdelay $0x3  }
0x508: {  	[tilespmem:v16+s28+$0x0] =	vst.idx.msk $0xffff, v4  }
0x509: {  	v4 =	vld.idx.msk [tilespmem:v5+s18+$0x0], $0xffff;
	_ =	sdelay $0x4  }
0x50a: {  	[tilespmem:v17+s28+$0x0] =	vst.idx.msk $0xffff, v4  }
0x50b: {  	_ =	swait.ge [sflag:s4], $0x1000  }
0x50c: {  	[sflag:s4] =	ssyncset.done $0x0  }
0x50d: {  	[sflag:s4] =	ssyncadd.s32 $0xFFFFF000  }
0x50e: {  	v4 =	vld [tilespmem:$0x1F0];
	_ =	sdelay $0x4  }
0x50f: {  	v5 =	vshra.s32 v4, $0x1F  }
0x510: {  	v5 =	vshrl.u32 v5, $0x19  }
0x511: {  	v5 =	vadd.s32 v5, v4  }
0x512: {  	v5 =	vand.u32 $0xFFFFFF80, v5  }
0x513: {  	v4 =	vsub.s32 v4, v5  }
0x514: {  	v4 =	vsel vm7, $0x0, v4  }
0x515: {  	v4 =	vxor.u32 $0x80000000, v4  }
0x516: {  	(xrf0) =	vmax.scan.msk.u32 $0xffff, v4;
	_ =	sdelay $0x5  }
0x517: {  	v4, _, _ =	vpop (xrf0)  }
0x518: {  	(v2sf) =	vpush v4, $0xF;
	_ =	sdelay $0xe  }
0x519: {  	s17 =	spop (v2sf)  }
0x51a: {  	s15 =	sxor.u32 $0x80000000, s17  }
0x51b: {  	v4 =	vadd.s32 s15, v1;
	_ =	sdelay $0x3  }
0x51c: {  	s18 =	simm.s32 $0x7200  }
0x51d: {  	v4 =	vld.idx.msk [tilespmem:v4+s18+$0x0], $0xffff  }
0x51e: {  	v5 =	vadd.s32 s15, v36;
	_ =	sdelay $0x3  }
0x51f: {  	[tilespmem:v18+s28+$0x0] =	vst.idx.msk $0xffff, v4  }
0x520: {  	v4 =	vld.idx.msk [tilespmem:v5+s18+$0x0], $0xffff;
	_ =	sdelay $0x4  }
0x521: {  	[tilespmem:v19+s28+$0x0] =	vst.idx.msk $0xffff, v4  }
0x522: {  	_ =	swait.ge [sflag:s5], $0x1000  }
0x523: {  	[sflag:s5] =	ssyncset.done $0x0  }
0x524: {  	[sflag:s5] =	ssyncadd.s32 $0xFFFFF000  }
0x525: {  	v4 =	vld [tilespmem:$0x1F0];
	_ =	sdelay $0x4  }
0x526: {  	v5 =	vshra.s32 v4, $0x1F  }
0x527: {  	v5 =	vshrl.u32 v5, $0x19  }
0x528: {  	v5 =	vadd.s32 v5, v4  }
0x529: {  	v5 =	vand.u32 $0xFFFFFF80, v5  }
0x52a: {  	v4 =	vsub.s32 v4, v5  }
0x52b: {  	v4 =	vsel vm8, $0x0, v4  }
0x52c: {  	v4 =	vxor.u32 $0x80000000, v4  }
0x52d: {  	(xrf0) =	vmax.scan.msk.u32 $0xffff, v4;
	_ =	sdelay $0x5  }
0x52e: {  	v4, _, _ =	vpop (xrf0)  }
0x52f: {  	(v2sf) =	vpush v4, $0xF;
	_ =	sdelay $0xe  }
0x530: {  	s16 =	spop (v2sf)  }
0x531: {  	s15 =	sxor.u32 $0x80000000, s16  }
0x532: {  	v4 =	vadd.s32 s15, v1;
	_ =	sdelay $0x3  }
0x533: {  	s17 =	simm.s32 $0x8200  }
0x534: {  	v4 =	vld.idx.msk [tilespmem:v4+s17+$0x0], $0xffff  }
0x535: {  	v5 =	vadd.s32 s15, v36;
	_ =	sdelay $0x3  }
0x536: {  	[tilespmem:v20+s28+$0x0] =	vst.idx.msk $0xffff, v4  }
0x537: {  	v4 =	vld.idx.msk [tilespmem:v5+s17+$0x0], $0xffff;
	_ =	sdelay $0x4  }
0x538: {  	[tilespmem:v21+s28+$0x0] =	vst.idx.msk $0xffff, v4  }
0x539: {  	_ =	swait.ge [sflag:s7], $0x1000  }
0x53a: {  	[sflag:s7] =	ssyncset.done $0x0  }
0x53b: {  	[sflag:s7] =	ssyncadd.s32 $0xFFFFF000  }
0x53c: {  	v4 =	vld [tilespmem:$0x1F0];
	_ =	sdelay $0x4  }
0x53d: {  	v5 =	vshra.s32 v4, $0x1F  }
0x53e: {  	v5 =	vshrl.u32 v5, $0x19  }
0x53f: {  	v5 =	vadd.s32 v5, v4  }
0x540: {  	v5 =	vand.u32 $0xFFFFFF80, v5  }
0x541: {  	v4 =	vsub.s32 v4, v5  }
0x542: {  	v4 =	vsel vm9, $0x0, v4  }
0x543: {  	v4 =	vxor.u32 $0x80000000, v4  }
0x544: {  	(xrf0) =	vmax.scan.msk.u32 $0xffff, v4;
	_ =	sdelay $0x5  }
0x545: {  	v4, _, _ =	vpop (xrf0)  }
0x546: {  	(v2sf) =	vpush v4, $0xF;
	_ =	sdelay $0xe  }
0x547: {  	s17 =	spop (v2sf)  }
0x548: {  	s15 =	sxor.u32 $0x80000000, s17  }
0x549: {  	v4 =	vadd.s32 s15, v1;
	_ =	sdelay $0x4  }
0x54a: {  	v4 =	vld.idx.msk [tilespmem:v4+s19+$0x0], $0xffff  }
0x54b: {  	v5 =	vadd.s32 s15, v36;
	_ =	sdelay $0x3  }
0x54c: {  	[tilespmem:v22+s28+$0x0] =	vst.idx.msk $0xffff, v4  }
0x54d: {  	v4 =	vld.idx.msk [tilespmem:v5+s19+$0x0], $0xffff;
	_ =	sdelay $0x4  }
0x54e: {  	[tilespmem:v23+s28+$0x0] =	vst.idx.msk $0xffff, v4  }
0x54f: {  	_ =	swait.ge [sflag:s6], $0x1000  }
0x550: {  	[sflag:s6] =	ssyncset.done $0x0  }
0x551: {  	[sflag:s6] =	ssyncadd.s32 $0xFFFFF000  }
0x552: {  	v4 =	vld [tilespmem:$0x1F0];
	_ =	sdelay $0x4  }
0x553: {  	v5 =	vshra.s32 v4, $0x1F  }
0x554: {  	v5 =	vshrl.u32 v5, $0x19  }
0x555: {  	v5 =	vadd.s32 v5, v4  }
0x556: {  	v5 =	vand.u32 $0xFFFFFF80, v5  }
0x557: {  	v4 =	vsub.s32 v4, v5  }
0x558: {  	v4 =	vsel vm10, $0x0, v4  }
0x559: {  	v4 =	vxor.u32 $0x80000000, v4  }
0x55a: {  	(xrf0) =	vmax.scan.msk.u32 $0xffff, v4;
	_ =	sdelay $0x5  }
0x55b: {  	v4, _, _ =	vpop (xrf0)  }
0x55c: {  	(v2sf) =	vpush v4, $0xF;
	_ =	sdelay $0xe  }
0x55d: {  	s16 =	spop (v2sf)  }
0x55e: {  	s15 =	sxor.u32 $0x80000000, s16  }
0x55f: {  	v4 =	vadd.s32 s15, v1;
	_ =	sdelay $0x4  }
0x560: {  	v4 =	vld.idx.msk [tilespmem:v4+s20+$0x0], $0xffff  }
0x561: {  	v5 =	vadd.s32 s15, v36;
	_ =	sdelay $0x3  }
0x562: {  	[tilespmem:v24+s28+$0x0] =	vst.idx.msk $0xffff, v4  }
0x563: {  	v4 =	vld.idx.msk [tilespmem:v5+s20+$0x0], $0xffff;
	_ =	sdelay $0x4  }
0x564: {  	[tilespmem:v25+s28+$0x0] =	vst.idx.msk $0xffff, v4  }
0x565: {  	_ =	swait.ge [sflag:s10], $0x1000  }
0x566: {  	[sflag:s10] =	ssyncset.done $0x0  }
0x567: {  	[sflag:s10] =	ssyncadd.s32 $0xFFFFF000  }
0x568: {  	v4 =	vld [tilespmem:$0x1F0];
	_ =	sdelay $0x4  }
0x569: {  	v5 =	vshra.s32 v4, $0x1F  }
0x56a: {  	v5 =	vshrl.u32 v5, $0x19  }
0x56b: {  	v5 =	vadd.s32 v5, v4  }
0x56c: {  	v5 =	vand.u32 $0xFFFFFF80, v5  }
0x56d: {  	v4 =	vsub.s32 v4, v5  }
0x56e: {  	v4 =	vsel vm11, $0x0, v4  }
0x56f: {  	v4 =	vxor.u32 $0x80000000, v4  }
0x570: {  	(xrf0) =	vmax.scan.msk.u32 $0xffff, v4;
	_ =	sdelay $0x5  }
0x571: {  	v4, _, _ =	vpop (xrf0)  }
0x572: {  	(v2sf) =	vpush v4, $0xF;
	_ =	sdelay $0xe  }
0x573: {  	s17 =	spop (v2sf)  }
0x574: {  	s15 =	sxor.u32 $0x80000000, s17  }
0x575: {  	v4 =	vadd.s32 s15, v1;
	_ =	sdelay $0x4  }
0x576: {  	v4 =	vld.idx.msk [tilespmem:v4+s21+$0x0], $0xffff  }
0x577: {  	v5 =	vadd.s32 s15, v36;
	_ =	sdelay $0x3  }
0x578: {  	[tilespmem:v26+s28+$0x0] =	vst.idx.msk $0xffff, v4  }
0x579: {  	v4 =	vld.idx.msk [tilespmem:v5+s21+$0x0], $0xffff;
	_ =	sdelay $0x4  }
0x57a: {  	[tilespmem:v27+s28+$0x0] =	vst.idx.msk $0xffff, v4  }
0x57b: {  	_ =	swait.ge [sflag:s11], $0x1000  }
0x57c: {  	[sflag:s11] =	ssyncset.done $0x0  }
0x57d: {  	[sflag:s11] =	ssyncadd.s32 $0xFFFFF000  }
0x57e: {  	v4 =	vld [tilespmem:$0x1F0];
	_ =	sdelay $0x4  }
0x57f: {  	v5 =	vshra.s32 v4, $0x1F  }
0x580: {  	v5 =	vshrl.u32 v5, $0x19  }
0x581: {  	v5 =	vadd.s32 v5, v4  }
0x582: {  	v5 =	vand.u32 $0xFFFFFF80, v5  }
0x583: {  	v4 =	vsub.s32 v4, v5  }
0x584: {  	v4 =	vsel vm12, $0x0, v4  }
0x585: {  	v4 =	vxor.u32 $0x80000000, v4  }
0x586: {  	(xrf0) =	vmax.scan.msk.u32 $0xffff, v4;
	_ =	sdelay $0x5  }
0x587: {  	v4, _, _ =	vpop (xrf0)  }
0x588: {  	(v2sf) =	vpush v4, $0xF;
	_ =	sdelay $0xe  }
0x589: {  	s16 =	spop (v2sf)  }
0x58a: {  	s15 =	sxor.u32 $0x80000000, s16  }
0x58b: {  	v4 =	vadd.s32 s15, v1;
	_ =	sdelay $0x4  }
0x58c: {  	v4 =	vld.idx.msk [tilespmem:v4+s22+$0x0], $0xffff  }
0x58d: {  	v5 =	vadd.s32 s15, v36;
	_ =	sdelay $0x3  }
0x58e: {  	[tilespmem:v28+s28+$0x0] =	vst.idx.msk $0xffff, v4  }
0x58f: {  	v4 =	vld.idx.msk [tilespmem:v5+s22+$0x0], $0xffff;
	_ =	sdelay $0x4  }
0x590: {  	[tilespmem:v29+s28+$0x0] =	vst.idx.msk $0xffff, v4  }
0x591: {  	_ =	swait.ge [sflag:s12], $0x1000  }
0x592: {  	[sflag:s12] =	ssyncset.done $0x0  }
0x593: {  	[sflag:s12] =	ssyncadd.s32 $0xFFFFF000  }
0x594: {  	v4 =	vld [tilespmem:$0x1F0];
	_ =	sdelay $0x4  }
0x595: {  	v5 =	vshra.s32 v4, $0x1F  }
0x596: {  	v5 =	vshrl.u32 v5, $0x19  }
0x597: {  	v5 =	vadd.s32 v5, v4  }
0x598: {  	v5 =	vand.u32 $0xFFFFFF80, v5  }
0x599: {  	v4 =	vsub.s32 v4, v5  }
0x59a: {  	v4 =	vsel vm13, $0x0, v4  }
0x59b: {  	v4 =	vxor.u32 $0x80000000, v4  }
0x59c: {  	(xrf0) =	vmax.scan.msk.u32 $0xffff, v4;
	_ =	sdelay $0x5  }
0x59d: {  	v4, _, _ =	vpop (xrf0)  }
0x59e: {  	(v2sf) =	vpush v4, $0xF;
	_ =	sdelay $0xe  }
0x59f: {  	s17 =	spop (v2sf)  }
0x5a0: {  	s15 =	sxor.u32 $0x80000000, s17  }
0x5a1: {  	v4 =	vadd.s32 s15, v1;
	_ =	sdelay $0x4  }
0x5a2: {  	v4 =	vld.idx.msk [tilespmem:v4+s23+$0x0], $0xffff  }
0x5a3: {  	v5 =	vadd.s32 s15, v36;
	_ =	sdelay $0x3  }
0x5a4: {  	[tilespmem:v30+s28+$0x0] =	vst.idx.msk $0xffff, v4  }
0x5a5: {  	v4 =	vld.idx.msk [tilespmem:v5+s23+$0x0], $0xffff;
	_ =	sdelay $0x4  }
0x5a6: {  	[tilespmem:v31+s28+$0x0] =	vst.idx.msk $0xffff, v4  }
0x5a7: {  	_ =	swait.ge [sflag:s13], $0x1000  }
0x5a8: {  	[sflag:s13] =	ssyncset.done $0x0  }
0x5a9: {  	[sflag:s13] =	ssyncadd.s32 $0xFFFFF000  }
0x5aa: {  	v4 =	vld [tilespmem:$0x1F0];
	_ =	sdelay $0x4  }
0x5ab: {  	v5 =	vshra.s32 v4, $0x1F  }
0x5ac: {  	v5 =	vshrl.u32 v5, $0x19  }
0x5ad: {  	v5 =	vadd.s32 v5, v4  }
0x5ae: {  	v5 =	vand.u32 $0xFFFFFF80, v5  }
0x5af: {  	v4 =	vsub.s32 v4, v5  }
0x5b0: {  	v4 =	vsel vm14, $0x0, v4  }
0x5b1: {  	v4 =	vxor.u32 $0x80000000, v4  }
0x5b2: {  	(xrf0) =	vmax.scan.msk.u32 $0xffff, v4;
	_ =	sdelay $0x5  }
0x5b3: {  	v4, _, _ =	vpop (xrf0)  }
0x5b4: {  	(v2sf) =	vpush v4, $0xF;
	_ =	sdelay $0xe  }
0x5b5: {  	s16 =	spop (v2sf)  }
0x5b6: {  	s15 =	sxor.u32 $0x80000000, s16  }
0x5b7: {  	v4 =	vadd.s32 s15, v1;
	_ =	sdelay $0x4  }
0x5b8: {  	v4 =	vld.idx.msk [tilespmem:v4+s24+$0x0], $0xffff  }
0x5b9: {  	v5 =	vadd.s32 s15, v36;
	_ =	sdelay $0x3  }
0x5ba: {  	[tilespmem:v32+s28+$0x0] =	vst.idx.msk $0xffff, v4  }
0x5bb: {  	v4 =	vld.idx.msk [tilespmem:v5+s24+$0x0], $0xffff;
	_ =	sdelay $0x4  }
0x5bc: {  	[tilespmem:v33+s28+$0x0] =	vst.idx.msk $0xffff, v4  }
0x5bd: {  	_ =	swait.ge [sflag:s14], $0x1000  }
0x5be: {  	[sflag:s14] =	ssyncset.done $0x0  }
0x5bf: {  	[sflag:s14] =	ssyncadd.s32 $0xFFFFF000  }
0x5c0: {  	v4 =	vld [tilespmem:$0x1F0];
	_ =	sdelay $0x4  }
0x5c1: {  	v5 =	vshra.s32 v4, $0x1F  }
0x5c2: {  	v5 =	vshrl.u32 v5, $0x19  }
0x5c3: {  	v5 =	vadd.s32 v5, v4  }
0x5c4: {  	v5 =	vand.u32 $0xFFFFFF80, v5  }
0x5c5: {  	v4 =	vsub.s32 v4, v5  }
0x5c6: {  	v4 =	vsel vm15, $0x0, v4  }
0x5c7: {  	v4 =	vxor.u32 $0x80000000, v4  }
0x5c8: {  	(xrf0) =	vmax.scan.msk.u32 $0xffff, v4;
	_ =	sdelay $0x5  }
0x5c9: {  	v4, _, _ =	vpop (xrf0)  }
0x5ca: {  	(v2sf) =	vpush v4, $0xF;
	_ =	sdelay $0xe  }
0x5cb: {  	s17 =	spop (v2sf)  }
0x5cc: {  	s15 =	sxor.u32 $0x80000000, s17  }
0x5cd: {  	v4 =	vadd.s32 s15, v1;
	_ =	sdelay $0x4  }
0x5ce: {  	v4 =	vld.idx.msk [tilespmem:v4+s25+$0x0], $0xffff  }
0x5cf: {  	v5 =	vadd.s32 s15, v36;
	_ =	sdelay $0x3  }
0x5d0: {  	[tilespmem:v34+s28+$0x0] =	vst.idx.msk $0xffff, v4  }
0x5d1: {  	v4 =	vld.idx.msk [tilespmem:v5+s25+$0x0], $0xffff;
	_ =	sdelay $0x4  }
0x5d2: {  	s16 =	simm.s32 $0x1000;
	s17 =	simm.s32 $0x20000;
	s15 =	rddreg [dreg:$0x5];
	[tilespmem:v35+s28+$0x0] =	vst.idx.msk $0xffff, v4  }
0x5d3: {  	[hbm4b:s15+s16] =	stream.strided.scatter [tilespmem:s28], [sflag:$0x11], $0x4000, s17, s16, $0x38;
	[tilespmem:$0x14200] =	vst v63  }
0x5d4: {  	s17 =	simm.s32 $0x11  }
0x5d5: {  	_ =	swait.ge [sflag:s17], $0x4000  }
0x5d6: {  	s15 =	rddreg [dreg:$0x7]  }
0x5d7: {  	s16 =	sadd.s32 $0x1, s15;
	s15 =	rddreg [dreg:$0x6]  }
0x5d8: {  	p0 =	sne.s32 s16, s15  }
.Ltmp1:
0x5d9: {  	_ = 	snop;
	(pc) =	sbr.rel @p0 .LBB2_1-.Ltmp1, $3  }
0x5da: {  	_ =	sdelay $0x1  }
0x5db: {  	[sflag:s17] =	ssyncset.done $0x0  }
0x5dc: {  	s18 =	simm.s32 $0x8200;
	[sflag:s17] =	ssyncadd.s32 $0xFFFFC000  }
0x5dd: {  	_ =	sfence.sel $0x180000  }
0x5de: {  	[bflag:$0x0] =	sbarrier.arrive $0xFFFF  }
0x5df: {  	_ =	strace $0x90000047  }
0x5e0: {  	s0 =	stileid.u32;
	[bflag:$0x2] =	sbarrier.arrive $0xFFFF  }
0x5e1: {  	p0 =	sne.s32 s0, $0x0;
	s0 =	rddreg [dreg:$0x3]  }
0x5e2: {  	s0 =	sadd.s32 @!p0 $0x100000, s0  }
0x5e3: {  	[sflag:s0] =	ssyncadd.tile.s32 @!p0 $0x1;
	_ =	shalt  }
.Lfunc_end2:
_tile_overlayer_lowered:
.L_overlay_start_2:
0x5e4: {  	(tag) =	ssettag $0x2  }
0x5e5: {  	s0 =	rddreg [dreg:$0x0];
	s2 =	stileid.u32  }
0x5e6: {  	s1 =	rddreg [dreg:$0x1];
	p0 =	sne.s32 s2, $0x0  }
0x5e7: {  	s3 =	rddreg [dreg:$0x2];
	[bflag:$0x3] =	sbarrier.arrive $0xFFFF;
	s2 =	simm.s32 @!p0 $0x1C11  }
0x5e8: {  	[timem:s3], [sflag:s2] =	dma.local @!p0 [hbm:s0], s1  }
0x5e9: {  	s0 =	simm.s32 @!p0 $0x11  }
0x5ea: {  	_ =	swait.ge @!p0 [sflag:s0], s1  }
0x5eb: {  	s1 =	ssub.s32 @!p0 $0x0, s1;
	[sflag:s0] =	ssyncset.done @!p0 $0x0  }
0x5ec: {  	[sflag:s0] =	ssyncadd.s32 @!p0 s1  }
0x5ed: {  	[bflag:$0x3] =	sbarrier.arrive $0xFFFF  }
0x5ee: {  	_ =	shalt  }

</sc_bundles>
